<compile_context>
chip_gen: v7x
topology: tpu7x:2x2x1
jax: 0.10.2.dev20260603
libtpu: 0.0.44.dev20260713+nightly
codegen_flags: <defaults>
</compile_context>

<pallas_src>
import jax
import jax.numpy as jnp
from jax import lax
from jax.experimental import pallas as pl
from jax.experimental.pallas import tpu as pltpu
from jax.experimental.pallas import tpu_sc as plsc

_THRESH = 0.05
_TOP_N = 1000
_NT = 16
_SHARD = 1310720 // _NT
_NV = _SHARD // 16
_OUT_PAD = 1024
_MIN32 = -(2 ** 31)


def _sigmoid_mask_t(x):
    N, C, HW = x.shape

    def body(x_ref, o_ref):
        s = jax.nn.sigmoid(jnp.transpose(x_ref[0], (1, 0)))
        o_ref[0] = jnp.where(s > _THRESH, s, -1.0)

    blk = 2048
    return pl.pallas_call(
        body,
        grid=(N, HW // blk),
        in_specs=[pl.BlockSpec((1, C, blk), lambda i, j: (i, 0, j))],
        out_specs=pl.BlockSpec((1, blk, C), lambda i, j: (i, j, 0)),
        out_shape=jax.ShapeDtypeStruct((N, HW, C), x.dtype),
    )(x)


def _sc_body(masked_hbm, outS_hbm, outI_hbm,
             shard, hist, local, grid, bufK, bufI, othersK, othersI,
             pos_pub, rank_buf, score_buf, idx_buf, cntcopy,
             histgrid_sm, candK_sm, candI_sm, cntgrid_sm,
             outS_sm, outI_sm):
    c = lax.axis_index("c")
    s = lax.axis_index("s")
    lanes = lax.iota(jnp.int32, 16)
    lane256 = lanes * 257
    ones = jnp.ones((16,), jnp.int32)

    def splat(v):
        return jnp.full((16,), v, jnp.int32)

    def extract(vec, lane):
        return jnp.max(jnp.where(lanes == lane, vec, _MIN32))

    pltpu.sync_copy(masked_hbm.at[c, pl.ds(s * _SHARD, _SHARD)], shard)

    def clear_hist():
        def clr(w, _):
            for k in range(8):
                hist[pl.ds(w * 128 + k * 16, 16)] = jnp.zeros((16,), jnp.int32)
            return 0

        lax.fori_loop(0, 33, clr, 0)

    def reduce_and_decide(R):
        def red_w(w, _):
            acc = hist[pl.ds(w * 16, 16)]
            for lq in range(1, 16):
                acc = acc + hist[pl.ds(lq * 257 + w * 16, 16)]
            local[pl.ds(w * 16, 16)] = acc
            return 0

        lax.fori_loop(0, 16, red_w, 0)

        pltpu.sync_copy(local, histgrid_sm.at[pl.ds(s * 256, 256)])
        plsc.subcore_barrier()
        pltpu.sync_copy(histgrid_sm, grid)
        plsc.subcore_barrier()

        def tot_w(w, _):
            acc = grid[pl.ds(w * 16, 16)]
            for r in range(1, 16):
                acc = acc + grid[pl.ds(r * 256 + w * 16, 16)]
            local[pl.ds(w * 16, 16)] = acc
            return 0

        lax.fori_loop(0, 16, tot_w, 0)

        def walk(i, wc):
            R_w, b_w, done = wc
            blk = 15 - i
            v = local[pl.ds(blk * 16, 16)]
            ssum = jnp.sum(v)
            csum = plsc.cumsum(v)
            sfx = splat(ssum) - csum + v
            ge = sfx >= splat(R_w)
            m = jnp.max(plsc.all_reduce_population_count(ge)) - 1
            found = jnp.logical_and(jnp.logical_not(done), R_w <= ssum)
            vm = extract(v, m)
            sfxm = extract(sfx, m)
            R_in = R_w - (sfxm - vm)
            b_new = jnp.where(found, blk * 16 + m, b_w)
            R_new = jnp.where(found, R_in,
                              jnp.where(done, R_w, R_w - ssum))
            return (R_new, b_new, jnp.logical_or(done, found))

        R_f, b_l, _ = lax.fori_loop(
            0, 16, walk, (R, jnp.int32(0), jnp.bool_(False)))
        return R_f, b_l

    clear_hist()

    def scan0(i, _):
        for k in range(8):
            off = i * 128 + k * 16
            b = lax.bitcast_convert_type(shard[pl.ds(off, 16)], jnp.int32)
            key = jnp.where(b < 0,
                            jnp.bitwise_xor(jnp.bitwise_not(b), _MIN32), b)
            shard[pl.ds(off, 16)] = lax.bitcast_convert_type(key, jnp.float32)
            u = jnp.bitwise_xor(key, _MIN32)
            digit = jnp.bitwise_and(lax.shift_right_logical(u, 24), 255)
            plsc.addupdate_scatter(hist, [lane256 + digit], ones)
        return 0

    lax.fori_loop(0, _NV // 8, scan0, 0)
    R_0, b_0 = reduce_and_decide(jnp.int32(_TOP_N))
    pfx0 = lax.shift_left(b_0, 24)

    def level_body(l, carry):
        pfx_u, maskbits, shift, R, my_take = carry
        clear_hist()
        pfx_s = splat(pfx_u)
        mb_s = splat(maskbits)
        sh_s = splat(shift)

        def scan(i, _):
            ks = []
            matches = []
            anym = None
            for k in range(8):
                kk = lax.bitcast_convert_type(
                    shard[pl.ds(i * 128 + k * 16, 16)], jnp.int32)
                u = jnp.bitwise_xor(kk, _MIN32)
                m_ = jnp.bitwise_and(u, mb_s) == pfx_s
                ks.append(u)
                matches.append(m_)
                anym = m_ if anym is None else jnp.logical_or(anym, m_)

            @pl.when(jnp.any(anym))
            def _do():
                for k in range(8):
                    digit = jnp.bitwise_and(
                        lax.shift_right_logical(ks[k], sh_s), 255)
                    plsc.addupdate_scatter(hist, [lane256 + digit], ones,
                                           mask=matches[k])
            return 0

        lax.fori_loop(0, _NV // 8, scan, 0)
        R_f, b_l = reduce_and_decide(R)

        def take_fn(_):
            b3a = (b_l // 16) * 16
            b3m = b_l - b3a

            def ev_r(r, ev):
                row = grid[pl.ds(r * 256 + b3a, 16)]
                val = extract(row, b3m)
                return jnp.where(lanes == r, splat(val), ev)

            evec = lax.fori_loop(0, 16, ev_r, jnp.zeros((16,), jnp.int32))
            pecx = plsc.cumsum(evec) - evec
            tk = jnp.clip(splat(R_f) - pecx, 0, evec)
            return extract(tk, s)

        my_take_new = lax.cond(l == 3, take_fn, lambda _: my_take, 0)
        pfx_new = jnp.bitwise_or(pfx_u, lax.shift_left(b_l, shift))
        mb_new = jnp.bitwise_or(lax.shift_right_logical(maskbits, 8),
                                jnp.int32(-16777216))
        return (pfx_new, mb_new, shift - 8, R_f, my_take_new)

    pfx_u, _, _, R3, my_take = lax.fori_loop(
        1, 4, level_body,
        (pfx0, jnp.int32(-16777216), jnp.int32(16), R_0, jnp.int32(0)))
    t_key = jnp.bitwise_xor(pfx_u, _MIN32)

    t_s = splat(t_key)
    take_s = splat(my_take)
    base = s * _SHARD

    def fscan(i, carry):
        cnt_s, cntE_s = carry
        ks = []
        gts = []
        eqs = []
        anyv = None
        for k in range(8):
            kk = lax.bitcast_convert_type(
                shard[pl.ds(i * 128 + k * 16, 16)], jnp.int32)
            g = kk > t_s
            e = kk == t_s
            ks.append(kk)
            gts.append(g)
            eqs.append(e)
            h = jnp.logical_or(g, e)
            anyv = h if anyv is None else jnp.logical_or(anyv, h)

        def slow(cc):
            cnt_s, cntE_s = cc
            for k in range(8):
                gt, eq = gts[k], eqs[k]
                idxv = splat(base + i * 128 + k * 16) + lanes
                gti = gt.astype(jnp.int32)
                pg = plsc.cumsum(gti) - gti
                plsc.store_scatter(bufK, [cnt_s + pg], ks[k], mask=gt)
                plsc.store_scatter(bufI, [cnt_s + pg], idxv, mask=gt)
                ng = plsc.all_reduce_population_count(gt)
                eqi = eq.astype(jnp.int32)
                pe = plsc.cumsum(eqi) - eqi
                eff = jnp.logical_and(eq, (cntE_s + pe) < take_s)
                effi = eff.astype(jnp.int32)
                pf = plsc.cumsum(effi) - effi
                off2 = cnt_s + ng + pf
                plsc.store_scatter(bufK, [off2], ks[k], mask=eff)
                plsc.store_scatter(bufI, [off2], idxv, mask=eff)
                ne = plsc.all_reduce_population_count(eff)
                cnt_s = cnt_s + ng + ne
                cntE_s = cntE_s + ne
            return (cnt_s, cntE_s)

        return lax.cond(jnp.any(anyv), slow, lambda cc: cc, (cnt_s, cntE_s))

    cnt_spl, _ = lax.fori_loop(
        0, _NV // 8, fscan,
        (jnp.zeros((16,), jnp.int32), jnp.zeros((16,), jnp.int32)))
    cnt = jnp.max(cnt_spl)

    local[pl.ds(0, 16)] = splat(cnt)
    pltpu.sync_copy(local.at[pl.ds(0, 16)], cntgrid_sm.at[pl.ds(s * 16, 16)])
    plsc.subcore_barrier()
    pltpu.sync_copy(cntgrid_sm, cntcopy)

    def cv_r(r, cv):
        row = cntcopy[pl.ds(r * 16, 16)]
        return jnp.where(lanes == r, row, cv)

    cvec = lax.fori_loop(0, 16, cv_r, jnp.zeros((16,), jnp.int32))
    offs = plsc.cumsum(cvec) - cvec
    my_off = extract(offs, s)

    for j in range(8):
        for w in range(8):
            kk = j * 128 + w * 16
            kvec = splat(kk) + lanes
            in_real = kvec < splat(cnt)
            pos = jnp.where(in_real, splat(my_off) + kvec,
                            splat(_OUT_PAD) + kvec)
            pos_pub[j, pl.ds(w * 16, 16)] = pos
    for j in range(8):
        pltpu.sync_copy(bufK.at[pl.ds(j * 128, 128)], candK_sm.at[pos_pub.at[j]])
        pltpu.sync_copy(bufI.at[pl.ds(j * 128, 128)], candI_sm.at[pos_pub.at[j]])
    plsc.subcore_barrier()
    pltpu.sync_copy(candK_sm.at[pl.ds(0, _OUT_PAD)], othersK)
    pltpu.sync_copy(candI_sm.at[pl.ds(0, _OUT_PAD)], othersI)

    my_lo = s * 64

    def rank_j(j, _):
        p = my_lo + j
        pa = (p // 16) * 16
        pm = p - pa
        kj = extract(othersK[pl.ds(pa, 16)], pm)
        ij = extract(othersI[pl.ds(pa, 16)], pm)
        kj_s = splat(kj)
        ij_s = splat(ij)

        def sweep(w, acc):
            ok = othersK[pl.ds(w * 16, 16)]
            oi = othersI[pl.ds(w * 16, 16)]
            valid = (splat(w * 16) + lanes) < _TOP_N
            beat = jnp.logical_or(
                ok > kj_s, jnp.logical_and(ok == kj_s, oi < ij_s))
            return acc + plsc.all_reduce_population_count(
                jnp.logical_and(beat, valid))

        racc = lax.fori_loop(0, 63, sweep, jnp.zeros((16,), jnp.int32))
        rank = jnp.max(racc)
        rank = jnp.where(p < _TOP_N, rank, p)
        plsc.store_scatter(rank_buf, [splat(j)], splat(rank),
                           mask=lanes == 0)
        return 0

    lax.fori_loop(0, 64, rank_j, 0)

    for m in range(4):
        kv = lax.bitcast_convert_type(othersK[pl.ds(my_lo + m * 16, 16)], jnp.int32)
        bits = jnp.where(kv < 0,
                         jnp.bitwise_not(jnp.bitwise_xor(kv, _MIN32)), kv)
        score_buf[pl.ds(m * 16, 16)] = lax.bitcast_convert_type(bits, jnp.float32)
        idx_buf[pl.ds(m * 16, 16)] = othersI[pl.ds(my_lo + m * 16, 16)]
    pltpu.sync_copy(score_buf, outS_sm.at[rank_buf])
    pltpu.sync_copy(idx_buf, outI_sm.at[rank_buf])
    plsc.subcore_barrier()

    @pl.when(s == 0)
    def _write_out():
        pltpu.sync_copy(outS_sm, outS_hbm.at[c])
        pltpu.sync_copy(outI_sm, outI_hbm.at[c])


def _sc_topk(masked):
    mesh = plsc.VectorSubcoreMesh(core_axis_name="c", subcore_axis_name="s")
    f32 = jnp.float32
    i32 = jnp.int32
    return pl.kernel(
        _sc_body,
        out_type=[jax.ShapeDtypeStruct((2, _OUT_PAD), f32),
                  jax.ShapeDtypeStruct((2, _OUT_PAD), i32)],
        mesh=mesh,
        compiler_params=pltpu.CompilerParams(needs_layout_passes=False),
        scratch_types=[
            pltpu.VMEM((_SHARD,), f32),
            pltpu.VMEM((4224,), i32),
            pltpu.VMEM((256,), i32),
            pltpu.VMEM((4096,), i32),
            pltpu.VMEM((1024,), i32),
            pltpu.VMEM((1024,), i32),
            pltpu.VMEM((1024,), i32),
            pltpu.VMEM((1024,), i32),
            pltpu.VMEM((8, 128), i32),
            pltpu.VMEM((64,), i32),
            pltpu.VMEM((64,), f32),
            pltpu.VMEM((64,), i32),
            pltpu.VMEM((256,), i32),
            pltpu.VMEM_SHARED((4096,), i32),
            pltpu.VMEM_SHARED((2 * _OUT_PAD,), i32),
            pltpu.VMEM_SHARED((2 * _OUT_PAD,), i32),
            pltpu.VMEM_SHARED((256,), i32),
            pltpu.VMEM_SHARED((_OUT_PAD,), f32),
            pltpu.VMEM_SHARED((_OUT_PAD,), i32),
        ],
    )(masked)


def kernel(locations, box_cls_set, box_regression, centerness, image_sizes):
    N, C, H, W = box_cls_set.shape
    HW = H * W
    masked = _sigmoid_mask_t(
        box_cls_set.reshape(N, C, HW)).reshape(N, HW * C)

    outS, outI = _sc_topk(masked)
    top_scores = outS[:, :_TOP_N]
    top_idx = outI[:, :_TOP_N]

    box_reg = jnp.transpose(box_regression, (0, 2, 3, 1)).reshape(N, HW, 4)
    loc_idx = top_idx // C
    labels = top_idx % C + 1
    valid = top_scores > _THRESH
    per_loc = locations[loc_idx]
    per_reg = jnp.take_along_axis(box_reg, loc_idx[..., None], axis=1)
    x1 = per_loc[..., 0] - per_reg[..., 0]
    y1 = per_loc[..., 1] - per_reg[..., 1]
    x2 = per_loc[..., 0] + per_reg[..., 2]
    y2 = per_loc[..., 1] + per_reg[..., 3]
    h_img = image_sizes[:, 0].astype(jnp.float32)[:, None]
    w_img = image_sizes[:, 1].astype(jnp.float32)[:, None]
    x1 = jnp.clip(x1, 0.0, w_img - 1.0)
    x2 = jnp.clip(x2, 0.0, w_img - 1.0)
    y1 = jnp.clip(y1, 0.0, h_img - 1.0)
    y2 = jnp.clip(y2, 0.0, h_img - 1.0)
    detections = jnp.stack([x1, y1, x2, y2], axis=-1)
    ws = x2 - x1 + 1.0
    hs = y2 - y1 + 1.0
    keep = (ws >= 0) & (hs >= 0)
    scores = jnp.where(valid & keep, top_scores, 0.0)
    return detections, scores, labels, per_loc

# --- scband reference (transcript-rebuilt; emitter-appended) ---
"""Pipeline reference for scband-fcospost-processor-71081708749426 (READ-ONLY COPY).

The authoritative reference and input builder live on the scoring server;
editing this copy changes nothing except your own understanding.
"""

import jax, jax.numpy as jnp
import numpy as np

PRE_NMS_THRESH = 0.05
PRE_NMS_TOP_N = 1000
MIN_SIZE = 0


def setup_inputs(seed: int = 0) -> dict:
    key = jax.random.key(seed)
    ks = jax.random.split(key, 5)
    locations = jax.random.uniform(ks[0], (16384, 2), dtype=jnp.float32)
    box_cls_set = jax.random.normal(ks[1], (2, 80, 128, 128), dtype=jnp.float32)
    box_regression = jax.random.normal(ks[2], (2, 4, 128, 128), dtype=jnp.float32)
    centerness = jax.random.normal(ks[3], (2, 1, 128, 128), dtype=jnp.float32)
    image_sizes = jax.random.randint(ks[4], (2, 2), 0, 800, dtype=jnp.int32)
    return {"locations": locations, "box_cls_set": box_cls_set,
            "box_regression": box_regression, "centerness": centerness,
            "image_sizes": image_sizes}


def reference(locations, box_cls_set, box_regression, centerness, image_sizes):
    # box_cls_set here is the single selected FPN-level tensor (original code picks
    # entry [2] of the dict; geometric mean exp(mean(log(p))) of one level == p).
    N, C, H, W = box_cls_set.shape
    box_cls = jax.nn.sigmoid(jnp.transpose(box_cls_set, (0, 2, 3, 1)).reshape(N, H * W, C))
    box_reg = jnp.transpose(box_regression, (0, 2, 3, 1)).reshape(N, H * W, 4)
    # centerness is explicitly discarded (centerness = None) in the original forward.
    flat = box_cls.reshape(N, H * W * C)
    cand = flat > PRE_NMS_THRESH
    # fixed-shape equivalent of boolean-select + per-image topk(pre_nms_top_n):
    masked = jnp.where(cand, flat, -1.0)
    top_scores, top_idx = jax.lax.top_k(masked, PRE_NMS_TOP_N)
    loc_idx = top_idx // C              # per_box_loc
    labels = top_idx % C + 1            # per_class
    valid = top_scores > PRE_NMS_THRESH
    per_loc = locations[loc_idx]                                   # [N, k, 2]
    per_reg = jnp.take_along_axis(box_reg, loc_idx[..., None], axis=1)  # [N, k, 4]
    x1 = per_loc[..., 0] - per_reg[..., 0]
    y1 = per_loc[..., 1] - per_reg[..., 1]
    x2 = per_loc[..., 0] + per_reg[..., 2]
    y2 = per_loc[..., 1] + per_reg[..., 3]
    h_img = image_sizes[:, 0].astype(jnp.float32)[:, None]
    w_img = image_sizes[:, 1].astype(jnp.float32)[:, None]
    # clip_to_image(remove_empty=False)
    x1 = jnp.clip(x1, 0.0, w_img - 1.0)
    x2 = jnp.clip(x2, 0.0, w_img - 1.0)
    y1 = jnp.clip(y1, 0.0, h_img - 1.0)
    y2 = jnp.clip(y2, 0.0, h_img - 1.0)
    detections = jnp.stack([x1, y1, x2, y2], axis=-1)
    # remove_small_boxes (TO_REMOVE=1 convention); realized as score zeroing
    ws = x2 - x1 + 1.0
    hs = y2 - y1 + 1.0
    keep = (ws >= MIN_SIZE) & (hs >= MIN_SIZE)
    scores = jnp.where(valid & keep, top_scores, 0.0)
    return detections, scores, labels, per_loc

if __name__ == "__main__":
    import jax
    _d = setup_inputs()
    print(jax.jit(kernel)(*tuple(_d.values())))

</pallas_src>

<mosaic_0001>
#map = affine_map<(d0, d1) -> (0, 0)>
module attributes {stable_mosaic.version = 14 : i64} {
  func.func @_sc_body(%arg0: i32, %arg1: i32, %arg2: memref<2x1310720xf32, #tpu.memory_space<hbm>>, %arg3: memref<2x1024xf32, #tpu.memory_space<hbm>>, %arg4: memref<2x1024xi32, #tpu.memory_space<hbm>>, %arg5: memref<81920xf32, #tpu.memory_space<vmem>>, %arg6: memref<4224xi32, #tpu.memory_space<vmem>>, %arg7: memref<256xi32, #tpu.memory_space<vmem>>, %arg8: memref<4096xi32, #tpu.memory_space<vmem>>, %arg9: memref<1024xi32, #tpu.memory_space<vmem>>, %arg10: memref<1024xi32, #tpu.memory_space<vmem>>, %arg11: memref<1024xi32, #tpu.memory_space<vmem>>, %arg12: memref<1024xi32, #tpu.memory_space<vmem>>, %arg13: memref<8x128xi32, #tpu.memory_space<vmem>>, %arg14: memref<64xi32, #tpu.memory_space<vmem>>, %arg15: memref<64xf32, #tpu.memory_space<vmem>>, %arg16: memref<64xi32, #tpu.memory_space<vmem>>, %arg17: memref<256xi32, #tpu.memory_space<vmem>>, %arg18: memref<4096xi32, #tpu.memory_space<vmem_shared>>, %arg19: memref<2048xi32, #tpu.memory_space<vmem_shared>>, %arg20: memref<2048xi32, #tpu.memory_space<vmem_shared>>, %arg21: memref<256xi32, #tpu.memory_space<vmem_shared>>, %arg22: memref<1024xf32, #tpu.memory_space<vmem_shared>>, %arg23: memref<1024xi32, #tpu.memory_space<vmem_shared>>) attributes {dimension_semantics = [#tpu.dimension_semantics<core_parallel>, #tpu.dimension_semantics<subcore_parallel>], iteration_bounds = array<i64: 2, 16>, scalar_prefetch = 0 : i64, scratch_operands = 19 : i64, tpu.core_type = #tpu.core_type<sc_vector_subcore>, window_params = [{transform_indices = #map}, {transform_indices = #map}, {transform_indices = #map}]} {
    %iota3A = tpu.iota {dimensions = array<i32: 0>} : vector<16xi32>
    %mul3A = arith.constant 257 : i32
    %mul3A_0 = vector.broadcast %mul3A : i32 to vector<16xi32>
    %mul3A_1 = arith.muli %iota3A, %mul3A_0 : vector<16xi32>
    %broadcast_in_dim3A = arith.constant 1 : i32
    %broadcast_in_dim3A_2 = vector.broadcast %broadcast_in_dim3A : i32 to vector<16xi32>
    %mul3A_3 = arith.constant 81920 : i32
    %mul3A_4 = arith.muli %arg1, %mul3A_3 : i32
    "tpu.region"() ({
      %run_scoped3A_1177 = tpu.sem_alloc : memref<!tpu.dma_semaphore, #tpu.memory_space<semaphore_mem>>
      %dma_start3A = tpu.memref_slice %arg2[%arg0, %mul3A_4] : memref<2x1310720xf32, #tpu.memory_space<hbm>> -> memref<1x81920xf32, #tpu.memory_space<hbm>>
      %dma_start3A_1178 = tpu.memref_squeeze %dma_start3A : memref<1x81920xf32, #tpu.memory_space<hbm>> -> memref<81920xf32, #tpu.memory_space<hbm>>
      %dma_start3A_1179 = tpu.memref_slice %arg2[%arg0, %mul3A_4] : memref<2x1310720xf32, #tpu.memory_space<hbm>> -> memref<1x81920xf32, #tpu.memory_space<hbm>>
      %dma_start3A_1180 = tpu.memref_squeeze %dma_start3A_1179 : memref<1x81920xf32, #tpu.memory_space<hbm>> -> memref<81920xf32, #tpu.memory_space<hbm>>
      tpu.enqueue_dma source(%dma_start3A_1180 : memref<81920xf32, #tpu.memory_space<hbm>>) target(%arg5 : memref<81920xf32, #tpu.memory_space<vmem>>) target_semaphore(%run_scoped3A_1177 : memref<!tpu.dma_semaphore, #tpu.memory_space<semaphore_mem>>)
      %dma_wait3A = tpu.memref_slice %arg2[%arg0, %mul3A_4] : memref<2x1310720xf32, #tpu.memory_space<hbm>> -> memref<1x81920xf32, #tpu.memory_space<hbm>>
      %dma_wait3A_1181 = tpu.memref_squeeze %dma_wait3A : memref<1x81920xf32, #tpu.memory_space<hbm>> -> memref<81920xf32, #tpu.memory_space<hbm>>
      %dma_wait3A_1182 = tpu.memref_slice %arg2[%arg0, %mul3A_4] : memref<2x1310720xf32, #tpu.memory_space<hbm>> -> memref<1x81920xf32, #tpu.memory_space<hbm>>
      %dma_wait3A_1183 = tpu.memref_squeeze %dma_wait3A_1182 : memref<1x81920xf32, #tpu.memory_space<hbm>> -> memref<81920xf32, #tpu.memory_space<hbm>>
      tpu.wait_dma2 semaphore(%run_scoped3A_1177 : memref<!tpu.dma_semaphore, #tpu.memory_space<semaphore_mem>>) src(%dma_wait3A_1183 : memref<81920xf32, #tpu.memory_space<hbm>>) dst(%arg5 : memref<81920xf32, #tpu.memory_space<vmem>>)
      tpu.yield
    }) : () -> ()
    %scan3A = arith.constant 0 : i32
    %scan3A_5 = arith.constant 0 : i32
    %scan3A_6 = arith.constant 33 : i32
    %scan3A_7 = arith.addi %scan3A_5, %scan3A_6 : i32
    %scan3A_8 = arith.constant 1 : i32
    %scan3A_9 = scf.for %scan3A_1177 = %scan3A_5 to %scan3A_7 step %scan3A_8 iter_args(%scan3A_1178 = %scan3A) -> (i32)  : i32 {
      %broadcast_in_dim3A_1179 = arith.constant 0 : i32
      %broadcast_in_dim3A_1180 = vector.broadcast %broadcast_in_dim3A_1179 : i32 to vector<16xi32>
      %mul3A_1181 = arith.constant 128 : i32
      %mul3A_1182 = arith.muli %scan3A_1177, %mul3A_1181 : i32
      %add3A_1183 = arith.constant 0 : i32
      %add3A_1184 = arith.addi %mul3A_1182, %add3A_1183 : i32
      %swap3A_1185 = arith.index_cast %add3A_1184 : i32 to index
      %swap3A_1186 = tpu.vector_load %arg6[%swap3A_1185] {strides = array<i32>} : memref<4224xi32, #tpu.memory_space<vmem>>, vector<16xi32>,
      tpu.vector_store %arg6[%swap3A_1185], %broadcast_in_dim3A_1180 {strides = array<i32>} : memref<4224xi32, #tpu.memory_space<vmem>>, vector<16xi32>,
      %broadcast_in_dim3A_1187 = arith.constant 0 : i32
      %broadcast_in_dim3A_1188 = vector.broadcast %broadcast_in_dim3A_1187 : i32 to vector<16xi32>
      %mul3A_1189 = arith.constant 128 : i32
      %mul3A_1190 = arith.muli %scan3A_1177, %mul3A_1189 : i32
      %add3A_1191 = arith.constant 16 : i32
      %add3A_1192 = arith.addi %mul3A_1190, %add3A_1191 : i32
      %swap3A_1193 = arith.index_cast %add3A_1192 : i32 to index
      %swap3A_1194 = tpu.vector_load %arg6[%swap3A_1193] {strides = array<i32>} : memref<4224xi32, #tpu.memory_space<vmem>>, vector<16xi32>,
      tpu.vector_store %arg6[%swap3A_1193], %broadcast_in_dim3A_1188 {strides = array<i32>} : memref<4224xi32, #tpu.memory_space<vmem>>, vector<16xi32>,
      %broadcast_in_dim3A_1195 = arith.constant 0 : i32
      %broadcast_in_dim3A_1196 = vector.broadcast %broadcast_in_dim3A_1195 : i32 to vector<16xi32>
      %mul3A_1197 = arith.constant 128 : i32
      %mul3A_1198 = arith.muli %scan3A_1177, %mul3A_1197 : i32
      %add3A_1199 = arith.constant 32 : i32
      %add3A_1200 = arith.addi %mul3A_1198, %add3A_1199 : i32
      %swap3A_1201 = arith.index_cast %add3A_1200 : i32 to index
      %swap3A_1202 = tpu.vector_load %arg6[%swap3A_1201] {strides = array<i32>} : memref<4224xi32, #tpu.memory_space<vmem>>, vector<16xi32>,
      tpu.vector_store %arg6[%swap3A_1201], %broadcast_in_dim3A_1196 {strides = array<i32>} : memref<4224xi32, #tpu.memory_space<vmem>>, vector<16xi32>,
      %broadcast_in_dim3A_1203 = arith.constant 0 : i32
      %broadcast_in_dim3A_1204 = vector.broadcast %broadcast_in_dim3A_1203 : i32 to vector<16xi32>
      %mul3A_1205 = arith.constant 128 : i32
      %mul3A_1206 = arith.muli %scan3A_1177, %mul3A_1205 : i32
      %add3A_1207 = arith.constant 48 : i32
      %add3A_1208 = arith.addi %mul3A_1206, %add3A_1207 : i32
      %swap3A_1209 = arith.index_cast %add3A_1208 : i32 to index
      %swap3A_1210 = tpu.vector_load %arg6[%swap3A_1209] {strides = array<i32>} : memref<4224xi32, #tpu.memory_space<vmem>>, vector<16xi32>,
      tpu.vector_store %arg6[%swap3A_1209], %broadcast_in_dim3A_1204 {strides = array<i32>} : memref<4224xi32, #tpu.memory_space<vmem>>, vector<16xi32>,
      %broadcast_in_dim3A_1211 = arith.constant 0 : i32
      %broadcast_in_dim3A_1212 = vector.broadcast %broadcast_in_dim3A_1211 : i32 to vector<16xi32>
      %mul3A_1213 = arith.constant 128 : i32
      %mul3A_1214 = arith.muli %scan3A_1177, %mul3A_1213 : i32
      %add3A_1215 = arith.constant 64 : i32
      %add3A_1216 = arith.addi %mul3A_1214, %add3A_1215 : i32
      %swap3A_1217 = arith.index_cast %add3A_1216 : i32 to index
      %swap3A_1218 = tpu.vector_load %arg6[%swap3A_1217] {strides = array<i32>} : memref<4224xi32, #tpu.memory_space<vmem>>, vector<16xi32>,
      tpu.vector_store %arg6[%swap3A_1217], %broadcast_in_dim3A_1212 {strides = array<i32>} : memref<4224xi32, #tpu.memory_space<vmem>>, vector<16xi32>,
      %broadcast_in_dim3A_1219 = arith.constant 0 : i32
      %broadcast_in_dim3A_1220 = vector.broadcast %broadcast_in_dim3A_1219 : i32 to vector<16xi32>
      %mul3A_1221 = arith.constant 128 : i32
      %mul3A_1222 = arith.muli %scan3A_1177, %mul3A_1221 : i32
      %add3A_1223 = arith.constant 80 : i32
      %add3A_1224 = arith.addi %mul3A_1222, %add3A_1223 : i32
      %swap3A_1225 = arith.index_cast %add3A_1224 : i32 to index
      %swap3A_1226 = tpu.vector_load %arg6[%swap3A_1225] {strides = array<i32>} : memref<4224xi32, #tpu.memory_space<vmem>>, vector<16xi32>,
      tpu.vector_store %arg6[%swap3A_1225], %broadcast_in_dim3A_1220 {strides = array<i32>} : memref<4224xi32, #tpu.memory_space<vmem>>, vector<16xi32>,
      %broadcast_in_dim3A_1227 = arith.constant 0 : i32
      %broadcast_in_dim3A_1228 = vector.broadcast %broadcast_in_dim3A_1227 : i32 to vector<16xi32>
      %mul3A_1229 = arith.constant 128 : i32
      %mul3A_1230 = arith.muli %scan3A_1177, %mul3A_1229 : i32
      %add3A_1231 = arith.constant 96 : i32
      %add3A_1232 = arith.addi %mul3A_1230, %add3A_1231 : i32
      %swap3A_1233 = arith.index_cast %add3A_1232 : i32 to index
      %swap3A_1234 = tpu.vector_load %arg6[%swap3A_1233] {strides = array<i32>} : memref<4224xi32, #tpu.memory_space<vmem>>, vector<16xi32>,
      tpu.vector_store %arg6[%swap3A_1233], %broadcast_in_dim3A_1228 {strides = array<i32>} : memref<4224xi32, #tpu.memory_space<vmem>>, vector<16xi32>,
      %broadcast_in_dim3A_1235 = arith.constant 0 : i32
      %broadcast_in_dim3A_1236 = vector.broadcast %broadcast_in_dim3A_1235 : i32 to vector<16xi32>
      %mul3A_1237 = arith.constant 128 : i32
      %mul3A_1238 = arith.muli %scan3A_1177, %mul3A_1237 : i32
      %add3A_1239 = arith.constant 112 : i32
      %add3A_1240 = arith.addi %mul3A_1238, %add3A_1239 : i32
      %swap3A_1241 = arith.index_cast %add3A_1240 : i32 to index
      %swap3A_1242 = tpu.vector_load %arg6[%swap3A_1241] {strides = array<i32>} : memref<4224xi32, #tpu.memory_space<vmem>>, vector<16xi32>,
      tpu.vector_store %arg6[%swap3A_1241], %broadcast_in_dim3A_1236 {strides = array<i32>} : memref<4224xi32, #tpu.memory_space<vmem>>, vector<16xi32>,
      %scan3A_1243 = arith.constant 0 : i32
      scf.yield %scan3A_1243 : i32
    }
    %scan3A_10 = arith.constant 33 : i32
    %scan3A_11 = arith.constant 0 : i32
    %scan3A_12 = arith.constant 0 : i32
    %scan3A_13 = arith.constant 640 : i32
    %scan3A_14 = arith.addi %scan3A_12, %scan3A_13 : i32
    %scan3A_15 = arith.constant 1 : i32
    %scan3A_16 = scf.for %scan3A_1177 = %scan3A_12 to %scan3A_14 step %scan3A_15 iter_args(%scan3A_1178 = %scan3A_11) -> (i32)  : i32 {
      %mul3A_1179 = arith.constant 128 : i32
      %mul3A_1180 = arith.muli %scan3A_1177, %mul3A_1179 : i32
      %add3A_1181 = arith.constant 0 : i32
      %add3A_1182 = arith.addi %mul3A_1180, %add3A_1181 : i32
      %get3A_1183 = arith.index_cast %add3A_1182 : i32 to index
      %get3A_1184 = tpu.vector_load %arg5[%get3A_1183] {strides = array<i32>} : memref<81920xf32, #tpu.memory_space<vmem>>, vector<16xf32>,
      %bitcast_convert_type3A_1185 = tpu.bitcast %get3A_1184 : vector<16xf32> -> vector<16xi32>
      %lt3A_1186 = arith.constant 0 : i32
      %lt3A_1187 = vector.broadcast %lt3A_1186 : i32 to vector<16xi32>
      %lt3A_1188 = arith.cmpi slt, %bitcast_convert_type3A_1185, %lt3A_1187 : vector<16xi32>
      %not3A_1189 = arith.constant dense<-1> : vector<16xi32>
      %not3A_1190 = arith.xori %bitcast_convert_type3A_1185, %not3A_1189 : vector<16xi32>
      %xor3A_1191 = arith.constant -2147483648 : i32
      %xor3A_1192 = vector.broadcast %xor3A_1191 : i32 to vector<16xi32>
      %xor3A_1193 = arith.xori %not3A_1190, %xor3A_1192 : vector<16xi32>
      %select_n3A_1194 = arith.select %lt3A_1188, %xor3A_1193, %bitcast_convert_type3A_1185 : vector<16xi1>, vector<16xi32>
      %bitcast_convert_type3A_1195 = tpu.bitcast %select_n3A_1194 : vector<16xi32> -> vector<16xf32>
      %swap3A_1196 = arith.index_cast %add3A_1182 : i32 to index
      %swap3A_1197 = tpu.vector_load %arg5[%swap3A_1196] {strides = array<i32>} : memref<81920xf32, #tpu.memory_space<vmem>>, vector<16xf32>,
      tpu.vector_store %arg5[%swap3A_1196], %bitcast_convert_type3A_1195 {strides = array<i32>} : memref<81920xf32, #tpu.memory_space<vmem>>, vector<16xf32>,
      %xor3A_1198 = arith.constant -2147483648 : i32
      %xor3A_1199 = vector.broadcast %xor3A_1198 : i32 to vector<16xi32>
      %xor3A_1200 = arith.xori %select_n3A_1194, %xor3A_1199 : vector<16xi32>
      %shift_right_logical3A = arith.constant 24 : i32
      %shift_right_logical3A_1201 = vector.broadcast %shift_right_logical3A : i32 to vector<16xi32>
      %shift_right_logical3A_1202 = arith.shrui %xor3A_1200, %shift_right_logical3A_1201 : vector<16xi32>
      %and3A = arith.constant 255 : i32
      %and3A_1203 = vector.broadcast %and3A : i32 to vector<16xi32>
      %and3A_1204 = arith.andi %shift_right_logical3A_1202, %and3A_1203 : vector<16xi32>
      %add3A_1205 = arith.addi %mul3A_1, %and3A_1204 : vector<16xi32>
      tpu.vector_store_idx %arg6[%add3A_1205], %broadcast_in_dim3A_2 {add = true} : memref<4224xi32, #tpu.memory_space<vmem>>[vector<16xi32>], vector<16xi32>,
      %mul3A_1206 = arith.constant 128 : i32
      %mul3A_1207 = arith.muli %scan3A_1177, %mul3A_1206 : i32
      %add3A_1208 = arith.constant 16 : i32
      %add3A_1209 = arith.addi %mul3A_1207, %add3A_1208 : i32
      %get3A_1210 = arith.index_cast %add3A_1209 : i32 to index
      %get3A_1211 = tpu.vector_load %arg5[%get3A_1210] {strides = array<i32>} : memref<81920xf32, #tpu.memory_space<vmem>>, vector<16xf32>,
      %bitcast_convert_type3A_1212 = tpu.bitcast %get3A_1211 : vector<16xf32> -> vector<16xi32>
      %lt3A_1213 = arith.constant 0 : i32
      %lt3A_1214 = vector.broadcast %lt3A_1213 : i32 to vector<16xi32>
      %lt3A_1215 = arith.cmpi slt, %bitcast_convert_type3A_1212, %lt3A_1214 : vector<16xi32>
      %not3A_1216 = arith.constant dense<-1> : vector<16xi32>
      %not3A_1217 = arith.xori %bitcast_convert_type3A_1212, %not3A_1216 : vector<16xi32>
      %xor3A_1218 = arith.constant -2147483648 : i32
      %xor3A_1219 = vector.broadcast %xor3A_1218 : i32 to vector<16xi32>
      %xor3A_1220 = arith.xori %not3A_1217, %xor3A_1219 : vector<16xi32>
      %select_n3A_1221 = arith.select %lt3A_1215, %xor3A_1220, %bitcast_convert_type3A_1212 : vector<16xi1>, vector<16xi32>
      %bitcast_convert_type3A_1222 = tpu.bitcast %select_n3A_1221 : vector<16xi32> -> vector<16xf32>
      %swap3A_1223 = arith.index_cast %add3A_1209 : i32 to index
      %swap3A_1224 = tpu.vector_load %arg5[%swap3A_1223] {strides = array<i32>} : memref<81920xf32, #tpu.memory_space<vmem>>, vector<16xf32>,
      tpu.vector_store %arg5[%swap3A_1223], %bitcast_convert_type3A_1222 {strides = array<i32>} : memref<81920xf32, #tpu.memory_space<vmem>>, vector<16xf32>,
      %xor3A_1225 = arith.constant -2147483648 : i32
      %xor3A_1226 = vector.broadcast %xor3A_1225 : i32 to vector<16xi32>
      %xor3A_1227 = arith.xori %select_n3A_1221, %xor3A_1226 : vector<16xi32>
      %shift_right_logical3A_1228 = arith.constant 24 : i32
      %shift_right_logical3A_1229 = vector.broadcast %shift_right_logical3A_1228 : i32 to vector<16xi32>
      %shift_right_logical3A_1230 = arith.shrui %xor3A_1227, %shift_right_logical3A_1229 : vector<16xi32>
      %and3A_1231 = arith.constant 255 : i32
      %and3A_1232 = vector.broadcast %and3A_1231 : i32 to vector<16xi32>
      %and3A_1233 = arith.andi %shift_right_logical3A_1230, %and3A_1232 : vector<16xi32>
      %add3A_1234 = arith.addi %mul3A_1, %and3A_1233 : vector<16xi32>
      tpu.vector_store_idx %arg6[%add3A_1234], %broadcast_in_dim3A_2 {add = true} : memref<4224xi32, #tpu.memory_space<vmem>>[vector<16xi32>], vector<16xi32>,
      %mul3A_1235 = arith.constant 128 : i32
      %mul3A_1236 = arith.muli %scan3A_1177, %mul3A_1235 : i32
      %add3A_1237 = arith.constant 32 : i32
      %add3A_1238 = arith.addi %mul3A_1236, %add3A_1237 : i32
      %get3A_1239 = arith.index_cast %add3A_1238 : i32 to index
      %get3A_1240 = tpu.vector_load %arg5[%get3A_1239] {strides = array<i32>} : memref<81920xf32, #tpu.memory_space<vmem>>, vector<16xf32>,
      %bitcast_convert_type3A_1241 = tpu.bitcast %get3A_1240 : vector<16xf32> -> vector<16xi32>
      %lt3A_1242 = arith.constant 0 : i32
      %lt3A_1243 = vector.broadcast %lt3A_1242 : i32 to vector<16xi32>
      %lt3A_1244 = arith.cmpi slt, %bitcast_convert_type3A_1241, %lt3A_1243 : vector<16xi32>
      %not3A_1245 = arith.constant dense<-1> : vector<16xi32>
      %not3A_1246 = arith.xori %bitcast_convert_type3A_1241, %not3A_1245 : vector<16xi32>
      %xor3A_1247 = arith.constant -2147483648 : i32
      %xor3A_1248 = vector.broadcast %xor3A_1247 : i32 to vector<16xi32>
      %xor3A_1249 = arith.xori %not3A_1246, %xor3A_1248 : vector<16xi32>
      %select_n3A_1250 = arith.select %lt3A_1244, %xor3A_1249, %bitcast_convert_type3A_1241 : vector<16xi1>, vector<16xi32>
      %bitcast_convert_type3A_1251 = tpu.bitcast %select_n3A_1250 : vector<16xi32> -> vector<16xf32>
      %swap3A_1252 = arith.index_cast %add3A_1238 : i32 to index
      %swap3A_1253 = tpu.vector_load %arg5[%swap3A_1252] {strides = array<i32>} : memref<81920xf32, #tpu.memory_space<vmem>>, vector<16xf32>,
      tpu.vector_store %arg5[%swap3A_1252], %bitcast_convert_type3A_1251 {strides = array<i32>} : memref<81920xf32, #tpu.memory_space<vmem>>, vector<16xf32>,
      %xor3A_1254 = arith.constant -2147483648 : i32
      %xor3A_1255 = vector.broadcast %xor3A_1254 : i32 to vector<16xi32>
      %xor3A_1256 = arith.xori %select_n3A_1250, %xor3A_1255 : vector<16xi32>
      %shift_right_logical3A_1257 = arith.constant 24 : i32
      %shift_right_logical3A_1258 = vector.broadcast %shift_right_logical3A_1257 : i32 to vector<16xi32>
      %shift_right_logical3A_1259 = arith.shrui %xor3A_1256, %shift_right_logical3A_1258 : vector<16xi32>
      %and3A_1260 = arith.constant 255 : i32
      %and3A_1261 = vector.broadcast %and3A_1260 : i32 to vector<16xi32>
      %and3A_1262 = arith.andi %shift_right_logical3A_1259, %and3A_1261 : vector<16xi32>
      %add3A_1263 = arith.addi %mul3A_1, %and3A_1262 : vector<16xi32>
      tpu.vector_store_idx %arg6[%add3A_1263], %broadcast_in_dim3A_2 {add = true} : memref<4224xi32, #tpu.memory_space<vmem>>[vector<16xi32>], vector<16xi32>,
      %mul3A_1264 = arith.constant 128 : i32
      %mul3A_1265 = arith.muli %scan3A_1177, %mul3A_1264 : i32
      %add3A_1266 = arith.constant 48 : i32
      %add3A_1267 = arith.addi %mul3A_1265, %add3A_1266 : i32
      %get3A_1268 = arith.index_cast %add3A_1267 : i32 to index
      %get3A_1269 = tpu.vector_load %arg5[%get3A_1268] {strides = array<i32>} : memref<81920xf32, #tpu.memory_space<vmem>>, vector<16xf32>,
      %bitcast_convert_type3A_1270 = tpu.bitcast %get3A_1269 : vector<16xf32> -> vector<16xi32>
      %lt3A_1271 = arith.constant 0 : i32
      %lt3A_1272 = vector.broadcast %lt3A_1271 : i32 to vector<16xi32>
      %lt3A_1273 = arith.cmpi slt, %bitcast_convert_type3A_1270, %lt3A_1272 : vector<16xi32>
      %not3A_1274 = arith.constant dense<-1> : vector<16xi32>
      %not3A_1275 = arith.xori %bitcast_convert_type3A_1270, %not3A_1274 : vector<16xi32>
      %xor3A_1276 = arith.constant -2147483648 : i32
      %xor3A_1277 = vector.broadcast %xor3A_1276 : i32 to vector<16xi32>
      %xor3A_1278 = arith.xori %not3A_1275, %xor3A_1277 : vector<16xi32>
      %select_n3A_1279 = arith.select %lt3A_1273, %xor3A_1278, %bitcast_convert_type3A_1270 : vector<16xi1>, vector<16xi32>
      %bitcast_convert_type3A_1280 = tpu.bitcast %select_n3A_1279 : vector<16xi32> -> vector<16xf32>
      %swap3A_1281 = arith.index_cast %add3A_1267 : i32 to index
      %swap3A_1282 = tpu.vector_load %arg5[%swap3A_1281] {strides = array<i32>} : memref<81920xf32, #tpu.memory_space<vmem>>, vector<16xf32>,
      tpu.vector_store %arg5[%swap3A_1281], %bitcast_convert_type3A_1280 {strides = array<i32>} : memref<81920xf32, #tpu.memory_space<vmem>>, vector<16xf32>,
      %xor3A_1283 = arith.constant -2147483648 : i32
      %xor3A_1284 = vector.broadcast %xor3A_1283 : i32 to vector<16xi32>
      %xor3A_1285 = arith.xori %select_n3A_1279, %xor3A_1284 : vector<16xi32>
      %shift_right_logical3A_1286 = arith.constant 24 : i32
      %shift_right_logical3A_1287 = vector.broadcast %shift_right_logical3A_1286 : i32 to vector<16xi32>
      %shift_right_logical3A_1288 = arith.shrui %xor3A_1285, %shift_right_logical3A_1287 : vector<16xi32>
      %and3A_1289 = arith.constant 255 : i32
      %and3A_1290 = vector.broadcast %and3A_1289 : i32 to vector<16xi32>
      %and3A_1291 = arith.andi %shift_right_logical3A_1288, %and3A_1290 : vector<16xi32>
      %add3A_1292 = arith.addi %mul3A_1, %and3A_1291 : vector<16xi32>
      tpu.vector_store_idx %arg6[%add3A_1292], %broadcast_in_dim3A_2 {add = true} : memref<4224xi32, #tpu.memory_space<vmem>>[vector<16xi32>], vector<16xi32>,
      %mul3A_1293 = arith.constant 128 : i32
      %mul3A_1294 = arith.muli %scan3A_1177, %mul3A_1293 : i32
      %add3A_1295 = arith.constant 64 : i32
      %add3A_1296 = arith.addi %mul3A_1294, %add3A_1295 : i32
      %get3A_1297 = arith.index_cast %add3A_1296 : i32 to index
      %get3A_1298 = tpu.vector_load %arg5[%get3A_1297] {strides = array<i32>} : memref<81920xf32, #tpu.memory_space<vmem>>, vector<16xf32>,
      %bitcast_convert_type3A_1299 = tpu.bitcast %get3A_1298 : vector<16xf32> -> vector<16xi32>
      %lt3A_1300 = arith.constant 0 : i32
      %lt3A_1301 = vector.broadcast %lt3A_1300 : i32 to vector<16xi32>
      %lt3A_1302 = arith.cmpi slt, %bitcast_convert_type3A_1299, %lt3A_1301 : vector<16xi32>
      %not3A_1303 = arith.constant dense<-1> : vector<16xi32>
      %not3A_1304 = arith.xori %bitcast_convert_type3A_1299, %not3A_1303 : vector<16xi32>
      %xor3A_1305 = arith.constant -2147483648 : i32
      %xor3A_1306 = vector.broadcast %xor3A_1305 : i32 to vector<16xi32>
      %xor3A_1307 = arith.xori %not3A_1304, %xor3A_1306 : vector<16xi32>
      %select_n3A_1308 = arith.select %lt3A_1302, %xor3A_1307, %bitcast_convert_type3A_1299 : vector<16xi1>, vector<16xi32>
      %bitcast_convert_type3A_1309 = tpu.bitcast %select_n3A_1308 : vector<16xi32> -> vector<16xf32>
      %swap3A_1310 = arith.index_cast %add3A_1296 : i32 to index
      %swap3A_1311 = tpu.vector_load %arg5[%swap3A_1310] {strides = array<i32>} : memref<81920xf32, #tpu.memory_space<vmem>>, vector<16xf32>,
      tpu.vector_store %arg5[%swap3A_1310], %bitcast_convert_type3A_1309 {strides = array<i32>} : memref<81920xf32, #tpu.memory_space<vmem>>, vector<16xf32>,
      %xor3A_1312 = arith.constant -2147483648 : i32
      %xor3A_1313 = vector.broadcast %xor3A_1312 : i32 to vector<16xi32>
      %xor3A_1314 = arith.xori %select_n3A_1308, %xor3A_1313 : vector<16xi32>
      %shift_right_logical3A_1315 = arith.constant 24 : i32
      %shift_right_logical3A_1316 = vector.broadcast %shift_right_logical3A_1315 : i32 to vector<16xi32>
      %shift_right_logical3A_1317 = arith.shrui %xor3A_1314, %shift_right_logical3A_1316 : vector<16xi32>
      %and3A_1318 = arith.constant 255 : i32
      %and3A_1319 = vector.broadcast %and3A_1318 : i32 to vector<16xi32>
      %and3A_1320 = arith.andi %shift_right_logical3A_1317, %and3A_1319 : vector<16xi32>
      %add3A_1321 = arith.addi %mul3A_1, %and3A_1320 : vector<16xi32>
      tpu.vector_store_idx %arg6[%add3A_1321], %broadcast_in_dim3A_2 {add = true} : memref<4224xi32, #tpu.memory_space<vmem>>[vector<16xi32>], vector<16xi32>,
      %mul3A_1322 = arith.constant 128 : i32
      %mul3A_1323 = arith.muli %scan3A_1177, %mul3A_1322 : i32
      %add3A_1324 = arith.constant 80 : i32
      %add3A_1325 = arith.addi %mul3A_1323, %add3A_1324 : i32
      %get3A_1326 = arith.index_cast %add3A_1325 : i32 to index
      %get3A_1327 = tpu.vector_load %arg5[%get3A_1326] {strides = array<i32>} : memref<81920xf32, #tpu.memory_space<vmem>>, vector<16xf32>,
      %bitcast_convert_type3A_1328 = tpu.bitcast %get3A_1327 : vector<16xf32> -> vector<16xi32>
      %lt3A_1329 = arith.constant 0 : i32
      %lt3A_1330 = vector.broadcast %lt3A_1329 : i32 to vector<16xi32>
      %lt3A_1331 = arith.cmpi slt, %bitcast_convert_type3A_1328, %lt3A_1330 : vector<16xi32>
      %not3A_1332 = arith.constant dense<-1> : vector<16xi32>
      %not3A_1333 = arith.xori %bitcast_convert_type3A_1328, %not3A_1332 : vector<16xi32>
      %xor3A_1334 = arith.constant -2147483648 : i32
      %xor3A_1335 = vector.broadcast %xor3A_1334 : i32 to vector<16xi32>
      %xor3A_1336 = arith.xori %not3A_1333, %xor3A_1335 : vector<16xi32>
      %select_n3A_1337 = arith.select %lt3A_1331, %xor3A_1336, %bitcast_convert_type3A_1328 : vector<16xi1>, vector<16xi32>
      %bitcast_convert_type3A_1338 = tpu.bitcast %select_n3A_1337 : vector<16xi32> -> vector<16xf32>
      %swap3A_1339 = arith.index_cast %add3A_1325 : i32 to index
      %swap3A_1340 = tpu.vector_load %arg5[%swap3A_1339] {strides = array<i32>} : memref<81920xf32, #tpu.memory_space<vmem>>, vector<16xf32>,
      tpu.vector_store %arg5[%swap3A_1339], %bitcast_convert_type3A_1338 {strides = array<i32>} : memref<81920xf32, #tpu.memory_space<vmem>>, vector<16xf32>,
      %xor3A_1341 = arith.constant -2147483648 : i32
      %xor3A_1342 = vector.broadcast %xor3A_1341 : i32 to vector<16xi32>
      %xor3A_1343 = arith.xori %select_n3A_1337, %xor3A_1342 : vector<16xi32>
      %shift_right_logical3A_1344 = arith.constant 24 : i32
      %shift_right_logical3A_1345 = vector.broadcast %shift_right_logical3A_1344 : i32 to vector<16xi32>
      %shift_right_logical3A_1346 = arith.shrui %xor3A_1343, %shift_right_logical3A_1345 : vector<16xi32>
      %and3A_1347 = arith.constant 255 : i32
      %and3A_1348 = vector.broadcast %and3A_1347 : i32 to vector<16xi32>
      %and3A_1349 = arith.andi %shift_right_logical3A_1346, %and3A_1348 : vector<16xi32>
      %add3A_1350 = arith.addi %mul3A_1, %and3A_1349 : vector<16xi32>
      tpu.vector_store_idx %arg6[%add3A_1350], %broadcast_in_dim3A_2 {add = true} : memref<4224xi32, #tpu.memory_space<vmem>>[vector<16xi32>], vector<16xi32>,
      %mul3A_1351 = arith.constant 128 : i32
      %mul3A_1352 = arith.muli %scan3A_1177, %mul3A_1351 : i32
      %add3A_1353 = arith.constant 96 : i32
      %add3A_1354 = arith.addi %mul3A_1352, %add3A_1353 : i32
      %get3A_1355 = arith.index_cast %add3A_1354 : i32 to index
      %get3A_1356 = tpu.vector_load %arg5[%get3A_1355] {strides = array<i32>} : memref<81920xf32, #tpu.memory_space<vmem>>, vector<16xf32>,
      %bitcast_convert_type3A_1357 = tpu.bitcast %get3A_1356 : vector<16xf32> -> vector<16xi32>
      %lt3A_1358 = arith.constant 0 : i32
      %lt3A_1359 = vector.broadcast %lt3A_1358 : i32 to vector<16xi32>
      %lt3A_1360 = arith.cmpi slt, %bitcast_convert_type3A_1357, %lt3A_1359 : vector<16xi32>
      %not3A_1361 = arith.constant dense<-1> : vector<16xi32>
      %not3A_1362 = arith.xori %bitcast_convert_type3A_1357, %not3A_1361 : vector<16xi32>
      %xor3A_1363 = arith.constant -2147483648 : i32
      %xor3A_1364 = vector.broadcast %xor3A_1363 : i32 to vector<16xi32>
      %xor3A_1365 = arith.xori %not3A_1362, %xor3A_1364 : vector<16xi32>
      %select_n3A_1366 = arith.select %lt3A_1360, %xor3A_1365, %bitcast_convert_type3A_1357 : vector<16xi1>, vector<16xi32>
      %bitcast_convert_type3A_1367 = tpu.bitcast %select_n3A_1366 : vector<16xi32> -> vector<16xf32>
      %swap3A_1368 = arith.index_cast %add3A_1354 : i32 to index
      %swap3A_1369 = tpu.vector_load %arg5[%swap3A_1368] {strides = array<i32>} : memref<81920xf32, #tpu.memory_space<vmem>>, vector<16xf32>,
      tpu.vector_store %arg5[%swap3A_1368], %bitcast_convert_type3A_1367 {strides = array<i32>} : memref<81920xf32, #tpu.memory_space<vmem>>, vector<16xf32>,
      %xor3A_1370 = arith.constant -2147483648 : i32
      %xor3A_1371 = vector.broadcast %xor3A_1370 : i32 to vector<16xi32>
      %xor3A_1372 = arith.xori %select_n3A_1366, %xor3A_1371 : vector<16xi32>
      %shift_right_logical3A_1373 = arith.constant 24 : i32
      %shift_right_logical3A_1374 = vector.broadcast %shift_right_logical3A_1373 : i32 to vector<16xi32>
      %shift_right_logical3A_1375 = arith.shrui %xor3A_1372, %shift_right_logical3A_1374 : vector<16xi32>
      %and3A_1376 = arith.constant 255 : i32
      %and3A_1377 = vector.broadcast %and3A_1376 : i32 to vector<16xi32>
      %and3A_1378 = arith.andi %shift_right_logical3A_1375, %and3A_1377 : vector<16xi32>
      %add3A_1379 = arith.addi %mul3A_1, %and3A_1378 : vector<16xi32>
      tpu.vector_store_idx %arg6[%add3A_1379], %broadcast_in_dim3A_2 {add = true} : memref<4224xi32, #tpu.memory_space<vmem>>[vector<16xi32>], vector<16xi32>,
      %mul3A_1380 = arith.constant 128 : i32
      %mul3A_1381 = arith.muli %scan3A_1177, %mul3A_1380 : i32
      %add3A_1382 = arith.constant 112 : i32
      %add3A_1383 = arith.addi %mul3A_1381, %add3A_1382 : i32
      %get3A_1384 = arith.index_cast %add3A_1383 : i32 to index
      %get3A_1385 = tpu.vector_load %arg5[%get3A_1384] {strides = array<i32>} : memref<81920xf32, #tpu.memory_space<vmem>>, vector<16xf32>,
      %bitcast_convert_type3A_1386 = tpu.bitcast %get3A_1385 : vector<16xf32> -> vector<16xi32>
      %lt3A_1387 = arith.constant 0 : i32
      %lt3A_1388 = vector.broadcast %lt3A_1387 : i32 to vector<16xi32>
      %lt3A_1389 = arith.cmpi slt, %bitcast_convert_type3A_1386, %lt3A_1388 : vector<16xi32>
      %not3A_1390 = arith.constant dense<-1> : vector<16xi32>
      %not3A_1391 = arith.xori %bitcast_convert_type3A_1386, %not3A_1390 : vector<16xi32>
      %xor3A_1392 = arith.constant -2147483648 : i32
      %xor3A_1393 = vector.broadcast %xor3A_1392 : i32 to vector<16xi32>
      %xor3A_1394 = arith.xori %not3A_1391, %xor3A_1393 : vector<16xi32>
      %select_n3A_1395 = arith.select %lt3A_1389, %xor3A_1394, %bitcast_convert_type3A_1386 : vector<16xi1>, vector<16xi32>
      %bitcast_convert_type3A_1396 = tpu.bitcast %select_n3A_1395 : vector<16xi32> -> vector<16xf32>
      %swap3A_1397 = arith.index_cast %add3A_1383 : i32 to index
      %swap3A_1398 = tpu.vector_load %arg5[%swap3A_1397] {strides = array<i32>} : memref<81920xf32, #tpu.memory_space<vmem>>, vector<16xf32>,
      tpu.vector_store %arg5[%swap3A_1397], %bitcast_convert_type3A_1396 {strides = array<i32>} : memref<81920xf32, #tpu.memory_space<vmem>>, vector<16xf32>,
      %xor3A_1399 = arith.constant -2147483648 : i32
      %xor3A_1400 = vector.broadcast %xor3A_1399 : i32 to vector<16xi32>
      %xor3A_1401 = arith.xori %select_n3A_1395, %xor3A_1400 : vector<16xi32>
      %shift_right_logical3A_1402 = arith.constant 24 : i32
      %shift_right_logical3A_1403 = vector.broadcast %shift_right_logical3A_1402 : i32 to vector<16xi32>
      %shift_right_logical3A_1404 = arith.shrui %xor3A_1401, %shift_right_logical3A_1403 : vector<16xi32>
      %and3A_1405 = arith.constant 255 : i32
      %and3A_1406 = vector.broadcast %and3A_1405 : i32 to vector<16xi32>
      %and3A_1407 = arith.andi %shift_right_logical3A_1404, %and3A_1406 : vector<16xi32>
      %add3A_1408 = arith.addi %mul3A_1, %and3A_1407 : vector<16xi32>
      tpu.vector_store_idx %arg6[%add3A_1408], %broadcast_in_dim3A_2 {add = true} : memref<4224xi32, #tpu.memory_space<vmem>>[vector<16xi32>], vector<16xi32>,
      %scan3A_1409 = arith.constant 0 : i32
      scf.yield %scan3A_1409 : i32
    }
    %scan3A_17 = arith.constant 640 : i32
    %scan3A_18 = arith.constant 0 : i32
    %scan3A_19 = arith.constant 0 : i32
    %scan3A_20 = arith.constant 16 : i32
    %scan3A_21 = arith.addi %scan3A_19, %scan3A_20 : i32
    %scan3A_22 = arith.constant 1 : i32
    %scan3A_23 = scf.for %scan3A_1177 = %scan3A_19 to %scan3A_21 step %scan3A_22 iter_args(%scan3A_1178 = %scan3A_18) -> (i32)  : i32 {
      %mul3A_1179 = arith.constant 16 : i32
      %mul3A_1180 = arith.muli %scan3A_1177, %mul3A_1179 : i32
      %get3A_1181 = arith.index_cast %mul3A_1180 : i32 to index
      %get3A_1182 = tpu.vector_load %arg6[%get3A_1181] {strides = array<i32>} : memref<4224xi32, #tpu.memory_space<vmem>>, vector<16xi32>,
      %mul3A_1183 = arith.constant 16 : i32
      %mul3A_1184 = arith.muli %scan3A_1177, %mul3A_1183 : i32
      %add3A_1185 = arith.constant 257 : i32
      %add3A_1186 = arith.addi %add3A_1185, %mul3A_1184 : i32
      %get3A_1187 = arith.index_cast %add3A_1186 : i32 to index
      %get3A_1188 = tpu.vector_load %arg6[%get3A_1187] {strides = array<i32>} : memref<4224xi32, #tpu.memory_space<vmem>>, vector<16xi32>,
      %add3A_1189 = arith.addi %get3A_1182, %get3A_1188 : vector<16xi32>
      %mul3A_1190 = arith.constant 16 : i32
      %mul3A_1191 = arith.muli %scan3A_1177, %mul3A_1190 : i32
      %add3A_1192 = arith.constant 514 : i32
      %add3A_1193 = arith.addi %add3A_1192, %mul3A_1191 : i32
      %get3A_1194 = arith.index_cast %add3A_1193 : i32 to index
      %get3A_1195 = tpu.vector_load %arg6[%get3A_1194] {strides = array<i32>} : memref<4224xi32, #tpu.memory_space<vmem>>, vector<16xi32>,
      %add3A_1196 = arith.addi %add3A_1189, %get3A_1195 : vector<16xi32>
      %mul3A_1197 = arith.constant 16 : i32
      %mul3A_1198 = arith.muli %scan3A_1177, %mul3A_1197 : i32
      %add3A_1199 = arith.constant 771 : i32
      %add3A_1200 = arith.addi %add3A_1199, %mul3A_1198 : i32
      %get3A_1201 = arith.index_cast %add3A_1200 : i32 to index
      %get3A_1202 = tpu.vector_load %arg6[%get3A_1201] {strides = array<i32>} : memref<4224xi32, #tpu.memory_space<vmem>>, vector<16xi32>,
      %add3A_1203 = arith.addi %add3A_1196, %get3A_1202 : vector<16xi32>
      %mul3A_1204 = arith.constant 16 : i32
      %mul3A_1205 = arith.muli %scan3A_1177, %mul3A_1204 : i32
      %add3A_1206 = arith.constant 1028 : i32
      %add3A_1207 = arith.addi %add3A_1206, %mul3A_1205 : i32
      %get3A_1208 = arith.index_cast %add3A_1207 : i32 to index
      %get3A_1209 = tpu.vector_load %arg6[%get3A_1208] {strides = array<i32>} : memref<4224xi32, #tpu.memory_space<vmem>>, vector<16xi32>,
      %add3A_1210 = arith.addi %add3A_1203, %get3A_1209 : vector<16xi32>
      %mul3A_1211 = arith.constant 16 : i32
      %mul3A_1212 = arith.muli %scan3A_1177, %mul3A_1211 : i32
      %add3A_1213 = arith.constant 1285 : i32
      %add3A_1214 = arith.addi %add3A_1213, %mul3A_1212 : i32
      %get3A_1215 = arith.index_cast %add3A_1214 : i32 to index
      %get3A_1216 = tpu.vector_load %arg6[%get3A_1215] {strides = array<i32>} : memref<4224xi32, #tpu.memory_space<vmem>>, vector<16xi32>,
      %add3A_1217 = arith.addi %add3A_1210, %get3A_1216 : vector<16xi32>
      %mul3A_1218 = arith.constant 16 : i32
      %mul3A_1219 = arith.muli %scan3A_1177, %mul3A_1218 : i32
      %add3A_1220 = arith.constant 1542 : i32
      %add3A_1221 = arith.addi %add3A_1220, %mul3A_1219 : i32
      %get3A_1222 = arith.index_cast %add3A_1221 : i32 to index
      %get3A_1223 = tpu.vector_load %arg6[%get3A_1222] {strides = array<i32>} : memref<4224xi32, #tpu.memory_space<vmem>>, vector<16xi32>,
      %add3A_1224 = arith.addi %add3A_1217, %get3A_1223 : vector<16xi32>
      %mul3A_1225 = arith.constant 16 : i32
      %mul3A_1226 = arith.muli %scan3A_1177, %mul3A_1225 : i32
      %add3A_1227 = arith.constant 1799 : i32
      %add3A_1228 = arith.addi %add3A_1227, %mul3A_1226 : i32
      %get3A_1229 = arith.index_cast %add3A_1228 : i32 to index
      %get3A_1230 = tpu.vector_load %arg6[%get3A_1229] {strides = array<i32>} : memref<4224xi32, #tpu.memory_space<vmem>>, vector<16xi32>,
      %add3A_1231 = arith.addi %add3A_1224, %get3A_1230 : vector<16xi32>
      %mul3A_1232 = arith.constant 16 : i32
      %mul3A_1233 = arith.muli %scan3A_1177, %mul3A_1232 : i32
      %add3A_1234 = arith.constant 2056 : i32
      %add3A_1235 = arith.addi %add3A_1234, %mul3A_1233 : i32
      %get3A_1236 = arith.index_cast %add3A_1235 : i32 to index
      %get3A_1237 = tpu.vector_load %arg6[%get3A_1236] {strides = array<i32>} : memref<4224xi32, #tpu.memory_space<vmem>>, vector<16xi32>,
      %add3A_1238 = arith.addi %add3A_1231, %get3A_1237 : vector<16xi32>
      %mul3A_1239 = arith.constant 16 : i32
      %mul3A_1240 = arith.muli %scan3A_1177, %mul3A_1239 : i32
      %add3A_1241 = arith.constant 2313 : i32
      %add3A_1242 = arith.addi %add3A_1241, %mul3A_1240 : i32
      %get3A_1243 = arith.index_cast %add3A_1242 : i32 to index
      %get3A_1244 = tpu.vector_load %arg6[%get3A_1243] {strides = array<i32>} : memref<4224xi32, #tpu.memory_space<vmem>>, vector<16xi32>,
      %add3A_1245 = arith.addi %add3A_1238, %get3A_1244 : vector<16xi32>
      %mul3A_1246 = arith.constant 16 : i32
      %mul3A_1247 = arith.muli %scan3A_1177, %mul3A_1246 : i32
      %add3A_1248 = arith.constant 2570 : i32
      %add3A_1249 = arith.addi %add3A_1248, %mul3A_1247 : i32
      %get3A_1250 = arith.index_cast %add3A_1249 : i32 to index
      %get3A_1251 = tpu.vector_load %arg6[%get3A_1250] {strides = array<i32>} : memref<4224xi32, #tpu.memory_space<vmem>>, vector<16xi32>,
      %add3A_1252 = arith.addi %add3A_1245, %get3A_1251 : vector<16xi32>
      %mul3A_1253 = arith.constant 16 : i32
      %mul3A_1254 = arith.muli %scan3A_1177, %mul3A_1253 : i32
      %add3A_1255 = arith.constant 2827 : i32
      %add3A_1256 = arith.addi %add3A_1255, %mul3A_1254 : i32
      %get3A_1257 = arith.index_cast %add3A_1256 : i32 to index
      %get3A_1258 = tpu.vector_load %arg6[%get3A_1257] {strides = array<i32>} : memref<4224xi32, #tpu.memory_space<vmem>>, vector<16xi32>,
      %add3A_1259 = arith.addi %add3A_1252, %get3A_1258 : vector<16xi32>
      %mul3A_1260 = arith.constant 16 : i32
      %mul3A_1261 = arith.muli %scan3A_1177, %mul3A_1260 : i32
      %add3A_1262 = arith.constant 3084 : i32
      %add3A_1263 = arith.addi %add3A_1262, %mul3A_1261 : i32
      %get3A_1264 = arith.index_cast %add3A_1263 : i32 to index
      %get3A_1265 = tpu.vector_load %arg6[%get3A_1264] {strides = array<i32>} : memref<4224xi32, #tpu.memory_space<vmem>>, vector<16xi32>,
      %add3A_1266 = arith.addi %add3A_1259, %get3A_1265 : vector<16xi32>
      %mul3A_1267 = arith.constant 16 : i32
      %mul3A_1268 = arith.muli %scan3A_1177, %mul3A_1267 : i32
      %add3A_1269 = arith.constant 3341 : i32
      %add3A_1270 = arith.addi %add3A_1269, %mul3A_1268 : i32
      %get3A_1271 = arith.index_cast %add3A_1270 : i32 to index
      %get3A_1272 = tpu.vector_load %arg6[%get3A_1271] {strides = array<i32>} : memref<4224xi32, #tpu.memory_space<vmem>>, vector<16xi32>,
      %add3A_1273 = arith.addi %add3A_1266, %get3A_1272 : vector<16xi32>
      %mul3A_1274 = arith.constant 16 : i32
      %mul3A_1275 = arith.muli %scan3A_1177, %mul3A_1274 : i32
      %add3A_1276 = arith.constant 3598 : i32
      %add3A_1277 = arith.addi %add3A_1276, %mul3A_1275 : i32
      %get3A_1278 = arith.index_cast %add3A_1277 : i32 to index
      %get3A_1279 = tpu.vector_load %arg6[%get3A_1278] {strides = array<i32>} : memref<4224xi32, #tpu.memory_space<vmem>>, vector<16xi32>,
      %add3A_1280 = arith.addi %add3A_1273, %get3A_1279 : vector<16xi32>
      %mul3A_1281 = arith.constant 16 : i32
      %mul3A_1282 = arith.muli %scan3A_1177, %mul3A_1281 : i32
      %add3A_1283 = arith.constant 3855 : i32
      %add3A_1284 = arith.addi %add3A_1283, %mul3A_1282 : i32
      %get3A_1285 = arith.index_cast %add3A_1284 : i32 to index
      %get3A_1286 = tpu.vector_load %arg6[%get3A_1285] {strides = array<i32>} : memref<4224xi32, #tpu.memory_space<vmem>>, vector<16xi32>,
      %add3A_1287 = arith.addi %add3A_1280, %get3A_1286 : vector<16xi32>
      %mul3A_1288 = arith.constant 16 : i32
      %mul3A_1289 = arith.muli %scan3A_1177, %mul3A_1288 : i32
      %swap3A_1290 = arith.index_cast %mul3A_1289 : i32 to index
      %swap3A_1291 = tpu.vector_load %arg7[%swap3A_1290] {strides = array<i32>} : memref<256xi32, #tpu.memory_space<vmem>>, vector<16xi32>,
      tpu.vector_store %arg7[%swap3A_1290], %add3A_1287 {strides = array<i32>} : memref<256xi32, #tpu.memory_space<vmem>>, vector<16xi32>,
      %scan3A_1292 = arith.constant 0 : i32
      scf.yield %scan3A_1292 : i32
    }
    %scan3A_24 = arith.constant 16 : i32
    %mul3A_25 = arith.constant 256 : i32
    %mul3A_26 = arith.muli %arg1, %mul3A_25 : i32
    "tpu.region"() ({
      %run_scoped3A_1177 = tpu.sem_alloc : memref<!tpu.dma_semaphore, #tpu.memory_space<semaphore_mem>>
      %dma_start3A = tpu.memref_slice %arg18[%mul3A_26] : memref<4096xi32, #tpu.memory_space<vmem_shared>> -> memref<256xi32, #tpu.memory_space<vmem_shared>>
      %dma_start3A_1178 = tpu.memref_slice %arg18[%mul3A_26] : memref<4096xi32, #tpu.memory_space<vmem_shared>> -> memref<256xi32, #tpu.memory_space<vmem_shared>>
      tpu.enqueue_dma source(%arg7 : memref<256xi32, #tpu.memory_space<vmem>>) target(%dma_start3A_1178 : memref<256xi32, #tpu.memory_space<vmem_shared>>) target_semaphore(%run_scoped3A_1177 : memref<!tpu.dma_semaphore, #tpu.memory_space<semaphore_mem>>)
      %dma_wait3A = tpu.memref_slice %arg18[%mul3A_26] : memref<4096xi32, #tpu.memory_space<vmem_shared>> -> memref<256xi32, #tpu.memory_space<vmem_shared>>
      %dma_wait3A_1179 = tpu.memref_slice %arg18[%mul3A_26] : memref<4096xi32, #tpu.memory_space<vmem_shared>> -> memref<256xi32, #tpu.memory_space<vmem_shared>>
      tpu.wait_dma2 semaphore(%run_scoped3A_1177 : memref<!tpu.dma_semaphore, #tpu.memory_space<semaphore_mem>>) src(%arg7 : memref<256xi32, #tpu.memory_space<vmem>>) dst(%dma_wait3A_1179 : memref<256xi32, #tpu.memory_space<vmem_shared>>)
      tpu.yield
    }) : () -> ()
    %barrier3A = arith.constant 0 : index
    tpu.barrier barrier_id(%barrier3A)
    "tpu.region"() ({
      %run_scoped3A_1177 = tpu.sem_alloc : memref<!tpu.dma_semaphore, #tpu.memory_space<semaphore_mem>>
      tpu.enqueue_dma source(%arg18 : memref<4096xi32, #tpu.memory_space<vmem_shared>>) target(%arg8 : memref<4096xi32, #tpu.memory_space<vmem>>) target_semaphore(%run_scoped3A_1177 : memref<!tpu.dma_semaphore, #tpu.memory_space<semaphore_mem>>)
      tpu.wait_dma2 semaphore(%run_scoped3A_1177 : memref<!tpu.dma_semaphore, #tpu.memory_space<semaphore_mem>>) src(%arg18 : memref<4096xi32, #tpu.memory_space<vmem_shared>>) dst(%arg8 : memref<4096xi32, #tpu.memory_space<vmem>>)
      tpu.yield
    }) : () -> ()
    %barrier3A_27 = arith.constant 0 : index
    tpu.barrier barrier_id(%barrier3A_27)
    %scan3A_28 = arith.constant 0 : i32
    %scan3A_29 = arith.constant 0 : i32
    %scan3A_30 = arith.constant 16 : i32
    %scan3A_31 = arith.addi %scan3A_29, %scan3A_30 : i32
    %scan3A_32 = arith.constant 1 : i32
    %scan3A_33 = scf.for %scan3A_1177 = %scan3A_29 to %scan3A_31 step %scan3A_32 iter_args(%scan3A_1178 = %scan3A_28) -> (i32)  : i32 {
      %mul3A_1179 = arith.constant 16 : i32
      %mul3A_1180 = arith.muli %scan3A_1177, %mul3A_1179 : i32
      %get3A_1181 = arith.index_cast %mul3A_1180 : i32 to index
      %get3A_1182 = tpu.vector_load %arg8[%get3A_1181] {strides = array<i32>} : memref<4096xi32, #tpu.memory_space<vmem>>, vector<16xi32>,
      %mul3A_1183 = arith.constant 16 : i32
      %mul3A_1184 = arith.muli %scan3A_1177, %mul3A_1183 : i32
      %add3A_1185 = arith.constant 256 : i32
      %add3A_1186 = arith.addi %add3A_1185, %mul3A_1184 : i32
      %get3A_1187 = arith.index_cast %add3A_1186 : i32 to index
      %get3A_1188 = tpu.vector_load %arg8[%get3A_1187] {strides = array<i32>} : memref<4096xi32, #tpu.memory_space<vmem>>, vector<16xi32>,
      %add3A_1189 = arith.addi %get3A_1182, %get3A_1188 : vector<16xi32>
      %mul3A_1190 = arith.constant 16 : i32
      %mul3A_1191 = arith.muli %scan3A_1177, %mul3A_1190 : i32
      %add3A_1192 = arith.constant 512 : i32
      %add3A_1193 = arith.addi %add3A_1192, %mul3A_1191 : i32
      %get3A_1194 = arith.index_cast %add3A_1193 : i32 to index
      %get3A_1195 = tpu.vector_load %arg8[%get3A_1194] {strides = array<i32>} : memref<4096xi32, #tpu.memory_space<vmem>>, vector<16xi32>,
      %add3A_1196 = arith.addi %add3A_1189, %get3A_1195 : vector<16xi32>
      %mul3A_1197 = arith.constant 16 : i32
      %mul3A_1198 = arith.muli %scan3A_1177, %mul3A_1197 : i32
      %add3A_1199 = arith.constant 768 : i32
      %add3A_1200 = arith.addi %add3A_1199, %mul3A_1198 : i32
      %get3A_1201 = arith.index_cast %add3A_1200 : i32 to index
      %get3A_1202 = tpu.vector_load %arg8[%get3A_1201] {strides = array<i32>} : memref<4096xi32, #tpu.memory_space<vmem>>, vector<16xi32>,
      %add3A_1203 = arith.addi %add3A_1196, %get3A_1202 : vector<16xi32>
      %mul3A_1204 = arith.constant 16 : i32
      %mul3A_1205 = arith.muli %scan3A_1177, %mul3A_1204 : i32
      %add3A_1206 = arith.constant 1024 : i32
      %add3A_1207 = arith.addi %add3A_1206, %mul3A_1205 : i32
      %get3A_1208 = arith.index_cast %add3A_1207 : i32 to index
      %get3A_1209 = tpu.vector_load %arg8[%get3A_1208] {strides = array<i32>} : memref<4096xi32, #tpu.memory_space<vmem>>, vector<16xi32>,
      %add3A_1210 = arith.addi %add3A_1203, %get3A_1209 : vector<16xi32>
      %mul3A_1211 = arith.constant 16 : i32
      %mul3A_1212 = arith.muli %scan3A_1177, %mul3A_1211 : i32
      %add3A_1213 = arith.constant 1280 : i32
      %add3A_1214 = arith.addi %add3A_1213, %mul3A_1212 : i32
      %get3A_1215 = arith.index_cast %add3A_1214 : i32 to index
      %get3A_1216 = tpu.vector_load %arg8[%get3A_1215] {strides = array<i32>} : memref<4096xi32, #tpu.memory_space<vmem>>, vector<16xi32>,
      %add3A_1217 = arith.addi %add3A_1210, %get3A_1216 : vector<16xi32>
      %mul3A_1218 = arith.constant 16 : i32
      %mul3A_1219 = arith.muli %scan3A_1177, %mul3A_1218 : i32
      %add3A_1220 = arith.constant 1536 : i32
      %add3A_1221 = arith.addi %add3A_1220, %mul3A_1219 : i32
      %get3A_1222 = arith.index_cast %add3A_1221 : i32 to index
      %get3A_1223 = tpu.vector_load %arg8[%get3A_1222] {strides = array<i32>} : memref<4096xi32, #tpu.memory_space<vmem>>, vector<16xi32>,
      %add3A_1224 = arith.addi %add3A_1217, %get3A_1223 : vector<16xi32>
      %mul3A_1225 = arith.constant 16 : i32
      %mul3A_1226 = arith.muli %scan3A_1177, %mul3A_1225 : i32
      %add3A_1227 = arith.constant 1792 : i32
      %add3A_1228 = arith.addi %add3A_1227, %mul3A_1226 : i32
      %get3A_1229 = arith.index_cast %add3A_1228 : i32 to index
      %get3A_1230 = tpu.vector_load %arg8[%get3A_1229] {strides = array<i32>} : memref<4096xi32, #tpu.memory_space<vmem>>, vector<16xi32>,
      %add3A_1231 = arith.addi %add3A_1224, %get3A_1230 : vector<16xi32>
      %mul3A_1232 = arith.constant 16 : i32
      %mul3A_1233 = arith.muli %scan3A_1177, %mul3A_1232 : i32
      %add3A_1234 = arith.constant 2048 : i32
      %add3A_1235 = arith.addi %add3A_1234, %mul3A_1233 : i32
      %get3A_1236 = arith.index_cast %add3A_1235 : i32 to index
      %get3A_1237 = tpu.vector_load %arg8[%get3A_1236] {strides = array<i32>} : memref<4096xi32, #tpu.memory_space<vmem>>, vector<16xi32>,
      %add3A_1238 = arith.addi %add3A_1231, %get3A_1237 : vector<16xi32>
      %mul3A_1239 = arith.constant 16 : i32
      %mul3A_1240 = arith.muli %scan3A_1177, %mul3A_1239 : i32
      %add3A_1241 = arith.constant 2304 : i32
      %add3A_1242 = arith.addi %add3A_1241, %mul3A_1240 : i32
      %get3A_1243 = arith.index_cast %add3A_1242 : i32 to index
      %get3A_1244 = tpu.vector_load %arg8[%get3A_1243] {strides = array<i32>} : memref<4096xi32, #tpu.memory_space<vmem>>, vector<16xi32>,
      %add3A_1245 = arith.addi %add3A_1238, %get3A_1244 : vector<16xi32>
      %mul3A_1246 = arith.constant 16 : i32
      %mul3A_1247 = arith.muli %scan3A_1177, %mul3A_1246 : i32
      %add3A_1248 = arith.constant 2560 : i32
      %add3A_1249 = arith.addi %add3A_1248, %mul3A_1247 : i32
      %get3A_1250 = arith.index_cast %add3A_1249 : i32 to index
      %get3A_1251 = tpu.vector_load %arg8[%get3A_1250] {strides = array<i32>} : memref<4096xi32, #tpu.memory_space<vmem>>, vector<16xi32>,
      %add3A_1252 = arith.addi %add3A_1245, %get3A_1251 : vector<16xi32>
      %mul3A_1253 = arith.constant 16 : i32
      %mul3A_1254 = arith.muli %scan3A_1177, %mul3A_1253 : i32
      %add3A_1255 = arith.constant 2816 : i32
      %add3A_1256 = arith.addi %add3A_1255, %mul3A_1254 : i32
      %get3A_1257 = arith.index_cast %add3A_1256 : i32 to index
      %get3A_1258 = tpu.vector_load %arg8[%get3A_1257] {strides = array<i32>} : memref<4096xi32, #tpu.memory_space<vmem>>, vector<16xi32>,
      %add3A_1259 = arith.addi %add3A_1252, %get3A_1258 : vector<16xi32>
      %mul3A_1260 = arith.constant 16 : i32
      %mul3A_1261 = arith.muli %scan3A_1177, %mul3A_1260 : i32
      %add3A_1262 = arith.constant 3072 : i32
      %add3A_1263 = arith.addi %add3A_1262, %mul3A_1261 : i32
      %get3A_1264 = arith.index_cast %add3A_1263 : i32 to index
      %get3A_1265 = tpu.vector_load %arg8[%get3A_1264] {strides = array<i32>} : memref<4096xi32, #tpu.memory_space<vmem>>, vector<16xi32>,
      %add3A_1266 = arith.addi %add3A_1259, %get3A_1265 : vector<16xi32>
      %mul3A_1267 = arith.constant 16 : i32
      %mul3A_1268 = arith.muli %scan3A_1177, %mul3A_1267 : i32
      %add3A_1269 = arith.constant 3328 : i32
      %add3A_1270 = arith.addi %add3A_1269, %mul3A_1268 : i32
      %get3A_1271 = arith.index_cast %add3A_1270 : i32 to index
      %get3A_1272 = tpu.vector_load %arg8[%get3A_1271] {strides = array<i32>} : memref<4096xi32, #tpu.memory_space<vmem>>, vector<16xi32>,
      %add3A_1273 = arith.addi %add3A_1266, %get3A_1272 : vector<16xi32>
      %mul3A_1274 = arith.constant 16 : i32
      %mul3A_1275 = arith.muli %scan3A_1177, %mul3A_1274 : i32
      %add3A_1276 = arith.constant 3584 : i32
      %add3A_1277 = arith.addi %add3A_1276, %mul3A_1275 : i32
      %get3A_1278 = arith.index_cast %add3A_1277 : i32 to index
      %get3A_1279 = tpu.vector_load %arg8[%get3A_1278] {strides = array<i32>} : memref<4096xi32, #tpu.memory_space<vmem>>, vector<16xi32>,
      %add3A_1280 = arith.addi %add3A_1273, %get3A_1279 : vector<16xi32>
      %mul3A_1281 = arith.constant 16 : i32
      %mul3A_1282 = arith.muli %scan3A_1177, %mul3A_1281 : i32
      %add3A_1283 = arith.constant 3840 : i32
      %add3A_1284 = arith.addi %add3A_1283, %mul3A_1282 : i32
      %get3A_1285 = arith.index_cast %add3A_1284 : i32 to index
      %get3A_1286 = tpu.vector_load %arg8[%get3A_1285] {strides = array<i32>} : memref<4096xi32, #tpu.memory_space<vmem>>, vector<16xi32>,
      %add3A_1287 = arith.addi %add3A_1280, %get3A_1286 : vector<16xi32>
      %mul3A_1288 = arith.constant 16 : i32
      %mul3A_1289 = arith.muli %scan3A_1177, %mul3A_1288 : i32
      %swap3A_1290 = arith.index_cast %mul3A_1289 : i32 to index
      %swap3A_1291 = tpu.vector_load %arg7[%swap3A_1290] {strides = array<i32>} : memref<256xi32, #tpu.memory_space<vmem>>, vector<16xi32>,
      tpu.vector_store %arg7[%swap3A_1290], %add3A_1287 {strides = array<i32>} : memref<256xi32, #tpu.memory_space<vmem>>, vector<16xi32>,
      %scan3A_1292 = arith.constant 0 : i32
      scf.yield %scan3A_1292 : i32
    }
    %scan3A_34 = arith.constant 16 : i32
    %scan3A_35 = arith.constant 1000 : i32
    %scan3A_36 = arith.constant 0 : i32
    %scan3A_37 = arith.constant false
    %scan3A_38 = arith.constant 0 : i32
    %scan3A_39 = arith.constant 16 : i32
    %scan3A_40 = arith.addi %scan3A_38, %scan3A_39 : i32
    %scan3A_41 = arith.constant 1 : i32
    %scan3A_42:3 = scf.for %scan3A_1177 = %scan3A_38 to %scan3A_40 step %scan3A_41 iter_args(%scan3A_1178 = %scan3A_35, %scan3A_1179 = %scan3A_36, %scan3A_1180 = %scan3A_37) -> (i32, i32, i1)  : i32 {
      %sub3A_1181 = arith.constant 15 : i32
      %sub3A_1182 = arith.subi %sub3A_1181, %scan3A_1177 : i32
      %mul3A_1183 = arith.constant 16 : i32
      %mul3A_1184 = arith.muli %sub3A_1182, %mul3A_1183 : i32
      %get3A_1185 = arith.index_cast %mul3A_1184 : i32 to index
      %get3A_1186 = tpu.vector_load %arg7[%get3A_1185] {strides = array<i32>} : memref<256xi32, #tpu.memory_space<vmem>>, vector<16xi32>,
      %reduce_sum3A = arith.constant true
      %reduce_sum3A_1187 = vector.broadcast %reduce_sum3A : i1 to vector<16xi1>
      %reduce_sum3A_1188 = tpu.scan <sum>, %get3A_1186 masked %reduce_sum3A_1187 : vector<16xi32>, vector<16xi1> -> vector<16xi32>
      %reduce_sum3A_1189 = vector.extract %reduce_sum3A_1188[15] : i32 from vector<16xi32>
      %broadcast_in_dim3A_1190 = arith.constant true
      %broadcast_in_dim3A_1191 = vector.broadcast %broadcast_in_dim3A_1190 : i1 to vector<16xi1>
      %masked_cumsum3A_1192 = tpu.scan <sum>, %get3A_1186 masked %broadcast_in_dim3A_1191 : vector<16xi32>, vector<16xi1> -> vector<16xi32>
      %broadcast_in_dim3A_1193 = vector.broadcast %reduce_sum3A_1189 : i32 to vector<16xi32>
      %sub3A_1194 = arith.subi %broadcast_in_dim3A_1193, %masked_cumsum3A_1192 : vector<16xi32>
      %add3A_1195 = arith.addi %sub3A_1194, %get3A_1186 : vector<16xi32>
      %broadcast_in_dim3A_1196 = vector.broadcast %scan3A_1178 : i32 to vector<16xi32>
      %ge3A = arith.cmpi sge, %add3A_1195, %broadcast_in_dim3A_1196 : vector<16xi32>
      %all_reduce_population_count3A = tpu.all_reduce %ge3A {dim = 0 : i64, kind = #tpu.reduction_kind<sum>} : vector<16xi1> -> vector<16xi32>
      %reduce_max3A_1197 = arith.constant true
      %reduce_max3A_1198 = vector.broadcast %reduce_max3A_1197 : i1 to vector<16xi1>
      %reduce_max3A_1199 = arith.constant -2147483648 : i32
      %reduce_max3A_1200 = vector.broadcast %reduce_max3A_1199 : i32 to vector<16xi32>
      %reduce_max3A_1201 = arith.xori %all_reduce_population_count3A, %reduce_max3A_1200 : vector<16xi32>
      %reduce_max3A_1202 = tpu.scan <max>, %reduce_max3A_1201 masked %reduce_max3A_1198 : vector<16xi32>, vector<16xi1> -> vector<16xi32>
      %reduce_max3A_1203 = arith.xori %reduce_max3A_1202, %reduce_max3A_1200 : vector<16xi32>
      %reduce_max3A_1204 = vector.extract %reduce_max3A_1203[15] : i32 from vector<16xi32>
      %sub3A_1205 = arith.constant 1 : i32
      %sub3A_1206 = arith.subi %reduce_max3A_1204, %sub3A_1205 : i32
      %not3A_1207 = arith.constant true
      %not3A_1208 = arith.xori %scan3A_1180, %not3A_1207 : i1
      %le3A = arith.cmpi sle, %scan3A_1178, %reduce_sum3A_1189 : i32
      %and3A = arith.andi %not3A_1208, %le3A : i1
      %eq3A_1209 = vector.broadcast %sub3A_1206 : i32 to vector<16xi32>
      %eq3A_1210 = arith.cmpi eq, %iota3A, %eq3A_1209 : vector<16xi32>
      %jit3A_1211 = arith.constant -2147483648 : i32
      %broadcast_in_dim3A_1212 = vector.broadcast %jit3A_1211 : i32 to vector<16xi32>
      %select_n3A_1213 = arith.select %eq3A_1210, %get3A_1186, %broadcast_in_dim3A_1212 : vector<16xi1>, vector<16xi32>
      %reduce_max3A_1214 = arith.constant true
      %reduce_max3A_1215 = vector.broadcast %reduce_max3A_1214 : i1 to vector<16xi1>
      %reduce_max3A_1216 = arith.constant -2147483648 : i32
      %reduce_max3A_1217 = vector.broadcast %reduce_max3A_1216 : i32 to vector<16xi32>
      %reduce_max3A_1218 = arith.xori %select_n3A_1213, %reduce_max3A_1217 : vector<16xi32>
      %reduce_max3A_1219 = tpu.scan <max>, %reduce_max3A_1218 masked %reduce_max3A_1215 : vector<16xi32>, vector<16xi1> -> vector<16xi32>
      %reduce_max3A_1220 = arith.xori %reduce_max3A_1219, %reduce_max3A_1217 : vector<16xi32>
      %reduce_max3A_1221 = vector.extract %reduce_max3A_1220[15] : i32 from vector<16xi32>
      %eq3A_1222 = vector.broadcast %sub3A_1206 : i32 to vector<16xi32>
      %eq3A_1223 = arith.cmpi eq, %iota3A, %eq3A_1222 : vector<16xi32>
      %jit3A_1224 = arith.constant -2147483648 : i32
      %broadcast_in_dim3A_1225 = vector.broadcast %jit3A_1224 : i32 to vector<16xi32>
      %select_n3A_1226 = arith.select %eq3A_1223, %add3A_1195, %broadcast_in_dim3A_1225 : vector<16xi1>, vector<16xi32>
      %reduce_max3A_1227 = arith.constant true
      %reduce_max3A_1228 = vector.broadcast %reduce_max3A_1227 : i1 to vector<16xi1>
      %reduce_max3A_1229 = arith.constant -2147483648 : i32
      %reduce_max3A_1230 = vector.broadcast %reduce_max3A_1229 : i32 to vector<16xi32>
      %reduce_max3A_1231 = arith.xori %select_n3A_1226, %reduce_max3A_1230 : vector<16xi32>
      %reduce_max3A_1232 = tpu.scan <max>, %reduce_max3A_1231 masked %reduce_max3A_1228 : vector<16xi32>, vector<16xi1> -> vector<16xi32>
      %reduce_max3A_1233 = arith.xori %reduce_max3A_1232, %reduce_max3A_1230 : vector<16xi32>
      %reduce_max3A_1234 = vector.extract %reduce_max3A_1233[15] : i32 from vector<16xi32>
      %sub3A_1235 = arith.subi %reduce_max3A_1234, %reduce_max3A_1221 : i32
      %sub3A_1236 = arith.subi %scan3A_1178, %sub3A_1235 : i32
      %mul3A_1237 = arith.constant 16 : i32
      %mul3A_1238 = arith.muli %sub3A_1182, %mul3A_1237 : i32
      %add3A_1239 = arith.addi %mul3A_1238, %sub3A_1206 : i32
      %select_n3A_1240 = arith.select %and3A, %add3A_1239, %scan3A_1179 : i32
      %sub3A_1241 = arith.subi %scan3A_1178, %reduce_sum3A_1189 : i32
      %select_n3A_1242 = arith.select %scan3A_1180, %scan3A_1178, %sub3A_1241 : i32
      %select_n3A_1243 = arith.select %and3A, %sub3A_1236, %select_n3A_1242 : i32
      %or3A = arith.ori %scan3A_1180, %and3A : i1
      scf.yield %select_n3A_1243, %select_n3A_1240, %or3A : i32, i32, i1
    }
    %scan3A_43 = arith.constant 16 : i32
    %shift_left3A = arith.constant 24 : i32
    %shift_left3A_44 = arith.shli %scan3A_42#1, %shift_left3A : i32
    %scan3A_45 = arith.constant -16777216 : i32
    %scan3A_46 = arith.constant 16 : i32
    %scan3A_47 = arith.constant 0 : i32
    %scan3A_48 = arith.constant 1 : i32
    %scan3A_49 = arith.constant 3 : i32
    %scan3A_50 = arith.addi %scan3A_48, %scan3A_49 : i32
    %scan3A_51 = arith.constant 1 : i32
    %scan3A_52:5 = scf.for %scan3A_1177 = %scan3A_48 to %scan3A_50 step %scan3A_51 iter_args(%scan3A_1178 = %shift_left3A_44, %scan3A_1179 = %scan3A_45, %scan3A_1180 = %scan3A_46, %scan3A_1181 = %scan3A_42#0, %scan3A_1182 = %scan3A_47) -> (i32, i32, i32, i32, i32)  : i32 {
      %scan3A_1183 = arith.constant 0 : i32
      %scan3A_1184 = arith.constant 0 : i32
      %scan3A_1185 = arith.constant 33 : i32
      %scan3A_1186 = arith.addi %scan3A_1184, %scan3A_1185 : i32
      %scan3A_1187 = arith.constant 1 : i32
      %scan3A_1188 = scf.for %scan3A_1239 = %scan3A_1184 to %scan3A_1186 step %scan3A_1187 iter_args(%scan3A_1240 = %scan3A_1183) -> (i32)  : i32 {
        %broadcast_in_dim3A_1241 = arith.constant 0 : i32
        %broadcast_in_dim3A_1242 = vector.broadcast %broadcast_in_dim3A_1241 : i32 to vector<16xi32>
        %mul3A_1243 = arith.constant 128 : i32
        %mul3A_1244 = arith.muli %scan3A_1239, %mul3A_1243 : i32
        %add3A_1245 = arith.constant 0 : i32
        %add3A_1246 = arith.addi %mul3A_1244, %add3A_1245 : i32
        %swap3A_1247 = arith.index_cast %add3A_1246 : i32 to index
        %swap3A_1248 = tpu.vector_load %arg6[%swap3A_1247] {strides = array<i32>} : memref<4224xi32, #tpu.memory_space<vmem>>, vector<16xi32>,
        tpu.vector_store %arg6[%swap3A_1247], %broadcast_in_dim3A_1242 {strides = array<i32>} : memref<4224xi32, #tpu.memory_space<vmem>>, vector<16xi32>,
        %broadcast_in_dim3A_1249 = arith.constant 0 : i32
        %broadcast_in_dim3A_1250 = vector.broadcast %broadcast_in_dim3A_1249 : i32 to vector<16xi32>
        %mul3A_1251 = arith.constant 128 : i32
        %mul3A_1252 = arith.muli %scan3A_1239, %mul3A_1251 : i32
        %add3A_1253 = arith.constant 16 : i32
        %add3A_1254 = arith.addi %mul3A_1252, %add3A_1253 : i32
        %swap3A_1255 = arith.index_cast %add3A_1254 : i32 to index
        %swap3A_1256 = tpu.vector_load %arg6[%swap3A_1255] {strides = array<i32>} : memref<4224xi32, #tpu.memory_space<vmem>>, vector<16xi32>,
        tpu.vector_store %arg6[%swap3A_1255], %broadcast_in_dim3A_1250 {strides = array<i32>} : memref<4224xi32, #tpu.memory_space<vmem>>, vector<16xi32>,
        %broadcast_in_dim3A_1257 = arith.constant 0 : i32
        %broadcast_in_dim3A_1258 = vector.broadcast %broadcast_in_dim3A_1257 : i32 to vector<16xi32>
        %mul3A_1259 = arith.constant 128 : i32
        %mul3A_1260 = arith.muli %scan3A_1239, %mul3A_1259 : i32
        %add3A_1261 = arith.constant 32 : i32
        %add3A_1262 = arith.addi %mul3A_1260, %add3A_1261 : i32
        %swap3A_1263 = arith.index_cast %add3A_1262 : i32 to index
        %swap3A_1264 = tpu.vector_load %arg6[%swap3A_1263] {strides = array<i32>} : memref<4224xi32, #tpu.memory_space<vmem>>, vector<16xi32>,
        tpu.vector_store %arg6[%swap3A_1263], %broadcast_in_dim3A_1258 {strides = array<i32>} : memref<4224xi32, #tpu.memory_space<vmem>>, vector<16xi32>,
        %broadcast_in_dim3A_1265 = arith.constant 0 : i32
        %broadcast_in_dim3A_1266 = vector.broadcast %broadcast_in_dim3A_1265 : i32 to vector<16xi32>
        %mul3A_1267 = arith.constant 128 : i32
        %mul3A_1268 = arith.muli %scan3A_1239, %mul3A_1267 : i32
        %add3A_1269 = arith.constant 48 : i32
        %add3A_1270 = arith.addi %mul3A_1268, %add3A_1269 : i32
        %swap3A_1271 = arith.index_cast %add3A_1270 : i32 to index
        %swap3A_1272 = tpu.vector_load %arg6[%swap3A_1271] {strides = array<i32>} : memref<4224xi32, #tpu.memory_space<vmem>>, vector<16xi32>,
        tpu.vector_store %arg6[%swap3A_1271], %broadcast_in_dim3A_1266 {strides = array<i32>} : memref<4224xi32, #tpu.memory_space<vmem>>, vector<16xi32>,
        %broadcast_in_dim3A_1273 = arith.constant 0 : i32
        %broadcast_in_dim3A_1274 = vector.broadcast %broadcast_in_dim3A_1273 : i32 to vector<16xi32>
        %mul3A_1275 = arith.constant 128 : i32
        %mul3A_1276 = arith.muli %scan3A_1239, %mul3A_1275 : i32
        %add3A_1277 = arith.constant 64 : i32
        %add3A_1278 = arith.addi %mul3A_1276, %add3A_1277 : i32
        %swap3A_1279 = arith.index_cast %add3A_1278 : i32 to index
        %swap3A_1280 = tpu.vector_load %arg6[%swap3A_1279] {strides = array<i32>} : memref<4224xi32, #tpu.memory_space<vmem>>, vector<16xi32>,
        tpu.vector_store %arg6[%swap3A_1279], %broadcast_in_dim3A_1274 {strides = array<i32>} : memref<4224xi32, #tpu.memory_space<vmem>>, vector<16xi32>,
        %broadcast_in_dim3A_1281 = arith.constant 0 : i32
        %broadcast_in_dim3A_1282 = vector.broadcast %broadcast_in_dim3A_1281 : i32 to vector<16xi32>
        %mul3A_1283 = arith.constant 128 : i32
        %mul3A_1284 = arith.muli %scan3A_1239, %mul3A_1283 : i32
        %add3A_1285 = arith.constant 80 : i32
        %add3A_1286 = arith.addi %mul3A_1284, %add3A_1285 : i32
        %swap3A_1287 = arith.index_cast %add3A_1286 : i32 to index
        %swap3A_1288 = tpu.vector_load %arg6[%swap3A_1287] {strides = array<i32>} : memref<4224xi32, #tpu.memory_space<vmem>>, vector<16xi32>,
        tpu.vector_store %arg6[%swap3A_1287], %broadcast_in_dim3A_1282 {strides = array<i32>} : memref<4224xi32, #tpu.memory_space<vmem>>, vector<16xi32>,
        %broadcast_in_dim3A_1289 = arith.constant 0 : i32
        %broadcast_in_dim3A_1290 = vector.broadcast %broadcast_in_dim3A_1289 : i32 to vector<16xi32>
        %mul3A_1291 = arith.constant 128 : i32
        %mul3A_1292 = arith.muli %scan3A_1239, %mul3A_1291 : i32
        %add3A_1293 = arith.constant 96 : i32
        %add3A_1294 = arith.addi %mul3A_1292, %add3A_1293 : i32
        %swap3A_1295 = arith.index_cast %add3A_1294 : i32 to index
        %swap3A_1296 = tpu.vector_load %arg6[%swap3A_1295] {strides = array<i32>} : memref<4224xi32, #tpu.memory_space<vmem>>, vector<16xi32>,
        tpu.vector_store %arg6[%swap3A_1295], %broadcast_in_dim3A_1290 {strides = array<i32>} : memref<4224xi32, #tpu.memory_space<vmem>>, vector<16xi32>,
        %broadcast_in_dim3A_1297 = arith.constant 0 : i32
        %broadcast_in_dim3A_1298 = vector.broadcast %broadcast_in_dim3A_1297 : i32 to vector<16xi32>
        %mul3A_1299 = arith.constant 128 : i32
        %mul3A_1300 = arith.muli %scan3A_1239, %mul3A_1299 : i32
        %add3A_1301 = arith.constant 112 : i32
        %add3A_1302 = arith.addi %mul3A_1300, %add3A_1301 : i32
        %swap3A_1303 = arith.index_cast %add3A_1302 : i32 to index
        %swap3A_1304 = tpu.vector_load %arg6[%swap3A_1303] {strides = array<i32>} : memref<4224xi32, #tpu.memory_space<vmem>>, vector<16xi32>,
        tpu.vector_store %arg6[%swap3A_1303], %broadcast_in_dim3A_1298 {strides = array<i32>} : memref<4224xi32, #tpu.memory_space<vmem>>, vector<16xi32>,
        %scan3A_1305 = arith.constant 0 : i32
        scf.yield %scan3A_1305 : i32
      }
      %scan3A_1189 = arith.constant 33 : i32
      %broadcast_in_dim3A_1190 = vector.broadcast %scan3A_1178 : i32 to vector<16xi32>
      %broadcast_in_dim3A_1191 = vector.broadcast %scan3A_1179 : i32 to vector<16xi32>
      %broadcast_in_dim3A_1192 = vector.broadcast %scan3A_1180 : i32 to vector<16xi32>
      %scan3A_1193 = arith.constant 0 : i32
      %scan3A_1194 = arith.constant 0 : i32
      %scan3A_1195 = arith.constant 640 : i32
      %scan3A_1196 = arith.addi %scan3A_1194, %scan3A_1195 : i32
      %scan3A_1197 = arith.constant 1 : i32
      %scan3A_1198 = scf.for %scan3A_1239 = %scan3A_1194 to %scan3A_1196 step %scan3A_1197 iter_args(%scan3A_1240 = %scan3A_1193) -> (i32)  : i32 {
        %mul3A_1241 = arith.constant 128 : i32
        %mul3A_1242 = arith.muli %scan3A_1239, %mul3A_1241 : i32
        %add3A_1243 = arith.constant 0 : i32
        %add3A_1244 = arith.addi %mul3A_1242, %add3A_1243 : i32
        %get3A_1245 = arith.index_cast %add3A_1244 : i32 to index
        %get3A_1246 = tpu.vector_load %arg5[%get3A_1245] {strides = array<i32>} : memref<81920xf32, #tpu.memory_space<vmem>>, vector<16xf32>,
        %bitcast_convert_type3A_1247 = tpu.bitcast %get3A_1246 : vector<16xf32> -> vector<16xi32>
        %xor3A_1248 = arith.constant -2147483648 : i32
        %xor3A_1249 = vector.broadcast %xor3A_1248 : i32 to vector<16xi32>
        %xor3A_1250 = arith.xori %bitcast_convert_type3A_1247, %xor3A_1249 : vector<16xi32>
        %and3A = arith.andi %xor3A_1250, %broadcast_in_dim3A_1191 : vector<16xi32>
        %eq3A_1251 = arith.cmpi eq, %and3A, %broadcast_in_dim3A_1190 : vector<16xi32>
        %mul3A_1252 = arith.constant 128 : i32
        %mul3A_1253 = arith.muli %scan3A_1239, %mul3A_1252 : i32
        %add3A_1254 = arith.constant 16 : i32
        %add3A_1255 = arith.addi %mul3A_1253, %add3A_1254 : i32
        %get3A_1256 = arith.index_cast %add3A_1255 : i32 to index
        %get3A_1257 = tpu.vector_load %arg5[%get3A_1256] {strides = array<i32>} : memref<81920xf32, #tpu.memory_space<vmem>>, vector<16xf32>,
        %bitcast_convert_type3A_1258 = tpu.bitcast %get3A_1257 : vector<16xf32> -> vector<16xi32>
        %xor3A_1259 = arith.constant -2147483648 : i32
        %xor3A_1260 = vector.broadcast %xor3A_1259 : i32 to vector<16xi32>
        %xor3A_1261 = arith.xori %bitcast_convert_type3A_1258, %xor3A_1260 : vector<16xi32>
        %and3A_1262 = arith.andi %xor3A_1261, %broadcast_in_dim3A_1191 : vector<16xi32>
        %eq3A_1263 = arith.cmpi eq, %and3A_1262, %broadcast_in_dim3A_1190 : vector<16xi32>
        %or3A_1264 = arith.ori %eq3A_1251, %eq3A_1263 : vector<16xi1>
        %mul3A_1265 = arith.constant 128 : i32
        %mul3A_1266 = arith.muli %scan3A_1239, %mul3A_1265 : i32
        %add3A_1267 = arith.constant 32 : i32
        %add3A_1268 = arith.addi %mul3A_1266, %add3A_1267 : i32
        %get3A_1269 = arith.index_cast %add3A_1268 : i32 to index
        %get3A_1270 = tpu.vector_load %arg5[%get3A_1269] {strides = array<i32>} : memref<81920xf32, #tpu.memory_space<vmem>>, vector<16xf32>,
        %bitcast_convert_type3A_1271 = tpu.bitcast %get3A_1270 : vector<16xf32> -> vector<16xi32>
        %xor3A_1272 = arith.constant -2147483648 : i32
        %xor3A_1273 = vector.broadcast %xor3A_1272 : i32 to vector<16xi32>
        %xor3A_1274 = arith.xori %bitcast_convert_type3A_1271, %xor3A_1273 : vector<16xi32>
        %and3A_1275 = arith.andi %xor3A_1274, %broadcast_in_dim3A_1191 : vector<16xi32>
        %eq3A_1276 = arith.cmpi eq, %and3A_1275, %broadcast_in_dim3A_1190 : vector<16xi32>
        %or3A_1277 = arith.ori %or3A_1264, %eq3A_1276 : vector<16xi1>
        %mul3A_1278 = arith.constant 128 : i32
        %mul3A_1279 = arith.muli %scan3A_1239, %mul3A_1278 : i32
        %add3A_1280 = arith.constant 48 : i32
        %add3A_1281 = arith.addi %mul3A_1279, %add3A_1280 : i32
        %get3A_1282 = arith.index_cast %add3A_1281 : i32 to index
        %get3A_1283 = tpu.vector_load %arg5[%get3A_1282] {strides = array<i32>} : memref<81920xf32, #tpu.memory_space<vmem>>, vector<16xf32>,
        %bitcast_convert_type3A_1284 = tpu.bitcast %get3A_1283 : vector<16xf32> -> vector<16xi32>
        %xor3A_1285 = arith.constant -2147483648 : i32
        %xor3A_1286 = vector.broadcast %xor3A_1285 : i32 to vector<16xi32>
        %xor3A_1287 = arith.xori %bitcast_convert_type3A_1284, %xor3A_1286 : vector<16xi32>
        %and3A_1288 = arith.andi %xor3A_1287, %broadcast_in_dim3A_1191 : vector<16xi32>
        %eq3A_1289 = arith.cmpi eq, %and3A_1288, %broadcast_in_dim3A_1190 : vector<16xi32>
        %or3A_1290 = arith.ori %or3A_1277, %eq3A_1289 : vector<16xi1>
        %mul3A_1291 = arith.constant 128 : i32
        %mul3A_1292 = arith.muli %scan3A_1239, %mul3A_1291 : i32
        %add3A_1293 = arith.constant 64 : i32
        %add3A_1294 = arith.addi %mul3A_1292, %add3A_1293 : i32
        %get3A_1295 = arith.index_cast %add3A_1294 : i32 to index
        %get3A_1296 = tpu.vector_load %arg5[%get3A_1295] {strides = array<i32>} : memref<81920xf32, #tpu.memory_space<vmem>>, vector<16xf32>,
        %bitcast_convert_type3A_1297 = tpu.bitcast %get3A_1296 : vector<16xf32> -> vector<16xi32>
        %xor3A_1298 = arith.constant -2147483648 : i32
        %xor3A_1299 = vector.broadcast %xor3A_1298 : i32 to vector<16xi32>
        %xor3A_1300 = arith.xori %bitcast_convert_type3A_1297, %xor3A_1299 : vector<16xi32>
        %and3A_1301 = arith.andi %xor3A_1300, %broadcast_in_dim3A_1191 : vector<16xi32>
        %eq3A_1302 = arith.cmpi eq, %and3A_1301, %broadcast_in_dim3A_1190 : vector<16xi32>
        %or3A_1303 = arith.ori %or3A_1290, %eq3A_1302 : vector<16xi1>
        %mul3A_1304 = arith.constant 128 : i32
        %mul3A_1305 = arith.muli %scan3A_1239, %mul3A_1304 : i32
        %add3A_1306 = arith.constant 80 : i32
        %add3A_1307 = arith.addi %mul3A_1305, %add3A_1306 : i32
        %get3A_1308 = arith.index_cast %add3A_1307 : i32 to index
        %get3A_1309 = tpu.vector_load %arg5[%get3A_1308] {strides = array<i32>} : memref<81920xf32, #tpu.memory_space<vmem>>, vector<16xf32>,
        %bitcast_convert_type3A_1310 = tpu.bitcast %get3A_1309 : vector<16xf32> -> vector<16xi32>
        %xor3A_1311 = arith.constant -2147483648 : i32
        %xor3A_1312 = vector.broadcast %xor3A_1311 : i32 to vector<16xi32>
        %xor3A_1313 = arith.xori %bitcast_convert_type3A_1310, %xor3A_1312 : vector<16xi32>
        %and3A_1314 = arith.andi %xor3A_1313, %broadcast_in_dim3A_1191 : vector<16xi32>
        %eq3A_1315 = arith.cmpi eq, %and3A_1314, %broadcast_in_dim3A_1190 : vector<16xi32>
        %or3A_1316 = arith.ori %or3A_1303, %eq3A_1315 : vector<16xi1>
        %mul3A_1317 = arith.constant 128 : i32
        %mul3A_1318 = arith.muli %scan3A_1239, %mul3A_1317 : i32
        %add3A_1319 = arith.constant 96 : i32
        %add3A_1320 = arith.addi %mul3A_1318, %add3A_1319 : i32
        %get3A_1321 = arith.index_cast %add3A_1320 : i32 to index
        %get3A_1322 = tpu.vector_load %arg5[%get3A_1321] {strides = array<i32>} : memref<81920xf32, #tpu.memory_space<vmem>>, vector<16xf32>,
        %bitcast_convert_type3A_1323 = tpu.bitcast %get3A_1322 : vector<16xf32> -> vector<16xi32>
        %xor3A_1324 = arith.constant -2147483648 : i32
        %xor3A_1325 = vector.broadcast %xor3A_1324 : i32 to vector<16xi32>
        %xor3A_1326 = arith.xori %bitcast_convert_type3A_1323, %xor3A_1325 : vector<16xi32>
        %and3A_1327 = arith.andi %xor3A_1326, %broadcast_in_dim3A_1191 : vector<16xi32>
        %eq3A_1328 = arith.cmpi eq, %and3A_1327, %broadcast_in_dim3A_1190 : vector<16xi32>
        %or3A_1329 = arith.ori %or3A_1316, %eq3A_1328 : vector<16xi1>
        %mul3A_1330 = arith.constant 128 : i32
        %mul3A_1331 = arith.muli %scan3A_1239, %mul3A_1330 : i32
        %add3A_1332 = arith.constant 112 : i32
        %add3A_1333 = arith.addi %mul3A_1331, %add3A_1332 : i32
        %get3A_1334 = arith.index_cast %add3A_1333 : i32 to index
        %get3A_1335 = tpu.vector_load %arg5[%get3A_1334] {strides = array<i32>} : memref<81920xf32, #tpu.memory_space<vmem>>, vector<16xf32>,
        %bitcast_convert_type3A_1336 = tpu.bitcast %get3A_1335 : vector<16xf32> -> vector<16xi32>
        %xor3A_1337 = arith.constant -2147483648 : i32
        %xor3A_1338 = vector.broadcast %xor3A_1337 : i32 to vector<16xi32>
        %xor3A_1339 = arith.xori %bitcast_convert_type3A_1336, %xor3A_1338 : vector<16xi32>
        %and3A_1340 = arith.andi %xor3A_1339, %broadcast_in_dim3A_1191 : vector<16xi32>
        %eq3A_1341 = arith.cmpi eq, %and3A_1340, %broadcast_in_dim3A_1190 : vector<16xi32>
        %or3A_1342 = arith.ori %or3A_1329, %eq3A_1341 : vector<16xi1>
        %reduce_or3A = arith.constant 1.000000e+00 : f32
        %reduce_or3A_1343 = arith.constant 0.000000e+00 : f32
        %reduce_or3A_1344 = vector.broadcast %reduce_or3A : f32 to vector<16xf32>
        %reduce_or3A_1345 = vector.broadcast %reduce_or3A_1343 : f32 to vector<16xf32>
        %reduce_or3A_1346 = arith.select %or3A_1342, %reduce_or3A_1344, %reduce_or3A_1345 : vector<16xi1>, vector<16xf32>
        %reduce_or3A_1347 = arith.constant true
        %reduce_or3A_1348 = vector.broadcast %reduce_or3A_1347 : i1 to vector<16xi1>
        %reduce_or3A_1349 = tpu.scan <max>, %reduce_or3A_1346 masked %reduce_or3A_1348 : vector<16xf32>, vector<16xi1> -> vector<16xf32>
        %reduce_or3A_1350 = vector.extract %reduce_or3A_1349[15] : f32 from vector<16xf32>
        %reduce_or3A_1351 = arith.constant 0.000000e+00 : f32
        %reduce_or3A_1352 = arith.cmpf ogt, %reduce_or3A_1350, %reduce_or3A_1351 : f32
        %convert_element_type3A_1353 = arith.extui %reduce_or3A_1352 : i1 to i32
        %cond3A_1354 = arith.constant 0 : i32
        %cond3A_1355 = arith.cmpi ne, %convert_element_type3A_1353, %cond3A_1354 : i32
        scf.if %cond3A_1355 {
          %shift_right_logical3A_1357 = arith.shrui %xor3A_1250, %broadcast_in_dim3A_1192 : vector<16xi32>
          %and3A_1358 = arith.constant 255 : i32
          %and3A_1359 = vector.broadcast %and3A_1358 : i32 to vector<16xi32>
          %and3A_1360 = arith.andi %shift_right_logical3A_1357, %and3A_1359 : vector<16xi32>
          %add3A_1361 = arith.addi %mul3A_1, %and3A_1360 : vector<16xi32>
          tpu.vector_store_idx %arg6[%add3A_1361], %broadcast_in_dim3A_2 masked %eq3A_1251 {add = true} : memref<4224xi32, #tpu.memory_space<vmem>>[vector<16xi32>], vector<16xi32>, vector<16xi1>
          %shift_right_logical3A_1362 = arith.shrui %xor3A_1261, %broadcast_in_dim3A_1192 : vector<16xi32>
          %and3A_1363 = arith.constant 255 : i32
          %and3A_1364 = vector.broadcast %and3A_1363 : i32 to vector<16xi32>
          %and3A_1365 = arith.andi %shift_right_logical3A_1362, %and3A_1364 : vector<16xi32>
          %add3A_1366 = arith.addi %mul3A_1, %and3A_1365 : vector<16xi32>
          tpu.vector_store_idx %arg6[%add3A_1366], %broadcast_in_dim3A_2 masked %eq3A_1263 {add = true} : memref<4224xi32, #tpu.memory_space<vmem>>[vector<16xi32>], vector<16xi32>, vector<16xi1>
          %shift_right_logical3A_1367 = arith.shrui %xor3A_1274, %broadcast_in_dim3A_1192 : vector<16xi32>
          %and3A_1368 = arith.constant 255 : i32
          %and3A_1369 = vector.broadcast %and3A_1368 : i32 to vector<16xi32>
          %and3A_1370 = arith.andi %shift_right_logical3A_1367, %and3A_1369 : vector<16xi32>
          %add3A_1371 = arith.addi %mul3A_1, %and3A_1370 : vector<16xi32>
          tpu.vector_store_idx %arg6[%add3A_1371], %broadcast_in_dim3A_2 masked %eq3A_1276 {add = true} : memref<4224xi32, #tpu.memory_space<vmem>>[vector<16xi32>], vector<16xi32>, vector<16xi1>
          %shift_right_logical3A_1372 = arith.shrui %xor3A_1287, %broadcast_in_dim3A_1192 : vector<16xi32>
          %and3A_1373 = arith.constant 255 : i32
          %and3A_1374 = vector.broadcast %and3A_1373 : i32 to vector<16xi32>
          %and3A_1375 = arith.andi %shift_right_logical3A_1372, %and3A_1374 : vector<16xi32>
          %add3A_1376 = arith.addi %mul3A_1, %and3A_1375 : vector<16xi32>
          tpu.vector_store_idx %arg6[%add3A_1376], %broadcast_in_dim3A_2 masked %eq3A_1289 {add = true} : memref<4224xi32, #tpu.memory_space<vmem>>[vector<16xi32>], vector<16xi32>, vector<16xi1>
          %shift_right_logical3A_1377 = arith.shrui %xor3A_1300, %broadcast_in_dim3A_1192 : vector<16xi32>
          %and3A_1378 = arith.constant 255 : i32
          %and3A_1379 = vector.broadcast %and3A_1378 : i32 to vector<16xi32>
          %and3A_1380 = arith.andi %shift_right_logical3A_1377, %and3A_1379 : vector<16xi32>
          %add3A_1381 = arith.addi %mul3A_1, %and3A_1380 : vector<16xi32>
          tpu.vector_store_idx %arg6[%add3A_1381], %broadcast_in_dim3A_2 masked %eq3A_1302 {add = true} : memref<4224xi32, #tpu.memory_space<vmem>>[vector<16xi32>], vector<16xi32>, vector<16xi1>
          %shift_right_logical3A_1382 = arith.shrui %xor3A_1313, %broadcast_in_dim3A_1192 : vector<16xi32>
          %and3A_1383 = arith.constant 255 : i32
          %and3A_1384 = vector.broadcast %and3A_1383 : i32 to vector<16xi32>
          %and3A_1385 = arith.andi %shift_right_logical3A_1382, %and3A_1384 : vector<16xi32>
          %add3A_1386 = arith.addi %mul3A_1, %and3A_1385 : vector<16xi32>
          tpu.vector_store_idx %arg6[%add3A_1386], %broadcast_in_dim3A_2 masked %eq3A_1315 {add = true} : memref<4224xi32, #tpu.memory_space<vmem>>[vector<16xi32>], vector<16xi32>, vector<16xi1>
          %shift_right_logical3A_1387 = arith.shrui %xor3A_1326, %broadcast_in_dim3A_1192 : vector<16xi32>
          %and3A_1388 = arith.constant 255 : i32
          %and3A_1389 = vector.broadcast %and3A_1388 : i32 to vector<16xi32>
          %and3A_1390 = arith.andi %shift_right_logical3A_1387, %and3A_1389 : vector<16xi32>
          %add3A_1391 = arith.addi %mul3A_1, %and3A_1390 : vector<16xi32>
          tpu.vector_store_idx %arg6[%add3A_1391], %broadcast_in_dim3A_2 masked %eq3A_1328 {add = true} : memref<4224xi32, #tpu.memory_space<vmem>>[vector<16xi32>], vector<16xi32>, vector<16xi1>
          %shift_right_logical3A_1392 = arith.shrui %xor3A_1339, %broadcast_in_dim3A_1192 : vector<16xi32>
          %and3A_1393 = arith.constant 255 : i32
          %and3A_1394 = vector.broadcast %and3A_1393 : i32 to vector<16xi32>
          %and3A_1395 = arith.andi %shift_right_logical3A_1392, %and3A_1394 : vector<16xi32>
          %add3A_1396 = arith.addi %mul3A_1, %and3A_1395 : vector<16xi32>
          tpu.vector_store_idx %arg6[%add3A_1396], %broadcast_in_dim3A_2 masked %eq3A_1341 {add = true} : memref<4224xi32, #tpu.memory_space<vmem>>[vector<16xi32>], vector<16xi32>, vector<16xi1>
        } else {
        }
        %scan3A_1356 = arith.constant 0 : i32
        scf.yield %scan3A_1356 : i32
      }
      %scan3A_1199 = arith.constant 640 : i32
      %scan3A_1200 = arith.constant 0 : i32
      %scan3A_1201 = arith.constant 0 : i32
      %scan3A_1202 = arith.constant 16 : i32
      %scan3A_1203 = arith.addi %scan3A_1201, %scan3A_1202 : i32
      %scan3A_1204 = arith.constant 1 : i32
      %scan3A_1205 = scf.for %scan3A_1239 = %scan3A_1201 to %scan3A_1203 step %scan3A_1204 iter_args(%scan3A_1240 = %scan3A_1200) -> (i32)  : i32 {
        %mul3A_1241 = arith.constant 16 : i32
        %mul3A_1242 = arith.muli %scan3A_1239, %mul3A_1241 : i32
        %get3A_1243 = arith.index_cast %mul3A_1242 : i32 to index
        %get3A_1244 = tpu.vector_load %arg6[%get3A_1243] {strides = array<i32>} : memref<4224xi32, #tpu.memory_space<vmem>>, vector<16xi32>,
        %mul3A_1245 = arith.constant 16 : i32
        %mul3A_1246 = arith.muli %scan3A_1239, %mul3A_1245 : i32
        %add3A_1247 = arith.constant 257 : i32
        %add3A_1248 = arith.addi %add3A_1247, %mul3A_1246 : i32
        %get3A_1249 = arith.index_cast %add3A_1248 : i32 to index
        %get3A_1250 = tpu.vector_load %arg6[%get3A_1249] {strides = array<i32>} : memref<4224xi32, #tpu.memory_space<vmem>>, vector<16xi32>,
        %add3A_1251 = arith.addi %get3A_1244, %get3A_1250 : vector<16xi32>
        %mul3A_1252 = arith.constant 16 : i32
        %mul3A_1253 = arith.muli %scan3A_1239, %mul3A_1252 : i32
        %add3A_1254 = arith.constant 514 : i32
        %add3A_1255 = arith.addi %add3A_1254, %mul3A_1253 : i32
        %get3A_1256 = arith.index_cast %add3A_1255 : i32 to index
        %get3A_1257 = tpu.vector_load %arg6[%get3A_1256] {strides = array<i32>} : memref<4224xi32, #tpu.memory_space<vmem>>, vector<16xi32>,
        %add3A_1258 = arith.addi %add3A_1251, %get3A_1257 : vector<16xi32>
        %mul3A_1259 = arith.constant 16 : i32
        %mul3A_1260 = arith.muli %scan3A_1239, %mul3A_1259 : i32
        %add3A_1261 = arith.constant 771 : i32
        %add3A_1262 = arith.addi %add3A_1261, %mul3A_1260 : i32
        %get3A_1263 = arith.index_cast %add3A_1262 : i32 to index
        %get3A_1264 = tpu.vector_load %arg6[%get3A_1263] {strides = array<i32>} : memref<4224xi32, #tpu.memory_space<vmem>>, vector<16xi32>,
        %add3A_1265 = arith.addi %add3A_1258, %get3A_1264 : vector<16xi32>
        %mul3A_1266 = arith.constant 16 : i32
        %mul3A_1267 = arith.muli %scan3A_1239, %mul3A_1266 : i32
        %add3A_1268 = arith.constant 1028 : i32
        %add3A_1269 = arith.addi %add3A_1268, %mul3A_1267 : i32
        %get3A_1270 = arith.index_cast %add3A_1269 : i32 to index
        %get3A_1271 = tpu.vector_load %arg6[%get3A_1270] {strides = array<i32>} : memref<4224xi32, #tpu.memory_space<vmem>>, vector<16xi32>,
        %add3A_1272 = arith.addi %add3A_1265, %get3A_1271 : vector<16xi32>
        %mul3A_1273 = arith.constant 16 : i32
        %mul3A_1274 = arith.muli %scan3A_1239, %mul3A_1273 : i32
        %add3A_1275 = arith.constant 1285 : i32
        %add3A_1276 = arith.addi %add3A_1275, %mul3A_1274 : i32
        %get3A_1277 = arith.index_cast %add3A_1276 : i32 to index
        %get3A_1278 = tpu.vector_load %arg6[%get3A_1277] {strides = array<i32>} : memref<4224xi32, #tpu.memory_space<vmem>>, vector<16xi32>,
        %add3A_1279 = arith.addi %add3A_1272, %get3A_1278 : vector<16xi32>
        %mul3A_1280 = arith.constant 16 : i32
        %mul3A_1281 = arith.muli %scan3A_1239, %mul3A_1280 : i32
        %add3A_1282 = arith.constant 1542 : i32
        %add3A_1283 = arith.addi %add3A_1282, %mul3A_1281 : i32
        %get3A_1284 = arith.index_cast %add3A_1283 : i32 to index
        %get3A_1285 = tpu.vector_load %arg6[%get3A_1284] {strides = array<i32>} : memref<4224xi32, #tpu.memory_space<vmem>>, vector<16xi32>,
        %add3A_1286 = arith.addi %add3A_1279, %get3A_1285 : vector<16xi32>
        %mul3A_1287 = arith.constant 16 : i32
        %mul3A_1288 = arith.muli %scan3A_1239, %mul3A_1287 : i32
        %add3A_1289 = arith.constant 1799 : i32
        %add3A_1290 = arith.addi %add3A_1289, %mul3A_1288 : i32
        %get3A_1291 = arith.index_cast %add3A_1290 : i32 to index
        %get3A_1292 = tpu.vector_load %arg6[%get3A_1291] {strides = array<i32>} : memref<4224xi32, #tpu.memory_space<vmem>>, vector<16xi32>,
        %add3A_1293 = arith.addi %add3A_1286, %get3A_1292 : vector<16xi32>
        %mul3A_1294 = arith.constant 16 : i32
        %mul3A_1295 = arith.muli %scan3A_1239, %mul3A_1294 : i32
        %add3A_1296 = arith.constant 2056 : i32
        %add3A_1297 = arith.addi %add3A_1296, %mul3A_1295 : i32
        %get3A_1298 = arith.index_cast %add3A_1297 : i32 to index
        %get3A_1299 = tpu.vector_load %arg6[%get3A_1298] {strides = array<i32>} : memref<4224xi32, #tpu.memory_space<vmem>>, vector<16xi32>,
        %add3A_1300 = arith.addi %add3A_1293, %get3A_1299 : vector<16xi32>
        %mul3A_1301 = arith.constant 16 : i32
        %mul3A_1302 = arith.muli %scan3A_1239, %mul3A_1301 : i32
        %add3A_1303 = arith.constant 2313 : i32
        %add3A_1304 = arith.addi %add3A_1303, %mul3A_1302 : i32
        %get3A_1305 = arith.index_cast %add3A_1304 : i32 to index
        %get3A_1306 = tpu.vector_load %arg6[%get3A_1305] {strides = array<i32>} : memref<4224xi32, #tpu.memory_space<vmem>>, vector<16xi32>,
        %add3A_1307 = arith.addi %add3A_1300, %get3A_1306 : vector<16xi32>
        %mul3A_1308 = arith.constant 16 : i32
        %mul3A_1309 = arith.muli %scan3A_1239, %mul3A_1308 : i32
        %add3A_1310 = arith.constant 2570 : i32
        %add3A_1311 = arith.addi %add3A_1310, %mul3A_1309 : i32
        %get3A_1312 = arith.index_cast %add3A_1311 : i32 to index
        %get3A_1313 = tpu.vector_load %arg6[%get3A_1312] {strides = array<i32>} : memref<4224xi32, #tpu.memory_space<vmem>>, vector<16xi32>,
        %add3A_1314 = arith.addi %add3A_1307, %get3A_1313 : vector<16xi32>
        %mul3A_1315 = arith.constant 16 : i32
        %mul3A_1316 = arith.muli %scan3A_1239, %mul3A_1315 : i32
        %add3A_1317 = arith.constant 2827 : i32
        %add3A_1318 = arith.addi %add3A_1317, %mul3A_1316 : i32
        %get3A_1319 = arith.index_cast %add3A_1318 : i32 to index
        %get3A_1320 = tpu.vector_load %arg6[%get3A_1319] {strides = array<i32>} : memref<4224xi32, #tpu.memory_space<vmem>>, vector<16xi32>,
        %add3A_1321 = arith.addi %add3A_1314, %get3A_1320 : vector<16xi32>
        %mul3A_1322 = arith.constant 16 : i32
        %mul3A_1323 = arith.muli %scan3A_1239, %mul3A_1322 : i32
        %add3A_1324 = arith.constant 3084 : i32
        %add3A_1325 = arith.addi %add3A_1324, %mul3A_1323 : i32
        %get3A_1326 = arith.index_cast %add3A_1325 : i32 to index
        %get3A_1327 = tpu.vector_load %arg6[%get3A_1326] {strides = array<i32>} : memref<4224xi32, #tpu.memory_space<vmem>>, vector<16xi32>,
        %add3A_1328 = arith.addi %add3A_1321, %get3A_1327 : vector<16xi32>
        %mul3A_1329 = arith.constant 16 : i32
        %mul3A_1330 = arith.muli %scan3A_1239, %mul3A_1329 : i32
        %add3A_1331 = arith.constant 3341 : i32
        %add3A_1332 = arith.addi %add3A_1331, %mul3A_1330 : i32
        %get3A_1333 = arith.index_cast %add3A_1332 : i32 to index
        %get3A_1334 = tpu.vector_load %arg6[%get3A_1333] {strides = array<i32>} : memref<4224xi32, #tpu.memory_space<vmem>>, vector<16xi32>,
        %add3A_1335 = arith.addi %add3A_1328, %get3A_1334 : vector<16xi32>
        %mul3A_1336 = arith.constant 16 : i32
        %mul3A_1337 = arith.muli %scan3A_1239, %mul3A_1336 : i32
        %add3A_1338 = arith.constant 3598 : i32
        %add3A_1339 = arith.addi %add3A_1338, %mul3A_1337 : i32
        %get3A_1340 = arith.index_cast %add3A_1339 : i32 to index
        %get3A_1341 = tpu.vector_load %arg6[%get3A_1340] {strides = array<i32>} : memref<4224xi32, #tpu.memory_space<vmem>>, vector<16xi32>,
        %add3A_1342 = arith.addi %add3A_1335, %get3A_1341 : vector<16xi32>
        %mul3A_1343 = arith.constant 16 : i32
        %mul3A_1344 = arith.muli %scan3A_1239, %mul3A_1343 : i32
        %add3A_1345 = arith.constant 3855 : i32
        %add3A_1346 = arith.addi %add3A_1345, %mul3A_1344 : i32
        %get3A_1347 = arith.index_cast %add3A_1346 : i32 to index
        %get3A_1348 = tpu.vector_load %arg6[%get3A_1347] {strides = array<i32>} : memref<4224xi32, #tpu.memory_space<vmem>>, vector<16xi32>,
        %add3A_1349 = arith.addi %add3A_1342, %get3A_1348 : vector<16xi32>
        %mul3A_1350 = arith.constant 16 : i32
        %mul3A_1351 = arith.muli %scan3A_1239, %mul3A_1350 : i32
        %swap3A_1352 = arith.index_cast %mul3A_1351 : i32 to index
        %swap3A_1353 = tpu.vector_load %arg7[%swap3A_1352] {strides = array<i32>} : memref<256xi32, #tpu.memory_space<vmem>>, vector<16xi32>,
        tpu.vector_store %arg7[%swap3A_1352], %add3A_1349 {strides = array<i32>} : memref<256xi32, #tpu.memory_space<vmem>>, vector<16xi32>,
        %scan3A_1354 = arith.constant 0 : i32
        scf.yield %scan3A_1354 : i32
      }
      %scan3A_1206 = arith.constant 16 : i32
      %mul3A_1207 = arith.constant 256 : i32
      %mul3A_1208 = arith.muli %arg1, %mul3A_1207 : i32
      "tpu.region"() ({
        %run_scoped3A_1239 = tpu.sem_alloc : memref<!tpu.dma_semaphore, #tpu.memory_space<semaphore_mem>>
        %dma_start3A = tpu.memref_slice %arg18[%mul3A_1208] : memref<4096xi32, #tpu.memory_space<vmem_shared>> -> memref<256xi32, #tpu.memory_space<vmem_shared>>
        %dma_start3A_1240 = tpu.memref_slice %arg18[%mul3A_1208] : memref<4096xi32, #tpu.memory_space<vmem_shared>> -> memref<256xi32, #tpu.memory_space<vmem_shared>>
        tpu.enqueue_dma source(%arg7 : memref<256xi32, #tpu.memory_space<vmem>>) target(%dma_start3A_1240 : memref<256xi32, #tpu.memory_space<vmem_shared>>) target_semaphore(%run_scoped3A_1239 : memref<!tpu.dma_semaphore, #tpu.memory_space<semaphore_mem>>)
        %dma_wait3A = tpu.memref_slice %arg18[%mul3A_1208] : memref<4096xi32, #tpu.memory_space<vmem_shared>> -> memref<256xi32, #tpu.memory_space<vmem_shared>>
        %dma_wait3A_1241 = tpu.memref_slice %arg18[%mul3A_1208] : memref<4096xi32, #tpu.memory_space<vmem_shared>> -> memref<256xi32, #tpu.memory_space<vmem_shared>>
        tpu.wait_dma2 semaphore(%run_scoped3A_1239 : memref<!tpu.dma_semaphore, #tpu.memory_space<semaphore_mem>>) src(%arg7 : memref<256xi32, #tpu.memory_space<vmem>>) dst(%dma_wait3A_1241 : memref<256xi32, #tpu.memory_space<vmem_shared>>)
        tpu.yield
      }) : () -> ()
      %barrier3A_1209 = arith.constant 0 : index
      tpu.barrier barrier_id(%barrier3A_1209)
      "tpu.region"() ({
        %run_scoped3A_1239 = tpu.sem_alloc : memref<!tpu.dma_semaphore, #tpu.memory_space<semaphore_mem>>
        tpu.enqueue_dma source(%arg18 : memref<4096xi32, #tpu.memory_space<vmem_shared>>) target(%arg8 : memref<4096xi32, #tpu.memory_space<vmem>>) target_semaphore(%run_scoped3A_1239 : memref<!tpu.dma_semaphore, #tpu.memory_space<semaphore_mem>>)
        tpu.wait_dma2 semaphore(%run_scoped3A_1239 : memref<!tpu.dma_semaphore, #tpu.memory_space<semaphore_mem>>) src(%arg18 : memref<4096xi32, #tpu.memory_space<vmem_shared>>) dst(%arg8 : memref<4096xi32, #tpu.memory_space<vmem>>)
        tpu.yield
      }) : () -> ()
      %barrier3A_1210 = arith.constant 0 : index
      tpu.barrier barrier_id(%barrier3A_1210)
      %scan3A_1211 = arith.constant 0 : i32
      %scan3A_1212 = arith.constant 0 : i32
      %scan3A_1213 = arith.constant 16 : i32
      %scan3A_1214 = arith.addi %scan3A_1212, %scan3A_1213 : i32
      %scan3A_1215 = arith.constant 1 : i32
      %scan3A_1216 = scf.for %scan3A_1239 = %scan3A_1212 to %scan3A_1214 step %scan3A_1215 iter_args(%scan3A_1240 = %scan3A_1211) -> (i32)  : i32 {
        %mul3A_1241 = arith.constant 16 : i32
        %mul3A_1242 = arith.muli %scan3A_1239, %mul3A_1241 : i32
        %get3A_1243 = arith.index_cast %mul3A_1242 : i32 to index
        %get3A_1244 = tpu.vector_load %arg8[%get3A_1243] {strides = array<i32>} : memref<4096xi32, #tpu.memory_space<vmem>>, vector<16xi32>,
        %mul3A_1245 = arith.constant 16 : i32
        %mul3A_1246 = arith.muli %scan3A_1239, %mul3A_1245 : i32
        %add3A_1247 = arith.constant 256 : i32
        %add3A_1248 = arith.addi %add3A_1247, %mul3A_1246 : i32
        %get3A_1249 = arith.index_cast %add3A_1248 : i32 to index
        %get3A_1250 = tpu.vector_load %arg8[%get3A_1249] {strides = array<i32>} : memref<4096xi32, #tpu.memory_space<vmem>>, vector<16xi32>,
        %add3A_1251 = arith.addi %get3A_1244, %get3A_1250 : vector<16xi32>
        %mul3A_1252 = arith.constant 16 : i32
        %mul3A_1253 = arith.muli %scan3A_1239, %mul3A_1252 : i32
        %add3A_1254 = arith.constant 512 : i32
        %add3A_1255 = arith.addi %add3A_1254, %mul3A_1253 : i32
        %get3A_1256 = arith.index_cast %add3A_1255 : i32 to index
        %get3A_1257 = tpu.vector_load %arg8[%get3A_1256] {strides = array<i32>} : memref<4096xi32, #tpu.memory_space<vmem>>, vector<16xi32>,
        %add3A_1258 = arith.addi %add3A_1251, %get3A_1257 : vector<16xi32>
        %mul3A_1259 = arith.constant 16 : i32
        %mul3A_1260 = arith.muli %scan3A_1239, %mul3A_1259 : i32
        %add3A_1261 = arith.constant 768 : i32
        %add3A_1262 = arith.addi %add3A_1261, %mul3A_1260 : i32
        %get3A_1263 = arith.index_cast %add3A_1262 : i32 to index
        %get3A_1264 = tpu.vector_load %arg8[%get3A_1263] {strides = array<i32>} : memref<4096xi32, #tpu.memory_space<vmem>>, vector<16xi32>,
        %add3A_1265 = arith.addi %add3A_1258, %get3A_1264 : vector<16xi32>
        %mul3A_1266 = arith.constant 16 : i32
        %mul3A_1267 = arith.muli %scan3A_1239, %mul3A_1266 : i32
        %add3A_1268 = arith.constant 1024 : i32
        %add3A_1269 = arith.addi %add3A_1268, %mul3A_1267 : i32
        %get3A_1270 = arith.index_cast %add3A_1269 : i32 to index
        %get3A_1271 = tpu.vector_load %arg8[%get3A_1270] {strides = array<i32>} : memref<4096xi32, #tpu.memory_space<vmem>>, vector<16xi32>,
        %add3A_1272 = arith.addi %add3A_1265, %get3A_1271 : vector<16xi32>
        %mul3A_1273 = arith.constant 16 : i32
        %mul3A_1274 = arith.muli %scan3A_1239, %mul3A_1273 : i32
        %add3A_1275 = arith.constant 1280 : i32
        %add3A_1276 = arith.addi %add3A_1275, %mul3A_1274 : i32
        %get3A_1277 = arith.index_cast %add3A_1276 : i32 to index
        %get3A_1278 = tpu.vector_load %arg8[%get3A_1277] {strides = array<i32>} : memref<4096xi32, #tpu.memory_space<vmem>>, vector<16xi32>,
        %add3A_1279 = arith.addi %add3A_1272, %get3A_1278 : vector<16xi32>
        %mul3A_1280 = arith.constant 16 : i32
        %mul3A_1281 = arith.muli %scan3A_1239, %mul3A_1280 : i32
        %add3A_1282 = arith.constant 1536 : i32
        %add3A_1283 = arith.addi %add3A_1282, %mul3A_1281 : i32
        %get3A_1284 = arith.index_cast %add3A_1283 : i32 to index
        %get3A_1285 = tpu.vector_load %arg8[%get3A_1284] {strides = array<i32>} : memref<4096xi32, #tpu.memory_space<vmem>>, vector<16xi32>,
        %add3A_1286 = arith.addi %add3A_1279, %get3A_1285 : vector<16xi32>
        %mul3A_1287 = arith.constant 16 : i32
        %mul3A_1288 = arith.muli %scan3A_1239, %mul3A_1287 : i32
        %add3A_1289 = arith.constant 1792 : i32
        %add3A_1290 = arith.addi %add3A_1289, %mul3A_1288 : i32
        %get3A_1291 = arith.index_cast %add3A_1290 : i32 to index
        %get3A_1292 = tpu.vector_load %arg8[%get3A_1291] {strides = array<i32>} : memref<4096xi32, #tpu.memory_space<vmem>>, vector<16xi32>,
        %add3A_1293 = arith.addi %add3A_1286, %get3A_1292 : vector<16xi32>
        %mul3A_1294 = arith.constant 16 : i32
        %mul3A_1295 = arith.muli %scan3A_1239, %mul3A_1294 : i32
        %add3A_1296 = arith.constant 2048 : i32
        %add3A_1297 = arith.addi %add3A_1296, %mul3A_1295 : i32
        %get3A_1298 = arith.index_cast %add3A_1297 : i32 to index
        %get3A_1299 = tpu.vector_load %arg8[%get3A_1298] {strides = array<i32>} : memref<4096xi32, #tpu.memory_space<vmem>>, vector<16xi32>,
        %add3A_1300 = arith.addi %add3A_1293, %get3A_1299 : vector<16xi32>
        %mul3A_1301 = arith.constant 16 : i32
        %mul3A_1302 = arith.muli %scan3A_1239, %mul3A_1301 : i32
        %add3A_1303 = arith.constant 2304 : i32
        %add3A_1304 = arith.addi %add3A_1303, %mul3A_1302 : i32
        %get3A_1305 = arith.index_cast %add3A_1304 : i32 to index
        %get3A_1306 = tpu.vector_load %arg8[%get3A_1305] {strides = array<i32>} : memref<4096xi32, #tpu.memory_space<vmem>>, vector<16xi32>,
        %add3A_1307 = arith.addi %add3A_1300, %get3A_1306 : vector<16xi32>
        %mul3A_1308 = arith.constant 16 : i32
        %mul3A_1309 = arith.muli %scan3A_1239, %mul3A_1308 : i32
        %add3A_1310 = arith.constant 2560 : i32
        %add3A_1311 = arith.addi %add3A_1310, %mul3A_1309 : i32
        %get3A_1312 = arith.index_cast %add3A_1311 : i32 to index
        %get3A_1313 = tpu.vector_load %arg8[%get3A_1312] {strides = array<i32>} : memref<4096xi32, #tpu.memory_space<vmem>>, vector<16xi32>,
        %add3A_1314 = arith.addi %add3A_1307, %get3A_1313 : vector<16xi32>
        %mul3A_1315 = arith.constant 16 : i32
        %mul3A_1316 = arith.muli %scan3A_1239, %mul3A_1315 : i32
        %add3A_1317 = arith.constant 2816 : i32
        %add3A_1318 = arith.addi %add3A_1317, %mul3A_1316 : i32
        %get3A_1319 = arith.index_cast %add3A_1318 : i32 to index
        %get3A_1320 = tpu.vector_load %arg8[%get3A_1319] {strides = array<i32>} : memref<4096xi32, #tpu.memory_space<vmem>>, vector<16xi32>,
        %add3A_1321 = arith.addi %add3A_1314, %get3A_1320 : vector<16xi32>
        %mul3A_1322 = arith.constant 16 : i32
        %mul3A_1323 = arith.muli %scan3A_1239, %mul3A_1322 : i32
        %add3A_1324 = arith.constant 3072 : i32
        %add3A_1325 = arith.addi %add3A_1324, %mul3A_1323 : i32
        %get3A_1326 = arith.index_cast %add3A_1325 : i32 to index
        %get3A_1327 = tpu.vector_load %arg8[%get3A_1326] {strides = array<i32>} : memref<4096xi32, #tpu.memory_space<vmem>>, vector<16xi32>,
        %add3A_1328 = arith.addi %add3A_1321, %get3A_1327 : vector<16xi32>
        %mul3A_1329 = arith.constant 16 : i32
        %mul3A_1330 = arith.muli %scan3A_1239, %mul3A_1329 : i32
        %add3A_1331 = arith.constant 3328 : i32
        %add3A_1332 = arith.addi %add3A_1331, %mul3A_1330 : i32
        %get3A_1333 = arith.index_cast %add3A_1332 : i32 to index
        %get3A_1334 = tpu.vector_load %arg8[%get3A_1333] {strides = array<i32>} : memref<4096xi32, #tpu.memory_space<vmem>>, vector<16xi32>,
        %add3A_1335 = arith.addi %add3A_1328, %get3A_1334 : vector<16xi32>
        %mul3A_1336 = arith.constant 16 : i32
        %mul3A_1337 = arith.muli %scan3A_1239, %mul3A_1336 : i32
        %add3A_1338 = arith.constant 3584 : i32
        %add3A_1339 = arith.addi %add3A_1338, %mul3A_1337 : i32
        %get3A_1340 = arith.index_cast %add3A_1339 : i32 to index
        %get3A_1341 = tpu.vector_load %arg8[%get3A_1340] {strides = array<i32>} : memref<4096xi32, #tpu.memory_space<vmem>>, vector<16xi32>,
        %add3A_1342 = arith.addi %add3A_1335, %get3A_1341 : vector<16xi32>
        %mul3A_1343 = arith.constant 16 : i32
        %mul3A_1344 = arith.muli %scan3A_1239, %mul3A_1343 : i32
        %add3A_1345 = arith.constant 3840 : i32
        %add3A_1346 = arith.addi %add3A_1345, %mul3A_1344 : i32
        %get3A_1347 = arith.index_cast %add3A_1346 : i32 to index
        %get3A_1348 = tpu.vector_load %arg8[%get3A_1347] {strides = array<i32>} : memref<4096xi32, #tpu.memory_space<vmem>>, vector<16xi32>,
        %add3A_1349 = arith.addi %add3A_1342, %get3A_1348 : vector<16xi32>
        %mul3A_1350 = arith.constant 16 : i32
        %mul3A_1351 = arith.muli %scan3A_1239, %mul3A_1350 : i32
        %swap3A_1352 = arith.index_cast %mul3A_1351 : i32 to index
        %swap3A_1353 = tpu.vector_load %arg7[%swap3A_1352] {strides = array<i32>} : memref<256xi32, #tpu.memory_space<vmem>>, vector<16xi32>,
        tpu.vector_store %arg7[%swap3A_1352], %add3A_1349 {strides = array<i32>} : memref<256xi32, #tpu.memory_space<vmem>>, vector<16xi32>,
        %scan3A_1354 = arith.constant 0 : i32
        scf.yield %scan3A_1354 : i32
      }
      %scan3A_1217 = arith.constant 16 : i32
      %scan3A_1218 = arith.constant 0 : i32
      %scan3A_1219 = arith.constant false
      %scan3A_1220 = arith.constant 0 : i32
      %scan3A_1221 = arith.constant 16 : i32
      %scan3A_1222 = arith.addi %scan3A_1220, %scan3A_1221 : i32
      %scan3A_1223 = arith.constant 1 : i32
      %scan3A_1224:3 = scf.for %scan3A_1239 = %scan3A_1220 to %scan3A_1222 step %scan3A_1223 iter_args(%scan3A_1240 = %scan3A_1181, %scan3A_1241 = %scan3A_1218, %scan3A_1242 = %scan3A_1219) -> (i32, i32, i1)  : i32 {
        %sub3A_1243 = arith.constant 15 : i32
        %sub3A_1244 = arith.subi %sub3A_1243, %scan3A_1239 : i32
        %mul3A_1245 = arith.constant 16 : i32
        %mul3A_1246 = arith.muli %sub3A_1244, %mul3A_1245 : i32
        %get3A_1247 = arith.index_cast %mul3A_1246 : i32 to index
        %get3A_1248 = tpu.vector_load %arg7[%get3A_1247] {strides = array<i32>} : memref<256xi32, #tpu.memory_space<vmem>>, vector<16xi32>,
        %reduce_sum3A = arith.constant true
        %reduce_sum3A_1249 = vector.broadcast %reduce_sum3A : i1 to vector<16xi1>
        %reduce_sum3A_1250 = tpu.scan <sum>, %get3A_1248 masked %reduce_sum3A_1249 : vector<16xi32>, vector<16xi1> -> vector<16xi32>
        %reduce_sum3A_1251 = vector.extract %reduce_sum3A_1250[15] : i32 from vector<16xi32>
        %broadcast_in_dim3A_1252 = arith.constant true
        %broadcast_in_dim3A_1253 = vector.broadcast %broadcast_in_dim3A_1252 : i1 to vector<16xi1>
        %masked_cumsum3A_1254 = tpu.scan <sum>, %get3A_1248 masked %broadcast_in_dim3A_1253 : vector<16xi32>, vector<16xi1> -> vector<16xi32>
        %broadcast_in_dim3A_1255 = vector.broadcast %reduce_sum3A_1251 : i32 to vector<16xi32>
        %sub3A_1256 = arith.subi %broadcast_in_dim3A_1255, %masked_cumsum3A_1254 : vector<16xi32>
        %add3A_1257 = arith.addi %sub3A_1256, %get3A_1248 : vector<16xi32>
        %broadcast_in_dim3A_1258 = vector.broadcast %scan3A_1240 : i32 to vector<16xi32>
        %ge3A = arith.cmpi sge, %add3A_1257, %broadcast_in_dim3A_1258 : vector<16xi32>
        %all_reduce_population_count3A = tpu.all_reduce %ge3A {dim = 0 : i64, kind = #tpu.reduction_kind<sum>} : vector<16xi1> -> vector<16xi32>
        %reduce_max3A_1259 = arith.constant true
        %reduce_max3A_1260 = vector.broadcast %reduce_max3A_1259 : i1 to vector<16xi1>
        %reduce_max3A_1261 = arith.constant -2147483648 : i32
        %reduce_max3A_1262 = vector.broadcast %reduce_max3A_1261 : i32 to vector<16xi32>
        %reduce_max3A_1263 = arith.xori %all_reduce_population_count3A, %reduce_max3A_1262 : vector<16xi32>
        %reduce_max3A_1264 = tpu.scan <max>, %reduce_max3A_1263 masked %reduce_max3A_1260 : vector<16xi32>, vector<16xi1> -> vector<16xi32>
        %reduce_max3A_1265 = arith.xori %reduce_max3A_1264, %reduce_max3A_1262 : vector<16xi32>
        %reduce_max3A_1266 = vector.extract %reduce_max3A_1265[15] : i32 from vector<16xi32>
        %sub3A_1267 = arith.constant 1 : i32
        %sub3A_1268 = arith.subi %reduce_max3A_1266, %sub3A_1267 : i32
        %not3A_1269 = arith.constant true
        %not3A_1270 = arith.xori %scan3A_1242, %not3A_1269 : i1
        %le3A = arith.cmpi sle, %scan3A_1240, %reduce_sum3A_1251 : i32
        %and3A = arith.andi %not3A_1270, %le3A : i1
        %eq3A_1271 = vector.broadcast %sub3A_1268 : i32 to vector<16xi32>
        %eq3A_1272 = arith.cmpi eq, %iota3A, %eq3A_1271 : vector<16xi32>
        %jit3A_1273 = arith.constant -2147483648 : i32
        %broadcast_in_dim3A_1274 = vector.broadcast %jit3A_1273 : i32 to vector<16xi32>
        %select_n3A_1275 = arith.select %eq3A_1272, %get3A_1248, %broadcast_in_dim3A_1274 : vector<16xi1>, vector<16xi32>
        %reduce_max3A_1276 = arith.constant true
        %reduce_max3A_1277 = vector.broadcast %reduce_max3A_1276 : i1 to vector<16xi1>
        %reduce_max3A_1278 = arith.constant -2147483648 : i32
        %reduce_max3A_1279 = vector.broadcast %reduce_max3A_1278 : i32 to vector<16xi32>
        %reduce_max3A_1280 = arith.xori %select_n3A_1275, %reduce_max3A_1279 : vector<16xi32>
        %reduce_max3A_1281 = tpu.scan <max>, %reduce_max3A_1280 masked %reduce_max3A_1277 : vector<16xi32>, vector<16xi1> -> vector<16xi32>
        %reduce_max3A_1282 = arith.xori %reduce_max3A_1281, %reduce_max3A_1279 : vector<16xi32>
        %reduce_max3A_1283 = vector.extract %reduce_max3A_1282[15] : i32 from vector<16xi32>
        %eq3A_1284 = vector.broadcast %sub3A_1268 : i32 to vector<16xi32>
        %eq3A_1285 = arith.cmpi eq, %iota3A, %eq3A_1284 : vector<16xi32>
        %jit3A_1286 = arith.constant -2147483648 : i32
        %broadcast_in_dim3A_1287 = vector.broadcast %jit3A_1286 : i32 to vector<16xi32>
        %select_n3A_1288 = arith.select %eq3A_1285, %add3A_1257, %broadcast_in_dim3A_1287 : vector<16xi1>, vector<16xi32>
        %reduce_max3A_1289 = arith.constant true
        %reduce_max3A_1290 = vector.broadcast %reduce_max3A_1289 : i1 to vector<16xi1>
        %reduce_max3A_1291 = arith.constant -2147483648 : i32
        %reduce_max3A_1292 = vector.broadcast %reduce_max3A_1291 : i32 to vector<16xi32>
        %reduce_max3A_1293 = arith.xori %select_n3A_1288, %reduce_max3A_1292 : vector<16xi32>
        %reduce_max3A_1294 = tpu.scan <max>, %reduce_max3A_1293 masked %reduce_max3A_1290 : vector<16xi32>, vector<16xi1> -> vector<16xi32>
        %reduce_max3A_1295 = arith.xori %reduce_max3A_1294, %reduce_max3A_1292 : vector<16xi32>
        %reduce_max3A_1296 = vector.extract %reduce_max3A_1295[15] : i32 from vector<16xi32>
        %sub3A_1297 = arith.subi %reduce_max3A_1296, %reduce_max3A_1283 : i32
        %sub3A_1298 = arith.subi %scan3A_1240, %sub3A_1297 : i32
        %mul3A_1299 = arith.constant 16 : i32
        %mul3A_1300 = arith.muli %sub3A_1244, %mul3A_1299 : i32
        %add3A_1301 = arith.addi %mul3A_1300, %sub3A_1268 : i32
        %select_n3A_1302 = arith.select %and3A, %add3A_1301, %scan3A_1241 : i32
        %sub3A_1303 = arith.subi %scan3A_1240, %reduce_sum3A_1251 : i32
        %select_n3A_1304 = arith.select %scan3A_1242, %scan3A_1240, %sub3A_1303 : i32
        %select_n3A_1305 = arith.select %and3A, %sub3A_1298, %select_n3A_1304 : i32
        %or3A_1306 = arith.ori %scan3A_1242, %and3A : i1
        scf.yield %select_n3A_1305, %select_n3A_1302, %or3A_1306 : i32, i32, i1
      }
      %scan3A_1225 = arith.constant 16 : i32
      %eq3A_1226 = arith.constant 3 : i32
      %eq3A_1227 = arith.cmpi eq, %scan3A_1177, %eq3A_1226 : i32
      %convert_element_type3A_1228 = arith.extui %eq3A_1227 : i1 to i32
      %cond3A_1229 = arith.constant 0 : i32
      %cond3A_1230 = arith.constant 0 : i32
      %cond3A_1231 = arith.cmpi ne, %convert_element_type3A_1228, %cond3A_1230 : i32
      %cond3A_1232 = scf.if %cond3A_1231 -> (i32) {
        %jit3A_1239 = arith.constant 16 : i32
        %div3A = arith.divsi %scan3A_1224#1, %jit3A_1239 : i32
        %sign3A = arith.constant 0 : i32
        %sign3A_1240 = arith.cmpi sgt, %scan3A_1224#1, %sign3A : i32
        %sign3A_1241 = arith.extui %sign3A_1240 : i1 to i32
        %sign3A_1242 = arith.constant 0 : i32
        %sign3A_1243 = arith.cmpi slt, %scan3A_1224#1, %sign3A_1242 : i32
        %sign3A_1244 = arith.extui %sign3A_1243 : i1 to i32
        %sign3A_1245 = arith.subi %sign3A_1241, %sign3A_1244 : i32
        %sign3A_1246 = arith.constant 0 : i32
        %sign3A_1247 = arith.cmpi sgt, %jit3A_1239, %sign3A_1246 : i32
        %sign3A_1248 = arith.extui %sign3A_1247 : i1 to i32
        %sign3A_1249 = arith.constant 0 : i32
        %sign3A_1250 = arith.cmpi slt, %jit3A_1239, %sign3A_1249 : i32
        %sign3A_1251 = arith.extui %sign3A_1250 : i1 to i32
        %sign3A_1252 = arith.subi %sign3A_1248, %sign3A_1251 : i32
        %ne3A = arith.cmpi ne, %sign3A_1245, %sign3A_1252 : i32
        %rem3A = arith.remsi %scan3A_1224#1, %jit3A_1239 : i32
        %ne3A_1253 = arith.constant 0 : i32
        %ne3A_1254 = arith.cmpi ne, %rem3A, %ne3A_1253 : i32
        %and3A = arith.andi %ne3A, %ne3A_1254 : i1
        %sub3A_1255 = arith.constant 1 : i32
        %sub3A_1256 = arith.subi %div3A, %sub3A_1255 : i32
        %select_n3A_1257 = arith.select %and3A, %sub3A_1256, %div3A : i32
        %mul3A_1258 = arith.constant 16 : i32
        %mul3A_1259 = arith.muli %select_n3A_1257, %mul3A_1258 : i32
        %sub3A_1260 = arith.subi %scan3A_1224#1, %mul3A_1259 : i32
        %broadcast_in_dim3A_1261 = arith.constant 0 : i32
        %broadcast_in_dim3A_1262 = vector.broadcast %broadcast_in_dim3A_1261 : i32 to vector<16xi32>
        %scan3A_1263 = arith.constant 0 : i32
        %scan3A_1264 = arith.constant 16 : i32
        %scan3A_1265 = arith.addi %scan3A_1263, %scan3A_1264 : i32
        %scan3A_1266 = arith.constant 1 : i32
        %scan3A_1267 = scf.for %scan3A_1290 = %scan3A_1263 to %scan3A_1265 step %scan3A_1266 iter_args(%scan3A_1291 = %broadcast_in_dim3A_1262) -> (vector<16xi32>)  : i32 {
          %mul3A_1292 = arith.constant 256 : i32
          %mul3A_1293 = arith.muli %scan3A_1290, %mul3A_1292 : i32
          %add3A_1294 = arith.addi %mul3A_1293, %mul3A_1259 : i32
          %get3A_1295 = arith.index_cast %add3A_1294 : i32 to index
          %get3A_1296 = tpu.vector_load %arg8[%get3A_1295] {strides = array<i32>} : memref<4096xi32, #tpu.memory_space<vmem>>, vector<16xi32>,
          %eq3A_1297 = vector.broadcast %sub3A_1260 : i32 to vector<16xi32>
          %eq3A_1298 = arith.cmpi eq, %iota3A, %eq3A_1297 : vector<16xi32>
          %jit3A_1299 = arith.constant -2147483648 : i32
          %broadcast_in_dim3A_1300 = vector.broadcast %jit3A_1299 : i32 to vector<16xi32>
          %select_n3A_1301 = arith.select %eq3A_1298, %get3A_1296, %broadcast_in_dim3A_1300 : vector<16xi1>, vector<16xi32>
          %reduce_max3A_1302 = arith.constant true
          %reduce_max3A_1303 = vector.broadcast %reduce_max3A_1302 : i1 to vector<16xi1>
          %reduce_max3A_1304 = arith.constant -2147483648 : i32
          %reduce_max3A_1305 = vector.broadcast %reduce_max3A_1304 : i32 to vector<16xi32>
          %reduce_max3A_1306 = arith.xori %select_n3A_1301, %reduce_max3A_1305 : vector<16xi32>
          %reduce_max3A_1307 = tpu.scan <max>, %reduce_max3A_1306 masked %reduce_max3A_1303 : vector<16xi32>, vector<16xi1> -> vector<16xi32>
          %reduce_max3A_1308 = arith.xori %reduce_max3A_1307, %reduce_max3A_1305 : vector<16xi32>
          %reduce_max3A_1309 = vector.extract %reduce_max3A_1308[15] : i32 from vector<16xi32>
          %eq3A_1310 = vector.broadcast %scan3A_1290 : i32 to vector<16xi32>
          %eq3A_1311 = arith.cmpi eq, %iota3A, %eq3A_1310 : vector<16xi32>
          %broadcast_in_dim3A_1312 = vector.broadcast %reduce_max3A_1309 : i32 to vector<16xi32>
          %select_n3A_1313 = arith.select %eq3A_1311, %broadcast_in_dim3A_1312, %scan3A_1291 : vector<16xi1>, vector<16xi32>
          scf.yield %select_n3A_1313 : vector<16xi32>
        }
        %scan3A_1268 = arith.constant 16 : i32
        %broadcast_in_dim3A_1269 = arith.constant true
        %broadcast_in_dim3A_1270 = vector.broadcast %broadcast_in_dim3A_1269 : i1 to vector<16xi1>
        %masked_cumsum3A_1271 = tpu.scan <sum>, %scan3A_1267 masked %broadcast_in_dim3A_1270 : vector<16xi32>, vector<16xi1> -> vector<16xi32>
        %sub3A_1272 = arith.subi %masked_cumsum3A_1271, %scan3A_1267 : vector<16xi32>
        %broadcast_in_dim3A_1273 = vector.broadcast %scan3A_1224#0 : i32 to vector<16xi32>
        %sub3A_1274 = arith.subi %broadcast_in_dim3A_1273, %sub3A_1272 : vector<16xi32>
        %jit3A_1275 = arith.constant 0 : i32
        %max3A = vector.broadcast %jit3A_1275 : i32 to vector<16xi32>
        %max3A_1276 = arith.maxsi %max3A, %sub3A_1274 : vector<16xi32>
        %min3A = arith.minsi %scan3A_1267, %max3A_1276 : vector<16xi32>
        %eq3A_1277 = vector.broadcast %arg1 : i32 to vector<16xi32>
        %eq3A_1278 = arith.cmpi eq, %iota3A, %eq3A_1277 : vector<16xi32>
        %jit3A_1279 = arith.constant -2147483648 : i32
        %broadcast_in_dim3A_1280 = vector.broadcast %jit3A_1279 : i32 to vector<16xi32>
        %select_n3A_1281 = arith.select %eq3A_1278, %min3A, %broadcast_in_dim3A_1280 : vector<16xi1>, vector<16xi32>
        %reduce_max3A_1282 = arith.constant true
        %reduce_max3A_1283 = vector.broadcast %reduce_max3A_1282 : i1 to vector<16xi1>
        %reduce_max3A_1284 = arith.constant -2147483648 : i32
        %reduce_max3A_1285 = vector.broadcast %reduce_max3A_1284 : i32 to vector<16xi32>
        %reduce_max3A_1286 = arith.xori %select_n3A_1281, %reduce_max3A_1285 : vector<16xi32>
        %reduce_max3A_1287 = tpu.scan <max>, %reduce_max3A_1286 masked %reduce_max3A_1283 : vector<16xi32>, vector<16xi1> -> vector<16xi32>
        %reduce_max3A_1288 = arith.xori %reduce_max3A_1287, %reduce_max3A_1285 : vector<16xi32>
        %reduce_max3A_1289 = vector.extract %reduce_max3A_1288[15] : i32 from vector<16xi32>
        scf.yield %reduce_max3A_1289 : i32
      } else {
        scf.yield %scan3A_1182 : i32
      }
      %shift_left3A_1233 = arith.shli %scan3A_1224#1, %scan3A_1180 : i32
      %or3A = arith.ori %scan3A_1178, %shift_left3A_1233 : i32
      %shift_right_logical3A = arith.constant 8 : i32
      %shift_right_logical3A_1234 = arith.shrui %scan3A_1179, %shift_right_logical3A : i32
      %or3A_1235 = arith.constant -16777216 : i32
      %or3A_1236 = arith.ori %shift_right_logical3A_1234, %or3A_1235 : i32
      %sub3A_1237 = arith.constant 8 : i32
      %sub3A_1238 = arith.subi %scan3A_1180, %sub3A_1237 : i32
      scf.yield %or3A, %or3A_1236, %sub3A_1238, %scan3A_1224#0, %cond3A_1232 : i32, i32, i32, i32, i32
    }
    %scan3A_53 = arith.constant 3 : i32
    %xor3A = arith.constant -2147483648 : i32
    %xor3A_54 = arith.xori %scan3A_52#0, %xor3A : i32
    %broadcast_in_dim3A_55 = vector.broadcast %xor3A_54 : i32 to vector<16xi32>
    %broadcast_in_dim3A_56 = vector.broadcast %scan3A_52#4 : i32 to vector<16xi32>
    %mul3A_57 = arith.constant 81920 : i32
    %mul3A_58 = arith.muli %arg1, %mul3A_57 : i32
    %broadcast_in_dim3A_59 = arith.constant 0 : i32
    %broadcast_in_dim3A_60 = vector.broadcast %broadcast_in_dim3A_59 : i32 to vector<16xi32>
    %broadcast_in_dim3A_61 = arith.constant 0 : i32
    %broadcast_in_dim3A_62 = vector.broadcast %broadcast_in_dim3A_61 : i32 to vector<16xi32>
    %scan3A_63 = arith.constant 0 : i32
    %scan3A_64 = arith.constant 640 : i32
    %scan3A_65 = arith.addi %scan3A_63, %scan3A_64 : i32
    %scan3A_66 = arith.constant 1 : i32
    %scan3A_67:2 = scf.for %scan3A_1177 = %scan3A_63 to %scan3A_65 step %scan3A_66 iter_args(%scan3A_1178 = %broadcast_in_dim3A_60, %scan3A_1179 = %broadcast_in_dim3A_62) -> (vector<16xi32>, vector<16xi32>)  : i32 {
      %mul3A_1180 = arith.constant 128 : i32
      %mul3A_1181 = arith.muli %scan3A_1177, %mul3A_1180 : i32
      %add3A_1182 = arith.constant 0 : i32
      %add3A_1183 = arith.addi %mul3A_1181, %add3A_1182 : i32
      %get3A_1184 = arith.index_cast %add3A_1183 : i32 to index
      %get3A_1185 = tpu.vector_load %arg5[%get3A_1184] {strides = array<i32>} : memref<81920xf32, #tpu.memory_space<vmem>>, vector<16xf32>,
      %bitcast_convert_type3A_1186 = tpu.bitcast %get3A_1185 : vector<16xf32> -> vector<16xi32>
      %gt3A = arith.cmpi sgt, %bitcast_convert_type3A_1186, %broadcast_in_dim3A_55 : vector<16xi32>
      %eq3A_1187 = arith.cmpi eq, %bitcast_convert_type3A_1186, %broadcast_in_dim3A_55 : vector<16xi32>
      %or3A = arith.ori %gt3A, %eq3A_1187 : vector<16xi1>
      %mul3A_1188 = arith.constant 128 : i32
      %mul3A_1189 = arith.muli %scan3A_1177, %mul3A_1188 : i32
      %add3A_1190 = arith.constant 16 : i32
      %add3A_1191 = arith.addi %mul3A_1189, %add3A_1190 : i32
      %get3A_1192 = arith.index_cast %add3A_1191 : i32 to index
      %get3A_1193 = tpu.vector_load %arg5[%get3A_1192] {strides = array<i32>} : memref<81920xf32, #tpu.memory_space<vmem>>, vector<16xf32>,
      %bitcast_convert_type3A_1194 = tpu.bitcast %get3A_1193 : vector<16xf32> -> vector<16xi32>
      %gt3A_1195 = arith.cmpi sgt, %bitcast_convert_type3A_1194, %broadcast_in_dim3A_55 : vector<16xi32>
      %eq3A_1196 = arith.cmpi eq, %bitcast_convert_type3A_1194, %broadcast_in_dim3A_55 : vector<16xi32>
      %or3A_1197 = arith.ori %gt3A_1195, %eq3A_1196 : vector<16xi1>
      %or3A_1198 = arith.ori %or3A, %or3A_1197 : vector<16xi1>
      %mul3A_1199 = arith.constant 128 : i32
      %mul3A_1200 = arith.muli %scan3A_1177, %mul3A_1199 : i32
      %add3A_1201 = arith.constant 32 : i32
      %add3A_1202 = arith.addi %mul3A_1200, %add3A_1201 : i32
      %get3A_1203 = arith.index_cast %add3A_1202 : i32 to index
      %get3A_1204 = tpu.vector_load %arg5[%get3A_1203] {strides = array<i32>} : memref<81920xf32, #tpu.memory_space<vmem>>, vector<16xf32>,
      %bitcast_convert_type3A_1205 = tpu.bitcast %get3A_1204 : vector<16xf32> -> vector<16xi32>
      %gt3A_1206 = arith.cmpi sgt, %bitcast_convert_type3A_1205, %broadcast_in_dim3A_55 : vector<16xi32>
      %eq3A_1207 = arith.cmpi eq, %bitcast_convert_type3A_1205, %broadcast_in_dim3A_55 : vector<16xi32>
      %or3A_1208 = arith.ori %gt3A_1206, %eq3A_1207 : vector<16xi1>
      %or3A_1209 = arith.ori %or3A_1198, %or3A_1208 : vector<16xi1>
      %mul3A_1210 = arith.constant 128 : i32
      %mul3A_1211 = arith.muli %scan3A_1177, %mul3A_1210 : i32
      %add3A_1212 = arith.constant 48 : i32
      %add3A_1213 = arith.addi %mul3A_1211, %add3A_1212 : i32
      %get3A_1214 = arith.index_cast %add3A_1213 : i32 to index
      %get3A_1215 = tpu.vector_load %arg5[%get3A_1214] {strides = array<i32>} : memref<81920xf32, #tpu.memory_space<vmem>>, vector<16xf32>,
      %bitcast_convert_type3A_1216 = tpu.bitcast %get3A_1215 : vector<16xf32> -> vector<16xi32>
      %gt3A_1217 = arith.cmpi sgt, %bitcast_convert_type3A_1216, %broadcast_in_dim3A_55 : vector<16xi32>
      %eq3A_1218 = arith.cmpi eq, %bitcast_convert_type3A_1216, %broadcast_in_dim3A_55 : vector<16xi32>
      %or3A_1219 = arith.ori %gt3A_1217, %eq3A_1218 : vector<16xi1>
      %or3A_1220 = arith.ori %or3A_1209, %or3A_1219 : vector<16xi1>
      %mul3A_1221 = arith.constant 128 : i32
      %mul3A_1222 = arith.muli %scan3A_1177, %mul3A_1221 : i32
      %add3A_1223 = arith.constant 64 : i32
      %add3A_1224 = arith.addi %mul3A_1222, %add3A_1223 : i32
      %get3A_1225 = arith.index_cast %add3A_1224 : i32 to index
      %get3A_1226 = tpu.vector_load %arg5[%get3A_1225] {strides = array<i32>} : memref<81920xf32, #tpu.memory_space<vmem>>, vector<16xf32>,
      %bitcast_convert_type3A_1227 = tpu.bitcast %get3A_1226 : vector<16xf32> -> vector<16xi32>
      %gt3A_1228 = arith.cmpi sgt, %bitcast_convert_type3A_1227, %broadcast_in_dim3A_55 : vector<16xi32>
      %eq3A_1229 = arith.cmpi eq, %bitcast_convert_type3A_1227, %broadcast_in_dim3A_55 : vector<16xi32>
      %or3A_1230 = arith.ori %gt3A_1228, %eq3A_1229 : vector<16xi1>
      %or3A_1231 = arith.ori %or3A_1220, %or3A_1230 : vector<16xi1>
      %mul3A_1232 = arith.constant 128 : i32
      %mul3A_1233 = arith.muli %scan3A_1177, %mul3A_1232 : i32
      %add3A_1234 = arith.constant 80 : i32
      %add3A_1235 = arith.addi %mul3A_1233, %add3A_1234 : i32
      %get3A_1236 = arith.index_cast %add3A_1235 : i32 to index
      %get3A_1237 = tpu.vector_load %arg5[%get3A_1236] {strides = array<i32>} : memref<81920xf32, #tpu.memory_space<vmem>>, vector<16xf32>,
      %bitcast_convert_type3A_1238 = tpu.bitcast %get3A_1237 : vector<16xf32> -> vector<16xi32>
      %gt3A_1239 = arith.cmpi sgt, %bitcast_convert_type3A_1238, %broadcast_in_dim3A_55 : vector<16xi32>
      %eq3A_1240 = arith.cmpi eq, %bitcast_convert_type3A_1238, %broadcast_in_dim3A_55 : vector<16xi32>
      %or3A_1241 = arith.ori %gt3A_1239, %eq3A_1240 : vector<16xi1>
      %or3A_1242 = arith.ori %or3A_1231, %or3A_1241 : vector<16xi1>
      %mul3A_1243 = arith.constant 128 : i32
      %mul3A_1244 = arith.muli %scan3A_1177, %mul3A_1243 : i32
      %add3A_1245 = arith.constant 96 : i32
      %add3A_1246 = arith.addi %mul3A_1244, %add3A_1245 : i32
      %get3A_1247 = arith.index_cast %add3A_1246 : i32 to index
      %get3A_1248 = tpu.vector_load %arg5[%get3A_1247] {strides = array<i32>} : memref<81920xf32, #tpu.memory_space<vmem>>, vector<16xf32>,
      %bitcast_convert_type3A_1249 = tpu.bitcast %get3A_1248 : vector<16xf32> -> vector<16xi32>
      %gt3A_1250 = arith.cmpi sgt, %bitcast_convert_type3A_1249, %broadcast_in_dim3A_55 : vector<16xi32>
      %eq3A_1251 = arith.cmpi eq, %bitcast_convert_type3A_1249, %broadcast_in_dim3A_55 : vector<16xi32>
      %or3A_1252 = arith.ori %gt3A_1250, %eq3A_1251 : vector<16xi1>
      %or3A_1253 = arith.ori %or3A_1242, %or3A_1252 : vector<16xi1>
      %mul3A_1254 = arith.constant 128 : i32
      %mul3A_1255 = arith.muli %scan3A_1177, %mul3A_1254 : i32
      %add3A_1256 = arith.constant 112 : i32
      %add3A_1257 = arith.addi %mul3A_1255, %add3A_1256 : i32
      %get3A_1258 = arith.index_cast %add3A_1257 : i32 to index
      %get3A_1259 = tpu.vector_load %arg5[%get3A_1258] {strides = array<i32>} : memref<81920xf32, #tpu.memory_space<vmem>>, vector<16xf32>,
      %bitcast_convert_type3A_1260 = tpu.bitcast %get3A_1259 : vector<16xf32> -> vector<16xi32>
      %gt3A_1261 = arith.cmpi sgt, %bitcast_convert_type3A_1260, %broadcast_in_dim3A_55 : vector<16xi32>
      %eq3A_1262 = arith.cmpi eq, %bitcast_convert_type3A_1260, %broadcast_in_dim3A_55 : vector<16xi32>
      %or3A_1263 = arith.ori %gt3A_1261, %eq3A_1262 : vector<16xi1>
      %or3A_1264 = arith.ori %or3A_1253, %or3A_1263 : vector<16xi1>
      %reduce_or3A = arith.constant 1.000000e+00 : f32
      %reduce_or3A_1265 = arith.constant 0.000000e+00 : f32
      %reduce_or3A_1266 = vector.broadcast %reduce_or3A : f32 to vector<16xf32>
      %reduce_or3A_1267 = vector.broadcast %reduce_or3A_1265 : f32 to vector<16xf32>
      %reduce_or3A_1268 = arith.select %or3A_1264, %reduce_or3A_1266, %reduce_or3A_1267 : vector<16xi1>, vector<16xf32>
      %reduce_or3A_1269 = arith.constant true
      %reduce_or3A_1270 = vector.broadcast %reduce_or3A_1269 : i1 to vector<16xi1>
      %reduce_or3A_1271 = tpu.scan <max>, %reduce_or3A_1268 masked %reduce_or3A_1270 : vector<16xf32>, vector<16xi1> -> vector<16xf32>
      %reduce_or3A_1272 = vector.extract %reduce_or3A_1271[15] : f32 from vector<16xf32>
      %reduce_or3A_1273 = arith.constant 0.000000e+00 : f32
      %reduce_or3A_1274 = arith.cmpf ogt, %reduce_or3A_1272, %reduce_or3A_1273 : f32
      %convert_element_type3A_1275 = arith.extui %reduce_or3A_1274 : i1 to i32
      %cond3A_1276 = arith.constant 0 : i32
      %cond3A_1277 = arith.cmpi ne, %convert_element_type3A_1275, %cond3A_1276 : i32
      %cond3A_1278:2 = scf.if %cond3A_1277 -> (vector<16xi32>, vector<16xi32>) {
        %mul3A_1279 = arith.constant 128 : i32
        %mul3A_1280 = arith.muli %scan3A_1177, %mul3A_1279 : i32
        %add3A_1281 = arith.addi %mul3A_58, %mul3A_1280 : i32
        %add3A_1282 = arith.constant 0 : i32
        %add3A_1283 = arith.addi %add3A_1281, %add3A_1282 : i32
        %broadcast_in_dim3A_1284 = vector.broadcast %add3A_1283 : i32 to vector<16xi32>
        %add3A_1285 = arith.addi %broadcast_in_dim3A_1284, %iota3A : vector<16xi32>
        %convert_element_type3A_1286 = arith.extui %gt3A : vector<16xi1> to vector<16xi32>
        %broadcast_in_dim3A_1287 = arith.constant true
        %broadcast_in_dim3A_1288 = vector.broadcast %broadcast_in_dim3A_1287 : i1 to vector<16xi1>
        %masked_cumsum3A_1289 = tpu.scan <sum>, %convert_element_type3A_1286 masked %broadcast_in_dim3A_1288 : vector<16xi32>, vector<16xi1> -> vector<16xi32>
        %sub3A_1290 = arith.subi %masked_cumsum3A_1289, %convert_element_type3A_1286 : vector<16xi32>
        %add3A_1291 = arith.addi %scan3A_1178, %sub3A_1290 : vector<16xi32>
        tpu.vector_store_idx %arg9[%add3A_1291], %bitcast_convert_type3A_1186 masked %gt3A : memref<1024xi32, #tpu.memory_space<vmem>>[vector<16xi32>], vector<16xi32>, vector<16xi1>
        %add3A_1292 = arith.addi %scan3A_1178, %sub3A_1290 : vector<16xi32>
        tpu.vector_store_idx %arg10[%add3A_1292], %add3A_1285 masked %gt3A : memref<1024xi32, #tpu.memory_space<vmem>>[vector<16xi32>], vector<16xi32>, vector<16xi1>
        %all_reduce_population_count3A = tpu.all_reduce %gt3A {dim = 0 : i64, kind = #tpu.reduction_kind<sum>} : vector<16xi1> -> vector<16xi32>
        %convert_element_type3A_1293 = arith.extui %eq3A_1187 : vector<16xi1> to vector<16xi32>
        %broadcast_in_dim3A_1294 = arith.constant true
        %broadcast_in_dim3A_1295 = vector.broadcast %broadcast_in_dim3A_1294 : i1 to vector<16xi1>
        %masked_cumsum3A_1296 = tpu.scan <sum>, %convert_element_type3A_1293 masked %broadcast_in_dim3A_1295 : vector<16xi32>, vector<16xi1> -> vector<16xi32>
        %sub3A_1297 = arith.subi %masked_cumsum3A_1296, %convert_element_type3A_1293 : vector<16xi32>
        %add3A_1298 = arith.addi %scan3A_1179, %sub3A_1297 : vector<16xi32>
        %lt3A_1299 = arith.cmpi slt, %add3A_1298, %broadcast_in_dim3A_56 : vector<16xi32>
        %and3A = arith.andi %eq3A_1187, %lt3A_1299 : vector<16xi1>
        %convert_element_type3A_1300 = arith.extui %and3A : vector<16xi1> to vector<16xi32>
        %broadcast_in_dim3A_1301 = arith.constant true
        %broadcast_in_dim3A_1302 = vector.broadcast %broadcast_in_dim3A_1301 : i1 to vector<16xi1>
        %masked_cumsum3A_1303 = tpu.scan <sum>, %convert_element_type3A_1300 masked %broadcast_in_dim3A_1302 : vector<16xi32>, vector<16xi1> -> vector<16xi32>
        %sub3A_1304 = arith.subi %masked_cumsum3A_1303, %convert_element_type3A_1300 : vector<16xi32>
        %add3A_1305 = arith.addi %scan3A_1178, %all_reduce_population_count3A : vector<16xi32>
        %add3A_1306 = arith.addi %add3A_1305, %sub3A_1304 : vector<16xi32>
        tpu.vector_store_idx %arg9[%add3A_1306], %bitcast_convert_type3A_1186 masked %and3A : memref<1024xi32, #tpu.memory_space<vmem>>[vector<16xi32>], vector<16xi32>, vector<16xi1>
        tpu.vector_store_idx %arg10[%add3A_1306], %add3A_1285 masked %and3A : memref<1024xi32, #tpu.memory_space<vmem>>[vector<16xi32>], vector<16xi32>, vector<16xi1>
        %all_reduce_population_count3A_1307 = tpu.all_reduce %and3A {dim = 0 : i64, kind = #tpu.reduction_kind<sum>} : vector<16xi1> -> vector<16xi32>
        %add3A_1308 = arith.addi %scan3A_1178, %all_reduce_population_count3A : vector<16xi32>
        %add3A_1309 = arith.addi %add3A_1308, %all_reduce_population_count3A_1307 : vector<16xi32>
        %add3A_1310 = arith.addi %scan3A_1179, %all_reduce_population_count3A_1307 : vector<16xi32>
        %mul3A_1311 = arith.constant 128 : i32
        %mul3A_1312 = arith.muli %scan3A_1177, %mul3A_1311 : i32
        %add3A_1313 = arith.addi %mul3A_58, %mul3A_1312 : i32
        %add3A_1314 = arith.constant 16 : i32
        %add3A_1315 = arith.addi %add3A_1313, %add3A_1314 : i32
        %broadcast_in_dim3A_1316 = vector.broadcast %add3A_1315 : i32 to vector<16xi32>
        %add3A_1317 = arith.addi %broadcast_in_dim3A_1316, %iota3A : vector<16xi32>
        %convert_element_type3A_1318 = arith.extui %gt3A_1195 : vector<16xi1> to vector<16xi32>
        %broadcast_in_dim3A_1319 = arith.constant true
        %broadcast_in_dim3A_1320 = vector.broadcast %broadcast_in_dim3A_1319 : i1 to vector<16xi1>
        %masked_cumsum3A_1321 = tpu.scan <sum>, %convert_element_type3A_1318 masked %broadcast_in_dim3A_1320 : vector<16xi32>, vector<16xi1> -> vector<16xi32>
        %sub3A_1322 = arith.subi %masked_cumsum3A_1321, %convert_element_type3A_1318 : vector<16xi32>
        %add3A_1323 = arith.addi %add3A_1309, %sub3A_1322 : vector<16xi32>
        tpu.vector_store_idx %arg9[%add3A_1323], %bitcast_convert_type3A_1194 masked %gt3A_1195 : memref<1024xi32, #tpu.memory_space<vmem>>[vector<16xi32>], vector<16xi32>, vector<16xi1>
        %add3A_1324 = arith.addi %add3A_1309, %sub3A_1322 : vector<16xi32>
        tpu.vector_store_idx %arg10[%add3A_1324], %add3A_1317 masked %gt3A_1195 : memref<1024xi32, #tpu.memory_space<vmem>>[vector<16xi32>], vector<16xi32>, vector<16xi1>
        %all_reduce_population_count3A_1325 = tpu.all_reduce %gt3A_1195 {dim = 0 : i64, kind = #tpu.reduction_kind<sum>} : vector<16xi1> -> vector<16xi32>
        %convert_element_type3A_1326 = arith.extui %eq3A_1196 : vector<16xi1> to vector<16xi32>
        %broadcast_in_dim3A_1327 = arith.constant true
        %broadcast_in_dim3A_1328 = vector.broadcast %broadcast_in_dim3A_1327 : i1 to vector<16xi1>
        %masked_cumsum3A_1329 = tpu.scan <sum>, %convert_element_type3A_1326 masked %broadcast_in_dim3A_1328 : vector<16xi32>, vector<16xi1> -> vector<16xi32>
        %sub3A_1330 = arith.subi %masked_cumsum3A_1329, %convert_element_type3A_1326 : vector<16xi32>
        %add3A_1331 = arith.addi %add3A_1310, %sub3A_1330 : vector<16xi32>
        %lt3A_1332 = arith.cmpi slt, %add3A_1331, %broadcast_in_dim3A_56 : vector<16xi32>
        %and3A_1333 = arith.andi %eq3A_1196, %lt3A_1332 : vector<16xi1>
        %convert_element_type3A_1334 = arith.extui %and3A_1333 : vector<16xi1> to vector<16xi32>
        %broadcast_in_dim3A_1335 = arith.constant true
        %broadcast_in_dim3A_1336 = vector.broadcast %broadcast_in_dim3A_1335 : i1 to vector<16xi1>
        %masked_cumsum3A_1337 = tpu.scan <sum>, %convert_element_type3A_1334 masked %broadcast_in_dim3A_1336 : vector<16xi32>, vector<16xi1> -> vector<16xi32>
        %sub3A_1338 = arith.subi %masked_cumsum3A_1337, %convert_element_type3A_1334 : vector<16xi32>
        %add3A_1339 = arith.addi %add3A_1309, %all_reduce_population_count3A_1325 : vector<16xi32>
        %add3A_1340 = arith.addi %add3A_1339, %sub3A_1338 : vector<16xi32>
        tpu.vector_store_idx %arg9[%add3A_1340], %bitcast_convert_type3A_1194 masked %and3A_1333 : memref<1024xi32, #tpu.memory_space<vmem>>[vector<16xi32>], vector<16xi32>, vector<16xi1>
        tpu.vector_store_idx %arg10[%add3A_1340], %add3A_1317 masked %and3A_1333 : memref<1024xi32, #tpu.memory_space<vmem>>[vector<16xi32>], vector<16xi32>, vector<16xi1>
        %all_reduce_population_count3A_1341 = tpu.all_reduce %and3A_1333 {dim = 0 : i64, kind = #tpu.reduction_kind<sum>} : vector<16xi1> -> vector<16xi32>
        %add3A_1342 = arith.addi %add3A_1309, %all_reduce_population_count3A_1325 : vector<16xi32>
        %add3A_1343 = arith.addi %add3A_1342, %all_reduce_population_count3A_1341 : vector<16xi32>
        %add3A_1344 = arith.addi %add3A_1310, %all_reduce_population_count3A_1341 : vector<16xi32>
        %mul3A_1345 = arith.constant 128 : i32
        %mul3A_1346 = arith.muli %scan3A_1177, %mul3A_1345 : i32
        %add3A_1347 = arith.addi %mul3A_58, %mul3A_1346 : i32
        %add3A_1348 = arith.constant 32 : i32
        %add3A_1349 = arith.addi %add3A_1347, %add3A_1348 : i32
        %broadcast_in_dim3A_1350 = vector.broadcast %add3A_1349 : i32 to vector<16xi32>
        %add3A_1351 = arith.addi %broadcast_in_dim3A_1350, %iota3A : vector<16xi32>
        %convert_element_type3A_1352 = arith.extui %gt3A_1206 : vector<16xi1> to vector<16xi32>
        %broadcast_in_dim3A_1353 = arith.constant true
        %broadcast_in_dim3A_1354 = vector.broadcast %broadcast_in_dim3A_1353 : i1 to vector<16xi1>
        %masked_cumsum3A_1355 = tpu.scan <sum>, %convert_element_type3A_1352 masked %broadcast_in_dim3A_1354 : vector<16xi32>, vector<16xi1> -> vector<16xi32>
        %sub3A_1356 = arith.subi %masked_cumsum3A_1355, %convert_element_type3A_1352 : vector<16xi32>
        %add3A_1357 = arith.addi %add3A_1343, %sub3A_1356 : vector<16xi32>
        tpu.vector_store_idx %arg9[%add3A_1357], %bitcast_convert_type3A_1205 masked %gt3A_1206 : memref<1024xi32, #tpu.memory_space<vmem>>[vector<16xi32>], vector<16xi32>, vector<16xi1>
        %add3A_1358 = arith.addi %add3A_1343, %sub3A_1356 : vector<16xi32>
        tpu.vector_store_idx %arg10[%add3A_1358], %add3A_1351 masked %gt3A_1206 : memref<1024xi32, #tpu.memory_space<vmem>>[vector<16xi32>], vector<16xi32>, vector<16xi1>
        %all_reduce_population_count3A_1359 = tpu.all_reduce %gt3A_1206 {dim = 0 : i64, kind = #tpu.reduction_kind<sum>} : vector<16xi1> -> vector<16xi32>
        %convert_element_type3A_1360 = arith.extui %eq3A_1207 : vector<16xi1> to vector<16xi32>
        %broadcast_in_dim3A_1361 = arith.constant true
        %broadcast_in_dim3A_1362 = vector.broadcast %broadcast_in_dim3A_1361 : i1 to vector<16xi1>
        %masked_cumsum3A_1363 = tpu.scan <sum>, %convert_element_type3A_1360 masked %broadcast_in_dim3A_1362 : vector<16xi32>, vector<16xi1> -> vector<16xi32>
        %sub3A_1364 = arith.subi %masked_cumsum3A_1363, %convert_element_type3A_1360 : vector<16xi32>
        %add3A_1365 = arith.addi %add3A_1344, %sub3A_1364 : vector<16xi32>
        %lt3A_1366 = arith.cmpi slt, %add3A_1365, %broadcast_in_dim3A_56 : vector<16xi32>
        %and3A_1367 = arith.andi %eq3A_1207, %lt3A_1366 : vector<16xi1>
        %convert_element_type3A_1368 = arith.extui %and3A_1367 : vector<16xi1> to vector<16xi32>
        %broadcast_in_dim3A_1369 = arith.constant true
        %broadcast_in_dim3A_1370 = vector.broadcast %broadcast_in_dim3A_1369 : i1 to vector<16xi1>
        %masked_cumsum3A_1371 = tpu.scan <sum>, %convert_element_type3A_1368 masked %broadcast_in_dim3A_1370 : vector<16xi32>, vector<16xi1> -> vector<16xi32>
        %sub3A_1372 = arith.subi %masked_cumsum3A_1371, %convert_element_type3A_1368 : vector<16xi32>
        %add3A_1373 = arith.addi %add3A_1343, %all_reduce_population_count3A_1359 : vector<16xi32>
        %add3A_1374 = arith.addi %add3A_1373, %sub3A_1372 : vector<16xi32>
        tpu.vector_store_idx %arg9[%add3A_1374], %bitcast_convert_type3A_1205 masked %and3A_1367 : memref<1024xi32, #tpu.memory_space<vmem>>[vector<16xi32>], vector<16xi32>, vector<16xi1>
        tpu.vector_store_idx %arg10[%add3A_1374], %add3A_1351 masked %and3A_1367 : memref<1024xi32, #tpu.memory_space<vmem>>[vector<16xi32>], vector<16xi32>, vector<16xi1>
        %all_reduce_population_count3A_1375 = tpu.all_reduce %and3A_1367 {dim = 0 : i64, kind = #tpu.reduction_kind<sum>} : vector<16xi1> -> vector<16xi32>
        %add3A_1376 = arith.addi %add3A_1343, %all_reduce_population_count3A_1359 : vector<16xi32>
        %add3A_1377 = arith.addi %add3A_1376, %all_reduce_population_count3A_1375 : vector<16xi32>
        %add3A_1378 = arith.addi %add3A_1344, %all_reduce_population_count3A_1375 : vector<16xi32>
        %mul3A_1379 = arith.constant 128 : i32
        %mul3A_1380 = arith.muli %scan3A_1177, %mul3A_1379 : i32
        %add3A_1381 = arith.addi %mul3A_58, %mul3A_1380 : i32
        %add3A_1382 = arith.constant 48 : i32
        %add3A_1383 = arith.addi %add3A_1381, %add3A_1382 : i32
        %broadcast_in_dim3A_1384 = vector.broadcast %add3A_1383 : i32 to vector<16xi32>
        %add3A_1385 = arith.addi %broadcast_in_dim3A_1384, %iota3A : vector<16xi32>
        %convert_element_type3A_1386 = arith.extui %gt3A_1217 : vector<16xi1> to vector<16xi32>
        %broadcast_in_dim3A_1387 = arith.constant true
        %broadcast_in_dim3A_1388 = vector.broadcast %broadcast_in_dim3A_1387 : i1 to vector<16xi1>
        %masked_cumsum3A_1389 = tpu.scan <sum>, %convert_element_type3A_1386 masked %broadcast_in_dim3A_1388 : vector<16xi32>, vector<16xi1> -> vector<16xi32>
        %sub3A_1390 = arith.subi %masked_cumsum3A_1389, %convert_element_type3A_1386 : vector<16xi32>
        %add3A_1391 = arith.addi %add3A_1377, %sub3A_1390 : vector<16xi32>
        tpu.vector_store_idx %arg9[%add3A_1391], %bitcast_convert_type3A_1216 masked %gt3A_1217 : memref<1024xi32, #tpu.memory_space<vmem>>[vector<16xi32>], vector<16xi32>, vector<16xi1>
        %add3A_1392 = arith.addi %add3A_1377, %sub3A_1390 : vector<16xi32>
        tpu.vector_store_idx %arg10[%add3A_1392], %add3A_1385 masked %gt3A_1217 : memref<1024xi32, #tpu.memory_space<vmem>>[vector<16xi32>], vector<16xi32>, vector<16xi1>
        %all_reduce_population_count3A_1393 = tpu.all_reduce %gt3A_1217 {dim = 0 : i64, kind = #tpu.reduction_kind<sum>} : vector<16xi1> -> vector<16xi32>
        %convert_element_type3A_1394 = arith.extui %eq3A_1218 : vector<16xi1> to vector<16xi32>
        %broadcast_in_dim3A_1395 = arith.constant true
        %broadcast_in_dim3A_1396 = vector.broadcast %broadcast_in_dim3A_1395 : i1 to vector<16xi1>
        %masked_cumsum3A_1397 = tpu.scan <sum>, %convert_element_type3A_1394 masked %broadcast_in_dim3A_1396 : vector<16xi32>, vector<16xi1> -> vector<16xi32>
        %sub3A_1398 = arith.subi %masked_cumsum3A_1397, %convert_element_type3A_1394 : vector<16xi32>
        %add3A_1399 = arith.addi %add3A_1378, %sub3A_1398 : vector<16xi32>
        %lt3A_1400 = arith.cmpi slt, %add3A_1399, %broadcast_in_dim3A_56 : vector<16xi32>
        %and3A_1401 = arith.andi %eq3A_1218, %lt3A_1400 : vector<16xi1>
        %convert_element_type3A_1402 = arith.extui %and3A_1401 : vector<16xi1> to vector<16xi32>
        %broadcast_in_dim3A_1403 = arith.constant true
        %broadcast_in_dim3A_1404 = vector.broadcast %broadcast_in_dim3A_1403 : i1 to vector<16xi1>
        %masked_cumsum3A_1405 = tpu.scan <sum>, %convert_element_type3A_1402 masked %broadcast_in_dim3A_1404 : vector<16xi32>, vector<16xi1> -> vector<16xi32>
        %sub3A_1406 = arith.subi %masked_cumsum3A_1405, %convert_element_type3A_1402 : vector<16xi32>
        %add3A_1407 = arith.addi %add3A_1377, %all_reduce_population_count3A_1393 : vector<16xi32>
        %add3A_1408 = arith.addi %add3A_1407, %sub3A_1406 : vector<16xi32>
        tpu.vector_store_idx %arg9[%add3A_1408], %bitcast_convert_type3A_1216 masked %and3A_1401 : memref<1024xi32, #tpu.memory_space<vmem>>[vector<16xi32>], vector<16xi32>, vector<16xi1>
        tpu.vector_store_idx %arg10[%add3A_1408], %add3A_1385 masked %and3A_1401 : memref<1024xi32, #tpu.memory_space<vmem>>[vector<16xi32>], vector<16xi32>, vector<16xi1>
        %all_reduce_population_count3A_1409 = tpu.all_reduce %and3A_1401 {dim = 0 : i64, kind = #tpu.reduction_kind<sum>} : vector<16xi1> -> vector<16xi32>
        %add3A_1410 = arith.addi %add3A_1377, %all_reduce_population_count3A_1393 : vector<16xi32>
        %add3A_1411 = arith.addi %add3A_1410, %all_reduce_population_count3A_1409 : vector<16xi32>
        %add3A_1412 = arith.addi %add3A_1378, %all_reduce_population_count3A_1409 : vector<16xi32>
        %mul3A_1413 = arith.constant 128 : i32
        %mul3A_1414 = arith.muli %scan3A_1177, %mul3A_1413 : i32
        %add3A_1415 = arith.addi %mul3A_58, %mul3A_1414 : i32
        %add3A_1416 = arith.constant 64 : i32
        %add3A_1417 = arith.addi %add3A_1415, %add3A_1416 : i32
        %broadcast_in_dim3A_1418 = vector.broadcast %add3A_1417 : i32 to vector<16xi32>
        %add3A_1419 = arith.addi %broadcast_in_dim3A_1418, %iota3A : vector<16xi32>
        %convert_element_type3A_1420 = arith.extui %gt3A_1228 : vector<16xi1> to vector<16xi32>
        %broadcast_in_dim3A_1421 = arith.constant true
        %broadcast_in_dim3A_1422 = vector.broadcast %broadcast_in_dim3A_1421 : i1 to vector<16xi1>
        %masked_cumsum3A_1423 = tpu.scan <sum>, %convert_element_type3A_1420 masked %broadcast_in_dim3A_1422 : vector<16xi32>, vector<16xi1> -> vector<16xi32>
        %sub3A_1424 = arith.subi %masked_cumsum3A_1423, %convert_element_type3A_1420 : vector<16xi32>
        %add3A_1425 = arith.addi %add3A_1411, %sub3A_1424 : vector<16xi32>
        tpu.vector_store_idx %arg9[%add3A_1425], %bitcast_convert_type3A_1227 masked %gt3A_1228 : memref<1024xi32, #tpu.memory_space<vmem>>[vector<16xi32>], vector<16xi32>, vector<16xi1>
        %add3A_1426 = arith.addi %add3A_1411, %sub3A_1424 : vector<16xi32>
        tpu.vector_store_idx %arg10[%add3A_1426], %add3A_1419 masked %gt3A_1228 : memref<1024xi32, #tpu.memory_space<vmem>>[vector<16xi32>], vector<16xi32>, vector<16xi1>
        %all_reduce_population_count3A_1427 = tpu.all_reduce %gt3A_1228 {dim = 0 : i64, kind = #tpu.reduction_kind<sum>} : vector<16xi1> -> vector<16xi32>
        %convert_element_type3A_1428 = arith.extui %eq3A_1229 : vector<16xi1> to vector<16xi32>
        %broadcast_in_dim3A_1429 = arith.constant true
        %broadcast_in_dim3A_1430 = vector.broadcast %broadcast_in_dim3A_1429 : i1 to vector<16xi1>
        %masked_cumsum3A_1431 = tpu.scan <sum>, %convert_element_type3A_1428 masked %broadcast_in_dim3A_1430 : vector<16xi32>, vector<16xi1> -> vector<16xi32>
        %sub3A_1432 = arith.subi %masked_cumsum3A_1431, %convert_element_type3A_1428 : vector<16xi32>
        %add3A_1433 = arith.addi %add3A_1412, %sub3A_1432 : vector<16xi32>
        %lt3A_1434 = arith.cmpi slt, %add3A_1433, %broadcast_in_dim3A_56 : vector<16xi32>
        %and3A_1435 = arith.andi %eq3A_1229, %lt3A_1434 : vector<16xi1>
        %convert_element_type3A_1436 = arith.extui %and3A_1435 : vector<16xi1> to vector<16xi32>
        %broadcast_in_dim3A_1437 = arith.constant true
        %broadcast_in_dim3A_1438 = vector.broadcast %broadcast_in_dim3A_1437 : i1 to vector<16xi1>
        %masked_cumsum3A_1439 = tpu.scan <sum>, %convert_element_type3A_1436 masked %broadcast_in_dim3A_1438 : vector<16xi32>, vector<16xi1> -> vector<16xi32>
        %sub3A_1440 = arith.subi %masked_cumsum3A_1439, %convert_element_type3A_1436 : vector<16xi32>
        %add3A_1441 = arith.addi %add3A_1411, %all_reduce_population_count3A_1427 : vector<16xi32>
        %add3A_1442 = arith.addi %add3A_1441, %sub3A_1440 : vector<16xi32>
        tpu.vector_store_idx %arg9[%add3A_1442], %bitcast_convert_type3A_1227 masked %and3A_1435 : memref<1024xi32, #tpu.memory_space<vmem>>[vector<16xi32>], vector<16xi32>, vector<16xi1>
        tpu.vector_store_idx %arg10[%add3A_1442], %add3A_1419 masked %and3A_1435 : memref<1024xi32, #tpu.memory_space<vmem>>[vector<16xi32>], vector<16xi32>, vector<16xi1>
        %all_reduce_population_count3A_1443 = tpu.all_reduce %and3A_1435 {dim = 0 : i64, kind = #tpu.reduction_kind<sum>} : vector<16xi1> -> vector<16xi32>
        %add3A_1444 = arith.addi %add3A_1411, %all_reduce_population_count3A_1427 : vector<16xi32>
        %add3A_1445 = arith.addi %add3A_1444, %all_reduce_population_count3A_1443 : vector<16xi32>
        %add3A_1446 = arith.addi %add3A_1412, %all_reduce_population_count3A_1443 : vector<16xi32>
        %mul3A_1447 = arith.constant 128 : i32
        %mul3A_1448 = arith.muli %scan3A_1177, %mul3A_1447 : i32
        %add3A_1449 = arith.addi %mul3A_58, %mul3A_1448 : i32
        %add3A_1450 = arith.constant 80 : i32
        %add3A_1451 = arith.addi %add3A_1449, %add3A_1450 : i32
        %broadcast_in_dim3A_1452 = vector.broadcast %add3A_1451 : i32 to vector<16xi32>
        %add3A_1453 = arith.addi %broadcast_in_dim3A_1452, %iota3A : vector<16xi32>
        %convert_element_type3A_1454 = arith.extui %gt3A_1239 : vector<16xi1> to vector<16xi32>
        %broadcast_in_dim3A_1455 = arith.constant true
        %broadcast_in_dim3A_1456 = vector.broadcast %broadcast_in_dim3A_1455 : i1 to vector<16xi1>
        %masked_cumsum3A_1457 = tpu.scan <sum>, %convert_element_type3A_1454 masked %broadcast_in_dim3A_1456 : vector<16xi32>, vector<16xi1> -> vector<16xi32>
        %sub3A_1458 = arith.subi %masked_cumsum3A_1457, %convert_element_type3A_1454 : vector<16xi32>
        %add3A_1459 = arith.addi %add3A_1445, %sub3A_1458 : vector<16xi32>
        tpu.vector_store_idx %arg9[%add3A_1459], %bitcast_convert_type3A_1238 masked %gt3A_1239 : memref<1024xi32, #tpu.memory_space<vmem>>[vector<16xi32>], vector<16xi32>, vector<16xi1>
        %add3A_1460 = arith.addi %add3A_1445, %sub3A_1458 : vector<16xi32>
        tpu.vector_store_idx %arg10[%add3A_1460], %add3A_1453 masked %gt3A_1239 : memref<1024xi32, #tpu.memory_space<vmem>>[vector<16xi32>], vector<16xi32>, vector<16xi1>
        %all_reduce_population_count3A_1461 = tpu.all_reduce %gt3A_1239 {dim = 0 : i64, kind = #tpu.reduction_kind<sum>} : vector<16xi1> -> vector<16xi32>
        %convert_element_type3A_1462 = arith.extui %eq3A_1240 : vector<16xi1> to vector<16xi32>
        %broadcast_in_dim3A_1463 = arith.constant true
        %broadcast_in_dim3A_1464 = vector.broadcast %broadcast_in_dim3A_1463 : i1 to vector<16xi1>
        %masked_cumsum3A_1465 = tpu.scan <sum>, %convert_element_type3A_1462 masked %broadcast_in_dim3A_1464 : vector<16xi32>, vector<16xi1> -> vector<16xi32>
        %sub3A_1466 = arith.subi %masked_cumsum3A_1465, %convert_element_type3A_1462 : vector<16xi32>
        %add3A_1467 = arith.addi %add3A_1446, %sub3A_1466 : vector<16xi32>
        %lt3A_1468 = arith.cmpi slt, %add3A_1467, %broadcast_in_dim3A_56 : vector<16xi32>
        %and3A_1469 = arith.andi %eq3A_1240, %lt3A_1468 : vector<16xi1>
        %convert_element_type3A_1470 = arith.extui %and3A_1469 : vector<16xi1> to vector<16xi32>
        %broadcast_in_dim3A_1471 = arith.constant true
        %broadcast_in_dim3A_1472 = vector.broadcast %broadcast_in_dim3A_1471 : i1 to vector<16xi1>
        %masked_cumsum3A_1473 = tpu.scan <sum>, %convert_element_type3A_1470 masked %broadcast_in_dim3A_1472 : vector<16xi32>, vector<16xi1> -> vector<16xi32>
        %sub3A_1474 = arith.subi %masked_cumsum3A_1473, %convert_element_type3A_1470 : vector<16xi32>
        %add3A_1475 = arith.addi %add3A_1445, %all_reduce_population_count3A_1461 : vector<16xi32>
        %add3A_1476 = arith.addi %add3A_1475, %sub3A_1474 : vector<16xi32>
        tpu.vector_store_idx %arg9[%add3A_1476], %bitcast_convert_type3A_1238 masked %and3A_1469 : memref<1024xi32, #tpu.memory_space<vmem>>[vector<16xi32>], vector<16xi32>, vector<16xi1>
        tpu.vector_store_idx %arg10[%add3A_1476], %add3A_1453 masked %and3A_1469 : memref<1024xi32, #tpu.memory_space<vmem>>[vector<16xi32>], vector<16xi32>, vector<16xi1>
        %all_reduce_population_count3A_1477 = tpu.all_reduce %and3A_1469 {dim = 0 : i64, kind = #tpu.reduction_kind<sum>} : vector<16xi1> -> vector<16xi32>
        %add3A_1478 = arith.addi %add3A_1445, %all_reduce_population_count3A_1461 : vector<16xi32>
        %add3A_1479 = arith.addi %add3A_1478, %all_reduce_population_count3A_1477 : vector<16xi32>
        %add3A_1480 = arith.addi %add3A_1446, %all_reduce_population_count3A_1477 : vector<16xi32>
        %mul3A_1481 = arith.constant 128 : i32
        %mul3A_1482 = arith.muli %scan3A_1177, %mul3A_1481 : i32
        %add3A_1483 = arith.addi %mul3A_58, %mul3A_1482 : i32
        %add3A_1484 = arith.constant 96 : i32
        %add3A_1485 = arith.addi %add3A_1483, %add3A_1484 : i32
        %broadcast_in_dim3A_1486 = vector.broadcast %add3A_1485 : i32 to vector<16xi32>
        %add3A_1487 = arith.addi %broadcast_in_dim3A_1486, %iota3A : vector<16xi32>
        %convert_element_type3A_1488 = arith.extui %gt3A_1250 : vector<16xi1> to vector<16xi32>
        %broadcast_in_dim3A_1489 = arith.constant true
        %broadcast_in_dim3A_1490 = vector.broadcast %broadcast_in_dim3A_1489 : i1 to vector<16xi1>
        %masked_cumsum3A_1491 = tpu.scan <sum>, %convert_element_type3A_1488 masked %broadcast_in_dim3A_1490 : vector<16xi32>, vector<16xi1> -> vector<16xi32>
        %sub3A_1492 = arith.subi %masked_cumsum3A_1491, %convert_element_type3A_1488 : vector<16xi32>
        %add3A_1493 = arith.addi %add3A_1479, %sub3A_1492 : vector<16xi32>
        tpu.vector_store_idx %arg9[%add3A_1493], %bitcast_convert_type3A_1249 masked %gt3A_1250 : memref<1024xi32, #tpu.memory_space<vmem>>[vector<16xi32>], vector<16xi32>, vector<16xi1>
        %add3A_1494 = arith.addi %add3A_1479, %sub3A_1492 : vector<16xi32>
        tpu.vector_store_idx %arg10[%add3A_1494], %add3A_1487 masked %gt3A_1250 : memref<1024xi32, #tpu.memory_space<vmem>>[vector<16xi32>], vector<16xi32>, vector<16xi1>
        %all_reduce_population_count3A_1495 = tpu.all_reduce %gt3A_1250 {dim = 0 : i64, kind = #tpu.reduction_kind<sum>} : vector<16xi1> -> vector<16xi32>
        %convert_element_type3A_1496 = arith.extui %eq3A_1251 : vector<16xi1> to vector<16xi32>
        %broadcast_in_dim3A_1497 = arith.constant true
        %broadcast_in_dim3A_1498 = vector.broadcast %broadcast_in_dim3A_1497 : i1 to vector<16xi1>
        %masked_cumsum3A_1499 = tpu.scan <sum>, %convert_element_type3A_1496 masked %broadcast_in_dim3A_1498 : vector<16xi32>, vector<16xi1> -> vector<16xi32>
        %sub3A_1500 = arith.subi %masked_cumsum3A_1499, %convert_element_type3A_1496 : vector<16xi32>
        %add3A_1501 = arith.addi %add3A_1480, %sub3A_1500 : vector<16xi32>
        %lt3A_1502 = arith.cmpi slt, %add3A_1501, %broadcast_in_dim3A_56 : vector<16xi32>
        %and3A_1503 = arith.andi %eq3A_1251, %lt3A_1502 : vector<16xi1>
        %convert_element_type3A_1504 = arith.extui %and3A_1503 : vector<16xi1> to vector<16xi32>
        %broadcast_in_dim3A_1505 = arith.constant true
        %broadcast_in_dim3A_1506 = vector.broadcast %broadcast_in_dim3A_1505 : i1 to vector<16xi1>
        %masked_cumsum3A_1507 = tpu.scan <sum>, %convert_element_type3A_1504 masked %broadcast_in_dim3A_1506 : vector<16xi32>, vector<16xi1> -> vector<16xi32>
        %sub3A_1508 = arith.subi %masked_cumsum3A_1507, %convert_element_type3A_1504 : vector<16xi32>
        %add3A_1509 = arith.addi %add3A_1479, %all_reduce_population_count3A_1495 : vector<16xi32>
        %add3A_1510 = arith.addi %add3A_1509, %sub3A_1508 : vector<16xi32>
        tpu.vector_store_idx %arg9[%add3A_1510], %bitcast_convert_type3A_1249 masked %and3A_1503 : memref<1024xi32, #tpu.memory_space<vmem>>[vector<16xi32>], vector<16xi32>, vector<16xi1>
        tpu.vector_store_idx %arg10[%add3A_1510], %add3A_1487 masked %and3A_1503 : memref<1024xi32, #tpu.memory_space<vmem>>[vector<16xi32>], vector<16xi32>, vector<16xi1>
        %all_reduce_population_count3A_1511 = tpu.all_reduce %and3A_1503 {dim = 0 : i64, kind = #tpu.reduction_kind<sum>} : vector<16xi1> -> vector<16xi32>
        %add3A_1512 = arith.addi %add3A_1479, %all_reduce_population_count3A_1495 : vector<16xi32>
        %add3A_1513 = arith.addi %add3A_1512, %all_reduce_population_count3A_1511 : vector<16xi32>
        %add3A_1514 = arith.addi %add3A_1480, %all_reduce_population_count3A_1511 : vector<16xi32>
        %mul3A_1515 = arith.constant 128 : i32
        %mul3A_1516 = arith.muli %scan3A_1177, %mul3A_1515 : i32
        %add3A_1517 = arith.addi %mul3A_58, %mul3A_1516 : i32
        %add3A_1518 = arith.constant 112 : i32
        %add3A_1519 = arith.addi %add3A_1517, %add3A_1518 : i32
        %broadcast_in_dim3A_1520 = vector.broadcast %add3A_1519 : i32 to vector<16xi32>
        %add3A_1521 = arith.addi %broadcast_in_dim3A_1520, %iota3A : vector<16xi32>
        %convert_element_type3A_1522 = arith.extui %gt3A_1261 : vector<16xi1> to vector<16xi32>
        %broadcast_in_dim3A_1523 = arith.constant true
        %broadcast_in_dim3A_1524 = vector.broadcast %broadcast_in_dim3A_1523 : i1 to vector<16xi1>
        %masked_cumsum3A_1525 = tpu.scan <sum>, %convert_element_type3A_1522 masked %broadcast_in_dim3A_1524 : vector<16xi32>, vector<16xi1> -> vector<16xi32>
        %sub3A_1526 = arith.subi %masked_cumsum3A_1525, %convert_element_type3A_1522 : vector<16xi32>
        %add3A_1527 = arith.addi %add3A_1513, %sub3A_1526 : vector<16xi32>
        tpu.vector_store_idx %arg9[%add3A_1527], %bitcast_convert_type3A_1260 masked %gt3A_1261 : memref<1024xi32, #tpu.memory_space<vmem>>[vector<16xi32>], vector<16xi32>, vector<16xi1>
        %add3A_1528 = arith.addi %add3A_1513, %sub3A_1526 : vector<16xi32>
        tpu.vector_store_idx %arg10[%add3A_1528], %add3A_1521 masked %gt3A_1261 : memref<1024xi32, #tpu.memory_space<vmem>>[vector<16xi32>], vector<16xi32>, vector<16xi1>
        %all_reduce_population_count3A_1529 = tpu.all_reduce %gt3A_1261 {dim = 0 : i64, kind = #tpu.reduction_kind<sum>} : vector<16xi1> -> vector<16xi32>
        %convert_element_type3A_1530 = arith.extui %eq3A_1262 : vector<16xi1> to vector<16xi32>
        %broadcast_in_dim3A_1531 = arith.constant true
        %broadcast_in_dim3A_1532 = vector.broadcast %broadcast_in_dim3A_1531 : i1 to vector<16xi1>
        %masked_cumsum3A_1533 = tpu.scan <sum>, %convert_element_type3A_1530 masked %broadcast_in_dim3A_1532 : vector<16xi32>, vector<16xi1> -> vector<16xi32>
        %sub3A_1534 = arith.subi %masked_cumsum3A_1533, %convert_element_type3A_1530 : vector<16xi32>
        %add3A_1535 = arith.addi %add3A_1514, %sub3A_1534 : vector<16xi32>
        %lt3A_1536 = arith.cmpi slt, %add3A_1535, %broadcast_in_dim3A_56 : vector<16xi32>
        %and3A_1537 = arith.andi %eq3A_1262, %lt3A_1536 : vector<16xi1>
        %convert_element_type3A_1538 = arith.extui %and3A_1537 : vector<16xi1> to vector<16xi32>
        %broadcast_in_dim3A_1539 = arith.constant true
        %broadcast_in_dim3A_1540 = vector.broadcast %broadcast_in_dim3A_1539 : i1 to vector<16xi1>
        %masked_cumsum3A_1541 = tpu.scan <sum>, %convert_element_type3A_1538 masked %broadcast_in_dim3A_1540 : vector<16xi32>, vector<16xi1> -> vector<16xi32>
        %sub3A_1542 = arith.subi %masked_cumsum3A_1541, %convert_element_type3A_1538 : vector<16xi32>
        %add3A_1543 = arith.addi %add3A_1513, %all_reduce_population_count3A_1529 : vector<16xi32>
        %add3A_1544 = arith.addi %add3A_1543, %sub3A_1542 : vector<16xi32>
        tpu.vector_store_idx %arg9[%add3A_1544], %bitcast_convert_type3A_1260 masked %and3A_1537 : memref<1024xi32, #tpu.memory_space<vmem>>[vector<16xi32>], vector<16xi32>, vector<16xi1>
        tpu.vector_store_idx %arg10[%add3A_1544], %add3A_1521 masked %and3A_1537 : memref<1024xi32, #tpu.memory_space<vmem>>[vector<16xi32>], vector<16xi32>, vector<16xi1>
        %all_reduce_population_count3A_1545 = tpu.all_reduce %and3A_1537 {dim = 0 : i64, kind = #tpu.reduction_kind<sum>} : vector<16xi1> -> vector<16xi32>
        %add3A_1546 = arith.addi %add3A_1513, %all_reduce_population_count3A_1529 : vector<16xi32>
        %add3A_1547 = arith.addi %add3A_1546, %all_reduce_population_count3A_1545 : vector<16xi32>
        %add3A_1548 = arith.addi %add3A_1514, %all_reduce_population_count3A_1545 : vector<16xi32>
        scf.yield %add3A_1547, %add3A_1548 : vector<16xi32>, vector<16xi32>
      } else {
        scf.yield %scan3A_1178, %scan3A_1179 : vector<16xi32>, vector<16xi32>
      }
      scf.yield %cond3A_1278#0, %cond3A_1278#1 : vector<16xi32>, vector<16xi32>
    }
    %scan3A_68 = arith.constant 640 : i32
    %reduce_max3A = arith.constant true
    %reduce_max3A_69 = vector.broadcast %reduce_max3A : i1 to vector<16xi1>
    %reduce_max3A_70 = arith.constant -2147483648 : i32
    %reduce_max3A_71 = vector.broadcast %reduce_max3A_70 : i32 to vector<16xi32>
    %reduce_max3A_72 = arith.xori %scan3A_67#0, %reduce_max3A_71 : vector<16xi32>
    %reduce_max3A_73 = tpu.scan <max>, %reduce_max3A_72 masked %reduce_max3A_69 : vector<16xi32>, vector<16xi1> -> vector<16xi32>
    %reduce_max3A_74 = arith.xori %reduce_max3A_73, %reduce_max3A_71 : vector<16xi32>
    %reduce_max3A_75 = vector.extract %reduce_max3A_74[15] : i32 from vector<16xi32>
    %broadcast_in_dim3A_76 = vector.broadcast %reduce_max3A_75 : i32 to vector<16xi32>
    %swap3A = arith.constant 0 : index
    %swap3A_77 = tpu.vector_load %arg7[%swap3A] {strides = array<i32>} : memref<256xi32, #tpu.memory_space<vmem>>, vector<16xi32>,
    tpu.vector_store %arg7[%swap3A], %broadcast_in_dim3A_76 {strides = array<i32>} : memref<256xi32, #tpu.memory_space<vmem>>, vector<16xi32>,
    %mul3A_78 = arith.constant 16 : i32
    %mul3A_79 = arith.muli %arg1, %mul3A_78 : i32
    "tpu.region"() ({
      %run_scoped3A_1177 = tpu.sem_alloc : memref<!tpu.dma_semaphore, #tpu.memory_space<semaphore_mem>>
      %dma_start3A = arith.constant 0 : i32
      %dma_start3A_1178 = tpu.memref_slice %arg7[%dma_start3A] : memref<256xi32, #tpu.memory_space<vmem>> -> memref<16xi32, #tpu.memory_space<vmem>>
      %dma_start3A_1179 = tpu.memref_slice %arg21[%mul3A_79] : memref<256xi32, #tpu.memory_space<vmem_shared>> -> memref<16xi32, #tpu.memory_space<vmem_shared>>
      %dma_start3A_1180 = tpu.memref_slice %arg21[%mul3A_79] : memref<256xi32, #tpu.memory_space<vmem_shared>> -> memref<16xi32, #tpu.memory_space<vmem_shared>>
      %dma_start3A_1181 = arith.constant 0 : i32
      %dma_start3A_1182 = tpu.memref_slice %arg7[%dma_start3A_1181] : memref<256xi32, #tpu.memory_space<vmem>> -> memref<16xi32, #tpu.memory_space<vmem>>
      tpu.enqueue_dma source(%dma_start3A_1182 : memref<16xi32, #tpu.memory_space<vmem>>) target(%dma_start3A_1180 : memref<16xi32, #tpu.memory_space<vmem_shared>>) target_semaphore(%run_scoped3A_1177 : memref<!tpu.dma_semaphore, #tpu.memory_space<semaphore_mem>>)
      %dma_wait3A = arith.constant 0 : i32
      %dma_wait3A_1183 = tpu.memref_slice %arg7[%dma_wait3A] : memref<256xi32, #tpu.memory_space<vmem>> -> memref<16xi32, #tpu.memory_space<vmem>>
      %dma_wait3A_1184 = tpu.memref_slice %arg21[%mul3A_79] : memref<256xi32, #tpu.memory_space<vmem_shared>> -> memref<16xi32, #tpu.memory_space<vmem_shared>>
      %dma_wait3A_1185 = tpu.memref_slice %arg21[%mul3A_79] : memref<256xi32, #tpu.memory_space<vmem_shared>> -> memref<16xi32, #tpu.memory_space<vmem_shared>>
      %dma_wait3A_1186 = arith.constant 0 : i32
      %dma_wait3A_1187 = tpu.memref_slice %arg7[%dma_wait3A_1186] : memref<256xi32, #tpu.memory_space<vmem>> -> memref<16xi32, #tpu.memory_space<vmem>>
      tpu.wait_dma2 semaphore(%run_scoped3A_1177 : memref<!tpu.dma_semaphore, #tpu.memory_space<semaphore_mem>>) src(%dma_wait3A_1187 : memref<16xi32, #tpu.memory_space<vmem>>) dst(%dma_wait3A_1185 : memref<16xi32, #tpu.memory_space<vmem_shared>>)
      tpu.yield
    }) : () -> ()
    %barrier3A_80 = arith.constant 0 : index
    tpu.barrier barrier_id(%barrier3A_80)
    "tpu.region"() ({
      %run_scoped3A_1177 = tpu.sem_alloc : memref<!tpu.dma_semaphore, #tpu.memory_space<semaphore_mem>>
      tpu.enqueue_dma source(%arg21 : memref<256xi32, #tpu.memory_space<vmem_shared>>) target(%arg17 : memref<256xi32, #tpu.memory_space<vmem>>) target_semaphore(%run_scoped3A_1177 : memref<!tpu.dma_semaphore, #tpu.memory_space<semaphore_mem>>)
      tpu.wait_dma2 semaphore(%run_scoped3A_1177 : memref<!tpu.dma_semaphore, #tpu.memory_space<semaphore_mem>>) src(%arg21 : memref<256xi32, #tpu.memory_space<vmem_shared>>) dst(%arg17 : memref<256xi32, #tpu.memory_space<vmem>>)
      tpu.yield
    }) : () -> ()
    %broadcast_in_dim3A_81 = arith.constant 0 : i32
    %broadcast_in_dim3A_82 = vector.broadcast %broadcast_in_dim3A_81 : i32 to vector<16xi32>
    %scan3A_83 = arith.constant 0 : i32
    %scan3A_84 = arith.constant 16 : i32
    %scan3A_85 = arith.addi %scan3A_83, %scan3A_84 : i32
    %scan3A_86 = arith.constant 1 : i32
    %scan3A_87 = scf.for %scan3A_1177 = %scan3A_83 to %scan3A_85 step %scan3A_86 iter_args(%scan3A_1178 = %broadcast_in_dim3A_82) -> (vector<16xi32>)  : i32 {
      %mul3A_1179 = arith.constant 16 : i32
      %mul3A_1180 = arith.muli %scan3A_1177, %mul3A_1179 : i32
      %get3A_1181 = arith.index_cast %mul3A_1180 : i32 to index
      %get3A_1182 = tpu.vector_load %arg17[%get3A_1181] {strides = array<i32>} : memref<256xi32, #tpu.memory_space<vmem>>, vector<16xi32>,
      %eq3A_1183 = vector.broadcast %scan3A_1177 : i32 to vector<16xi32>
      %eq3A_1184 = arith.cmpi eq, %iota3A, %eq3A_1183 : vector<16xi32>
      %select_n3A_1185 = arith.select %eq3A_1184, %get3A_1182, %scan3A_1178 : vector<16xi1>, vector<16xi32>
      scf.yield %select_n3A_1185 : vector<16xi32>
    }
    %scan3A_88 = arith.constant 16 : i32
    %broadcast_in_dim3A_89 = arith.constant true
    %broadcast_in_dim3A_90 = vector.broadcast %broadcast_in_dim3A_89 : i1 to vector<16xi1>
    %masked_cumsum3A = tpu.scan <sum>, %scan3A_87 masked %broadcast_in_dim3A_90 : vector<16xi32>, vector<16xi1> -> vector<16xi32>
    %sub3A = arith.subi %masked_cumsum3A, %scan3A_87 : vector<16xi32>
    %eq3A = vector.broadcast %arg1 : i32 to vector<16xi32>
    %eq3A_91 = arith.cmpi eq, %iota3A, %eq3A : vector<16xi32>
    %jit3A = arith.constant -2147483648 : i32
    %broadcast_in_dim3A_92 = vector.broadcast %jit3A : i32 to vector<16xi32>
    %select_n3A = arith.select %eq3A_91, %sub3A, %broadcast_in_dim3A_92 : vector<16xi1>, vector<16xi32>
    %reduce_max3A_93 = arith.constant true
    %reduce_max3A_94 = vector.broadcast %reduce_max3A_93 : i1 to vector<16xi1>
    %reduce_max3A_95 = arith.constant -2147483648 : i32
    %reduce_max3A_96 = vector.broadcast %reduce_max3A_95 : i32 to vector<16xi32>
    %reduce_max3A_97 = arith.xori %select_n3A, %reduce_max3A_96 : vector<16xi32>
    %reduce_max3A_98 = tpu.scan <max>, %reduce_max3A_97 masked %reduce_max3A_94 : vector<16xi32>, vector<16xi1> -> vector<16xi32>
    %reduce_max3A_99 = arith.xori %reduce_max3A_98, %reduce_max3A_96 : vector<16xi32>
    %reduce_max3A_100 = vector.extract %reduce_max3A_99[15] : i32 from vector<16xi32>
    %broadcast_in_dim3A_101 = arith.constant 0 : i32
    %broadcast_in_dim3A_102 = vector.broadcast %broadcast_in_dim3A_101 : i32 to vector<16xi32>
    %add3A = arith.addi %broadcast_in_dim3A_102, %iota3A : vector<16xi32>
    %broadcast_in_dim3A_103 = vector.broadcast %reduce_max3A_75 : i32 to vector<16xi32>
    %lt3A = arith.cmpi slt, %add3A, %broadcast_in_dim3A_103 : vector<16xi32>
    %broadcast_in_dim3A_104 = vector.broadcast %reduce_max3A_100 : i32 to vector<16xi32>
    %add3A_105 = arith.addi %broadcast_in_dim3A_104, %add3A : vector<16xi32>
    %broadcast_in_dim3A_106 = arith.constant 1024 : i32
    %broadcast_in_dim3A_107 = vector.broadcast %broadcast_in_dim3A_106 : i32 to vector<16xi32>
    %add3A_108 = arith.addi %broadcast_in_dim3A_107, %add3A : vector<16xi32>
    %select_n3A_109 = arith.select %lt3A, %add3A_105, %add3A_108 : vector<16xi1>, vector<16xi32>
    %swap3A_110 = arith.constant 0 : i32
    %swap3A_111 = arith.index_cast %swap3A_110 : i32 to index
    %swap3A_112 = arith.constant 0 : index
    %swap3A_113 = tpu.vector_load %arg13[%swap3A_111, %swap3A_112] {strides = array<i32>} : memref<8x128xi32, #tpu.memory_space<vmem>>, vector<16xi32>,
    tpu.vector_store %arg13[%swap3A_111, %swap3A_112], %select_n3A_109 {strides = array<i32>} : memref<8x128xi32, #tpu.memory_space<vmem>>, vector<16xi32>,
    %broadcast_in_dim3A_114 = arith.constant 16 : i32
    %broadcast_in_dim3A_115 = vector.broadcast %broadcast_in_dim3A_114 : i32 to vector<16xi32>
    %add3A_116 = arith.addi %broadcast_in_dim3A_115, %iota3A : vector<16xi32>
    %broadcast_in_dim3A_117 = vector.broadcast %reduce_max3A_75 : i32 to vector<16xi32>
    %lt3A_118 = arith.cmpi slt, %add3A_116, %broadcast_in_dim3A_117 : vector<16xi32>
    %broadcast_in_dim3A_119 = vector.broadcast %reduce_max3A_100 : i32 to vector<16xi32>
    %add3A_120 = arith.addi %broadcast_in_dim3A_119, %add3A_116 : vector<16xi32>
    %broadcast_in_dim3A_121 = arith.constant 1024 : i32
    %broadcast_in_dim3A_122 = vector.broadcast %broadcast_in_dim3A_121 : i32 to vector<16xi32>
    %add3A_123 = arith.addi %broadcast_in_dim3A_122, %add3A_116 : vector<16xi32>
    %select_n3A_124 = arith.select %lt3A_118, %add3A_120, %add3A_123 : vector<16xi1>, vector<16xi32>
    %swap3A_125 = arith.constant 0 : i32
    %swap3A_126 = arith.index_cast %swap3A_125 : i32 to index
    %swap3A_127 = arith.constant 16 : index
    %swap3A_128 = tpu.vector_load %arg13[%swap3A_126, %swap3A_127] {strides = array<i32>} : memref<8x128xi32, #tpu.memory_space<vmem>>, vector<16xi32>,
    tpu.vector_store %arg13[%swap3A_126, %swap3A_127], %select_n3A_124 {strides = array<i32>} : memref<8x128xi32, #tpu.memory_space<vmem>>, vector<16xi32>,
    %broadcast_in_dim3A_129 = arith.constant 32 : i32
    %broadcast_in_dim3A_130 = vector.broadcast %broadcast_in_dim3A_129 : i32 to vector<16xi32>
    %add3A_131 = arith.addi %broadcast_in_dim3A_130, %iota3A : vector<16xi32>
    %broadcast_in_dim3A_132 = vector.broadcast %reduce_max3A_75 : i32 to vector<16xi32>
    %lt3A_133 = arith.cmpi slt, %add3A_131, %broadcast_in_dim3A_132 : vector<16xi32>
    %broadcast_in_dim3A_134 = vector.broadcast %reduce_max3A_100 : i32 to vector<16xi32>
    %add3A_135 = arith.addi %broadcast_in_dim3A_134, %add3A_131 : vector<16xi32>
    %broadcast_in_dim3A_136 = arith.constant 1024 : i32
    %broadcast_in_dim3A_137 = vector.broadcast %broadcast_in_dim3A_136 : i32 to vector<16xi32>
    %add3A_138 = arith.addi %broadcast_in_dim3A_137, %add3A_131 : vector<16xi32>
    %select_n3A_139 = arith.select %lt3A_133, %add3A_135, %add3A_138 : vector<16xi1>, vector<16xi32>
    %swap3A_140 = arith.constant 0 : i32
    %swap3A_141 = arith.index_cast %swap3A_140 : i32 to index
    %swap3A_142 = arith.constant 32 : index
    %swap3A_143 = tpu.vector_load %arg13[%swap3A_141, %swap3A_142] {strides = array<i32>} : memref<8x128xi32, #tpu.memory_space<vmem>>, vector<16xi32>,
    tpu.vector_store %arg13[%swap3A_141, %swap3A_142], %select_n3A_139 {strides = array<i32>} : memref<8x128xi32, #tpu.memory_space<vmem>>, vector<16xi32>,
    %broadcast_in_dim3A_144 = arith.constant 48 : i32
    %broadcast_in_dim3A_145 = vector.broadcast %broadcast_in_dim3A_144 : i32 to vector<16xi32>
    %add3A_146 = arith.addi %broadcast_in_dim3A_145, %iota3A : vector<16xi32>
    %broadcast_in_dim3A_147 = vector.broadcast %reduce_max3A_75 : i32 to vector<16xi32>
    %lt3A_148 = arith.cmpi slt, %add3A_146, %broadcast_in_dim3A_147 : vector<16xi32>
    %broadcast_in_dim3A_149 = vector.broadcast %reduce_max3A_100 : i32 to vector<16xi32>
    %add3A_150 = arith.addi %broadcast_in_dim3A_149, %add3A_146 : vector<16xi32>
    %broadcast_in_dim3A_151 = arith.constant 1024 : i32
    %broadcast_in_dim3A_152 = vector.broadcast %broadcast_in_dim3A_151 : i32 to vector<16xi32>
    %add3A_153 = arith.addi %broadcast_in_dim3A_152, %add3A_146 : vector<16xi32>
    %select_n3A_154 = arith.select %lt3A_148, %add3A_150, %add3A_153 : vector<16xi1>, vector<16xi32>
    %swap3A_155 = arith.constant 0 : i32
    %swap3A_156 = arith.index_cast %swap3A_155 : i32 to index
    %swap3A_157 = arith.constant 48 : index
    %swap3A_158 = tpu.vector_load %arg13[%swap3A_156, %swap3A_157] {strides = array<i32>} : memref<8x128xi32, #tpu.memory_space<vmem>>, vector<16xi32>,
    tpu.vector_store %arg13[%swap3A_156, %swap3A_157], %select_n3A_154 {strides = array<i32>} : memref<8x128xi32, #tpu.memory_space<vmem>>, vector<16xi32>,
    %broadcast_in_dim3A_159 = arith.constant 64 : i32
    %broadcast_in_dim3A_160 = vector.broadcast %broadcast_in_dim3A_159 : i32 to vector<16xi32>
    %add3A_161 = arith.addi %broadcast_in_dim3A_160, %iota3A : vector<16xi32>
    %broadcast_in_dim3A_162 = vector.broadcast %reduce_max3A_75 : i32 to vector<16xi32>
    %lt3A_163 = arith.cmpi slt, %add3A_161, %broadcast_in_dim3A_162 : vector<16xi32>
    %broadcast_in_dim3A_164 = vector.broadcast %reduce_max3A_100 : i32 to vector<16xi32>
    %add3A_165 = arith.addi %broadcast_in_dim3A_164, %add3A_161 : vector<16xi32>
    %broadcast_in_dim3A_166 = arith.constant 1024 : i32
    %broadcast_in_dim3A_167 = vector.broadcast %broadcast_in_dim3A_166 : i32 to vector<16xi32>
    %add3A_168 = arith.addi %broadcast_in_dim3A_167, %add3A_161 : vector<16xi32>
    %select_n3A_169 = arith.select %lt3A_163, %add3A_165, %add3A_168 : vector<16xi1>, vector<16xi32>
    %swap3A_170 = arith.constant 0 : i32
    %swap3A_171 = arith.index_cast %swap3A_170 : i32 to index
    %swap3A_172 = arith.constant 64 : index
    %swap3A_173 = tpu.vector_load %arg13[%swap3A_171, %swap3A_172] {strides = array<i32>} : memref<8x128xi32, #tpu.memory_space<vmem>>, vector<16xi32>,
    tpu.vector_store %arg13[%swap3A_171, %swap3A_172], %select_n3A_169 {strides = array<i32>} : memref<8x128xi32, #tpu.memory_space<vmem>>, vector<16xi32>,
    %broadcast_in_dim3A_174 = arith.constant 80 : i32
    %broadcast_in_dim3A_175 = vector.broadcast %broadcast_in_dim3A_174 : i32 to vector<16xi32>
    %add3A_176 = arith.addi %broadcast_in_dim3A_175, %iota3A : vector<16xi32>
    %broadcast_in_dim3A_177 = vector.broadcast %reduce_max3A_75 : i32 to vector<16xi32>
    %lt3A_178 = arith.cmpi slt, %add3A_176, %broadcast_in_dim3A_177 : vector<16xi32>
    %broadcast_in_dim3A_179 = vector.broadcast %reduce_max3A_100 : i32 to vector<16xi32>
    %add3A_180 = arith.addi %broadcast_in_dim3A_179, %add3A_176 : vector<16xi32>
    %broadcast_in_dim3A_181 = arith.constant 1024 : i32
    %broadcast_in_dim3A_182 = vector.broadcast %broadcast_in_dim3A_181 : i32 to vector<16xi32>
    %add3A_183 = arith.addi %broadcast_in_dim3A_182, %add3A_176 : vector<16xi32>
    %select_n3A_184 = arith.select %lt3A_178, %add3A_180, %add3A_183 : vector<16xi1>, vector<16xi32>
    %swap3A_185 = arith.constant 0 : i32
    %swap3A_186 = arith.index_cast %swap3A_185 : i32 to index
    %swap3A_187 = arith.constant 80 : index
    %swap3A_188 = tpu.vector_load %arg13[%swap3A_186, %swap3A_187] {strides = array<i32>} : memref<8x128xi32, #tpu.memory_space<vmem>>, vector<16xi32>,
    tpu.vector_store %arg13[%swap3A_186, %swap3A_187], %select_n3A_184 {strides = array<i32>} : memref<8x128xi32, #tpu.memory_space<vmem>>, vector<16xi32>,
    %broadcast_in_dim3A_189 = arith.constant 96 : i32
    %broadcast_in_dim3A_190 = vector.broadcast %broadcast_in_dim3A_189 : i32 to vector<16xi32>
    %add3A_191 = arith.addi %broadcast_in_dim3A_190, %iota3A : vector<16xi32>
    %broadcast_in_dim3A_192 = vector.broadcast %reduce_max3A_75 : i32 to vector<16xi32>
    %lt3A_193 = arith.cmpi slt, %add3A_191, %broadcast_in_dim3A_192 : vector<16xi32>
    %broadcast_in_dim3A_194 = vector.broadcast %reduce_max3A_100 : i32 to vector<16xi32>
    %add3A_195 = arith.addi %broadcast_in_dim3A_194, %add3A_191 : vector<16xi32>
    %broadcast_in_dim3A_196 = arith.constant 1024 : i32
    %broadcast_in_dim3A_197 = vector.broadcast %broadcast_in_dim3A_196 : i32 to vector<16xi32>
    %add3A_198 = arith.addi %broadcast_in_dim3A_197, %add3A_191 : vector<16xi32>
    %select_n3A_199 = arith.select %lt3A_193, %add3A_195, %add3A_198 : vector<16xi1>, vector<16xi32>
    %swap3A_200 = arith.constant 0 : i32
    %swap3A_201 = arith.index_cast %swap3A_200 : i32 to index
    %swap3A_202 = arith.constant 96 : index
    %swap3A_203 = tpu.vector_load %arg13[%swap3A_201, %swap3A_202] {strides = array<i32>} : memref<8x128xi32, #tpu.memory_space<vmem>>, vector<16xi32>,
    tpu.vector_store %arg13[%swap3A_201, %swap3A_202], %select_n3A_199 {strides = array<i32>} : memref<8x128xi32, #tpu.memory_space<vmem>>, vector<16xi32>,
    %broadcast_in_dim3A_204 = arith.constant 112 : i32
    %broadcast_in_dim3A_205 = vector.broadcast %broadcast_in_dim3A_204 : i32 to vector<16xi32>
    %add3A_206 = arith.addi %broadcast_in_dim3A_205, %iota3A : vector<16xi32>
    %broadcast_in_dim3A_207 = vector.broadcast %reduce_max3A_75 : i32 to vector<16xi32>
    %lt3A_208 = arith.cmpi slt, %add3A_206, %broadcast_in_dim3A_207 : vector<16xi32>
    %broadcast_in_dim3A_209 = vector.broadcast %reduce_max3A_100 : i32 to vector<16xi32>
    %add3A_210 = arith.addi %broadcast_in_dim3A_209, %add3A_206 : vector<16xi32>
    %broadcast_in_dim3A_211 = arith.constant 1024 : i32
    %broadcast_in_dim3A_212 = vector.broadcast %broadcast_in_dim3A_211 : i32 to vector<16xi32>
    %add3A_213 = arith.addi %broadcast_in_dim3A_212, %add3A_206 : vector<16xi32>
    %select_n3A_214 = arith.select %lt3A_208, %add3A_210, %add3A_213 : vector<16xi1>, vector<16xi32>
    %swap3A_215 = arith.constant 0 : i32
    %swap3A_216 = arith.index_cast %swap3A_215 : i32 to index
    %swap3A_217 = arith.constant 112 : index
    %swap3A_218 = tpu.vector_load %arg13[%swap3A_216, %swap3A_217] {strides = array<i32>} : memref<8x128xi32, #tpu.memory_space<vmem>>, vector<16xi32>,
    tpu.vector_store %arg13[%swap3A_216, %swap3A_217], %select_n3A_214 {strides = array<i32>} : memref<8x128xi32, #tpu.memory_space<vmem>>, vector<16xi32>,
    %broadcast_in_dim3A_219 = arith.constant 128 : i32
    %broadcast_in_dim3A_220 = vector.broadcast %broadcast_in_dim3A_219 : i32 to vector<16xi32>
    %add3A_221 = arith.addi %broadcast_in_dim3A_220, %iota3A : vector<16xi32>
    %broadcast_in_dim3A_222 = vector.broadcast %reduce_max3A_75 : i32 to vector<16xi32>
    %lt3A_223 = arith.cmpi slt, %add3A_221, %broadcast_in_dim3A_222 : vector<16xi32>
    %broadcast_in_dim3A_224 = vector.broadcast %reduce_max3A_100 : i32 to vector<16xi32>
    %add3A_225 = arith.addi %broadcast_in_dim3A_224, %add3A_221 : vector<16xi32>
    %broadcast_in_dim3A_226 = arith.constant 1024 : i32
    %broadcast_in_dim3A_227 = vector.broadcast %broadcast_in_dim3A_226 : i32 to vector<16xi32>
    %add3A_228 = arith.addi %broadcast_in_dim3A_227, %add3A_221 : vector<16xi32>
    %select_n3A_229 = arith.select %lt3A_223, %add3A_225, %add3A_228 : vector<16xi1>, vector<16xi32>
    %swap3A_230 = arith.constant 1 : i32
    %swap3A_231 = arith.index_cast %swap3A_230 : i32 to index
    %swap3A_232 = arith.constant 0 : index
    %swap3A_233 = tpu.vector_load %arg13[%swap3A_231, %swap3A_232] {strides = array<i32>} : memref<8x128xi32, #tpu.memory_space<vmem>>, vector<16xi32>,
    tpu.vector_store %arg13[%swap3A_231, %swap3A_232], %select_n3A_229 {strides = array<i32>} : memref<8x128xi32, #tpu.memory_space<vmem>>, vector<16xi32>,
    %broadcast_in_dim3A_234 = arith.constant 144 : i32
    %broadcast_in_dim3A_235 = vector.broadcast %broadcast_in_dim3A_234 : i32 to vector<16xi32>
    %add3A_236 = arith.addi %broadcast_in_dim3A_235, %iota3A : vector<16xi32>
    %broadcast_in_dim3A_237 = vector.broadcast %reduce_max3A_75 : i32 to vector<16xi32>
    %lt3A_238 = arith.cmpi slt, %add3A_236, %broadcast_in_dim3A_237 : vector<16xi32>
    %broadcast_in_dim3A_239 = vector.broadcast %reduce_max3A_100 : i32 to vector<16xi32>
    %add3A_240 = arith.addi %broadcast_in_dim3A_239, %add3A_236 : vector<16xi32>
    %broadcast_in_dim3A_241 = arith.constant 1024 : i32
    %broadcast_in_dim3A_242 = vector.broadcast %broadcast_in_dim3A_241 : i32 to vector<16xi32>
    %add3A_243 = arith.addi %broadcast_in_dim3A_242, %add3A_236 : vector<16xi32>
    %select_n3A_244 = arith.select %lt3A_238, %add3A_240, %add3A_243 : vector<16xi1>, vector<16xi32>
    %swap3A_245 = arith.constant 1 : i32
    %swap3A_246 = arith.index_cast %swap3A_245 : i32 to index
    %swap3A_247 = arith.constant 16 : index
    %swap3A_248 = tpu.vector_load %arg13[%swap3A_246, %swap3A_247] {strides = array<i32>} : memref<8x128xi32, #tpu.memory_space<vmem>>, vector<16xi32>,
    tpu.vector_store %arg13[%swap3A_246, %swap3A_247], %select_n3A_244 {strides = array<i32>} : memref<8x128xi32, #tpu.memory_space<vmem>>, vector<16xi32>,
    %broadcast_in_dim3A_249 = arith.constant 160 : i32
    %broadcast_in_dim3A_250 = vector.broadcast %broadcast_in_dim3A_249 : i32 to vector<16xi32>
    %add3A_251 = arith.addi %broadcast_in_dim3A_250, %iota3A : vector<16xi32>
    %broadcast_in_dim3A_252 = vector.broadcast %reduce_max3A_75 : i32 to vector<16xi32>
    %lt3A_253 = arith.cmpi slt, %add3A_251, %broadcast_in_dim3A_252 : vector<16xi32>
    %broadcast_in_dim3A_254 = vector.broadcast %reduce_max3A_100 : i32 to vector<16xi32>
    %add3A_255 = arith.addi %broadcast_in_dim3A_254, %add3A_251 : vector<16xi32>
    %broadcast_in_dim3A_256 = arith.constant 1024 : i32
    %broadcast_in_dim3A_257 = vector.broadcast %broadcast_in_dim3A_256 : i32 to vector<16xi32>
    %add3A_258 = arith.addi %broadcast_in_dim3A_257, %add3A_251 : vector<16xi32>
    %select_n3A_259 = arith.select %lt3A_253, %add3A_255, %add3A_258 : vector<16xi1>, vector<16xi32>
    %swap3A_260 = arith.constant 1 : i32
    %swap3A_261 = arith.index_cast %swap3A_260 : i32 to index
    %swap3A_262 = arith.constant 32 : index
    %swap3A_263 = tpu.vector_load %arg13[%swap3A_261, %swap3A_262] {strides = array<i32>} : memref<8x128xi32, #tpu.memory_space<vmem>>, vector<16xi32>,
    tpu.vector_store %arg13[%swap3A_261, %swap3A_262], %select_n3A_259 {strides = array<i32>} : memref<8x128xi32, #tpu.memory_space<vmem>>, vector<16xi32>,
    %broadcast_in_dim3A_264 = arith.constant 176 : i32
    %broadcast_in_dim3A_265 = vector.broadcast %broadcast_in_dim3A_264 : i32 to vector<16xi32>
    %add3A_266 = arith.addi %broadcast_in_dim3A_265, %iota3A : vector<16xi32>
    %broadcast_in_dim3A_267 = vector.broadcast %reduce_max3A_75 : i32 to vector<16xi32>
    %lt3A_268 = arith.cmpi slt, %add3A_266, %broadcast_in_dim3A_267 : vector<16xi32>
    %broadcast_in_dim3A_269 = vector.broadcast %reduce_max3A_100 : i32 to vector<16xi32>
    %add3A_270 = arith.addi %broadcast_in_dim3A_269, %add3A_266 : vector<16xi32>
    %broadcast_in_dim3A_271 = arith.constant 1024 : i32
    %broadcast_in_dim3A_272 = vector.broadcast %broadcast_in_dim3A_271 : i32 to vector<16xi32>
    %add3A_273 = arith.addi %broadcast_in_dim3A_272, %add3A_266 : vector<16xi32>
    %select_n3A_274 = arith.select %lt3A_268, %add3A_270, %add3A_273 : vector<16xi1>, vector<16xi32>
    %swap3A_275 = arith.constant 1 : i32
    %swap3A_276 = arith.index_cast %swap3A_275 : i32 to index
    %swap3A_277 = arith.constant 48 : index
    %swap3A_278 = tpu.vector_load %arg13[%swap3A_276, %swap3A_277] {strides = array<i32>} : memref<8x128xi32, #tpu.memory_space<vmem>>, vector<16xi32>,
    tpu.vector_store %arg13[%swap3A_276, %swap3A_277], %select_n3A_274 {strides = array<i32>} : memref<8x128xi32, #tpu.memory_space<vmem>>, vector<16xi32>,
    %broadcast_in_dim3A_279 = arith.constant 192 : i32
    %broadcast_in_dim3A_280 = vector.broadcast %broadcast_in_dim3A_279 : i32 to vector<16xi32>
    %add3A_281 = arith.addi %broadcast_in_dim3A_280, %iota3A : vector<16xi32>
    %broadcast_in_dim3A_282 = vector.broadcast %reduce_max3A_75 : i32 to vector<16xi32>
    %lt3A_283 = arith.cmpi slt, %add3A_281, %broadcast_in_dim3A_282 : vector<16xi32>
    %broadcast_in_dim3A_284 = vector.broadcast %reduce_max3A_100 : i32 to vector<16xi32>
    %add3A_285 = arith.addi %broadcast_in_dim3A_284, %add3A_281 : vector<16xi32>
    %broadcast_in_dim3A_286 = arith.constant 1024 : i32
    %broadcast_in_dim3A_287 = vector.broadcast %broadcast_in_dim3A_286 : i32 to vector<16xi32>
    %add3A_288 = arith.addi %broadcast_in_dim3A_287, %add3A_281 : vector<16xi32>
    %select_n3A_289 = arith.select %lt3A_283, %add3A_285, %add3A_288 : vector<16xi1>, vector<16xi32>
    %swap3A_290 = arith.constant 1 : i32
    %swap3A_291 = arith.index_cast %swap3A_290 : i32 to index
    %swap3A_292 = arith.constant 64 : index
    %swap3A_293 = tpu.vector_load %arg13[%swap3A_291, %swap3A_292] {strides = array<i32>} : memref<8x128xi32, #tpu.memory_space<vmem>>, vector<16xi32>,
    tpu.vector_store %arg13[%swap3A_291, %swap3A_292], %select_n3A_289 {strides = array<i32>} : memref<8x128xi32, #tpu.memory_space<vmem>>, vector<16xi32>,
    %broadcast_in_dim3A_294 = arith.constant 208 : i32
    %broadcast_in_dim3A_295 = vector.broadcast %broadcast_in_dim3A_294 : i32 to vector<16xi32>
    %add3A_296 = arith.addi %broadcast_in_dim3A_295, %iota3A : vector<16xi32>
    %broadcast_in_dim3A_297 = vector.broadcast %reduce_max3A_75 : i32 to vector<16xi32>
    %lt3A_298 = arith.cmpi slt, %add3A_296, %broadcast_in_dim3A_297 : vector<16xi32>
    %broadcast_in_dim3A_299 = vector.broadcast %reduce_max3A_100 : i32 to vector<16xi32>
    %add3A_300 = arith.addi %broadcast_in_dim3A_299, %add3A_296 : vector<16xi32>
    %broadcast_in_dim3A_301 = arith.constant 1024 : i32
    %broadcast_in_dim3A_302 = vector.broadcast %broadcast_in_dim3A_301 : i32 to vector<16xi32>
    %add3A_303 = arith.addi %broadcast_in_dim3A_302, %add3A_296 : vector<16xi32>
    %select_n3A_304 = arith.select %lt3A_298, %add3A_300, %add3A_303 : vector<16xi1>, vector<16xi32>
    %swap3A_305 = arith.constant 1 : i32
    %swap3A_306 = arith.index_cast %swap3A_305 : i32 to index
    %swap3A_307 = arith.constant 80 : index
    %swap3A_308 = tpu.vector_load %arg13[%swap3A_306, %swap3A_307] {strides = array<i32>} : memref<8x128xi32, #tpu.memory_space<vmem>>, vector<16xi32>,
    tpu.vector_store %arg13[%swap3A_306, %swap3A_307], %select_n3A_304 {strides = array<i32>} : memref<8x128xi32, #tpu.memory_space<vmem>>, vector<16xi32>,
    %broadcast_in_dim3A_309 = arith.constant 224 : i32
    %broadcast_in_dim3A_310 = vector.broadcast %broadcast_in_dim3A_309 : i32 to vector<16xi32>
    %add3A_311 = arith.addi %broadcast_in_dim3A_310, %iota3A : vector<16xi32>
    %broadcast_in_dim3A_312 = vector.broadcast %reduce_max3A_75 : i32 to vector<16xi32>
    %lt3A_313 = arith.cmpi slt, %add3A_311, %broadcast_in_dim3A_312 : vector<16xi32>
    %broadcast_in_dim3A_314 = vector.broadcast %reduce_max3A_100 : i32 to vector<16xi32>
    %add3A_315 = arith.addi %broadcast_in_dim3A_314, %add3A_311 : vector<16xi32>
    %broadcast_in_dim3A_316 = arith.constant 1024 : i32
    %broadcast_in_dim3A_317 = vector.broadcast %broadcast_in_dim3A_316 : i32 to vector<16xi32>
    %add3A_318 = arith.addi %broadcast_in_dim3A_317, %add3A_311 : vector<16xi32>
    %select_n3A_319 = arith.select %lt3A_313, %add3A_315, %add3A_318 : vector<16xi1>, vector<16xi32>
    %swap3A_320 = arith.constant 1 : i32
    %swap3A_321 = arith.index_cast %swap3A_320 : i32 to index
    %swap3A_322 = arith.constant 96 : index
    %swap3A_323 = tpu.vector_load %arg13[%swap3A_321, %swap3A_322] {strides = array<i32>} : memref<8x128xi32, #tpu.memory_space<vmem>>, vector<16xi32>,
    tpu.vector_store %arg13[%swap3A_321, %swap3A_322], %select_n3A_319 {strides = array<i32>} : memref<8x128xi32, #tpu.memory_space<vmem>>, vector<16xi32>,
    %broadcast_in_dim3A_324 = arith.constant 240 : i32
    %broadcast_in_dim3A_325 = vector.broadcast %broadcast_in_dim3A_324 : i32 to vector<16xi32>
    %add3A_326 = arith.addi %broadcast_in_dim3A_325, %iota3A : vector<16xi32>
    %broadcast_in_dim3A_327 = vector.broadcast %reduce_max3A_75 : i32 to vector<16xi32>
    %lt3A_328 = arith.cmpi slt, %add3A_326, %broadcast_in_dim3A_327 : vector<16xi32>
    %broadcast_in_dim3A_329 = vector.broadcast %reduce_max3A_100 : i32 to vector<16xi32>
    %add3A_330 = arith.addi %broadcast_in_dim3A_329, %add3A_326 : vector<16xi32>
    %broadcast_in_dim3A_331 = arith.constant 1024 : i32
    %broadcast_in_dim3A_332 = vector.broadcast %broadcast_in_dim3A_331 : i32 to vector<16xi32>
    %add3A_333 = arith.addi %broadcast_in_dim3A_332, %add3A_326 : vector<16xi32>
    %select_n3A_334 = arith.select %lt3A_328, %add3A_330, %add3A_333 : vector<16xi1>, vector<16xi32>
    %swap3A_335 = arith.constant 1 : i32
    %swap3A_336 = arith.index_cast %swap3A_335 : i32 to index
    %swap3A_337 = arith.constant 112 : index
    %swap3A_338 = tpu.vector_load %arg13[%swap3A_336, %swap3A_337] {strides = array<i32>} : memref<8x128xi32, #tpu.memory_space<vmem>>, vector<16xi32>,
    tpu.vector_store %arg13[%swap3A_336, %swap3A_337], %select_n3A_334 {strides = array<i32>} : memref<8x128xi32, #tpu.memory_space<vmem>>, vector<16xi32>,
    %broadcast_in_dim3A_339 = arith.constant 256 : i32
    %broadcast_in_dim3A_340 = vector.broadcast %broadcast_in_dim3A_339 : i32 to vector<16xi32>
    %add3A_341 = arith.addi %broadcast_in_dim3A_340, %iota3A : vector<16xi32>
    %broadcast_in_dim3A_342 = vector.broadcast %reduce_max3A_75 : i32 to vector<16xi32>
    %lt3A_343 = arith.cmpi slt, %add3A_341, %broadcast_in_dim3A_342 : vector<16xi32>
    %broadcast_in_dim3A_344 = vector.broadcast %reduce_max3A_100 : i32 to vector<16xi32>
    %add3A_345 = arith.addi %broadcast_in_dim3A_344, %add3A_341 : vector<16xi32>
    %broadcast_in_dim3A_346 = arith.constant 1024 : i32
    %broadcast_in_dim3A_347 = vector.broadcast %broadcast_in_dim3A_346 : i32 to vector<16xi32>
    %add3A_348 = arith.addi %broadcast_in_dim3A_347, %add3A_341 : vector<16xi32>
    %select_n3A_349 = arith.select %lt3A_343, %add3A_345, %add3A_348 : vector<16xi1>, vector<16xi32>
    %swap3A_350 = arith.constant 2 : i32
    %swap3A_351 = arith.index_cast %swap3A_350 : i32 to index
    %swap3A_352 = arith.constant 0 : index
    %swap3A_353 = tpu.vector_load %arg13[%swap3A_351, %swap3A_352] {strides = array<i32>} : memref<8x128xi32, #tpu.memory_space<vmem>>, vector<16xi32>,
    tpu.vector_store %arg13[%swap3A_351, %swap3A_352], %select_n3A_349 {strides = array<i32>} : memref<8x128xi32, #tpu.memory_space<vmem>>, vector<16xi32>,
    %broadcast_in_dim3A_354 = arith.constant 272 : i32
    %broadcast_in_dim3A_355 = vector.broadcast %broadcast_in_dim3A_354 : i32 to vector<16xi32>
    %add3A_356 = arith.addi %broadcast_in_dim3A_355, %iota3A : vector<16xi32>
    %broadcast_in_dim3A_357 = vector.broadcast %reduce_max3A_75 : i32 to vector<16xi32>
    %lt3A_358 = arith.cmpi slt, %add3A_356, %broadcast_in_dim3A_357 : vector<16xi32>
    %broadcast_in_dim3A_359 = vector.broadcast %reduce_max3A_100 : i32 to vector<16xi32>
    %add3A_360 = arith.addi %broadcast_in_dim3A_359, %add3A_356 : vector<16xi32>
    %broadcast_in_dim3A_361 = arith.constant 1024 : i32
    %broadcast_in_dim3A_362 = vector.broadcast %broadcast_in_dim3A_361 : i32 to vector<16xi32>
    %add3A_363 = arith.addi %broadcast_in_dim3A_362, %add3A_356 : vector<16xi32>
    %select_n3A_364 = arith.select %lt3A_358, %add3A_360, %add3A_363 : vector<16xi1>, vector<16xi32>
    %swap3A_365 = arith.constant 2 : i32
    %swap3A_366 = arith.index_cast %swap3A_365 : i32 to index
    %swap3A_367 = arith.constant 16 : index
    %swap3A_368 = tpu.vector_load %arg13[%swap3A_366, %swap3A_367] {strides = array<i32>} : memref<8x128xi32, #tpu.memory_space<vmem>>, vector<16xi32>,
    tpu.vector_store %arg13[%swap3A_366, %swap3A_367], %select_n3A_364 {strides = array<i32>} : memref<8x128xi32, #tpu.memory_space<vmem>>, vector<16xi32>,
    %broadcast_in_dim3A_369 = arith.constant 288 : i32
    %broadcast_in_dim3A_370 = vector.broadcast %broadcast_in_dim3A_369 : i32 to vector<16xi32>
    %add3A_371 = arith.addi %broadcast_in_dim3A_370, %iota3A : vector<16xi32>
    %broadcast_in_dim3A_372 = vector.broadcast %reduce_max3A_75 : i32 to vector<16xi32>
    %lt3A_373 = arith.cmpi slt, %add3A_371, %broadcast_in_dim3A_372 : vector<16xi32>
    %broadcast_in_dim3A_374 = vector.broadcast %reduce_max3A_100 : i32 to vector<16xi32>
    %add3A_375 = arith.addi %broadcast_in_dim3A_374, %add3A_371 : vector<16xi32>
    %broadcast_in_dim3A_376 = arith.constant 1024 : i32
    %broadcast_in_dim3A_377 = vector.broadcast %broadcast_in_dim3A_376 : i32 to vector<16xi32>
    %add3A_378 = arith.addi %broadcast_in_dim3A_377, %add3A_371 : vector<16xi32>
    %select_n3A_379 = arith.select %lt3A_373, %add3A_375, %add3A_378 : vector<16xi1>, vector<16xi32>
    %swap3A_380 = arith.constant 2 : i32
    %swap3A_381 = arith.index_cast %swap3A_380 : i32 to index
    %swap3A_382 = arith.constant 32 : index
    %swap3A_383 = tpu.vector_load %arg13[%swap3A_381, %swap3A_382] {strides = array<i32>} : memref<8x128xi32, #tpu.memory_space<vmem>>, vector<16xi32>,
    tpu.vector_store %arg13[%swap3A_381, %swap3A_382], %select_n3A_379 {strides = array<i32>} : memref<8x128xi32, #tpu.memory_space<vmem>>, vector<16xi32>,
    %broadcast_in_dim3A_384 = arith.constant 304 : i32
    %broadcast_in_dim3A_385 = vector.broadcast %broadcast_in_dim3A_384 : i32 to vector<16xi32>
    %add3A_386 = arith.addi %broadcast_in_dim3A_385, %iota3A : vector<16xi32>
    %broadcast_in_dim3A_387 = vector.broadcast %reduce_max3A_75 : i32 to vector<16xi32>
    %lt3A_388 = arith.cmpi slt, %add3A_386, %broadcast_in_dim3A_387 : vector<16xi32>
    %broadcast_in_dim3A_389 = vector.broadcast %reduce_max3A_100 : i32 to vector<16xi32>
    %add3A_390 = arith.addi %broadcast_in_dim3A_389, %add3A_386 : vector<16xi32>
    %broadcast_in_dim3A_391 = arith.constant 1024 : i32
    %broadcast_in_dim3A_392 = vector.broadcast %broadcast_in_dim3A_391 : i32 to vector<16xi32>
    %add3A_393 = arith.addi %broadcast_in_dim3A_392, %add3A_386 : vector<16xi32>
    %select_n3A_394 = arith.select %lt3A_388, %add3A_390, %add3A_393 : vector<16xi1>, vector<16xi32>
    %swap3A_395 = arith.constant 2 : i32
    %swap3A_396 = arith.index_cast %swap3A_395 : i32 to index
    %swap3A_397 = arith.constant 48 : index
    %swap3A_398 = tpu.vector_load %arg13[%swap3A_396, %swap3A_397] {strides = array<i32>} : memref<8x128xi32, #tpu.memory_space<vmem>>, vector<16xi32>,
    tpu.vector_store %arg13[%swap3A_396, %swap3A_397], %select_n3A_394 {strides = array<i32>} : memref<8x128xi32, #tpu.memory_space<vmem>>, vector<16xi32>,
    %broadcast_in_dim3A_399 = arith.constant 320 : i32
    %broadcast_in_dim3A_400 = vector.broadcast %broadcast_in_dim3A_399 : i32 to vector<16xi32>
    %add3A_401 = arith.addi %broadcast_in_dim3A_400, %iota3A : vector<16xi32>
    %broadcast_in_dim3A_402 = vector.broadcast %reduce_max3A_75 : i32 to vector<16xi32>
    %lt3A_403 = arith.cmpi slt, %add3A_401, %broadcast_in_dim3A_402 : vector<16xi32>
    %broadcast_in_dim3A_404 = vector.broadcast %reduce_max3A_100 : i32 to vector<16xi32>
    %add3A_405 = arith.addi %broadcast_in_dim3A_404, %add3A_401 : vector<16xi32>
    %broadcast_in_dim3A_406 = arith.constant 1024 : i32
    %broadcast_in_dim3A_407 = vector.broadcast %broadcast_in_dim3A_406 : i32 to vector<16xi32>
    %add3A_408 = arith.addi %broadcast_in_dim3A_407, %add3A_401 : vector<16xi32>
    %select_n3A_409 = arith.select %lt3A_403, %add3A_405, %add3A_408 : vector<16xi1>, vector<16xi32>
    %swap3A_410 = arith.constant 2 : i32
    %swap3A_411 = arith.index_cast %swap3A_410 : i32 to index
    %swap3A_412 = arith.constant 64 : index
    %swap3A_413 = tpu.vector_load %arg13[%swap3A_411, %swap3A_412] {strides = array<i32>} : memref<8x128xi32, #tpu.memory_space<vmem>>, vector<16xi32>,
    tpu.vector_store %arg13[%swap3A_411, %swap3A_412], %select_n3A_409 {strides = array<i32>} : memref<8x128xi32, #tpu.memory_space<vmem>>, vector<16xi32>,
    %broadcast_in_dim3A_414 = arith.constant 336 : i32
    %broadcast_in_dim3A_415 = vector.broadcast %broadcast_in_dim3A_414 : i32 to vector<16xi32>
    %add3A_416 = arith.addi %broadcast_in_dim3A_415, %iota3A : vector<16xi32>
    %broadcast_in_dim3A_417 = vector.broadcast %reduce_max3A_75 : i32 to vector<16xi32>
    %lt3A_418 = arith.cmpi slt, %add3A_416, %broadcast_in_dim3A_417 : vector<16xi32>
    %broadcast_in_dim3A_419 = vector.broadcast %reduce_max3A_100 : i32 to vector<16xi32>
    %add3A_420 = arith.addi %broadcast_in_dim3A_419, %add3A_416 : vector<16xi32>
    %broadcast_in_dim3A_421 = arith.constant 1024 : i32
    %broadcast_in_dim3A_422 = vector.broadcast %broadcast_in_dim3A_421 : i32 to vector<16xi32>
    %add3A_423 = arith.addi %broadcast_in_dim3A_422, %add3A_416 : vector<16xi32>
    %select_n3A_424 = arith.select %lt3A_418, %add3A_420, %add3A_423 : vector<16xi1>, vector<16xi32>
    %swap3A_425 = arith.constant 2 : i32
    %swap3A_426 = arith.index_cast %swap3A_425 : i32 to index
    %swap3A_427 = arith.constant 80 : index
    %swap3A_428 = tpu.vector_load %arg13[%swap3A_426, %swap3A_427] {strides = array<i32>} : memref<8x128xi32, #tpu.memory_space<vmem>>, vector<16xi32>,
    tpu.vector_store %arg13[%swap3A_426, %swap3A_427], %select_n3A_424 {strides = array<i32>} : memref<8x128xi32, #tpu.memory_space<vmem>>, vector<16xi32>,
    %broadcast_in_dim3A_429 = arith.constant 352 : i32
    %broadcast_in_dim3A_430 = vector.broadcast %broadcast_in_dim3A_429 : i32 to vector<16xi32>
    %add3A_431 = arith.addi %broadcast_in_dim3A_430, %iota3A : vector<16xi32>
    %broadcast_in_dim3A_432 = vector.broadcast %reduce_max3A_75 : i32 to vector<16xi32>
    %lt3A_433 = arith.cmpi slt, %add3A_431, %broadcast_in_dim3A_432 : vector<16xi32>
    %broadcast_in_dim3A_434 = vector.broadcast %reduce_max3A_100 : i32 to vector<16xi32>
    %add3A_435 = arith.addi %broadcast_in_dim3A_434, %add3A_431 : vector<16xi32>
    %broadcast_in_dim3A_436 = arith.constant 1024 : i32
    %broadcast_in_dim3A_437 = vector.broadcast %broadcast_in_dim3A_436 : i32 to vector<16xi32>
    %add3A_438 = arith.addi %broadcast_in_dim3A_437, %add3A_431 : vector<16xi32>
    %select_n3A_439 = arith.select %lt3A_433, %add3A_435, %add3A_438 : vector<16xi1>, vector<16xi32>
    %swap3A_440 = arith.constant 2 : i32
    %swap3A_441 = arith.index_cast %swap3A_440 : i32 to index
    %swap3A_442 = arith.constant 96 : index
    %swap3A_443 = tpu.vector_load %arg13[%swap3A_441, %swap3A_442] {strides = array<i32>} : memref<8x128xi32, #tpu.memory_space<vmem>>, vector<16xi32>,
    tpu.vector_store %arg13[%swap3A_441, %swap3A_442], %select_n3A_439 {strides = array<i32>} : memref<8x128xi32, #tpu.memory_space<vmem>>, vector<16xi32>,
    %broadcast_in_dim3A_444 = arith.constant 368 : i32
    %broadcast_in_dim3A_445 = vector.broadcast %broadcast_in_dim3A_444 : i32 to vector<16xi32>
    %add3A_446 = arith.addi %broadcast_in_dim3A_445, %iota3A : vector<16xi32>
    %broadcast_in_dim3A_447 = vector.broadcast %reduce_max3A_75 : i32 to vector<16xi32>
    %lt3A_448 = arith.cmpi slt, %add3A_446, %broadcast_in_dim3A_447 : vector<16xi32>
    %broadcast_in_dim3A_449 = vector.broadcast %reduce_max3A_100 : i32 to vector<16xi32>
    %add3A_450 = arith.addi %broadcast_in_dim3A_449, %add3A_446 : vector<16xi32>
    %broadcast_in_dim3A_451 = arith.constant 1024 : i32
    %broadcast_in_dim3A_452 = vector.broadcast %broadcast_in_dim3A_451 : i32 to vector<16xi32>
    %add3A_453 = arith.addi %broadcast_in_dim3A_452, %add3A_446 : vector<16xi32>
    %select_n3A_454 = arith.select %lt3A_448, %add3A_450, %add3A_453 : vector<16xi1>, vector<16xi32>
    %swap3A_455 = arith.constant 2 : i32
    %swap3A_456 = arith.index_cast %swap3A_455 : i32 to index
    %swap3A_457 = arith.constant 112 : index
    %swap3A_458 = tpu.vector_load %arg13[%swap3A_456, %swap3A_457] {strides = array<i32>} : memref<8x128xi32, #tpu.memory_space<vmem>>, vector<16xi32>,
    tpu.vector_store %arg13[%swap3A_456, %swap3A_457], %select_n3A_454 {strides = array<i32>} : memref<8x128xi32, #tpu.memory_space<vmem>>, vector<16xi32>,
    %broadcast_in_dim3A_459 = arith.constant 384 : i32
    %broadcast_in_dim3A_460 = vector.broadcast %broadcast_in_dim3A_459 : i32 to vector<16xi32>
    %add3A_461 = arith.addi %broadcast_in_dim3A_460, %iota3A : vector<16xi32>
    %broadcast_in_dim3A_462 = vector.broadcast %reduce_max3A_75 : i32 to vector<16xi32>
    %lt3A_463 = arith.cmpi slt, %add3A_461, %broadcast_in_dim3A_462 : vector<16xi32>
    %broadcast_in_dim3A_464 = vector.broadcast %reduce_max3A_100 : i32 to vector<16xi32>
    %add3A_465 = arith.addi %broadcast_in_dim3A_464, %add3A_461 : vector<16xi32>
    %broadcast_in_dim3A_466 = arith.constant 1024 : i32
    %broadcast_in_dim3A_467 = vector.broadcast %broadcast_in_dim3A_466 : i32 to vector<16xi32>
    %add3A_468 = arith.addi %broadcast_in_dim3A_467, %add3A_461 : vector<16xi32>
    %select_n3A_469 = arith.select %lt3A_463, %add3A_465, %add3A_468 : vector<16xi1>, vector<16xi32>
    %swap3A_470 = arith.constant 3 : i32
    %swap3A_471 = arith.index_cast %swap3A_470 : i32 to index
    %swap3A_472 = arith.constant 0 : index
    %swap3A_473 = tpu.vector_load %arg13[%swap3A_471, %swap3A_472] {strides = array<i32>} : memref<8x128xi32, #tpu.memory_space<vmem>>, vector<16xi32>,
    tpu.vector_store %arg13[%swap3A_471, %swap3A_472], %select_n3A_469 {strides = array<i32>} : memref<8x128xi32, #tpu.memory_space<vmem>>, vector<16xi32>,
    %broadcast_in_dim3A_474 = arith.constant 400 : i32
    %broadcast_in_dim3A_475 = vector.broadcast %broadcast_in_dim3A_474 : i32 to vector<16xi32>
    %add3A_476 = arith.addi %broadcast_in_dim3A_475, %iota3A : vector<16xi32>
    %broadcast_in_dim3A_477 = vector.broadcast %reduce_max3A_75 : i32 to vector<16xi32>
    %lt3A_478 = arith.cmpi slt, %add3A_476, %broadcast_in_dim3A_477 : vector<16xi32>
    %broadcast_in_dim3A_479 = vector.broadcast %reduce_max3A_100 : i32 to vector<16xi32>
    %add3A_480 = arith.addi %broadcast_in_dim3A_479, %add3A_476 : vector<16xi32>
    %broadcast_in_dim3A_481 = arith.constant 1024 : i32
    %broadcast_in_dim3A_482 = vector.broadcast %broadcast_in_dim3A_481 : i32 to vector<16xi32>
    %add3A_483 = arith.addi %broadcast_in_dim3A_482, %add3A_476 : vector<16xi32>
    %select_n3A_484 = arith.select %lt3A_478, %add3A_480, %add3A_483 : vector<16xi1>, vector<16xi32>
    %swap3A_485 = arith.constant 3 : i32
    %swap3A_486 = arith.index_cast %swap3A_485 : i32 to index
    %swap3A_487 = arith.constant 16 : index
    %swap3A_488 = tpu.vector_load %arg13[%swap3A_486, %swap3A_487] {strides = array<i32>} : memref<8x128xi32, #tpu.memory_space<vmem>>, vector<16xi32>,
    tpu.vector_store %arg13[%swap3A_486, %swap3A_487], %select_n3A_484 {strides = array<i32>} : memref<8x128xi32, #tpu.memory_space<vmem>>, vector<16xi32>,
    %broadcast_in_dim3A_489 = arith.constant 416 : i32
    %broadcast_in_dim3A_490 = vector.broadcast %broadcast_in_dim3A_489 : i32 to vector<16xi32>
    %add3A_491 = arith.addi %broadcast_in_dim3A_490, %iota3A : vector<16xi32>
    %broadcast_in_dim3A_492 = vector.broadcast %reduce_max3A_75 : i32 to vector<16xi32>
    %lt3A_493 = arith.cmpi slt, %add3A_491, %broadcast_in_dim3A_492 : vector<16xi32>
    %broadcast_in_dim3A_494 = vector.broadcast %reduce_max3A_100 : i32 to vector<16xi32>
    %add3A_495 = arith.addi %broadcast_in_dim3A_494, %add3A_491 : vector<16xi32>
    %broadcast_in_dim3A_496 = arith.constant 1024 : i32
    %broadcast_in_dim3A_497 = vector.broadcast %broadcast_in_dim3A_496 : i32 to vector<16xi32>
    %add3A_498 = arith.addi %broadcast_in_dim3A_497, %add3A_491 : vector<16xi32>
    %select_n3A_499 = arith.select %lt3A_493, %add3A_495, %add3A_498 : vector<16xi1>, vector<16xi32>
    %swap3A_500 = arith.constant 3 : i32
    %swap3A_501 = arith.index_cast %swap3A_500 : i32 to index
    %swap3A_502 = arith.constant 32 : index
    %swap3A_503 = tpu.vector_load %arg13[%swap3A_501, %swap3A_502] {strides = array<i32>} : memref<8x128xi32, #tpu.memory_space<vmem>>, vector<16xi32>,
    tpu.vector_store %arg13[%swap3A_501, %swap3A_502], %select_n3A_499 {strides = array<i32>} : memref<8x128xi32, #tpu.memory_space<vmem>>, vector<16xi32>,
    %broadcast_in_dim3A_504 = arith.constant 432 : i32
    %broadcast_in_dim3A_505 = vector.broadcast %broadcast_in_dim3A_504 : i32 to vector<16xi32>
    %add3A_506 = arith.addi %broadcast_in_dim3A_505, %iota3A : vector<16xi32>
    %broadcast_in_dim3A_507 = vector.broadcast %reduce_max3A_75 : i32 to vector<16xi32>
    %lt3A_508 = arith.cmpi slt, %add3A_506, %broadcast_in_dim3A_507 : vector<16xi32>
    %broadcast_in_dim3A_509 = vector.broadcast %reduce_max3A_100 : i32 to vector<16xi32>
    %add3A_510 = arith.addi %broadcast_in_dim3A_509, %add3A_506 : vector<16xi32>
    %broadcast_in_dim3A_511 = arith.constant 1024 : i32
    %broadcast_in_dim3A_512 = vector.broadcast %broadcast_in_dim3A_511 : i32 to vector<16xi32>
    %add3A_513 = arith.addi %broadcast_in_dim3A_512, %add3A_506 : vector<16xi32>
    %select_n3A_514 = arith.select %lt3A_508, %add3A_510, %add3A_513 : vector<16xi1>, vector<16xi32>
    %swap3A_515 = arith.constant 3 : i32
    %swap3A_516 = arith.index_cast %swap3A_515 : i32 to index
    %swap3A_517 = arith.constant 48 : index
    %swap3A_518 = tpu.vector_load %arg13[%swap3A_516, %swap3A_517] {strides = array<i32>} : memref<8x128xi32, #tpu.memory_space<vmem>>, vector<16xi32>,
    tpu.vector_store %arg13[%swap3A_516, %swap3A_517], %select_n3A_514 {strides = array<i32>} : memref<8x128xi32, #tpu.memory_space<vmem>>, vector<16xi32>,
    %broadcast_in_dim3A_519 = arith.constant 448 : i32
    %broadcast_in_dim3A_520 = vector.broadcast %broadcast_in_dim3A_519 : i32 to vector<16xi32>
    %add3A_521 = arith.addi %broadcast_in_dim3A_520, %iota3A : vector<16xi32>
    %broadcast_in_dim3A_522 = vector.broadcast %reduce_max3A_75 : i32 to vector<16xi32>
    %lt3A_523 = arith.cmpi slt, %add3A_521, %broadcast_in_dim3A_522 : vector<16xi32>
    %broadcast_in_dim3A_524 = vector.broadcast %reduce_max3A_100 : i32 to vector<16xi32>
    %add3A_525 = arith.addi %broadcast_in_dim3A_524, %add3A_521 : vector<16xi32>
    %broadcast_in_dim3A_526 = arith.constant 1024 : i32
    %broadcast_in_dim3A_527 = vector.broadcast %broadcast_in_dim3A_526 : i32 to vector<16xi32>
    %add3A_528 = arith.addi %broadcast_in_dim3A_527, %add3A_521 : vector<16xi32>
    %select_n3A_529 = arith.select %lt3A_523, %add3A_525, %add3A_528 : vector<16xi1>, vector<16xi32>
    %swap3A_530 = arith.constant 3 : i32
    %swap3A_531 = arith.index_cast %swap3A_530 : i32 to index
    %swap3A_532 = arith.constant 64 : index
    %swap3A_533 = tpu.vector_load %arg13[%swap3A_531, %swap3A_532] {strides = array<i32>} : memref<8x128xi32, #tpu.memory_space<vmem>>, vector<16xi32>,
    tpu.vector_store %arg13[%swap3A_531, %swap3A_532], %select_n3A_529 {strides = array<i32>} : memref<8x128xi32, #tpu.memory_space<vmem>>, vector<16xi32>,
    %broadcast_in_dim3A_534 = arith.constant 464 : i32
    %broadcast_in_dim3A_535 = vector.broadcast %broadcast_in_dim3A_534 : i32 to vector<16xi32>
    %add3A_536 = arith.addi %broadcast_in_dim3A_535, %iota3A : vector<16xi32>
    %broadcast_in_dim3A_537 = vector.broadcast %reduce_max3A_75 : i32 to vector<16xi32>
    %lt3A_538 = arith.cmpi slt, %add3A_536, %broadcast_in_dim3A_537 : vector<16xi32>
    %broadcast_in_dim3A_539 = vector.broadcast %reduce_max3A_100 : i32 to vector<16xi32>
    %add3A_540 = arith.addi %broadcast_in_dim3A_539, %add3A_536 : vector<16xi32>
    %broadcast_in_dim3A_541 = arith.constant 1024 : i32
    %broadcast_in_dim3A_542 = vector.broadcast %broadcast_in_dim3A_541 : i32 to vector<16xi32>
    %add3A_543 = arith.addi %broadcast_in_dim3A_542, %add3A_536 : vector<16xi32>
    %select_n3A_544 = arith.select %lt3A_538, %add3A_540, %add3A_543 : vector<16xi1>, vector<16xi32>
    %swap3A_545 = arith.constant 3 : i32
    %swap3A_546 = arith.index_cast %swap3A_545 : i32 to index
    %swap3A_547 = arith.constant 80 : index
    %swap3A_548 = tpu.vector_load %arg13[%swap3A_546, %swap3A_547] {strides = array<i32>} : memref<8x128xi32, #tpu.memory_space<vmem>>, vector<16xi32>,
    tpu.vector_store %arg13[%swap3A_546, %swap3A_547], %select_n3A_544 {strides = array<i32>} : memref<8x128xi32, #tpu.memory_space<vmem>>, vector<16xi32>,
    %broadcast_in_dim3A_549 = arith.constant 480 : i32
    %broadcast_in_dim3A_550 = vector.broadcast %broadcast_in_dim3A_549 : i32 to vector<16xi32>
    %add3A_551 = arith.addi %broadcast_in_dim3A_550, %iota3A : vector<16xi32>
    %broadcast_in_dim3A_552 = vector.broadcast %reduce_max3A_75 : i32 to vector<16xi32>
    %lt3A_553 = arith.cmpi slt, %add3A_551, %broadcast_in_dim3A_552 : vector<16xi32>
    %broadcast_in_dim3A_554 = vector.broadcast %reduce_max3A_100 : i32 to vector<16xi32>
    %add3A_555 = arith.addi %broadcast_in_dim3A_554, %add3A_551 : vector<16xi32>
    %broadcast_in_dim3A_556 = arith.constant 1024 : i32
    %broadcast_in_dim3A_557 = vector.broadcast %broadcast_in_dim3A_556 : i32 to vector<16xi32>
    %add3A_558 = arith.addi %broadcast_in_dim3A_557, %add3A_551 : vector<16xi32>
    %select_n3A_559 = arith.select %lt3A_553, %add3A_555, %add3A_558 : vector<16xi1>, vector<16xi32>
    %swap3A_560 = arith.constant 3 : i32
    %swap3A_561 = arith.index_cast %swap3A_560 : i32 to index
    %swap3A_562 = arith.constant 96 : index
    %swap3A_563 = tpu.vector_load %arg13[%swap3A_561, %swap3A_562] {strides = array<i32>} : memref<8x128xi32, #tpu.memory_space<vmem>>, vector<16xi32>,
    tpu.vector_store %arg13[%swap3A_561, %swap3A_562], %select_n3A_559 {strides = array<i32>} : memref<8x128xi32, #tpu.memory_space<vmem>>, vector<16xi32>,
    %broadcast_in_dim3A_564 = arith.constant 496 : i32
    %broadcast_in_dim3A_565 = vector.broadcast %broadcast_in_dim3A_564 : i32 to vector<16xi32>
    %add3A_566 = arith.addi %broadcast_in_dim3A_565, %iota3A : vector<16xi32>
    %broadcast_in_dim3A_567 = vector.broadcast %reduce_max3A_75 : i32 to vector<16xi32>
    %lt3A_568 = arith.cmpi slt, %add3A_566, %broadcast_in_dim3A_567 : vector<16xi32>
    %broadcast_in_dim3A_569 = vector.broadcast %reduce_max3A_100 : i32 to vector<16xi32>
    %add3A_570 = arith.addi %broadcast_in_dim3A_569, %add3A_566 : vector<16xi32>
    %broadcast_in_dim3A_571 = arith.constant 1024 : i32
    %broadcast_in_dim3A_572 = vector.broadcast %broadcast_in_dim3A_571 : i32 to vector<16xi32>
    %add3A_573 = arith.addi %broadcast_in_dim3A_572, %add3A_566 : vector<16xi32>
    %select_n3A_574 = arith.select %lt3A_568, %add3A_570, %add3A_573 : vector<16xi1>, vector<16xi32>
    %swap3A_575 = arith.constant 3 : i32
    %swap3A_576 = arith.index_cast %swap3A_575 : i32 to index
    %swap3A_577 = arith.constant 112 : index
    %swap3A_578 = tpu.vector_load %arg13[%swap3A_576, %swap3A_577] {strides = array<i32>} : memref<8x128xi32, #tpu.memory_space<vmem>>, vector<16xi32>,
    tpu.vector_store %arg13[%swap3A_576, %swap3A_577], %select_n3A_574 {strides = array<i32>} : memref<8x128xi32, #tpu.memory_space<vmem>>, vector<16xi32>,
    %broadcast_in_dim3A_579 = arith.constant 512 : i32
    %broadcast_in_dim3A_580 = vector.broadcast %broadcast_in_dim3A_579 : i32 to vector<16xi32>
    %add3A_581 = arith.addi %broadcast_in_dim3A_580, %iota3A : vector<16xi32>
    %broadcast_in_dim3A_582 = vector.broadcast %reduce_max3A_75 : i32 to vector<16xi32>
    %lt3A_583 = arith.cmpi slt, %add3A_581, %broadcast_in_dim3A_582 : vector<16xi32>
    %broadcast_in_dim3A_584 = vector.broadcast %reduce_max3A_100 : i32 to vector<16xi32>
    %add3A_585 = arith.addi %broadcast_in_dim3A_584, %add3A_581 : vector<16xi32>
    %broadcast_in_dim3A_586 = arith.constant 1024 : i32
    %broadcast_in_dim3A_587 = vector.broadcast %broadcast_in_dim3A_586 : i32 to vector<16xi32>
    %add3A_588 = arith.addi %broadcast_in_dim3A_587, %add3A_581 : vector<16xi32>
    %select_n3A_589 = arith.select %lt3A_583, %add3A_585, %add3A_588 : vector<16xi1>, vector<16xi32>
    %swap3A_590 = arith.constant 4 : i32
    %swap3A_591 = arith.index_cast %swap3A_590 : i32 to index
    %swap3A_592 = arith.constant 0 : index
    %swap3A_593 = tpu.vector_load %arg13[%swap3A_591, %swap3A_592] {strides = array<i32>} : memref<8x128xi32, #tpu.memory_space<vmem>>, vector<16xi32>,
    tpu.vector_store %arg13[%swap3A_591, %swap3A_592], %select_n3A_589 {strides = array<i32>} : memref<8x128xi32, #tpu.memory_space<vmem>>, vector<16xi32>,
    %broadcast_in_dim3A_594 = arith.constant 528 : i32
    %broadcast_in_dim3A_595 = vector.broadcast %broadcast_in_dim3A_594 : i32 to vector<16xi32>
    %add3A_596 = arith.addi %broadcast_in_dim3A_595, %iota3A : vector<16xi32>
    %broadcast_in_dim3A_597 = vector.broadcast %reduce_max3A_75 : i32 to vector<16xi32>
    %lt3A_598 = arith.cmpi slt, %add3A_596, %broadcast_in_dim3A_597 : vector<16xi32>
    %broadcast_in_dim3A_599 = vector.broadcast %reduce_max3A_100 : i32 to vector<16xi32>
    %add3A_600 = arith.addi %broadcast_in_dim3A_599, %add3A_596 : vector<16xi32>
    %broadcast_in_dim3A_601 = arith.constant 1024 : i32
    %broadcast_in_dim3A_602 = vector.broadcast %broadcast_in_dim3A_601 : i32 to vector<16xi32>
    %add3A_603 = arith.addi %broadcast_in_dim3A_602, %add3A_596 : vector<16xi32>
    %select_n3A_604 = arith.select %lt3A_598, %add3A_600, %add3A_603 : vector<16xi1>, vector<16xi32>
    %swap3A_605 = arith.constant 4 : i32
    %swap3A_606 = arith.index_cast %swap3A_605 : i32 to index
    %swap3A_607 = arith.constant 16 : index
    %swap3A_608 = tpu.vector_load %arg13[%swap3A_606, %swap3A_607] {strides = array<i32>} : memref<8x128xi32, #tpu.memory_space<vmem>>, vector<16xi32>,
    tpu.vector_store %arg13[%swap3A_606, %swap3A_607], %select_n3A_604 {strides = array<i32>} : memref<8x128xi32, #tpu.memory_space<vmem>>, vector<16xi32>,
    %broadcast_in_dim3A_609 = arith.constant 544 : i32
    %broadcast_in_dim3A_610 = vector.broadcast %broadcast_in_dim3A_609 : i32 to vector<16xi32>
    %add3A_611 = arith.addi %broadcast_in_dim3A_610, %iota3A : vector<16xi32>
    %broadcast_in_dim3A_612 = vector.broadcast %reduce_max3A_75 : i32 to vector<16xi32>
    %lt3A_613 = arith.cmpi slt, %add3A_611, %broadcast_in_dim3A_612 : vector<16xi32>
    %broadcast_in_dim3A_614 = vector.broadcast %reduce_max3A_100 : i32 to vector<16xi32>
    %add3A_615 = arith.addi %broadcast_in_dim3A_614, %add3A_611 : vector<16xi32>
    %broadcast_in_dim3A_616 = arith.constant 1024 : i32
    %broadcast_in_dim3A_617 = vector.broadcast %broadcast_in_dim3A_616 : i32 to vector<16xi32>
    %add3A_618 = arith.addi %broadcast_in_dim3A_617, %add3A_611 : vector<16xi32>
    %select_n3A_619 = arith.select %lt3A_613, %add3A_615, %add3A_618 : vector<16xi1>, vector<16xi32>
    %swap3A_620 = arith.constant 4 : i32
    %swap3A_621 = arith.index_cast %swap3A_620 : i32 to index
    %swap3A_622 = arith.constant 32 : index
    %swap3A_623 = tpu.vector_load %arg13[%swap3A_621, %swap3A_622] {strides = array<i32>} : memref<8x128xi32, #tpu.memory_space<vmem>>, vector<16xi32>,
    tpu.vector_store %arg13[%swap3A_621, %swap3A_622], %select_n3A_619 {strides = array<i32>} : memref<8x128xi32, #tpu.memory_space<vmem>>, vector<16xi32>,
    %broadcast_in_dim3A_624 = arith.constant 560 : i32
    %broadcast_in_dim3A_625 = vector.broadcast %broadcast_in_dim3A_624 : i32 to vector<16xi32>
    %add3A_626 = arith.addi %broadcast_in_dim3A_625, %iota3A : vector<16xi32>
    %broadcast_in_dim3A_627 = vector.broadcast %reduce_max3A_75 : i32 to vector<16xi32>
    %lt3A_628 = arith.cmpi slt, %add3A_626, %broadcast_in_dim3A_627 : vector<16xi32>
    %broadcast_in_dim3A_629 = vector.broadcast %reduce_max3A_100 : i32 to vector<16xi32>
    %add3A_630 = arith.addi %broadcast_in_dim3A_629, %add3A_626 : vector<16xi32>
    %broadcast_in_dim3A_631 = arith.constant 1024 : i32
    %broadcast_in_dim3A_632 = vector.broadcast %broadcast_in_dim3A_631 : i32 to vector<16xi32>
    %add3A_633 = arith.addi %broadcast_in_dim3A_632, %add3A_626 : vector<16xi32>
    %select_n3A_634 = arith.select %lt3A_628, %add3A_630, %add3A_633 : vector<16xi1>, vector<16xi32>
    %swap3A_635 = arith.constant 4 : i32
    %swap3A_636 = arith.index_cast %swap3A_635 : i32 to index
    %swap3A_637 = arith.constant 48 : index
    %swap3A_638 = tpu.vector_load %arg13[%swap3A_636, %swap3A_637] {strides = array<i32>} : memref<8x128xi32, #tpu.memory_space<vmem>>, vector<16xi32>,
    tpu.vector_store %arg13[%swap3A_636, %swap3A_637], %select_n3A_634 {strides = array<i32>} : memref<8x128xi32, #tpu.memory_space<vmem>>, vector<16xi32>,
    %broadcast_in_dim3A_639 = arith.constant 576 : i32
    %broadcast_in_dim3A_640 = vector.broadcast %broadcast_in_dim3A_639 : i32 to vector<16xi32>
    %add3A_641 = arith.addi %broadcast_in_dim3A_640, %iota3A : vector<16xi32>
    %broadcast_in_dim3A_642 = vector.broadcast %reduce_max3A_75 : i32 to vector<16xi32>
    %lt3A_643 = arith.cmpi slt, %add3A_641, %broadcast_in_dim3A_642 : vector<16xi32>
    %broadcast_in_dim3A_644 = vector.broadcast %reduce_max3A_100 : i32 to vector<16xi32>
    %add3A_645 = arith.addi %broadcast_in_dim3A_644, %add3A_641 : vector<16xi32>
    %broadcast_in_dim3A_646 = arith.constant 1024 : i32
    %broadcast_in_dim3A_647 = vector.broadcast %broadcast_in_dim3A_646 : i32 to vector<16xi32>
    %add3A_648 = arith.addi %broadcast_in_dim3A_647, %add3A_641 : vector<16xi32>
    %select_n3A_649 = arith.select %lt3A_643, %add3A_645, %add3A_648 : vector<16xi1>, vector<16xi32>
    %swap3A_650 = arith.constant 4 : i32
    %swap3A_651 = arith.index_cast %swap3A_650 : i32 to index
    %swap3A_652 = arith.constant 64 : index
    %swap3A_653 = tpu.vector_load %arg13[%swap3A_651, %swap3A_652] {strides = array<i32>} : memref<8x128xi32, #tpu.memory_space<vmem>>, vector<16xi32>,
    tpu.vector_store %arg13[%swap3A_651, %swap3A_652], %select_n3A_649 {strides = array<i32>} : memref<8x128xi32, #tpu.memory_space<vmem>>, vector<16xi32>,
    %broadcast_in_dim3A_654 = arith.constant 592 : i32
    %broadcast_in_dim3A_655 = vector.broadcast %broadcast_in_dim3A_654 : i32 to vector<16xi32>
    %add3A_656 = arith.addi %broadcast_in_dim3A_655, %iota3A : vector<16xi32>
    %broadcast_in_dim3A_657 = vector.broadcast %reduce_max3A_75 : i32 to vector<16xi32>
    %lt3A_658 = arith.cmpi slt, %add3A_656, %broadcast_in_dim3A_657 : vector<16xi32>
    %broadcast_in_dim3A_659 = vector.broadcast %reduce_max3A_100 : i32 to vector<16xi32>
    %add3A_660 = arith.addi %broadcast_in_dim3A_659, %add3A_656 : vector<16xi32>
    %broadcast_in_dim3A_661 = arith.constant 1024 : i32
    %broadcast_in_dim3A_662 = vector.broadcast %broadcast_in_dim3A_661 : i32 to vector<16xi32>
    %add3A_663 = arith.addi %broadcast_in_dim3A_662, %add3A_656 : vector<16xi32>
    %select_n3A_664 = arith.select %lt3A_658, %add3A_660, %add3A_663 : vector<16xi1>, vector<16xi32>
    %swap3A_665 = arith.constant 4 : i32
    %swap3A_666 = arith.index_cast %swap3A_665 : i32 to index
    %swap3A_667 = arith.constant 80 : index
    %swap3A_668 = tpu.vector_load %arg13[%swap3A_666, %swap3A_667] {strides = array<i32>} : memref<8x128xi32, #tpu.memory_space<vmem>>, vector<16xi32>,
    tpu.vector_store %arg13[%swap3A_666, %swap3A_667], %select_n3A_664 {strides = array<i32>} : memref<8x128xi32, #tpu.memory_space<vmem>>, vector<16xi32>,
    %broadcast_in_dim3A_669 = arith.constant 608 : i32
    %broadcast_in_dim3A_670 = vector.broadcast %broadcast_in_dim3A_669 : i32 to vector<16xi32>
    %add3A_671 = arith.addi %broadcast_in_dim3A_670, %iota3A : vector<16xi32>
    %broadcast_in_dim3A_672 = vector.broadcast %reduce_max3A_75 : i32 to vector<16xi32>
    %lt3A_673 = arith.cmpi slt, %add3A_671, %broadcast_in_dim3A_672 : vector<16xi32>
    %broadcast_in_dim3A_674 = vector.broadcast %reduce_max3A_100 : i32 to vector<16xi32>
    %add3A_675 = arith.addi %broadcast_in_dim3A_674, %add3A_671 : vector<16xi32>
    %broadcast_in_dim3A_676 = arith.constant 1024 : i32
    %broadcast_in_dim3A_677 = vector.broadcast %broadcast_in_dim3A_676 : i32 to vector<16xi32>
    %add3A_678 = arith.addi %broadcast_in_dim3A_677, %add3A_671 : vector<16xi32>
    %select_n3A_679 = arith.select %lt3A_673, %add3A_675, %add3A_678 : vector<16xi1>, vector<16xi32>
    %swap3A_680 = arith.constant 4 : i32
    %swap3A_681 = arith.index_cast %swap3A_680 : i32 to index
    %swap3A_682 = arith.constant 96 : index
    %swap3A_683 = tpu.vector_load %arg13[%swap3A_681, %swap3A_682] {strides = array<i32>} : memref<8x128xi32, #tpu.memory_space<vmem>>, vector<16xi32>,
    tpu.vector_store %arg13[%swap3A_681, %swap3A_682], %select_n3A_679 {strides = array<i32>} : memref<8x128xi32, #tpu.memory_space<vmem>>, vector<16xi32>,
    %broadcast_in_dim3A_684 = arith.constant 624 : i32
    %broadcast_in_dim3A_685 = vector.broadcast %broadcast_in_dim3A_684 : i32 to vector<16xi32>
    %add3A_686 = arith.addi %broadcast_in_dim3A_685, %iota3A : vector<16xi32>
    %broadcast_in_dim3A_687 = vector.broadcast %reduce_max3A_75 : i32 to vector<16xi32>
    %lt3A_688 = arith.cmpi slt, %add3A_686, %broadcast_in_dim3A_687 : vector<16xi32>
    %broadcast_in_dim3A_689 = vector.broadcast %reduce_max3A_100 : i32 to vector<16xi32>
    %add3A_690 = arith.addi %broadcast_in_dim3A_689, %add3A_686 : vector<16xi32>
    %broadcast_in_dim3A_691 = arith.constant 1024 : i32
    %broadcast_in_dim3A_692 = vector.broadcast %broadcast_in_dim3A_691 : i32 to vector<16xi32>
    %add3A_693 = arith.addi %broadcast_in_dim3A_692, %add3A_686 : vector<16xi32>
    %select_n3A_694 = arith.select %lt3A_688, %add3A_690, %add3A_693 : vector<16xi1>, vector<16xi32>
    %swap3A_695 = arith.constant 4 : i32
    %swap3A_696 = arith.index_cast %swap3A_695 : i32 to index
    %swap3A_697 = arith.constant 112 : index
    %swap3A_698 = tpu.vector_load %arg13[%swap3A_696, %swap3A_697] {strides = array<i32>} : memref<8x128xi32, #tpu.memory_space<vmem>>, vector<16xi32>,
    tpu.vector_store %arg13[%swap3A_696, %swap3A_697], %select_n3A_694 {strides = array<i32>} : memref<8x128xi32, #tpu.memory_space<vmem>>, vector<16xi32>,
    %broadcast_in_dim3A_699 = arith.constant 640 : i32
    %broadcast_in_dim3A_700 = vector.broadcast %broadcast_in_dim3A_699 : i32 to vector<16xi32>
    %add3A_701 = arith.addi %broadcast_in_dim3A_700, %iota3A : vector<16xi32>
    %broadcast_in_dim3A_702 = vector.broadcast %reduce_max3A_75 : i32 to vector<16xi32>
    %lt3A_703 = arith.cmpi slt, %add3A_701, %broadcast_in_dim3A_702 : vector<16xi32>
    %broadcast_in_dim3A_704 = vector.broadcast %reduce_max3A_100 : i32 to vector<16xi32>
    %add3A_705 = arith.addi %broadcast_in_dim3A_704, %add3A_701 : vector<16xi32>
    %broadcast_in_dim3A_706 = arith.constant 1024 : i32
    %broadcast_in_dim3A_707 = vector.broadcast %broadcast_in_dim3A_706 : i32 to vector<16xi32>
    %add3A_708 = arith.addi %broadcast_in_dim3A_707, %add3A_701 : vector<16xi32>
    %select_n3A_709 = arith.select %lt3A_703, %add3A_705, %add3A_708 : vector<16xi1>, vector<16xi32>
    %swap3A_710 = arith.constant 5 : i32
    %swap3A_711 = arith.index_cast %swap3A_710 : i32 to index
    %swap3A_712 = arith.constant 0 : index
    %swap3A_713 = tpu.vector_load %arg13[%swap3A_711, %swap3A_712] {strides = array<i32>} : memref<8x128xi32, #tpu.memory_space<vmem>>, vector<16xi32>,
    tpu.vector_store %arg13[%swap3A_711, %swap3A_712], %select_n3A_709 {strides = array<i32>} : memref<8x128xi32, #tpu.memory_space<vmem>>, vector<16xi32>,
    %broadcast_in_dim3A_714 = arith.constant 656 : i32
    %broadcast_in_dim3A_715 = vector.broadcast %broadcast_in_dim3A_714 : i32 to vector<16xi32>
    %add3A_716 = arith.addi %broadcast_in_dim3A_715, %iota3A : vector<16xi32>
    %broadcast_in_dim3A_717 = vector.broadcast %reduce_max3A_75 : i32 to vector<16xi32>
    %lt3A_718 = arith.cmpi slt, %add3A_716, %broadcast_in_dim3A_717 : vector<16xi32>
    %broadcast_in_dim3A_719 = vector.broadcast %reduce_max3A_100 : i32 to vector<16xi32>
    %add3A_720 = arith.addi %broadcast_in_dim3A_719, %add3A_716 : vector<16xi32>
    %broadcast_in_dim3A_721 = arith.constant 1024 : i32
    %broadcast_in_dim3A_722 = vector.broadcast %broadcast_in_dim3A_721 : i32 to vector<16xi32>
    %add3A_723 = arith.addi %broadcast_in_dim3A_722, %add3A_716 : vector<16xi32>
    %select_n3A_724 = arith.select %lt3A_718, %add3A_720, %add3A_723 : vector<16xi1>, vector<16xi32>
    %swap3A_725 = arith.constant 5 : i32
    %swap3A_726 = arith.index_cast %swap3A_725 : i32 to index
    %swap3A_727 = arith.constant 16 : index
    %swap3A_728 = tpu.vector_load %arg13[%swap3A_726, %swap3A_727] {strides = array<i32>} : memref<8x128xi32, #tpu.memory_space<vmem>>, vector<16xi32>,
    tpu.vector_store %arg13[%swap3A_726, %swap3A_727], %select_n3A_724 {strides = array<i32>} : memref<8x128xi32, #tpu.memory_space<vmem>>, vector<16xi32>,
    %broadcast_in_dim3A_729 = arith.constant 672 : i32
    %broadcast_in_dim3A_730 = vector.broadcast %broadcast_in_dim3A_729 : i32 to vector<16xi32>
    %add3A_731 = arith.addi %broadcast_in_dim3A_730, %iota3A : vector<16xi32>
    %broadcast_in_dim3A_732 = vector.broadcast %reduce_max3A_75 : i32 to vector<16xi32>
    %lt3A_733 = arith.cmpi slt, %add3A_731, %broadcast_in_dim3A_732 : vector<16xi32>
    %broadcast_in_dim3A_734 = vector.broadcast %reduce_max3A_100 : i32 to vector<16xi32>
    %add3A_735 = arith.addi %broadcast_in_dim3A_734, %add3A_731 : vector<16xi32>
    %broadcast_in_dim3A_736 = arith.constant 1024 : i32
    %broadcast_in_dim3A_737 = vector.broadcast %broadcast_in_dim3A_736 : i32 to vector<16xi32>
    %add3A_738 = arith.addi %broadcast_in_dim3A_737, %add3A_731 : vector<16xi32>
    %select_n3A_739 = arith.select %lt3A_733, %add3A_735, %add3A_738 : vector<16xi1>, vector<16xi32>
    %swap3A_740 = arith.constant 5 : i32
    %swap3A_741 = arith.index_cast %swap3A_740 : i32 to index
    %swap3A_742 = arith.constant 32 : index
    %swap3A_743 = tpu.vector_load %arg13[%swap3A_741, %swap3A_742] {strides = array<i32>} : memref<8x128xi32, #tpu.memory_space<vmem>>, vector<16xi32>,
    tpu.vector_store %arg13[%swap3A_741, %swap3A_742], %select_n3A_739 {strides = array<i32>} : memref<8x128xi32, #tpu.memory_space<vmem>>, vector<16xi32>,
    %broadcast_in_dim3A_744 = arith.constant 688 : i32
    %broadcast_in_dim3A_745 = vector.broadcast %broadcast_in_dim3A_744 : i32 to vector<16xi32>
    %add3A_746 = arith.addi %broadcast_in_dim3A_745, %iota3A : vector<16xi32>
    %broadcast_in_dim3A_747 = vector.broadcast %reduce_max3A_75 : i32 to vector<16xi32>
    %lt3A_748 = arith.cmpi slt, %add3A_746, %broadcast_in_dim3A_747 : vector<16xi32>
    %broadcast_in_dim3A_749 = vector.broadcast %reduce_max3A_100 : i32 to vector<16xi32>
    %add3A_750 = arith.addi %broadcast_in_dim3A_749, %add3A_746 : vector<16xi32>
    %broadcast_in_dim3A_751 = arith.constant 1024 : i32
    %broadcast_in_dim3A_752 = vector.broadcast %broadcast_in_dim3A_751 : i32 to vector<16xi32>
    %add3A_753 = arith.addi %broadcast_in_dim3A_752, %add3A_746 : vector<16xi32>
    %select_n3A_754 = arith.select %lt3A_748, %add3A_750, %add3A_753 : vector<16xi1>, vector<16xi32>
    %swap3A_755 = arith.constant 5 : i32
    %swap3A_756 = arith.index_cast %swap3A_755 : i32 to index
    %swap3A_757 = arith.constant 48 : index
    %swap3A_758 = tpu.vector_load %arg13[%swap3A_756, %swap3A_757] {strides = array<i32>} : memref<8x128xi32, #tpu.memory_space<vmem>>, vector<16xi32>,
    tpu.vector_store %arg13[%swap3A_756, %swap3A_757], %select_n3A_754 {strides = array<i32>} : memref<8x128xi32, #tpu.memory_space<vmem>>, vector<16xi32>,
    %broadcast_in_dim3A_759 = arith.constant 704 : i32
    %broadcast_in_dim3A_760 = vector.broadcast %broadcast_in_dim3A_759 : i32 to vector<16xi32>
    %add3A_761 = arith.addi %broadcast_in_dim3A_760, %iota3A : vector<16xi32>
    %broadcast_in_dim3A_762 = vector.broadcast %reduce_max3A_75 : i32 to vector<16xi32>
    %lt3A_763 = arith.cmpi slt, %add3A_761, %broadcast_in_dim3A_762 : vector<16xi32>
    %broadcast_in_dim3A_764 = vector.broadcast %reduce_max3A_100 : i32 to vector<16xi32>
    %add3A_765 = arith.addi %broadcast_in_dim3A_764, %add3A_761 : vector<16xi32>
    %broadcast_in_dim3A_766 = arith.constant 1024 : i32
    %broadcast_in_dim3A_767 = vector.broadcast %broadcast_in_dim3A_766 : i32 to vector<16xi32>
    %add3A_768 = arith.addi %broadcast_in_dim3A_767, %add3A_761 : vector<16xi32>
    %select_n3A_769 = arith.select %lt3A_763, %add3A_765, %add3A_768 : vector<16xi1>, vector<16xi32>
    %swap3A_770 = arith.constant 5 : i32
    %swap3A_771 = arith.index_cast %swap3A_770 : i32 to index
    %swap3A_772 = arith.constant 64 : index
    %swap3A_773 = tpu.vector_load %arg13[%swap3A_771, %swap3A_772] {strides = array<i32>} : memref<8x128xi32, #tpu.memory_space<vmem>>, vector<16xi32>,
    tpu.vector_store %arg13[%swap3A_771, %swap3A_772], %select_n3A_769 {strides = array<i32>} : memref<8x128xi32, #tpu.memory_space<vmem>>, vector<16xi32>,
    %broadcast_in_dim3A_774 = arith.constant 720 : i32
    %broadcast_in_dim3A_775 = vector.broadcast %broadcast_in_dim3A_774 : i32 to vector<16xi32>
    %add3A_776 = arith.addi %broadcast_in_dim3A_775, %iota3A : vector<16xi32>
    %broadcast_in_dim3A_777 = vector.broadcast %reduce_max3A_75 : i32 to vector<16xi32>
    %lt3A_778 = arith.cmpi slt, %add3A_776, %broadcast_in_dim3A_777 : vector<16xi32>
    %broadcast_in_dim3A_779 = vector.broadcast %reduce_max3A_100 : i32 to vector<16xi32>
    %add3A_780 = arith.addi %broadcast_in_dim3A_779, %add3A_776 : vector<16xi32>
    %broadcast_in_dim3A_781 = arith.constant 1024 : i32
    %broadcast_in_dim3A_782 = vector.broadcast %broadcast_in_dim3A_781 : i32 to vector<16xi32>
    %add3A_783 = arith.addi %broadcast_in_dim3A_782, %add3A_776 : vector<16xi32>
    %select_n3A_784 = arith.select %lt3A_778, %add3A_780, %add3A_783 : vector<16xi1>, vector<16xi32>
    %swap3A_785 = arith.constant 5 : i32
    %swap3A_786 = arith.index_cast %swap3A_785 : i32 to index
    %swap3A_787 = arith.constant 80 : index
    %swap3A_788 = tpu.vector_load %arg13[%swap3A_786, %swap3A_787] {strides = array<i32>} : memref<8x128xi32, #tpu.memory_space<vmem>>, vector<16xi32>,
    tpu.vector_store %arg13[%swap3A_786, %swap3A_787], %select_n3A_784 {strides = array<i32>} : memref<8x128xi32, #tpu.memory_space<vmem>>, vector<16xi32>,
    %broadcast_in_dim3A_789 = arith.constant 736 : i32
    %broadcast_in_dim3A_790 = vector.broadcast %broadcast_in_dim3A_789 : i32 to vector<16xi32>
    %add3A_791 = arith.addi %broadcast_in_dim3A_790, %iota3A : vector<16xi32>
    %broadcast_in_dim3A_792 = vector.broadcast %reduce_max3A_75 : i32 to vector<16xi32>
    %lt3A_793 = arith.cmpi slt, %add3A_791, %broadcast_in_dim3A_792 : vector<16xi32>
    %broadcast_in_dim3A_794 = vector.broadcast %reduce_max3A_100 : i32 to vector<16xi32>
    %add3A_795 = arith.addi %broadcast_in_dim3A_794, %add3A_791 : vector<16xi32>
    %broadcast_in_dim3A_796 = arith.constant 1024 : i32
    %broadcast_in_dim3A_797 = vector.broadcast %broadcast_in_dim3A_796 : i32 to vector<16xi32>
    %add3A_798 = arith.addi %broadcast_in_dim3A_797, %add3A_791 : vector<16xi32>
    %select_n3A_799 = arith.select %lt3A_793, %add3A_795, %add3A_798 : vector<16xi1>, vector<16xi32>
    %swap3A_800 = arith.constant 5 : i32
    %swap3A_801 = arith.index_cast %swap3A_800 : i32 to index
    %swap3A_802 = arith.constant 96 : index
    %swap3A_803 = tpu.vector_load %arg13[%swap3A_801, %swap3A_802] {strides = array<i32>} : memref<8x128xi32, #tpu.memory_space<vmem>>, vector<16xi32>,
    tpu.vector_store %arg13[%swap3A_801, %swap3A_802], %select_n3A_799 {strides = array<i32>} : memref<8x128xi32, #tpu.memory_space<vmem>>, vector<16xi32>,
    %broadcast_in_dim3A_804 = arith.constant 752 : i32
    %broadcast_in_dim3A_805 = vector.broadcast %broadcast_in_dim3A_804 : i32 to vector<16xi32>
    %add3A_806 = arith.addi %broadcast_in_dim3A_805, %iota3A : vector<16xi32>
    %broadcast_in_dim3A_807 = vector.broadcast %reduce_max3A_75 : i32 to vector<16xi32>
    %lt3A_808 = arith.cmpi slt, %add3A_806, %broadcast_in_dim3A_807 : vector<16xi32>
    %broadcast_in_dim3A_809 = vector.broadcast %reduce_max3A_100 : i32 to vector<16xi32>
    %add3A_810 = arith.addi %broadcast_in_dim3A_809, %add3A_806 : vector<16xi32>
    %broadcast_in_dim3A_811 = arith.constant 1024 : i32
    %broadcast_in_dim3A_812 = vector.broadcast %broadcast_in_dim3A_811 : i32 to vector<16xi32>
    %add3A_813 = arith.addi %broadcast_in_dim3A_812, %add3A_806 : vector<16xi32>
    %select_n3A_814 = arith.select %lt3A_808, %add3A_810, %add3A_813 : vector<16xi1>, vector<16xi32>
    %swap3A_815 = arith.constant 5 : i32
    %swap3A_816 = arith.index_cast %swap3A_815 : i32 to index
    %swap3A_817 = arith.constant 112 : index
    %swap3A_818 = tpu.vector_load %arg13[%swap3A_816, %swap3A_817] {strides = array<i32>} : memref<8x128xi32, #tpu.memory_space<vmem>>, vector<16xi32>,
    tpu.vector_store %arg13[%swap3A_816, %swap3A_817], %select_n3A_814 {strides = array<i32>} : memref<8x128xi32, #tpu.memory_space<vmem>>, vector<16xi32>,
    %broadcast_in_dim3A_819 = arith.constant 768 : i32
    %broadcast_in_dim3A_820 = vector.broadcast %broadcast_in_dim3A_819 : i32 to vector<16xi32>
    %add3A_821 = arith.addi %broadcast_in_dim3A_820, %iota3A : vector<16xi32>
    %broadcast_in_dim3A_822 = vector.broadcast %reduce_max3A_75 : i32 to vector<16xi32>
    %lt3A_823 = arith.cmpi slt, %add3A_821, %broadcast_in_dim3A_822 : vector<16xi32>
    %broadcast_in_dim3A_824 = vector.broadcast %reduce_max3A_100 : i32 to vector<16xi32>
    %add3A_825 = arith.addi %broadcast_in_dim3A_824, %add3A_821 : vector<16xi32>
    %broadcast_in_dim3A_826 = arith.constant 1024 : i32
    %broadcast_in_dim3A_827 = vector.broadcast %broadcast_in_dim3A_826 : i32 to vector<16xi32>
    %add3A_828 = arith.addi %broadcast_in_dim3A_827, %add3A_821 : vector<16xi32>
    %select_n3A_829 = arith.select %lt3A_823, %add3A_825, %add3A_828 : vector<16xi1>, vector<16xi32>
    %swap3A_830 = arith.constant 6 : i32
    %swap3A_831 = arith.index_cast %swap3A_830 : i32 to index
    %swap3A_832 = arith.constant 0 : index
    %swap3A_833 = tpu.vector_load %arg13[%swap3A_831, %swap3A_832] {strides = array<i32>} : memref<8x128xi32, #tpu.memory_space<vmem>>, vector<16xi32>,
    tpu.vector_store %arg13[%swap3A_831, %swap3A_832], %select_n3A_829 {strides = array<i32>} : memref<8x128xi32, #tpu.memory_space<vmem>>, vector<16xi32>,
    %broadcast_in_dim3A_834 = arith.constant 784 : i32
    %broadcast_in_dim3A_835 = vector.broadcast %broadcast_in_dim3A_834 : i32 to vector<16xi32>
    %add3A_836 = arith.addi %broadcast_in_dim3A_835, %iota3A : vector<16xi32>
    %broadcast_in_dim3A_837 = vector.broadcast %reduce_max3A_75 : i32 to vector<16xi32>
    %lt3A_838 = arith.cmpi slt, %add3A_836, %broadcast_in_dim3A_837 : vector<16xi32>
    %broadcast_in_dim3A_839 = vector.broadcast %reduce_max3A_100 : i32 to vector<16xi32>
    %add3A_840 = arith.addi %broadcast_in_dim3A_839, %add3A_836 : vector<16xi32>
    %broadcast_in_dim3A_841 = arith.constant 1024 : i32
    %broadcast_in_dim3A_842 = vector.broadcast %broadcast_in_dim3A_841 : i32 to vector<16xi32>
    %add3A_843 = arith.addi %broadcast_in_dim3A_842, %add3A_836 : vector<16xi32>
    %select_n3A_844 = arith.select %lt3A_838, %add3A_840, %add3A_843 : vector<16xi1>, vector<16xi32>
    %swap3A_845 = arith.constant 6 : i32
    %swap3A_846 = arith.index_cast %swap3A_845 : i32 to index
    %swap3A_847 = arith.constant 16 : index
    %swap3A_848 = tpu.vector_load %arg13[%swap3A_846, %swap3A_847] {strides = array<i32>} : memref<8x128xi32, #tpu.memory_space<vmem>>, vector<16xi32>,
    tpu.vector_store %arg13[%swap3A_846, %swap3A_847], %select_n3A_844 {strides = array<i32>} : memref<8x128xi32, #tpu.memory_space<vmem>>, vector<16xi32>,
    %broadcast_in_dim3A_849 = arith.constant 800 : i32
    %broadcast_in_dim3A_850 = vector.broadcast %broadcast_in_dim3A_849 : i32 to vector<16xi32>
    %add3A_851 = arith.addi %broadcast_in_dim3A_850, %iota3A : vector<16xi32>
    %broadcast_in_dim3A_852 = vector.broadcast %reduce_max3A_75 : i32 to vector<16xi32>
    %lt3A_853 = arith.cmpi slt, %add3A_851, %broadcast_in_dim3A_852 : vector<16xi32>
    %broadcast_in_dim3A_854 = vector.broadcast %reduce_max3A_100 : i32 to vector<16xi32>
    %add3A_855 = arith.addi %broadcast_in_dim3A_854, %add3A_851 : vector<16xi32>
    %broadcast_in_dim3A_856 = arith.constant 1024 : i32
    %broadcast_in_dim3A_857 = vector.broadcast %broadcast_in_dim3A_856 : i32 to vector<16xi32>
    %add3A_858 = arith.addi %broadcast_in_dim3A_857, %add3A_851 : vector<16xi32>
    %select_n3A_859 = arith.select %lt3A_853, %add3A_855, %add3A_858 : vector<16xi1>, vector<16xi32>
    %swap3A_860 = arith.constant 6 : i32
    %swap3A_861 = arith.index_cast %swap3A_860 : i32 to index
    %swap3A_862 = arith.constant 32 : index
    %swap3A_863 = tpu.vector_load %arg13[%swap3A_861, %swap3A_862] {strides = array<i32>} : memref<8x128xi32, #tpu.memory_space<vmem>>, vector<16xi32>,
    tpu.vector_store %arg13[%swap3A_861, %swap3A_862], %select_n3A_859 {strides = array<i32>} : memref<8x128xi32, #tpu.memory_space<vmem>>, vector<16xi32>,
    %broadcast_in_dim3A_864 = arith.constant 816 : i32
    %broadcast_in_dim3A_865 = vector.broadcast %broadcast_in_dim3A_864 : i32 to vector<16xi32>
    %add3A_866 = arith.addi %broadcast_in_dim3A_865, %iota3A : vector<16xi32>
    %broadcast_in_dim3A_867 = vector.broadcast %reduce_max3A_75 : i32 to vector<16xi32>
    %lt3A_868 = arith.cmpi slt, %add3A_866, %broadcast_in_dim3A_867 : vector<16xi32>
    %broadcast_in_dim3A_869 = vector.broadcast %reduce_max3A_100 : i32 to vector<16xi32>
    %add3A_870 = arith.addi %broadcast_in_dim3A_869, %add3A_866 : vector<16xi32>
    %broadcast_in_dim3A_871 = arith.constant 1024 : i32
    %broadcast_in_dim3A_872 = vector.broadcast %broadcast_in_dim3A_871 : i32 to vector<16xi32>
    %add3A_873 = arith.addi %broadcast_in_dim3A_872, %add3A_866 : vector<16xi32>
    %select_n3A_874 = arith.select %lt3A_868, %add3A_870, %add3A_873 : vector<16xi1>, vector<16xi32>
    %swap3A_875 = arith.constant 6 : i32
    %swap3A_876 = arith.index_cast %swap3A_875 : i32 to index
    %swap3A_877 = arith.constant 48 : index
    %swap3A_878 = tpu.vector_load %arg13[%swap3A_876, %swap3A_877] {strides = array<i32>} : memref<8x128xi32, #tpu.memory_space<vmem>>, vector<16xi32>,
    tpu.vector_store %arg13[%swap3A_876, %swap3A_877], %select_n3A_874 {strides = array<i32>} : memref<8x128xi32, #tpu.memory_space<vmem>>, vector<16xi32>,
    %broadcast_in_dim3A_879 = arith.constant 832 : i32
    %broadcast_in_dim3A_880 = vector.broadcast %broadcast_in_dim3A_879 : i32 to vector<16xi32>
    %add3A_881 = arith.addi %broadcast_in_dim3A_880, %iota3A : vector<16xi32>
    %broadcast_in_dim3A_882 = vector.broadcast %reduce_max3A_75 : i32 to vector<16xi32>
    %lt3A_883 = arith.cmpi slt, %add3A_881, %broadcast_in_dim3A_882 : vector<16xi32>
    %broadcast_in_dim3A_884 = vector.broadcast %reduce_max3A_100 : i32 to vector<16xi32>
    %add3A_885 = arith.addi %broadcast_in_dim3A_884, %add3A_881 : vector<16xi32>
    %broadcast_in_dim3A_886 = arith.constant 1024 : i32
    %broadcast_in_dim3A_887 = vector.broadcast %broadcast_in_dim3A_886 : i32 to vector<16xi32>
    %add3A_888 = arith.addi %broadcast_in_dim3A_887, %add3A_881 : vector<16xi32>
    %select_n3A_889 = arith.select %lt3A_883, %add3A_885, %add3A_888 : vector<16xi1>, vector<16xi32>
    %swap3A_890 = arith.constant 6 : i32
    %swap3A_891 = arith.index_cast %swap3A_890 : i32 to index
    %swap3A_892 = arith.constant 64 : index
    %swap3A_893 = tpu.vector_load %arg13[%swap3A_891, %swap3A_892] {strides = array<i32>} : memref<8x128xi32, #tpu.memory_space<vmem>>, vector<16xi32>,
    tpu.vector_store %arg13[%swap3A_891, %swap3A_892], %select_n3A_889 {strides = array<i32>} : memref<8x128xi32, #tpu.memory_space<vmem>>, vector<16xi32>,
    %broadcast_in_dim3A_894 = arith.constant 848 : i32
    %broadcast_in_dim3A_895 = vector.broadcast %broadcast_in_dim3A_894 : i32 to vector<16xi32>
    %add3A_896 = arith.addi %broadcast_in_dim3A_895, %iota3A : vector<16xi32>
    %broadcast_in_dim3A_897 = vector.broadcast %reduce_max3A_75 : i32 to vector<16xi32>
    %lt3A_898 = arith.cmpi slt, %add3A_896, %broadcast_in_dim3A_897 : vector<16xi32>
    %broadcast_in_dim3A_899 = vector.broadcast %reduce_max3A_100 : i32 to vector<16xi32>
    %add3A_900 = arith.addi %broadcast_in_dim3A_899, %add3A_896 : vector<16xi32>
    %broadcast_in_dim3A_901 = arith.constant 1024 : i32
    %broadcast_in_dim3A_902 = vector.broadcast %broadcast_in_dim3A_901 : i32 to vector<16xi32>
    %add3A_903 = arith.addi %broadcast_in_dim3A_902, %add3A_896 : vector<16xi32>
    %select_n3A_904 = arith.select %lt3A_898, %add3A_900, %add3A_903 : vector<16xi1>, vector<16xi32>
    %swap3A_905 = arith.constant 6 : i32
    %swap3A_906 = arith.index_cast %swap3A_905 : i32 to index
    %swap3A_907 = arith.constant 80 : index
    %swap3A_908 = tpu.vector_load %arg13[%swap3A_906, %swap3A_907] {strides = array<i32>} : memref<8x128xi32, #tpu.memory_space<vmem>>, vector<16xi32>,
    tpu.vector_store %arg13[%swap3A_906, %swap3A_907], %select_n3A_904 {strides = array<i32>} : memref<8x128xi32, #tpu.memory_space<vmem>>, vector<16xi32>,
    %broadcast_in_dim3A_909 = arith.constant 864 : i32
    %broadcast_in_dim3A_910 = vector.broadcast %broadcast_in_dim3A_909 : i32 to vector<16xi32>
    %add3A_911 = arith.addi %broadcast_in_dim3A_910, %iota3A : vector<16xi32>
    %broadcast_in_dim3A_912 = vector.broadcast %reduce_max3A_75 : i32 to vector<16xi32>
    %lt3A_913 = arith.cmpi slt, %add3A_911, %broadcast_in_dim3A_912 : vector<16xi32>
    %broadcast_in_dim3A_914 = vector.broadcast %reduce_max3A_100 : i32 to vector<16xi32>
    %add3A_915 = arith.addi %broadcast_in_dim3A_914, %add3A_911 : vector<16xi32>
    %broadcast_in_dim3A_916 = arith.constant 1024 : i32
    %broadcast_in_dim3A_917 = vector.broadcast %broadcast_in_dim3A_916 : i32 to vector<16xi32>
    %add3A_918 = arith.addi %broadcast_in_dim3A_917, %add3A_911 : vector<16xi32>
    %select_n3A_919 = arith.select %lt3A_913, %add3A_915, %add3A_918 : vector<16xi1>, vector<16xi32>
    %swap3A_920 = arith.constant 6 : i32
    %swap3A_921 = arith.index_cast %swap3A_920 : i32 to index
    %swap3A_922 = arith.constant 96 : index
    %swap3A_923 = tpu.vector_load %arg13[%swap3A_921, %swap3A_922] {strides = array<i32>} : memref<8x128xi32, #tpu.memory_space<vmem>>, vector<16xi32>,
    tpu.vector_store %arg13[%swap3A_921, %swap3A_922], %select_n3A_919 {strides = array<i32>} : memref<8x128xi32, #tpu.memory_space<vmem>>, vector<16xi32>,
    %broadcast_in_dim3A_924 = arith.constant 880 : i32
    %broadcast_in_dim3A_925 = vector.broadcast %broadcast_in_dim3A_924 : i32 to vector<16xi32>
    %add3A_926 = arith.addi %broadcast_in_dim3A_925, %iota3A : vector<16xi32>
    %broadcast_in_dim3A_927 = vector.broadcast %reduce_max3A_75 : i32 to vector<16xi32>
    %lt3A_928 = arith.cmpi slt, %add3A_926, %broadcast_in_dim3A_927 : vector<16xi32>
    %broadcast_in_dim3A_929 = vector.broadcast %reduce_max3A_100 : i32 to vector<16xi32>
    %add3A_930 = arith.addi %broadcast_in_dim3A_929, %add3A_926 : vector<16xi32>
    %broadcast_in_dim3A_931 = arith.constant 1024 : i32
    %broadcast_in_dim3A_932 = vector.broadcast %broadcast_in_dim3A_931 : i32 to vector<16xi32>
    %add3A_933 = arith.addi %broadcast_in_dim3A_932, %add3A_926 : vector<16xi32>
    %select_n3A_934 = arith.select %lt3A_928, %add3A_930, %add3A_933 : vector<16xi1>, vector<16xi32>
    %swap3A_935 = arith.constant 6 : i32
    %swap3A_936 = arith.index_cast %swap3A_935 : i32 to index
    %swap3A_937 = arith.constant 112 : index
    %swap3A_938 = tpu.vector_load %arg13[%swap3A_936, %swap3A_937] {strides = array<i32>} : memref<8x128xi32, #tpu.memory_space<vmem>>, vector<16xi32>,
    tpu.vector_store %arg13[%swap3A_936, %swap3A_937], %select_n3A_934 {strides = array<i32>} : memref<8x128xi32, #tpu.memory_space<vmem>>, vector<16xi32>,
    %broadcast_in_dim3A_939 = arith.constant 896 : i32
    %broadcast_in_dim3A_940 = vector.broadcast %broadcast_in_dim3A_939 : i32 to vector<16xi32>
    %add3A_941 = arith.addi %broadcast_in_dim3A_940, %iota3A : vector<16xi32>
    %broadcast_in_dim3A_942 = vector.broadcast %reduce_max3A_75 : i32 to vector<16xi32>
    %lt3A_943 = arith.cmpi slt, %add3A_941, %broadcast_in_dim3A_942 : vector<16xi32>
    %broadcast_in_dim3A_944 = vector.broadcast %reduce_max3A_100 : i32 to vector<16xi32>
    %add3A_945 = arith.addi %broadcast_in_dim3A_944, %add3A_941 : vector<16xi32>
    %broadcast_in_dim3A_946 = arith.constant 1024 : i32
    %broadcast_in_dim3A_947 = vector.broadcast %broadcast_in_dim3A_946 : i32 to vector<16xi32>
    %add3A_948 = arith.addi %broadcast_in_dim3A_947, %add3A_941 : vector<16xi32>
    %select_n3A_949 = arith.select %lt3A_943, %add3A_945, %add3A_948 : vector<16xi1>, vector<16xi32>
    %swap3A_950 = arith.constant 7 : i32
    %swap3A_951 = arith.index_cast %swap3A_950 : i32 to index
    %swap3A_952 = arith.constant 0 : index
    %swap3A_953 = tpu.vector_load %arg13[%swap3A_951, %swap3A_952] {strides = array<i32>} : memref<8x128xi32, #tpu.memory_space<vmem>>, vector<16xi32>,
    tpu.vector_store %arg13[%swap3A_951, %swap3A_952], %select_n3A_949 {strides = array<i32>} : memref<8x128xi32, #tpu.memory_space<vmem>>, vector<16xi32>,
    %broadcast_in_dim3A_954 = arith.constant 912 : i32
    %broadcast_in_dim3A_955 = vector.broadcast %broadcast_in_dim3A_954 : i32 to vector<16xi32>
    %add3A_956 = arith.addi %broadcast_in_dim3A_955, %iota3A : vector<16xi32>
    %broadcast_in_dim3A_957 = vector.broadcast %reduce_max3A_75 : i32 to vector<16xi32>
    %lt3A_958 = arith.cmpi slt, %add3A_956, %broadcast_in_dim3A_957 : vector<16xi32>
    %broadcast_in_dim3A_959 = vector.broadcast %reduce_max3A_100 : i32 to vector<16xi32>
    %add3A_960 = arith.addi %broadcast_in_dim3A_959, %add3A_956 : vector<16xi32>
    %broadcast_in_dim3A_961 = arith.constant 1024 : i32
    %broadcast_in_dim3A_962 = vector.broadcast %broadcast_in_dim3A_961 : i32 to vector<16xi32>
    %add3A_963 = arith.addi %broadcast_in_dim3A_962, %add3A_956 : vector<16xi32>
    %select_n3A_964 = arith.select %lt3A_958, %add3A_960, %add3A_963 : vector<16xi1>, vector<16xi32>
    %swap3A_965 = arith.constant 7 : i32
    %swap3A_966 = arith.index_cast %swap3A_965 : i32 to index
    %swap3A_967 = arith.constant 16 : index
    %swap3A_968 = tpu.vector_load %arg13[%swap3A_966, %swap3A_967] {strides = array<i32>} : memref<8x128xi32, #tpu.memory_space<vmem>>, vector<16xi32>,
    tpu.vector_store %arg13[%swap3A_966, %swap3A_967], %select_n3A_964 {strides = array<i32>} : memref<8x128xi32, #tpu.memory_space<vmem>>, vector<16xi32>,
    %broadcast_in_dim3A_969 = arith.constant 928 : i32
    %broadcast_in_dim3A_970 = vector.broadcast %broadcast_in_dim3A_969 : i32 to vector<16xi32>
    %add3A_971 = arith.addi %broadcast_in_dim3A_970, %iota3A : vector<16xi32>
    %broadcast_in_dim3A_972 = vector.broadcast %reduce_max3A_75 : i32 to vector<16xi32>
    %lt3A_973 = arith.cmpi slt, %add3A_971, %broadcast_in_dim3A_972 : vector<16xi32>
    %broadcast_in_dim3A_974 = vector.broadcast %reduce_max3A_100 : i32 to vector<16xi32>
    %add3A_975 = arith.addi %broadcast_in_dim3A_974, %add3A_971 : vector<16xi32>
    %broadcast_in_dim3A_976 = arith.constant 1024 : i32
    %broadcast_in_dim3A_977 = vector.broadcast %broadcast_in_dim3A_976 : i32 to vector<16xi32>
    %add3A_978 = arith.addi %broadcast_in_dim3A_977, %add3A_971 : vector<16xi32>
    %select_n3A_979 = arith.select %lt3A_973, %add3A_975, %add3A_978 : vector<16xi1>, vector<16xi32>
    %swap3A_980 = arith.constant 7 : i32
    %swap3A_981 = arith.index_cast %swap3A_980 : i32 to index
    %swap3A_982 = arith.constant 32 : index
    %swap3A_983 = tpu.vector_load %arg13[%swap3A_981, %swap3A_982] {strides = array<i32>} : memref<8x128xi32, #tpu.memory_space<vmem>>, vector<16xi32>,
    tpu.vector_store %arg13[%swap3A_981, %swap3A_982], %select_n3A_979 {strides = array<i32>} : memref<8x128xi32, #tpu.memory_space<vmem>>, vector<16xi32>,
    %broadcast_in_dim3A_984 = arith.constant 944 : i32
    %broadcast_in_dim3A_985 = vector.broadcast %broadcast_in_dim3A_984 : i32 to vector<16xi32>
    %add3A_986 = arith.addi %broadcast_in_dim3A_985, %iota3A : vector<16xi32>
    %broadcast_in_dim3A_987 = vector.broadcast %reduce_max3A_75 : i32 to vector<16xi32>
    %lt3A_988 = arith.cmpi slt, %add3A_986, %broadcast_in_dim3A_987 : vector<16xi32>
    %broadcast_in_dim3A_989 = vector.broadcast %reduce_max3A_100 : i32 to vector<16xi32>
    %add3A_990 = arith.addi %broadcast_in_dim3A_989, %add3A_986 : vector<16xi32>
    %broadcast_in_dim3A_991 = arith.constant 1024 : i32
    %broadcast_in_dim3A_992 = vector.broadcast %broadcast_in_dim3A_991 : i32 to vector<16xi32>
    %add3A_993 = arith.addi %broadcast_in_dim3A_992, %add3A_986 : vector<16xi32>
    %select_n3A_994 = arith.select %lt3A_988, %add3A_990, %add3A_993 : vector<16xi1>, vector<16xi32>
    %swap3A_995 = arith.constant 7 : i32
    %swap3A_996 = arith.index_cast %swap3A_995 : i32 to index
    %swap3A_997 = arith.constant 48 : index
    %swap3A_998 = tpu.vector_load %arg13[%swap3A_996, %swap3A_997] {strides = array<i32>} : memref<8x128xi32, #tpu.memory_space<vmem>>, vector<16xi32>,
    tpu.vector_store %arg13[%swap3A_996, %swap3A_997], %select_n3A_994 {strides = array<i32>} : memref<8x128xi32, #tpu.memory_space<vmem>>, vector<16xi32>,
    %broadcast_in_dim3A_999 = arith.constant 960 : i32
    %broadcast_in_dim3A_1000 = vector.broadcast %broadcast_in_dim3A_999 : i32 to vector<16xi32>
    %add3A_1001 = arith.addi %broadcast_in_dim3A_1000, %iota3A : vector<16xi32>
    %broadcast_in_dim3A_1002 = vector.broadcast %reduce_max3A_75 : i32 to vector<16xi32>
    %lt3A_1003 = arith.cmpi slt, %add3A_1001, %broadcast_in_dim3A_1002 : vector<16xi32>
    %broadcast_in_dim3A_1004 = vector.broadcast %reduce_max3A_100 : i32 to vector<16xi32>
    %add3A_1005 = arith.addi %broadcast_in_dim3A_1004, %add3A_1001 : vector<16xi32>
    %broadcast_in_dim3A_1006 = arith.constant 1024 : i32
    %broadcast_in_dim3A_1007 = vector.broadcast %broadcast_in_dim3A_1006 : i32 to vector<16xi32>
    %add3A_1008 = arith.addi %broadcast_in_dim3A_1007, %add3A_1001 : vector<16xi32>
    %select_n3A_1009 = arith.select %lt3A_1003, %add3A_1005, %add3A_1008 : vector<16xi1>, vector<16xi32>
    %swap3A_1010 = arith.constant 7 : i32
    %swap3A_1011 = arith.index_cast %swap3A_1010 : i32 to index
    %swap3A_1012 = arith.constant 64 : index
    %swap3A_1013 = tpu.vector_load %arg13[%swap3A_1011, %swap3A_1012] {strides = array<i32>} : memref<8x128xi32, #tpu.memory_space<vmem>>, vector<16xi32>,
    tpu.vector_store %arg13[%swap3A_1011, %swap3A_1012], %select_n3A_1009 {strides = array<i32>} : memref<8x128xi32, #tpu.memory_space<vmem>>, vector<16xi32>,
    %broadcast_in_dim3A_1014 = arith.constant 976 : i32
    %broadcast_in_dim3A_1015 = vector.broadcast %broadcast_in_dim3A_1014 : i32 to vector<16xi32>
    %add3A_1016 = arith.addi %broadcast_in_dim3A_1015, %iota3A : vector<16xi32>
    %broadcast_in_dim3A_1017 = vector.broadcast %reduce_max3A_75 : i32 to vector<16xi32>
    %lt3A_1018 = arith.cmpi slt, %add3A_1016, %broadcast_in_dim3A_1017 : vector<16xi32>
    %broadcast_in_dim3A_1019 = vector.broadcast %reduce_max3A_100 : i32 to vector<16xi32>
    %add3A_1020 = arith.addi %broadcast_in_dim3A_1019, %add3A_1016 : vector<16xi32>
    %broadcast_in_dim3A_1021 = arith.constant 1024 : i32
    %broadcast_in_dim3A_1022 = vector.broadcast %broadcast_in_dim3A_1021 : i32 to vector<16xi32>
    %add3A_1023 = arith.addi %broadcast_in_dim3A_1022, %add3A_1016 : vector<16xi32>
    %select_n3A_1024 = arith.select %lt3A_1018, %add3A_1020, %add3A_1023 : vector<16xi1>, vector<16xi32>
    %swap3A_1025 = arith.constant 7 : i32
    %swap3A_1026 = arith.index_cast %swap3A_1025 : i32 to index
    %swap3A_1027 = arith.constant 80 : index
    %swap3A_1028 = tpu.vector_load %arg13[%swap3A_1026, %swap3A_1027] {strides = array<i32>} : memref<8x128xi32, #tpu.memory_space<vmem>>, vector<16xi32>,
    tpu.vector_store %arg13[%swap3A_1026, %swap3A_1027], %select_n3A_1024 {strides = array<i32>} : memref<8x128xi32, #tpu.memory_space<vmem>>, vector<16xi32>,
    %broadcast_in_dim3A_1029 = arith.constant 992 : i32
    %broadcast_in_dim3A_1030 = vector.broadcast %broadcast_in_dim3A_1029 : i32 to vector<16xi32>
    %add3A_1031 = arith.addi %broadcast_in_dim3A_1030, %iota3A : vector<16xi32>
    %broadcast_in_dim3A_1032 = vector.broadcast %reduce_max3A_75 : i32 to vector<16xi32>
    %lt3A_1033 = arith.cmpi slt, %add3A_1031, %broadcast_in_dim3A_1032 : vector<16xi32>
    %broadcast_in_dim3A_1034 = vector.broadcast %reduce_max3A_100 : i32 to vector<16xi32>
    %add3A_1035 = arith.addi %broadcast_in_dim3A_1034, %add3A_1031 : vector<16xi32>
    %broadcast_in_dim3A_1036 = arith.constant 1024 : i32
    %broadcast_in_dim3A_1037 = vector.broadcast %broadcast_in_dim3A_1036 : i32 to vector<16xi32>
    %add3A_1038 = arith.addi %broadcast_in_dim3A_1037, %add3A_1031 : vector<16xi32>
    %select_n3A_1039 = arith.select %lt3A_1033, %add3A_1035, %add3A_1038 : vector<16xi1>, vector<16xi32>
    %swap3A_1040 = arith.constant 7 : i32
    %swap3A_1041 = arith.index_cast %swap3A_1040 : i32 to index
    %swap3A_1042 = arith.constant 96 : index
    %swap3A_1043 = tpu.vector_load %arg13[%swap3A_1041, %swap3A_1042] {strides = array<i32>} : memref<8x128xi32, #tpu.memory_space<vmem>>, vector<16xi32>,
    tpu.vector_store %arg13[%swap3A_1041, %swap3A_1042], %select_n3A_1039 {strides = array<i32>} : memref<8x128xi32, #tpu.memory_space<vmem>>, vector<16xi32>,
    %broadcast_in_dim3A_1044 = arith.constant 1008 : i32
    %broadcast_in_dim3A_1045 = vector.broadcast %broadcast_in_dim3A_1044 : i32 to vector<16xi32>
    %add3A_1046 = arith.addi %broadcast_in_dim3A_1045, %iota3A : vector<16xi32>
    %broadcast_in_dim3A_1047 = vector.broadcast %reduce_max3A_75 : i32 to vector<16xi32>
    %lt3A_1048 = arith.cmpi slt, %add3A_1046, %broadcast_in_dim3A_1047 : vector<16xi32>
    %broadcast_in_dim3A_1049 = vector.broadcast %reduce_max3A_100 : i32 to vector<16xi32>
    %add3A_1050 = arith.addi %broadcast_in_dim3A_1049, %add3A_1046 : vector<16xi32>
    %broadcast_in_dim3A_1051 = arith.constant 1024 : i32
    %broadcast_in_dim3A_1052 = vector.broadcast %broadcast_in_dim3A_1051 : i32 to vector<16xi32>
    %add3A_1053 = arith.addi %broadcast_in_dim3A_1052, %add3A_1046 : vector<16xi32>
    %select_n3A_1054 = arith.select %lt3A_1048, %add3A_1050, %add3A_1053 : vector<16xi1>, vector<16xi32>
    %swap3A_1055 = arith.constant 7 : i32
    %swap3A_1056 = arith.index_cast %swap3A_1055 : i32 to index
    %swap3A_1057 = arith.constant 112 : index
    %swap3A_1058 = tpu.vector_load %arg13[%swap3A_1056, %swap3A_1057] {strides = array<i32>} : memref<8x128xi32, #tpu.memory_space<vmem>>, vector<16xi32>,
    tpu.vector_store %arg13[%swap3A_1056, %swap3A_1057], %select_n3A_1054 {strides = array<i32>} : memref<8x128xi32, #tpu.memory_space<vmem>>, vector<16xi32>,
    %run_scoped3A = arith.constant 0 : i32
    "tpu.region"() ({
      %run_scoped3A_1177 = tpu.sem_alloc : memref<!tpu.dma_semaphore, #tpu.memory_space<semaphore_mem>>
      %dma_start3A = arith.constant 0 : i32
      %dma_start3A_1178 = tpu.memref_slice %arg9[%dma_start3A] : memref<1024xi32, #tpu.memory_space<vmem>> -> memref<128xi32, #tpu.memory_space<vmem>>
      %dma_start3A_1179 = arith.constant 0 : i32
      %dma_start3A_1180 = tpu.memref_slice %arg13[%run_scoped3A, %dma_start3A_1179] : memref<8x128xi32, #tpu.memory_space<vmem>> -> memref<1x128xi32, #tpu.memory_space<vmem>>
      %dma_start3A_1181 = tpu.memref_squeeze %dma_start3A_1180 : memref<1x128xi32, #tpu.memory_space<vmem>> -> memref<128xi32, #tpu.memory_space<vmem>>
      %dma_start3A_1182 = arith.constant 0 : i32
      %dma_start3A_1183 = tpu.memref_slice %arg19[%dma_start3A_1182] : memref<2048xi32, #tpu.memory_space<vmem_shared>> -> memref<2048xi32, #tpu.memory_space<vmem_shared>>
      tpu.enqueue_indirect_dma source(%dma_start3A_1178 : memref<128xi32, #tpu.memory_space<vmem>>) target(%dma_start3A_1183 : memref<2048xi32, #tpu.memory_space<vmem_shared>>) offsets(%dma_start3A_1181 : memref<128xi32, #tpu.memory_space<vmem>>) semaphore(%run_scoped3A_1177 : memref<!tpu.dma_semaphore, #tpu.memory_space<semaphore_mem>>)
      %dma_wait3A = arith.constant 0 : i32
      %dma_wait3A_1184 = tpu.memref_slice %arg9[%dma_wait3A] : memref<1024xi32, #tpu.memory_space<vmem>> -> memref<128xi32, #tpu.memory_space<vmem>>
      %dma_wait3A_1185 = arith.constant 0 : i32
      %dma_wait3A_1186 = tpu.memref_slice %arg13[%run_scoped3A, %dma_wait3A_1185] : memref<8x128xi32, #tpu.memory_space<vmem>> -> memref<1x128xi32, #tpu.memory_space<vmem>>
      %dma_wait3A_1187 = tpu.memref_squeeze %dma_wait3A_1186 : memref<1x128xi32, #tpu.memory_space<vmem>> -> memref<128xi32, #tpu.memory_space<vmem>>
      %dma_wait3A_1188 = arith.constant 0 : i32
      %dma_wait3A_1189 = tpu.memref_slice %arg19[%dma_wait3A_1188] : memref<2048xi32, #tpu.memory_space<vmem_shared>> -> memref<2048xi32, #tpu.memory_space<vmem_shared>>
      tpu.wait_indirect_dma semaphore(%run_scoped3A_1177 : memref<!tpu.dma_semaphore, #tpu.memory_space<semaphore_mem>>) src(%dma_wait3A_1184 : memref<128xi32, #tpu.memory_space<vmem>>) dst(%dma_wait3A_1189 : memref<2048xi32, #tpu.memory_space<vmem_shared>>)
      tpu.yield
    }) : () -> ()
    %run_scoped3A_1059 = arith.constant 0 : i32
    "tpu.region"() ({
      %run_scoped3A_1177 = tpu.sem_alloc : memref<!tpu.dma_semaphore, #tpu.memory_space<semaphore_mem>>
      %dma_start3A = arith.constant 0 : i32
      %dma_start3A_1178 = tpu.memref_slice %arg10[%dma_start3A] : memref<1024xi32, #tpu.memory_space<vmem>> -> memref<128xi32, #tpu.memory_space<vmem>>
      %dma_start3A_1179 = arith.constant 0 : i32
      %dma_start3A_1180 = tpu.memref_slice %arg13[%run_scoped3A_1059, %dma_start3A_1179] : memref<8x128xi32, #tpu.memory_space<vmem>> -> memref<1x128xi32, #tpu.memory_space<vmem>>
      %dma_start3A_1181 = tpu.memref_squeeze %dma_start3A_1180 : memref<1x128xi32, #tpu.memory_space<vmem>> -> memref<128xi32, #tpu.memory_space<vmem>>
      %dma_start3A_1182 = arith.constant 0 : i32
      %dma_start3A_1183 = tpu.memref_slice %arg20[%dma_start3A_1182] : memref<2048xi32, #tpu.memory_space<vmem_shared>> -> memref<2048xi32, #tpu.memory_space<vmem_shared>>
      tpu.enqueue_indirect_dma source(%dma_start3A_1178 : memref<128xi32, #tpu.memory_space<vmem>>) target(%dma_start3A_1183 : memref<2048xi32, #tpu.memory_space<vmem_shared>>) offsets(%dma_start3A_1181 : memref<128xi32, #tpu.memory_space<vmem>>) semaphore(%run_scoped3A_1177 : memref<!tpu.dma_semaphore, #tpu.memory_space<semaphore_mem>>)
      %dma_wait3A = arith.constant 0 : i32
      %dma_wait3A_1184 = tpu.memref_slice %arg10[%dma_wait3A] : memref<1024xi32, #tpu.memory_space<vmem>> -> memref<128xi32, #tpu.memory_space<vmem>>
      %dma_wait3A_1185 = arith.constant 0 : i32
      %dma_wait3A_1186 = tpu.memref_slice %arg13[%run_scoped3A_1059, %dma_wait3A_1185] : memref<8x128xi32, #tpu.memory_space<vmem>> -> memref<1x128xi32, #tpu.memory_space<vmem>>
      %dma_wait3A_1187 = tpu.memref_squeeze %dma_wait3A_1186 : memref<1x128xi32, #tpu.memory_space<vmem>> -> memref<128xi32, #tpu.memory_space<vmem>>
      %dma_wait3A_1188 = arith.constant 0 : i32
      %dma_wait3A_1189 = tpu.memref_slice %arg20[%dma_wait3A_1188] : memref<2048xi32, #tpu.memory_space<vmem_shared>> -> memref<2048xi32, #tpu.memory_space<vmem_shared>>
      tpu.wait_indirect_dma semaphore(%run_scoped3A_1177 : memref<!tpu.dma_semaphore, #tpu.memory_space<semaphore_mem>>) src(%dma_wait3A_1184 : memref<128xi32, #tpu.memory_space<vmem>>) dst(%dma_wait3A_1189 : memref<2048xi32, #tpu.memory_space<vmem_shared>>)
      tpu.yield
    }) : () -> ()
    %run_scoped3A_1060 = arith.constant 1 : i32
    "tpu.region"() ({
      %run_scoped3A_1177 = tpu.sem_alloc : memref<!tpu.dma_semaphore, #tpu.memory_space<semaphore_mem>>
      %dma_start3A = arith.constant 128 : i32
      %dma_start3A_1178 = tpu.memref_slice %arg9[%dma_start3A] : memref<1024xi32, #tpu.memory_space<vmem>> -> memref<128xi32, #tpu.memory_space<vmem>>
      %dma_start3A_1179 = arith.constant 0 : i32
      %dma_start3A_1180 = tpu.memref_slice %arg13[%run_scoped3A_1060, %dma_start3A_1179] : memref<8x128xi32, #tpu.memory_space<vmem>> -> memref<1x128xi32, #tpu.memory_space<vmem>>
      %dma_start3A_1181 = tpu.memref_squeeze %dma_start3A_1180 : memref<1x128xi32, #tpu.memory_space<vmem>> -> memref<128xi32, #tpu.memory_space<vmem>>
      %dma_start3A_1182 = arith.constant 0 : i32
      %dma_start3A_1183 = tpu.memref_slice %arg19[%dma_start3A_1182] : memref<2048xi32, #tpu.memory_space<vmem_shared>> -> memref<2048xi32, #tpu.memory_space<vmem_shared>>
      tpu.enqueue_indirect_dma source(%dma_start3A_1178 : memref<128xi32, #tpu.memory_space<vmem>>) target(%dma_start3A_1183 : memref<2048xi32, #tpu.memory_space<vmem_shared>>) offsets(%dma_start3A_1181 : memref<128xi32, #tpu.memory_space<vmem>>) semaphore(%run_scoped3A_1177 : memref<!tpu.dma_semaphore, #tpu.memory_space<semaphore_mem>>)
      %dma_wait3A = arith.constant 128 : i32
      %dma_wait3A_1184 = tpu.memref_slice %arg9[%dma_wait3A] : memref<1024xi32, #tpu.memory_space<vmem>> -> memref<128xi32, #tpu.memory_space<vmem>>
      %dma_wait3A_1185 = arith.constant 0 : i32
      %dma_wait3A_1186 = tpu.memref_slice %arg13[%run_scoped3A_1060, %dma_wait3A_1185] : memref<8x128xi32, #tpu.memory_space<vmem>> -> memref<1x128xi32, #tpu.memory_space<vmem>>
      %dma_wait3A_1187 = tpu.memref_squeeze %dma_wait3A_1186 : memref<1x128xi32, #tpu.memory_space<vmem>> -> memref<128xi32, #tpu.memory_space<vmem>>
      %dma_wait3A_1188 = arith.constant 0 : i32
      %dma_wait3A_1189 = tpu.memref_slice %arg19[%dma_wait3A_1188] : memref<2048xi32, #tpu.memory_space<vmem_shared>> -> memref<2048xi32, #tpu.memory_space<vmem_shared>>
      tpu.wait_indirect_dma semaphore(%run_scoped3A_1177 : memref<!tpu.dma_semaphore, #tpu.memory_space<semaphore_mem>>) src(%dma_wait3A_1184 : memref<128xi32, #tpu.memory_space<vmem>>) dst(%dma_wait3A_1189 : memref<2048xi32, #tpu.memory_space<vmem_shared>>)
      tpu.yield
    }) : () -> ()
    %run_scoped3A_1061 = arith.constant 1 : i32
    "tpu.region"() ({
      %run_scoped3A_1177 = tpu.sem_alloc : memref<!tpu.dma_semaphore, #tpu.memory_space<semaphore_mem>>
      %dma_start3A = arith.constant 128 : i32
      %dma_start3A_1178 = tpu.memref_slice %arg10[%dma_start3A] : memref<1024xi32, #tpu.memory_space<vmem>> -> memref<128xi32, #tpu.memory_space<vmem>>
      %dma_start3A_1179 = arith.constant 0 : i32
      %dma_start3A_1180 = tpu.memref_slice %arg13[%run_scoped3A_1061, %dma_start3A_1179] : memref<8x128xi32, #tpu.memory_space<vmem>> -> memref<1x128xi32, #tpu.memory_space<vmem>>
      %dma_start3A_1181 = tpu.memref_squeeze %dma_start3A_1180 : memref<1x128xi32, #tpu.memory_space<vmem>> -> memref<128xi32, #tpu.memory_space<vmem>>
      %dma_start3A_1182 = arith.constant 0 : i32
      %dma_start3A_1183 = tpu.memref_slice %arg20[%dma_start3A_1182] : memref<2048xi32, #tpu.memory_space<vmem_shared>> -> memref<2048xi32, #tpu.memory_space<vmem_shared>>
      tpu.enqueue_indirect_dma source(%dma_start3A_1178 : memref<128xi32, #tpu.memory_space<vmem>>) target(%dma_start3A_1183 : memref<2048xi32, #tpu.memory_space<vmem_shared>>) offsets(%dma_start3A_1181 : memref<128xi32, #tpu.memory_space<vmem>>) semaphore(%run_scoped3A_1177 : memref<!tpu.dma_semaphore, #tpu.memory_space<semaphore_mem>>)
      %dma_wait3A = arith.constant 128 : i32
      %dma_wait3A_1184 = tpu.memref_slice %arg10[%dma_wait3A] : memref<1024xi32, #tpu.memory_space<vmem>> -> memref<128xi32, #tpu.memory_space<vmem>>
      %dma_wait3A_1185 = arith.constant 0 : i32
      %dma_wait3A_1186 = tpu.memref_slice %arg13[%run_scoped3A_1061, %dma_wait3A_1185] : memref<8x128xi32, #tpu.memory_space<vmem>> -> memref<1x128xi32, #tpu.memory_space<vmem>>
      %dma_wait3A_1187 = tpu.memref_squeeze %dma_wait3A_1186 : memref<1x128xi32, #tpu.memory_space<vmem>> -> memref<128xi32, #tpu.memory_space<vmem>>
      %dma_wait3A_1188 = arith.constant 0 : i32
      %dma_wait3A_1189 = tpu.memref_slice %arg20[%dma_wait3A_1188] : memref<2048xi32, #tpu.memory_space<vmem_shared>> -> memref<2048xi32, #tpu.memory_space<vmem_shared>>
      tpu.wait_indirect_dma semaphore(%run_scoped3A_1177 : memref<!tpu.dma_semaphore, #tpu.memory_space<semaphore_mem>>) src(%dma_wait3A_1184 : memref<128xi32, #tpu.memory_space<vmem>>) dst(%dma_wait3A_1189 : memref<2048xi32, #tpu.memory_space<vmem_shared>>)
      tpu.yield
    }) : () -> ()
    %run_scoped3A_1062 = arith.constant 2 : i32
    "tpu.region"() ({
      %run_scoped3A_1177 = tpu.sem_alloc : memref<!tpu.dma_semaphore, #tpu.memory_space<semaphore_mem>>
      %dma_start3A = arith.constant 256 : i32
      %dma_start3A_1178 = tpu.memref_slice %arg9[%dma_start3A] : memref<1024xi32, #tpu.memory_space<vmem>> -> memref<128xi32, #tpu.memory_space<vmem>>
      %dma_start3A_1179 = arith.constant 0 : i32
      %dma_start3A_1180 = tpu.memref_slice %arg13[%run_scoped3A_1062, %dma_start3A_1179] : memref<8x128xi32, #tpu.memory_space<vmem>> -> memref<1x128xi32, #tpu.memory_space<vmem>>
      %dma_start3A_1181 = tpu.memref_squeeze %dma_start3A_1180 : memref<1x128xi32, #tpu.memory_space<vmem>> -> memref<128xi32, #tpu.memory_space<vmem>>
      %dma_start3A_1182 = arith.constant 0 : i32
      %dma_start3A_1183 = tpu.memref_slice %arg19[%dma_start3A_1182] : memref<2048xi32, #tpu.memory_space<vmem_shared>> -> memref<2048xi32, #tpu.memory_space<vmem_shared>>
      tpu.enqueue_indirect_dma source(%dma_start3A_1178 : memref<128xi32, #tpu.memory_space<vmem>>) target(%dma_start3A_1183 : memref<2048xi32, #tpu.memory_space<vmem_shared>>) offsets(%dma_start3A_1181 : memref<128xi32, #tpu.memory_space<vmem>>) semaphore(%run_scoped3A_1177 : memref<!tpu.dma_semaphore, #tpu.memory_space<semaphore_mem>>)
      %dma_wait3A = arith.constant 256 : i32
      %dma_wait3A_1184 = tpu.memref_slice %arg9[%dma_wait3A] : memref<1024xi32, #tpu.memory_space<vmem>> -> memref<128xi32, #tpu.memory_space<vmem>>
      %dma_wait3A_1185 = arith.constant 0 : i32
      %dma_wait3A_1186 = tpu.memref_slice %arg13[%run_scoped3A_1062, %dma_wait3A_1185] : memref<8x128xi32, #tpu.memory_space<vmem>> -> memref<1x128xi32, #tpu.memory_space<vmem>>
      %dma_wait3A_1187 = tpu.memref_squeeze %dma_wait3A_1186 : memref<1x128xi32, #tpu.memory_space<vmem>> -> memref<128xi32, #tpu.memory_space<vmem>>
      %dma_wait3A_1188 = arith.constant 0 : i32
      %dma_wait3A_1189 = tpu.memref_slice %arg19[%dma_wait3A_1188] : memref<2048xi32, #tpu.memory_space<vmem_shared>> -> memref<2048xi32, #tpu.memory_space<vmem_shared>>
      tpu.wait_indirect_dma semaphore(%run_scoped3A_1177 : memref<!tpu.dma_semaphore, #tpu.memory_space<semaphore_mem>>) src(%dma_wait3A_1184 : memref<128xi32, #tpu.memory_space<vmem>>) dst(%dma_wait3A_1189 : memref<2048xi32, #tpu.memory_space<vmem_shared>>)
      tpu.yield
    }) : () -> ()
    %run_scoped3A_1063 = arith.constant 2 : i32
    "tpu.region"() ({
      %run_scoped3A_1177 = tpu.sem_alloc : memref<!tpu.dma_semaphore, #tpu.memory_space<semaphore_mem>>
      %dma_start3A = arith.constant 256 : i32
      %dma_start3A_1178 = tpu.memref_slice %arg10[%dma_start3A] : memref<1024xi32, #tpu.memory_space<vmem>> -> memref<128xi32, #tpu.memory_space<vmem>>
      %dma_start3A_1179 = arith.constant 0 : i32
      %dma_start3A_1180 = tpu.memref_slice %arg13[%run_scoped3A_1063, %dma_start3A_1179] : memref<8x128xi32, #tpu.memory_space<vmem>> -> memref<1x128xi32, #tpu.memory_space<vmem>>
      %dma_start3A_1181 = tpu.memref_squeeze %dma_start3A_1180 : memref<1x128xi32, #tpu.memory_space<vmem>> -> memref<128xi32, #tpu.memory_space<vmem>>
      %dma_start3A_1182 = arith.constant 0 : i32
      %dma_start3A_1183 = tpu.memref_slice %arg20[%dma_start3A_1182] : memref<2048xi32, #tpu.memory_space<vmem_shared>> -> memref<2048xi32, #tpu.memory_space<vmem_shared>>
      tpu.enqueue_indirect_dma source(%dma_start3A_1178 : memref<128xi32, #tpu.memory_space<vmem>>) target(%dma_start3A_1183 : memref<2048xi32, #tpu.memory_space<vmem_shared>>) offsets(%dma_start3A_1181 : memref<128xi32, #tpu.memory_space<vmem>>) semaphore(%run_scoped3A_1177 : memref<!tpu.dma_semaphore, #tpu.memory_space<semaphore_mem>>)
      %dma_wait3A = arith.constant 256 : i32
      %dma_wait3A_1184 = tpu.memref_slice %arg10[%dma_wait3A] : memref<1024xi32, #tpu.memory_space<vmem>> -> memref<128xi32, #tpu.memory_space<vmem>>
      %dma_wait3A_1185 = arith.constant 0 : i32
      %dma_wait3A_1186 = tpu.memref_slice %arg13[%run_scoped3A_1063, %dma_wait3A_1185] : memref<8x128xi32, #tpu.memory_space<vmem>> -> memref<1x128xi32, #tpu.memory_space<vmem>>
      %dma_wait3A_1187 = tpu.memref_squeeze %dma_wait3A_1186 : memref<1x128xi32, #tpu.memory_space<vmem>> -> memref<128xi32, #tpu.memory_space<vmem>>
      %dma_wait3A_1188 = arith.constant 0 : i32
      %dma_wait3A_1189 = tpu.memref_slice %arg20[%dma_wait3A_1188] : memref<2048xi32, #tpu.memory_space<vmem_shared>> -> memref<2048xi32, #tpu.memory_space<vmem_shared>>
      tpu.wait_indirect_dma semaphore(%run_scoped3A_1177 : memref<!tpu.dma_semaphore, #tpu.memory_space<semaphore_mem>>) src(%dma_wait3A_1184 : memref<128xi32, #tpu.memory_space<vmem>>) dst(%dma_wait3A_1189 : memref<2048xi32, #tpu.memory_space<vmem_shared>>)
      tpu.yield
    }) : () -> ()
    %run_scoped3A_1064 = arith.constant 3 : i32
    "tpu.region"() ({
      %run_scoped3A_1177 = tpu.sem_alloc : memref<!tpu.dma_semaphore, #tpu.memory_space<semaphore_mem>>
      %dma_start3A = arith.constant 384 : i32
      %dma_start3A_1178 = tpu.memref_slice %arg9[%dma_start3A] : memref<1024xi32, #tpu.memory_space<vmem>> -> memref<128xi32, #tpu.memory_space<vmem>>
      %dma_start3A_1179 = arith.constant 0 : i32
      %dma_start3A_1180 = tpu.memref_slice %arg13[%run_scoped3A_1064, %dma_start3A_1179] : memref<8x128xi32, #tpu.memory_space<vmem>> -> memref<1x128xi32, #tpu.memory_space<vmem>>
      %dma_start3A_1181 = tpu.memref_squeeze %dma_start3A_1180 : memref<1x128xi32, #tpu.memory_space<vmem>> -> memref<128xi32, #tpu.memory_space<vmem>>
      %dma_start3A_1182 = arith.constant 0 : i32
      %dma_start3A_1183 = tpu.memref_slice %arg19[%dma_start3A_1182] : memref<2048xi32, #tpu.memory_space<vmem_shared>> -> memref<2048xi32, #tpu.memory_space<vmem_shared>>
      tpu.enqueue_indirect_dma source(%dma_start3A_1178 : memref<128xi32, #tpu.memory_space<vmem>>) target(%dma_start3A_1183 : memref<2048xi32, #tpu.memory_space<vmem_shared>>) offsets(%dma_start3A_1181 : memref<128xi32, #tpu.memory_space<vmem>>) semaphore(%run_scoped3A_1177 : memref<!tpu.dma_semaphore, #tpu.memory_space<semaphore_mem>>)
      %dma_wait3A = arith.constant 384 : i32
      %dma_wait3A_1184 = tpu.memref_slice %arg9[%dma_wait3A] : memref<1024xi32, #tpu.memory_space<vmem>> -> memref<128xi32, #tpu.memory_space<vmem>>
      %dma_wait3A_1185 = arith.constant 0 : i32
      %dma_wait3A_1186 = tpu.memref_slice %arg13[%run_scoped3A_1064, %dma_wait3A_1185] : memref<8x128xi32, #tpu.memory_space<vmem>> -> memref<1x128xi32, #tpu.memory_space<vmem>>
      %dma_wait3A_1187 = tpu.memref_squeeze %dma_wait3A_1186 : memref<1x128xi32, #tpu.memory_space<vmem>> -> memref<128xi32, #tpu.memory_space<vmem>>
      %dma_wait3A_1188 = arith.constant 0 : i32
      %dma_wait3A_1189 = tpu.memref_slice %arg19[%dma_wait3A_1188] : memref<2048xi32, #tpu.memory_space<vmem_shared>> -> memref<2048xi32, #tpu.memory_space<vmem_shared>>
      tpu.wait_indirect_dma semaphore(%run_scoped3A_1177 : memref<!tpu.dma_semaphore, #tpu.memory_space<semaphore_mem>>) src(%dma_wait3A_1184 : memref<128xi32, #tpu.memory_space<vmem>>) dst(%dma_wait3A_1189 : memref<2048xi32, #tpu.memory_space<vmem_shared>>)
      tpu.yield
    }) : () -> ()
    %run_scoped3A_1065 = arith.constant 3 : i32
    "tpu.region"() ({
      %run_scoped3A_1177 = tpu.sem_alloc : memref<!tpu.dma_semaphore, #tpu.memory_space<semaphore_mem>>
      %dma_start3A = arith.constant 384 : i32
      %dma_start3A_1178 = tpu.memref_slice %arg10[%dma_start3A] : memref<1024xi32, #tpu.memory_space<vmem>> -> memref<128xi32, #tpu.memory_space<vmem>>
      %dma_start3A_1179 = arith.constant 0 : i32
      %dma_start3A_1180 = tpu.memref_slice %arg13[%run_scoped3A_1065, %dma_start3A_1179] : memref<8x128xi32, #tpu.memory_space<vmem>> -> memref<1x128xi32, #tpu.memory_space<vmem>>
      %dma_start3A_1181 = tpu.memref_squeeze %dma_start3A_1180 : memref<1x128xi32, #tpu.memory_space<vmem>> -> memref<128xi32, #tpu.memory_space<vmem>>
      %dma_start3A_1182 = arith.constant 0 : i32
      %dma_start3A_1183 = tpu.memref_slice %arg20[%dma_start3A_1182] : memref<2048xi32, #tpu.memory_space<vmem_shared>> -> memref<2048xi32, #tpu.memory_space<vmem_shared>>
      tpu.enqueue_indirect_dma source(%dma_start3A_1178 : memref<128xi32, #tpu.memory_space<vmem>>) target(%dma_start3A_1183 : memref<2048xi32, #tpu.memory_space<vmem_shared>>) offsets(%dma_start3A_1181 : memref<128xi32, #tpu.memory_space<vmem>>) semaphore(%run_scoped3A_1177 : memref<!tpu.dma_semaphore, #tpu.memory_space<semaphore_mem>>)
      %dma_wait3A = arith.constant 384 : i32
      %dma_wait3A_1184 = tpu.memref_slice %arg10[%dma_wait3A] : memref<1024xi32, #tpu.memory_space<vmem>> -> memref<128xi32, #tpu.memory_space<vmem>>
      %dma_wait3A_1185 = arith.constant 0 : i32
      %dma_wait3A_1186 = tpu.memref_slice %arg13[%run_scoped3A_1065, %dma_wait3A_1185] : memref<8x128xi32, #tpu.memory_space<vmem>> -> memref<1x128xi32, #tpu.memory_space<vmem>>
      %dma_wait3A_1187 = tpu.memref_squeeze %dma_wait3A_1186 : memref<1x128xi32, #tpu.memory_space<vmem>> -> memref<128xi32, #tpu.memory_space<vmem>>
      %dma_wait3A_1188 = arith.constant 0 : i32
      %dma_wait3A_1189 = tpu.memref_slice %arg20[%dma_wait3A_1188] : memref<2048xi32, #tpu.memory_space<vmem_shared>> -> memref<2048xi32, #tpu.memory_space<vmem_shared>>
      tpu.wait_indirect_dma semaphore(%run_scoped3A_1177 : memref<!tpu.dma_semaphore, #tpu.memory_space<semaphore_mem>>) src(%dma_wait3A_1184 : memref<128xi32, #tpu.memory_space<vmem>>) dst(%dma_wait3A_1189 : memref<2048xi32, #tpu.memory_space<vmem_shared>>)
      tpu.yield
    }) : () -> ()
    %run_scoped3A_1066 = arith.constant 4 : i32
    "tpu.region"() ({
      %run_scoped3A_1177 = tpu.sem_alloc : memref<!tpu.dma_semaphore, #tpu.memory_space<semaphore_mem>>
      %dma_start3A = arith.constant 512 : i32
      %dma_start3A_1178 = tpu.memref_slice %arg9[%dma_start3A] : memref<1024xi32, #tpu.memory_space<vmem>> -> memref<128xi32, #tpu.memory_space<vmem>>
      %dma_start3A_1179 = arith.constant 0 : i32
      %dma_start3A_1180 = tpu.memref_slice %arg13[%run_scoped3A_1066, %dma_start3A_1179] : memref<8x128xi32, #tpu.memory_space<vmem>> -> memref<1x128xi32, #tpu.memory_space<vmem>>
      %dma_start3A_1181 = tpu.memref_squeeze %dma_start3A_1180 : memref<1x128xi32, #tpu.memory_space<vmem>> -> memref<128xi32, #tpu.memory_space<vmem>>
      %dma_start3A_1182 = arith.constant 0 : i32
      %dma_start3A_1183 = tpu.memref_slice %arg19[%dma_start3A_1182] : memref<2048xi32, #tpu.memory_space<vmem_shared>> -> memref<2048xi32, #tpu.memory_space<vmem_shared>>
      tpu.enqueue_indirect_dma source(%dma_start3A_1178 : memref<128xi32, #tpu.memory_space<vmem>>) target(%dma_start3A_1183 : memref<2048xi32, #tpu.memory_space<vmem_shared>>) offsets(%dma_start3A_1181 : memref<128xi32, #tpu.memory_space<vmem>>) semaphore(%run_scoped3A_1177 : memref<!tpu.dma_semaphore, #tpu.memory_space<semaphore_mem>>)
      %dma_wait3A = arith.constant 512 : i32
      %dma_wait3A_1184 = tpu.memref_slice %arg9[%dma_wait3A] : memref<1024xi32, #tpu.memory_space<vmem>> -> memref<128xi32, #tpu.memory_space<vmem>>
      %dma_wait3A_1185 = arith.constant 0 : i32
      %dma_wait3A_1186 = tpu.memref_slice %arg13[%run_scoped3A_1066, %dma_wait3A_1185] : memref<8x128xi32, #tpu.memory_space<vmem>> -> memref<1x128xi32, #tpu.memory_space<vmem>>
      %dma_wait3A_1187 = tpu.memref_squeeze %dma_wait3A_1186 : memref<1x128xi32, #tpu.memory_space<vmem>> -> memref<128xi32, #tpu.memory_space<vmem>>
      %dma_wait3A_1188 = arith.constant 0 : i32
      %dma_wait3A_1189 = tpu.memref_slice %arg19[%dma_wait3A_1188] : memref<2048xi32, #tpu.memory_space<vmem_shared>> -> memref<2048xi32, #tpu.memory_space<vmem_shared>>
      tpu.wait_indirect_dma semaphore(%run_scoped3A_1177 : memref<!tpu.dma_semaphore, #tpu.memory_space<semaphore_mem>>) src(%dma_wait3A_1184 : memref<128xi32, #tpu.memory_space<vmem>>) dst(%dma_wait3A_1189 : memref<2048xi32, #tpu.memory_space<vmem_shared>>)
      tpu.yield
    }) : () -> ()
    %run_scoped3A_1067 = arith.constant 4 : i32
    "tpu.region"() ({
      %run_scoped3A_1177 = tpu.sem_alloc : memref<!tpu.dma_semaphore, #tpu.memory_space<semaphore_mem>>
      %dma_start3A = arith.constant 512 : i32
      %dma_start3A_1178 = tpu.memref_slice %arg10[%dma_start3A] : memref<1024xi32, #tpu.memory_space<vmem>> -> memref<128xi32, #tpu.memory_space<vmem>>
      %dma_start3A_1179 = arith.constant 0 : i32
      %dma_start3A_1180 = tpu.memref_slice %arg13[%run_scoped3A_1067, %dma_start3A_1179] : memref<8x128xi32, #tpu.memory_space<vmem>> -> memref<1x128xi32, #tpu.memory_space<vmem>>
      %dma_start3A_1181 = tpu.memref_squeeze %dma_start3A_1180 : memref<1x128xi32, #tpu.memory_space<vmem>> -> memref<128xi32, #tpu.memory_space<vmem>>
      %dma_start3A_1182 = arith.constant 0 : i32
      %dma_start3A_1183 = tpu.memref_slice %arg20[%dma_start3A_1182] : memref<2048xi32, #tpu.memory_space<vmem_shared>> -> memref<2048xi32, #tpu.memory_space<vmem_shared>>
      tpu.enqueue_indirect_dma source(%dma_start3A_1178 : memref<128xi32, #tpu.memory_space<vmem>>) target(%dma_start3A_1183 : memref<2048xi32, #tpu.memory_space<vmem_shared>>) offsets(%dma_start3A_1181 : memref<128xi32, #tpu.memory_space<vmem>>) semaphore(%run_scoped3A_1177 : memref<!tpu.dma_semaphore, #tpu.memory_space<semaphore_mem>>)
      %dma_wait3A = arith.constant 512 : i32
      %dma_wait3A_1184 = tpu.memref_slice %arg10[%dma_wait3A] : memref<1024xi32, #tpu.memory_space<vmem>> -> memref<128xi32, #tpu.memory_space<vmem>>
      %dma_wait3A_1185 = arith.constant 0 : i32
      %dma_wait3A_1186 = tpu.memref_slice %arg13[%run_scoped3A_1067, %dma_wait3A_1185] : memref<8x128xi32, #tpu.memory_space<vmem>> -> memref<1x128xi32, #tpu.memory_space<vmem>>
      %dma_wait3A_1187 = tpu.memref_squeeze %dma_wait3A_1186 : memref<1x128xi32, #tpu.memory_space<vmem>> -> memref<128xi32, #tpu.memory_space<vmem>>
      %dma_wait3A_1188 = arith.constant 0 : i32
      %dma_wait3A_1189 = tpu.memref_slice %arg20[%dma_wait3A_1188] : memref<2048xi32, #tpu.memory_space<vmem_shared>> -> memref<2048xi32, #tpu.memory_space<vmem_shared>>
      tpu.wait_indirect_dma semaphore(%run_scoped3A_1177 : memref<!tpu.dma_semaphore, #tpu.memory_space<semaphore_mem>>) src(%dma_wait3A_1184 : memref<128xi32, #tpu.memory_space<vmem>>) dst(%dma_wait3A_1189 : memref<2048xi32, #tpu.memory_space<vmem_shared>>)
      tpu.yield
    }) : () -> ()
    %run_scoped3A_1068 = arith.constant 5 : i32
    "tpu.region"() ({
      %run_scoped3A_1177 = tpu.sem_alloc : memref<!tpu.dma_semaphore, #tpu.memory_space<semaphore_mem>>
      %dma_start3A = arith.constant 640 : i32
      %dma_start3A_1178 = tpu.memref_slice %arg9[%dma_start3A] : memref<1024xi32, #tpu.memory_space<vmem>> -> memref<128xi32, #tpu.memory_space<vmem>>
      %dma_start3A_1179 = arith.constant 0 : i32
      %dma_start3A_1180 = tpu.memref_slice %arg13[%run_scoped3A_1068, %dma_start3A_1179] : memref<8x128xi32, #tpu.memory_space<vmem>> -> memref<1x128xi32, #tpu.memory_space<vmem>>
      %dma_start3A_1181 = tpu.memref_squeeze %dma_start3A_1180 : memref<1x128xi32, #tpu.memory_space<vmem>> -> memref<128xi32, #tpu.memory_space<vmem>>
      %dma_start3A_1182 = arith.constant 0 : i32
      %dma_start3A_1183 = tpu.memref_slice %arg19[%dma_start3A_1182] : memref<2048xi32, #tpu.memory_space<vmem_shared>> -> memref<2048xi32, #tpu.memory_space<vmem_shared>>
      tpu.enqueue_indirect_dma source(%dma_start3A_1178 : memref<128xi32, #tpu.memory_space<vmem>>) target(%dma_start3A_1183 : memref<2048xi32, #tpu.memory_space<vmem_shared>>) offsets(%dma_start3A_1181 : memref<128xi32, #tpu.memory_space<vmem>>) semaphore(%run_scoped3A_1177 : memref<!tpu.dma_semaphore, #tpu.memory_space<semaphore_mem>>)
      %dma_wait3A = arith.constant 640 : i32
      %dma_wait3A_1184 = tpu.memref_slice %arg9[%dma_wait3A] : memref<1024xi32, #tpu.memory_space<vmem>> -> memref<128xi32, #tpu.memory_space<vmem>>
      %dma_wait3A_1185 = arith.constant 0 : i32
      %dma_wait3A_1186 = tpu.memref_slice %arg13[%run_scoped3A_1068, %dma_wait3A_1185] : memref<8x128xi32, #tpu.memory_space<vmem>> -> memref<1x128xi32, #tpu.memory_space<vmem>>
      %dma_wait3A_1187 = tpu.memref_squeeze %dma_wait3A_1186 : memref<1x128xi32, #tpu.memory_space<vmem>> -> memref<128xi32, #tpu.memory_space<vmem>>
      %dma_wait3A_1188 = arith.constant 0 : i32
      %dma_wait3A_1189 = tpu.memref_slice %arg19[%dma_wait3A_1188] : memref<2048xi32, #tpu.memory_space<vmem_shared>> -> memref<2048xi32, #tpu.memory_space<vmem_shared>>
      tpu.wait_indirect_dma semaphore(%run_scoped3A_1177 : memref<!tpu.dma_semaphore, #tpu.memory_space<semaphore_mem>>) src(%dma_wait3A_1184 : memref<128xi32, #tpu.memory_space<vmem>>) dst(%dma_wait3A_1189 : memref<2048xi32, #tpu.memory_space<vmem_shared>>)
      tpu.yield
    }) : () -> ()
    %run_scoped3A_1069 = arith.constant 5 : i32
    "tpu.region"() ({
      %run_scoped3A_1177 = tpu.sem_alloc : memref<!tpu.dma_semaphore, #tpu.memory_space<semaphore_mem>>
      %dma_start3A = arith.constant 640 : i32
      %dma_start3A_1178 = tpu.memref_slice %arg10[%dma_start3A] : memref<1024xi32, #tpu.memory_space<vmem>> -> memref<128xi32, #tpu.memory_space<vmem>>
      %dma_start3A_1179 = arith.constant 0 : i32
      %dma_start3A_1180 = tpu.memref_slice %arg13[%run_scoped3A_1069, %dma_start3A_1179] : memref<8x128xi32, #tpu.memory_space<vmem>> -> memref<1x128xi32, #tpu.memory_space<vmem>>
      %dma_start3A_1181 = tpu.memref_squeeze %dma_start3A_1180 : memref<1x128xi32, #tpu.memory_space<vmem>> -> memref<128xi32, #tpu.memory_space<vmem>>
      %dma_start3A_1182 = arith.constant 0 : i32
      %dma_start3A_1183 = tpu.memref_slice %arg20[%dma_start3A_1182] : memref<2048xi32, #tpu.memory_space<vmem_shared>> -> memref<2048xi32, #tpu.memory_space<vmem_shared>>
      tpu.enqueue_indirect_dma source(%dma_start3A_1178 : memref<128xi32, #tpu.memory_space<vmem>>) target(%dma_start3A_1183 : memref<2048xi32, #tpu.memory_space<vmem_shared>>) offsets(%dma_start3A_1181 : memref<128xi32, #tpu.memory_space<vmem>>) semaphore(%run_scoped3A_1177 : memref<!tpu.dma_semaphore, #tpu.memory_space<semaphore_mem>>)
      %dma_wait3A = arith.constant 640 : i32
      %dma_wait3A_1184 = tpu.memref_slice %arg10[%dma_wait3A] : memref<1024xi32, #tpu.memory_space<vmem>> -> memref<128xi32, #tpu.memory_space<vmem>>
      %dma_wait3A_1185 = arith.constant 0 : i32
      %dma_wait3A_1186 = tpu.memref_slice %arg13[%run_scoped3A_1069, %dma_wait3A_1185] : memref<8x128xi32, #tpu.memory_space<vmem>> -> memref<1x128xi32, #tpu.memory_space<vmem>>
      %dma_wait3A_1187 = tpu.memref_squeeze %dma_wait3A_1186 : memref<1x128xi32, #tpu.memory_space<vmem>> -> memref<128xi32, #tpu.memory_space<vmem>>
      %dma_wait3A_1188 = arith.constant 0 : i32
      %dma_wait3A_1189 = tpu.memref_slice %arg20[%dma_wait3A_1188] : memref<2048xi32, #tpu.memory_space<vmem_shared>> -> memref<2048xi32, #tpu.memory_space<vmem_shared>>
      tpu.wait_indirect_dma semaphore(%run_scoped3A_1177 : memref<!tpu.dma_semaphore, #tpu.memory_space<semaphore_mem>>) src(%dma_wait3A_1184 : memref<128xi32, #tpu.memory_space<vmem>>) dst(%dma_wait3A_1189 : memref<2048xi32, #tpu.memory_space<vmem_shared>>)
      tpu.yield
    }) : () -> ()
    %run_scoped3A_1070 = arith.constant 6 : i32
    "tpu.region"() ({
      %run_scoped3A_1177 = tpu.sem_alloc : memref<!tpu.dma_semaphore, #tpu.memory_space<semaphore_mem>>
      %dma_start3A = arith.constant 768 : i32
      %dma_start3A_1178 = tpu.memref_slice %arg9[%dma_start3A] : memref<1024xi32, #tpu.memory_space<vmem>> -> memref<128xi32, #tpu.memory_space<vmem>>
      %dma_start3A_1179 = arith.constant 0 : i32
      %dma_start3A_1180 = tpu.memref_slice %arg13[%run_scoped3A_1070, %dma_start3A_1179] : memref<8x128xi32, #tpu.memory_space<vmem>> -> memref<1x128xi32, #tpu.memory_space<vmem>>
      %dma_start3A_1181 = tpu.memref_squeeze %dma_start3A_1180 : memref<1x128xi32, #tpu.memory_space<vmem>> -> memref<128xi32, #tpu.memory_space<vmem>>
      %dma_start3A_1182 = arith.constant 0 : i32
      %dma_start3A_1183 = tpu.memref_slice %arg19[%dma_start3A_1182] : memref<2048xi32, #tpu.memory_space<vmem_shared>> -> memref<2048xi32, #tpu.memory_space<vmem_shared>>
      tpu.enqueue_indirect_dma source(%dma_start3A_1178 : memref<128xi32, #tpu.memory_space<vmem>>) target(%dma_start3A_1183 : memref<2048xi32, #tpu.memory_space<vmem_shared>>) offsets(%dma_start3A_1181 : memref<128xi32, #tpu.memory_space<vmem>>) semaphore(%run_scoped3A_1177 : memref<!tpu.dma_semaphore, #tpu.memory_space<semaphore_mem>>)
      %dma_wait3A = arith.constant 768 : i32
      %dma_wait3A_1184 = tpu.memref_slice %arg9[%dma_wait3A] : memref<1024xi32, #tpu.memory_space<vmem>> -> memref<128xi32, #tpu.memory_space<vmem>>
      %dma_wait3A_1185 = arith.constant 0 : i32
      %dma_wait3A_1186 = tpu.memref_slice %arg13[%run_scoped3A_1070, %dma_wait3A_1185] : memref<8x128xi32, #tpu.memory_space<vmem>> -> memref<1x128xi32, #tpu.memory_space<vmem>>
      %dma_wait3A_1187 = tpu.memref_squeeze %dma_wait3A_1186 : memref<1x128xi32, #tpu.memory_space<vmem>> -> memref<128xi32, #tpu.memory_space<vmem>>
      %dma_wait3A_1188 = arith.constant 0 : i32
      %dma_wait3A_1189 = tpu.memref_slice %arg19[%dma_wait3A_1188] : memref<2048xi32, #tpu.memory_space<vmem_shared>> -> memref<2048xi32, #tpu.memory_space<vmem_shared>>
      tpu.wait_indirect_dma semaphore(%run_scoped3A_1177 : memref<!tpu.dma_semaphore, #tpu.memory_space<semaphore_mem>>) src(%dma_wait3A_1184 : memref<128xi32, #tpu.memory_space<vmem>>) dst(%dma_wait3A_1189 : memref<2048xi32, #tpu.memory_space<vmem_shared>>)
      tpu.yield
    }) : () -> ()
    %run_scoped3A_1071 = arith.constant 6 : i32
    "tpu.region"() ({
      %run_scoped3A_1177 = tpu.sem_alloc : memref<!tpu.dma_semaphore, #tpu.memory_space<semaphore_mem>>
      %dma_start3A = arith.constant 768 : i32
      %dma_start3A_1178 = tpu.memref_slice %arg10[%dma_start3A] : memref<1024xi32, #tpu.memory_space<vmem>> -> memref<128xi32, #tpu.memory_space<vmem>>
      %dma_start3A_1179 = arith.constant 0 : i32
      %dma_start3A_1180 = tpu.memref_slice %arg13[%run_scoped3A_1071, %dma_start3A_1179] : memref<8x128xi32, #tpu.memory_space<vmem>> -> memref<1x128xi32, #tpu.memory_space<vmem>>
      %dma_start3A_1181 = tpu.memref_squeeze %dma_start3A_1180 : memref<1x128xi32, #tpu.memory_space<vmem>> -> memref<128xi32, #tpu.memory_space<vmem>>
      %dma_start3A_1182 = arith.constant 0 : i32
      %dma_start3A_1183 = tpu.memref_slice %arg20[%dma_start3A_1182] : memref<2048xi32, #tpu.memory_space<vmem_shared>> -> memref<2048xi32, #tpu.memory_space<vmem_shared>>
      tpu.enqueue_indirect_dma source(%dma_start3A_1178 : memref<128xi32, #tpu.memory_space<vmem>>) target(%dma_start3A_1183 : memref<2048xi32, #tpu.memory_space<vmem_shared>>) offsets(%dma_start3A_1181 : memref<128xi32, #tpu.memory_space<vmem>>) semaphore(%run_scoped3A_1177 : memref<!tpu.dma_semaphore, #tpu.memory_space<semaphore_mem>>)
      %dma_wait3A = arith.constant 768 : i32
      %dma_wait3A_1184 = tpu.memref_slice %arg10[%dma_wait3A] : memref<1024xi32, #tpu.memory_space<vmem>> -> memref<128xi32, #tpu.memory_space<vmem>>
      %dma_wait3A_1185 = arith.constant 0 : i32
      %dma_wait3A_1186 = tpu.memref_slice %arg13[%run_scoped3A_1071, %dma_wait3A_1185] : memref<8x128xi32, #tpu.memory_space<vmem>> -> memref<1x128xi32, #tpu.memory_space<vmem>>
      %dma_wait3A_1187 = tpu.memref_squeeze %dma_wait3A_1186 : memref<1x128xi32, #tpu.memory_space<vmem>> -> memref<128xi32, #tpu.memory_space<vmem>>
      %dma_wait3A_1188 = arith.constant 0 : i32
      %dma_wait3A_1189 = tpu.memref_slice %arg20[%dma_wait3A_1188] : memref<2048xi32, #tpu.memory_space<vmem_shared>> -> memref<2048xi32, #tpu.memory_space<vmem_shared>>
      tpu.wait_indirect_dma semaphore(%run_scoped3A_1177 : memref<!tpu.dma_semaphore, #tpu.memory_space<semaphore_mem>>) src(%dma_wait3A_1184 : memref<128xi32, #tpu.memory_space<vmem>>) dst(%dma_wait3A_1189 : memref<2048xi32, #tpu.memory_space<vmem_shared>>)
      tpu.yield
    }) : () -> ()
    %run_scoped3A_1072 = arith.constant 7 : i32
    "tpu.region"() ({
      %run_scoped3A_1177 = tpu.sem_alloc : memref<!tpu.dma_semaphore, #tpu.memory_space<semaphore_mem>>
      %dma_start3A = arith.constant 896 : i32
      %dma_start3A_1178 = tpu.memref_slice %arg9[%dma_start3A] : memref<1024xi32, #tpu.memory_space<vmem>> -> memref<128xi32, #tpu.memory_space<vmem>>
      %dma_start3A_1179 = arith.constant 0 : i32
      %dma_start3A_1180 = tpu.memref_slice %arg13[%run_scoped3A_1072, %dma_start3A_1179] : memref<8x128xi32, #tpu.memory_space<vmem>> -> memref<1x128xi32, #tpu.memory_space<vmem>>
      %dma_start3A_1181 = tpu.memref_squeeze %dma_start3A_1180 : memref<1x128xi32, #tpu.memory_space<vmem>> -> memref<128xi32, #tpu.memory_space<vmem>>
      %dma_start3A_1182 = arith.constant 0 : i32
      %dma_start3A_1183 = tpu.memref_slice %arg19[%dma_start3A_1182] : memref<2048xi32, #tpu.memory_space<vmem_shared>> -> memref<2048xi32, #tpu.memory_space<vmem_shared>>
      tpu.enqueue_indirect_dma source(%dma_start3A_1178 : memref<128xi32, #tpu.memory_space<vmem>>) target(%dma_start3A_1183 : memref<2048xi32, #tpu.memory_space<vmem_shared>>) offsets(%dma_start3A_1181 : memref<128xi32, #tpu.memory_space<vmem>>) semaphore(%run_scoped3A_1177 : memref<!tpu.dma_semaphore, #tpu.memory_space<semaphore_mem>>)
      %dma_wait3A = arith.constant 896 : i32
      %dma_wait3A_1184 = tpu.memref_slice %arg9[%dma_wait3A] : memref<1024xi32, #tpu.memory_space<vmem>> -> memref<128xi32, #tpu.memory_space<vmem>>
      %dma_wait3A_1185 = arith.constant 0 : i32
      %dma_wait3A_1186 = tpu.memref_slice %arg13[%run_scoped3A_1072, %dma_wait3A_1185] : memref<8x128xi32, #tpu.memory_space<vmem>> -> memref<1x128xi32, #tpu.memory_space<vmem>>
      %dma_wait3A_1187 = tpu.memref_squeeze %dma_wait3A_1186 : memref<1x128xi32, #tpu.memory_space<vmem>> -> memref<128xi32, #tpu.memory_space<vmem>>
      %dma_wait3A_1188 = arith.constant 0 : i32
      %dma_wait3A_1189 = tpu.memref_slice %arg19[%dma_wait3A_1188] : memref<2048xi32, #tpu.memory_space<vmem_shared>> -> memref<2048xi32, #tpu.memory_space<vmem_shared>>
      tpu.wait_indirect_dma semaphore(%run_scoped3A_1177 : memref<!tpu.dma_semaphore, #tpu.memory_space<semaphore_mem>>) src(%dma_wait3A_1184 : memref<128xi32, #tpu.memory_space<vmem>>) dst(%dma_wait3A_1189 : memref<2048xi32, #tpu.memory_space<vmem_shared>>)
      tpu.yield
    }) : () -> ()
    %run_scoped3A_1073 = arith.constant 7 : i32
    "tpu.region"() ({
      %run_scoped3A_1177 = tpu.sem_alloc : memref<!tpu.dma_semaphore, #tpu.memory_space<semaphore_mem>>
      %dma_start3A = arith.constant 896 : i32
      %dma_start3A_1178 = tpu.memref_slice %arg10[%dma_start3A] : memref<1024xi32, #tpu.memory_space<vmem>> -> memref<128xi32, #tpu.memory_space<vmem>>
      %dma_start3A_1179 = arith.constant 0 : i32
      %dma_start3A_1180 = tpu.memref_slice %arg13[%run_scoped3A_1073, %dma_start3A_1179] : memref<8x128xi32, #tpu.memory_space<vmem>> -> memref<1x128xi32, #tpu.memory_space<vmem>>
      %dma_start3A_1181 = tpu.memref_squeeze %dma_start3A_1180 : memref<1x128xi32, #tpu.memory_space<vmem>> -> memref<128xi32, #tpu.memory_space<vmem>>
      %dma_start3A_1182 = arith.constant 0 : i32
      %dma_start3A_1183 = tpu.memref_slice %arg20[%dma_start3A_1182] : memref<2048xi32, #tpu.memory_space<vmem_shared>> -> memref<2048xi32, #tpu.memory_space<vmem_shared>>
      tpu.enqueue_indirect_dma source(%dma_start3A_1178 : memref<128xi32, #tpu.memory_space<vmem>>) target(%dma_start3A_1183 : memref<2048xi32, #tpu.memory_space<vmem_shared>>) offsets(%dma_start3A_1181 : memref<128xi32, #tpu.memory_space<vmem>>) semaphore(%run_scoped3A_1177 : memref<!tpu.dma_semaphore, #tpu.memory_space<semaphore_mem>>)
      %dma_wait3A = arith.constant 896 : i32
      %dma_wait3A_1184 = tpu.memref_slice %arg10[%dma_wait3A] : memref<1024xi32, #tpu.memory_space<vmem>> -> memref<128xi32, #tpu.memory_space<vmem>>
      %dma_wait3A_1185 = arith.constant 0 : i32
      %dma_wait3A_1186 = tpu.memref_slice %arg13[%run_scoped3A_1073, %dma_wait3A_1185] : memref<8x128xi32, #tpu.memory_space<vmem>> -> memref<1x128xi32, #tpu.memory_space<vmem>>
      %dma_wait3A_1187 = tpu.memref_squeeze %dma_wait3A_1186 : memref<1x128xi32, #tpu.memory_space<vmem>> -> memref<128xi32, #tpu.memory_space<vmem>>
      %dma_wait3A_1188 = arith.constant 0 : i32
      %dma_wait3A_1189 = tpu.memref_slice %arg20[%dma_wait3A_1188] : memref<2048xi32, #tpu.memory_space<vmem_shared>> -> memref<2048xi32, #tpu.memory_space<vmem_shared>>
      tpu.wait_indirect_dma semaphore(%run_scoped3A_1177 : memref<!tpu.dma_semaphore, #tpu.memory_space<semaphore_mem>>) src(%dma_wait3A_1184 : memref<128xi32, #tpu.memory_space<vmem>>) dst(%dma_wait3A_1189 : memref<2048xi32, #tpu.memory_space<vmem_shared>>)
      tpu.yield
    }) : () -> ()
    %barrier3A_1074 = arith.constant 0 : index
    tpu.barrier barrier_id(%barrier3A_1074)
    "tpu.region"() ({
      %run_scoped3A_1177 = tpu.sem_alloc : memref<!tpu.dma_semaphore, #tpu.memory_space<semaphore_mem>>
      %dma_start3A = arith.constant 0 : i32
      %dma_start3A_1178 = tpu.memref_slice %arg19[%dma_start3A] : memref<2048xi32, #tpu.memory_space<vmem_shared>> -> memref<1024xi32, #tpu.memory_space<vmem_shared>>
      %dma_start3A_1179 = arith.constant 0 : i32
      %dma_start3A_1180 = tpu.memref_slice %arg19[%dma_start3A_1179] : memref<2048xi32, #tpu.memory_space<vmem_shared>> -> memref<1024xi32, #tpu.memory_space<vmem_shared>>
      tpu.enqueue_dma source(%dma_start3A_1180 : memref<1024xi32, #tpu.memory_space<vmem_shared>>) target(%arg11 : memref<1024xi32, #tpu.memory_space<vmem>>) target_semaphore(%run_scoped3A_1177 : memref<!tpu.dma_semaphore, #tpu.memory_space<semaphore_mem>>)
      %dma_wait3A = arith.constant 0 : i32
      %dma_wait3A_1181 = tpu.memref_slice %arg19[%dma_wait3A] : memref<2048xi32, #tpu.memory_space<vmem_shared>> -> memref<1024xi32, #tpu.memory_space<vmem_shared>>
      %dma_wait3A_1182 = arith.constant 0 : i32
      %dma_wait3A_1183 = tpu.memref_slice %arg19[%dma_wait3A_1182] : memref<2048xi32, #tpu.memory_space<vmem_shared>> -> memref<1024xi32, #tpu.memory_space<vmem_shared>>
      tpu.wait_dma2 semaphore(%run_scoped3A_1177 : memref<!tpu.dma_semaphore, #tpu.memory_space<semaphore_mem>>) src(%dma_wait3A_1183 : memref<1024xi32, #tpu.memory_space<vmem_shared>>) dst(%arg11 : memref<1024xi32, #tpu.memory_space<vmem>>)
      tpu.yield
    }) : () -> ()
    "tpu.region"() ({
      %run_scoped3A_1177 = tpu.sem_alloc : memref<!tpu.dma_semaphore, #tpu.memory_space<semaphore_mem>>
      %dma_start3A = arith.constant 0 : i32
      %dma_start3A_1178 = tpu.memref_slice %arg20[%dma_start3A] : memref<2048xi32, #tpu.memory_space<vmem_shared>> -> memref<1024xi32, #tpu.memory_space<vmem_shared>>
      %dma_start3A_1179 = arith.constant 0 : i32
      %dma_start3A_1180 = tpu.memref_slice %arg20[%dma_start3A_1179] : memref<2048xi32, #tpu.memory_space<vmem_shared>> -> memref<1024xi32, #tpu.memory_space<vmem_shared>>
      tpu.enqueue_dma source(%dma_start3A_1180 : memref<1024xi32, #tpu.memory_space<vmem_shared>>) target(%arg12 : memref<1024xi32, #tpu.memory_space<vmem>>) target_semaphore(%run_scoped3A_1177 : memref<!tpu.dma_semaphore, #tpu.memory_space<semaphore_mem>>)
      %dma_wait3A = arith.constant 0 : i32
      %dma_wait3A_1181 = tpu.memref_slice %arg20[%dma_wait3A] : memref<2048xi32, #tpu.memory_space<vmem_shared>> -> memref<1024xi32, #tpu.memory_space<vmem_shared>>
      %dma_wait3A_1182 = arith.constant 0 : i32
      %dma_wait3A_1183 = tpu.memref_slice %arg20[%dma_wait3A_1182] : memref<2048xi32, #tpu.memory_space<vmem_shared>> -> memref<1024xi32, #tpu.memory_space<vmem_shared>>
      tpu.wait_dma2 semaphore(%run_scoped3A_1177 : memref<!tpu.dma_semaphore, #tpu.memory_space<semaphore_mem>>) src(%dma_wait3A_1183 : memref<1024xi32, #tpu.memory_space<vmem_shared>>) dst(%arg12 : memref<1024xi32, #tpu.memory_space<vmem>>)
      tpu.yield
    }) : () -> ()
    %mul3A_1075 = arith.constant 64 : i32
    %mul3A_1076 = arith.muli %arg1, %mul3A_1075 : i32
    %scan3A_1077 = arith.constant 0 : i32
    %scan3A_1078 = arith.constant 0 : i32
    %scan3A_1079 = arith.constant 64 : i32
    %scan3A_1080 = arith.addi %scan3A_1078, %scan3A_1079 : i32
    %scan3A_1081 = arith.constant 1 : i32
    %scan3A_1082 = scf.for %scan3A_1177 = %scan3A_1078 to %scan3A_1080 step %scan3A_1081 iter_args(%scan3A_1178 = %scan3A_1077) -> (i32)  : i32 {
      %add3A_1179 = arith.addi %mul3A_1076, %scan3A_1177 : i32
      %jit3A_1180 = arith.constant 16 : i32
      %div3A = arith.divsi %add3A_1179, %jit3A_1180 : i32
      %sign3A = arith.constant 0 : i32
      %sign3A_1181 = arith.cmpi sgt, %add3A_1179, %sign3A : i32
      %sign3A_1182 = arith.extui %sign3A_1181 : i1 to i32
      %sign3A_1183 = arith.constant 0 : i32
      %sign3A_1184 = arith.cmpi slt, %add3A_1179, %sign3A_1183 : i32
      %sign3A_1185 = arith.extui %sign3A_1184 : i1 to i32
      %sign3A_1186 = arith.subi %sign3A_1182, %sign3A_1185 : i32
      %sign3A_1187 = arith.constant 0 : i32
      %sign3A_1188 = arith.cmpi sgt, %jit3A_1180, %sign3A_1187 : i32
      %sign3A_1189 = arith.extui %sign3A_1188 : i1 to i32
      %sign3A_1190 = arith.constant 0 : i32
      %sign3A_1191 = arith.cmpi slt, %jit3A_1180, %sign3A_1190 : i32
      %sign3A_1192 = arith.extui %sign3A_1191 : i1 to i32
      %sign3A_1193 = arith.subi %sign3A_1189, %sign3A_1192 : i32
      %ne3A = arith.cmpi ne, %sign3A_1186, %sign3A_1193 : i32
      %rem3A = arith.remsi %add3A_1179, %jit3A_1180 : i32
      %ne3A_1194 = arith.constant 0 : i32
      %ne3A_1195 = arith.cmpi ne, %rem3A, %ne3A_1194 : i32
      %and3A = arith.andi %ne3A, %ne3A_1195 : i1
      %sub3A_1196 = arith.constant 1 : i32
      %sub3A_1197 = arith.subi %div3A, %sub3A_1196 : i32
      %select_n3A_1198 = arith.select %and3A, %sub3A_1197, %div3A : i32
      %mul3A_1199 = arith.constant 16 : i32
      %mul3A_1200 = arith.muli %select_n3A_1198, %mul3A_1199 : i32
      %sub3A_1201 = arith.subi %add3A_1179, %mul3A_1200 : i32
      %get3A_1202 = arith.index_cast %mul3A_1200 : i32 to index
      %get3A_1203 = tpu.vector_load %arg11[%get3A_1202] {strides = array<i32>} : memref<1024xi32, #tpu.memory_space<vmem>>, vector<16xi32>,
      %eq3A_1204 = vector.broadcast %sub3A_1201 : i32 to vector<16xi32>
      %eq3A_1205 = arith.cmpi eq, %iota3A, %eq3A_1204 : vector<16xi32>
      %jit3A_1206 = arith.constant -2147483648 : i32
      %broadcast_in_dim3A_1207 = vector.broadcast %jit3A_1206 : i32 to vector<16xi32>
      %select_n3A_1208 = arith.select %eq3A_1205, %get3A_1203, %broadcast_in_dim3A_1207 : vector<16xi1>, vector<16xi32>
      %reduce_max3A_1209 = arith.constant true
      %reduce_max3A_1210 = vector.broadcast %reduce_max3A_1209 : i1 to vector<16xi1>
      %reduce_max3A_1211 = arith.constant -2147483648 : i32
      %reduce_max3A_1212 = vector.broadcast %reduce_max3A_1211 : i32 to vector<16xi32>
      %reduce_max3A_1213 = arith.xori %select_n3A_1208, %reduce_max3A_1212 : vector<16xi32>
      %reduce_max3A_1214 = tpu.scan <max>, %reduce_max3A_1213 masked %reduce_max3A_1210 : vector<16xi32>, vector<16xi1> -> vector<16xi32>
      %reduce_max3A_1215 = arith.xori %reduce_max3A_1214, %reduce_max3A_1212 : vector<16xi32>
      %reduce_max3A_1216 = vector.extract %reduce_max3A_1215[15] : i32 from vector<16xi32>
      %get3A_1217 = arith.index_cast %mul3A_1200 : i32 to index
      %get3A_1218 = tpu.vector_load %arg12[%get3A_1217] {strides = array<i32>} : memref<1024xi32, #tpu.memory_space<vmem>>, vector<16xi32>,
      %eq3A_1219 = vector.broadcast %sub3A_1201 : i32 to vector<16xi32>
      %eq3A_1220 = arith.cmpi eq, %iota3A, %eq3A_1219 : vector<16xi32>
      %jit3A_1221 = arith.constant -2147483648 : i32
      %broadcast_in_dim3A_1222 = vector.broadcast %jit3A_1221 : i32 to vector<16xi32>
      %select_n3A_1223 = arith.select %eq3A_1220, %get3A_1218, %broadcast_in_dim3A_1222 : vector<16xi1>, vector<16xi32>
      %reduce_max3A_1224 = arith.constant true
      %reduce_max3A_1225 = vector.broadcast %reduce_max3A_1224 : i1 to vector<16xi1>
      %reduce_max3A_1226 = arith.constant -2147483648 : i32
      %reduce_max3A_1227 = vector.broadcast %reduce_max3A_1226 : i32 to vector<16xi32>
      %reduce_max3A_1228 = arith.xori %select_n3A_1223, %reduce_max3A_1227 : vector<16xi32>
      %reduce_max3A_1229 = tpu.scan <max>, %reduce_max3A_1228 masked %reduce_max3A_1225 : vector<16xi32>, vector<16xi1> -> vector<16xi32>
      %reduce_max3A_1230 = arith.xori %reduce_max3A_1229, %reduce_max3A_1227 : vector<16xi32>
      %reduce_max3A_1231 = vector.extract %reduce_max3A_1230[15] : i32 from vector<16xi32>
      %broadcast_in_dim3A_1232 = vector.broadcast %reduce_max3A_1216 : i32 to vector<16xi32>
      %broadcast_in_dim3A_1233 = vector.broadcast %reduce_max3A_1231 : i32 to vector<16xi32>
      %broadcast_in_dim3A_1234 = arith.constant 0 : i32
      %broadcast_in_dim3A_1235 = vector.broadcast %broadcast_in_dim3A_1234 : i32 to vector<16xi32>
      %scan3A_1236 = arith.constant 0 : i32
      %scan3A_1237 = arith.constant 63 : i32
      %scan3A_1238 = arith.addi %scan3A_1236, %scan3A_1237 : i32
      %scan3A_1239 = arith.constant 1 : i32
      %scan3A_1240 = scf.for %scan3A_1259 = %scan3A_1236 to %scan3A_1238 step %scan3A_1239 iter_args(%scan3A_1260 = %broadcast_in_dim3A_1235) -> (vector<16xi32>)  : i32 {
        %mul3A_1261 = arith.constant 16 : i32
        %mul3A_1262 = arith.muli %scan3A_1259, %mul3A_1261 : i32
        %get3A_1263 = arith.index_cast %mul3A_1262 : i32 to index
        %get3A_1264 = tpu.vector_load %arg11[%get3A_1263] {strides = array<i32>} : memref<1024xi32, #tpu.memory_space<vmem>>, vector<16xi32>,
        %mul3A_1265 = arith.constant 16 : i32
        %mul3A_1266 = arith.muli %scan3A_1259, %mul3A_1265 : i32
        %get3A_1267 = arith.index_cast %mul3A_1266 : i32 to index
        %get3A_1268 = tpu.vector_load %arg12[%get3A_1267] {strides = array<i32>} : memref<1024xi32, #tpu.memory_space<vmem>>, vector<16xi32>,
        %mul3A_1269 = arith.constant 16 : i32
        %mul3A_1270 = arith.muli %scan3A_1259, %mul3A_1269 : i32
        %broadcast_in_dim3A_1271 = vector.broadcast %mul3A_1270 : i32 to vector<16xi32>
        %add3A_1272 = arith.addi %broadcast_in_dim3A_1271, %iota3A : vector<16xi32>
        %lt3A_1273 = arith.constant 1000 : i32
        %lt3A_1274 = vector.broadcast %lt3A_1273 : i32 to vector<16xi32>
        %lt3A_1275 = arith.cmpi slt, %add3A_1272, %lt3A_1274 : vector<16xi32>
        %gt3A = arith.cmpi sgt, %get3A_1264, %broadcast_in_dim3A_1232 : vector<16xi32>
        %eq3A_1276 = arith.cmpi eq, %get3A_1264, %broadcast_in_dim3A_1232 : vector<16xi32>
        %lt3A_1277 = arith.cmpi slt, %get3A_1268, %broadcast_in_dim3A_1233 : vector<16xi32>
        %and3A_1278 = arith.andi %eq3A_1276, %lt3A_1277 : vector<16xi1>
        %or3A = arith.ori %gt3A, %and3A_1278 : vector<16xi1>
        %and3A_1279 = arith.andi %or3A, %lt3A_1275 : vector<16xi1>
        %all_reduce_population_count3A = tpu.all_reduce %and3A_1279 {dim = 0 : i64, kind = #tpu.reduction_kind<sum>} : vector<16xi1> -> vector<16xi32>
        %add3A_1280 = arith.addi %scan3A_1260, %all_reduce_population_count3A : vector<16xi32>
        scf.yield %add3A_1280 : vector<16xi32>
      }
      %scan3A_1241 = arith.constant 63 : i32
      %reduce_max3A_1242 = arith.constant true
      %reduce_max3A_1243 = vector.broadcast %reduce_max3A_1242 : i1 to vector<16xi1>
      %reduce_max3A_1244 = arith.constant -2147483648 : i32
      %reduce_max3A_1245 = vector.broadcast %reduce_max3A_1244 : i32 to vector<16xi32>
      %reduce_max3A_1246 = arith.xori %scan3A_1240, %reduce_max3A_1245 : vector<16xi32>
      %reduce_max3A_1247 = tpu.scan <max>, %reduce_max3A_1246 masked %reduce_max3A_1243 : vector<16xi32>, vector<16xi1> -> vector<16xi32>
      %reduce_max3A_1248 = arith.xori %reduce_max3A_1247, %reduce_max3A_1245 : vector<16xi32>
      %reduce_max3A_1249 = vector.extract %reduce_max3A_1248[15] : i32 from vector<16xi32>
      %lt3A_1250 = arith.constant 1000 : i32
      %lt3A_1251 = arith.cmpi slt, %add3A_1179, %lt3A_1250 : i32
      %select_n3A_1252 = arith.select %lt3A_1251, %reduce_max3A_1249, %add3A_1179 : i32
      %broadcast_in_dim3A_1253 = vector.broadcast %scan3A_1177 : i32 to vector<16xi32>
      %broadcast_in_dim3A_1254 = vector.broadcast %select_n3A_1252 : i32 to vector<16xi32>
      %eq3A_1255 = arith.constant 0 : i32
      %eq3A_1256 = vector.broadcast %eq3A_1255 : i32 to vector<16xi32>
      %eq3A_1257 = arith.cmpi eq, %iota3A, %eq3A_1256 : vector<16xi32>
      tpu.vector_store_idx %arg14[%broadcast_in_dim3A_1253], %broadcast_in_dim3A_1254 masked %eq3A_1257 : memref<64xi32, #tpu.memory_space<vmem>>[vector<16xi32>], vector<16xi32>, vector<16xi1>
      %scan3A_1258 = arith.constant 0 : i32
      scf.yield %scan3A_1258 : i32
    }
    %scan3A_1083 = arith.constant 64 : i32
    %add3A_1084 = arith.constant 0 : i32
    %add3A_1085 = arith.addi %mul3A_1076, %add3A_1084 : i32
    %get3A = arith.index_cast %add3A_1085 : i32 to index
    %get3A_1086 = tpu.vector_load %arg11[%get3A] {strides = array<i32>} : memref<1024xi32, #tpu.memory_space<vmem>>, vector<16xi32>,
    %bitcast_convert_type3A = tpu.bitcast %get3A_1086 : vector<16xi32> -> vector<16xi32>
    %lt3A_1087 = arith.constant 0 : i32
    %lt3A_1088 = vector.broadcast %lt3A_1087 : i32 to vector<16xi32>
    %lt3A_1089 = arith.cmpi slt, %bitcast_convert_type3A, %lt3A_1088 : vector<16xi32>
    %xor3A_1090 = arith.constant -2147483648 : i32
    %xor3A_1091 = vector.broadcast %xor3A_1090 : i32 to vector<16xi32>
    %xor3A_1092 = arith.xori %bitcast_convert_type3A, %xor3A_1091 : vector<16xi32>
    %not3A = arith.constant dense<-1> : vector<16xi32>
    %not3A_1093 = arith.xori %xor3A_1092, %not3A : vector<16xi32>
    %select_n3A_1094 = arith.select %lt3A_1089, %not3A_1093, %bitcast_convert_type3A : vector<16xi1>, vector<16xi32>
    %bitcast_convert_type3A_1095 = tpu.bitcast %select_n3A_1094 : vector<16xi32> -> vector<16xf32>
    %swap3A_1096 = arith.constant 0 : index
    %swap3A_1097 = tpu.vector_load %arg15[%swap3A_1096] {strides = array<i32>} : memref<64xf32, #tpu.memory_space<vmem>>, vector<16xf32>,
    tpu.vector_store %arg15[%swap3A_1096], %bitcast_convert_type3A_1095 {strides = array<i32>} : memref<64xf32, #tpu.memory_space<vmem>>, vector<16xf32>,
    %add3A_1098 = arith.constant 0 : i32
    %add3A_1099 = arith.addi %mul3A_1076, %add3A_1098 : i32
    %get3A_1100 = arith.index_cast %add3A_1099 : i32 to index
    %get3A_1101 = tpu.vector_load %arg12[%get3A_1100] {strides = array<i32>} : memref<1024xi32, #tpu.memory_space<vmem>>, vector<16xi32>,
    %swap3A_1102 = arith.constant 0 : index
    %swap3A_1103 = tpu.vector_load %arg16[%swap3A_1102] {strides = array<i32>} : memref<64xi32, #tpu.memory_space<vmem>>, vector<16xi32>,
    tpu.vector_store %arg16[%swap3A_1102], %get3A_1101 {strides = array<i32>} : memref<64xi32, #tpu.memory_space<vmem>>, vector<16xi32>,
    %add3A_1104 = arith.constant 16 : i32
    %add3A_1105 = arith.addi %mul3A_1076, %add3A_1104 : i32
    %get3A_1106 = arith.index_cast %add3A_1105 : i32 to index
    %get3A_1107 = tpu.vector_load %arg11[%get3A_1106] {strides = array<i32>} : memref<1024xi32, #tpu.memory_space<vmem>>, vector<16xi32>,
    %bitcast_convert_type3A_1108 = tpu.bitcast %get3A_1107 : vector<16xi32> -> vector<16xi32>
    %lt3A_1109 = arith.constant 0 : i32
    %lt3A_1110 = vector.broadcast %lt3A_1109 : i32 to vector<16xi32>
    %lt3A_1111 = arith.cmpi slt, %bitcast_convert_type3A_1108, %lt3A_1110 : vector<16xi32>
    %xor3A_1112 = arith.constant -2147483648 : i32
    %xor3A_1113 = vector.broadcast %xor3A_1112 : i32 to vector<16xi32>
    %xor3A_1114 = arith.xori %bitcast_convert_type3A_1108, %xor3A_1113 : vector<16xi32>
    %not3A_1115 = arith.constant dense<-1> : vector<16xi32>
    %not3A_1116 = arith.xori %xor3A_1114, %not3A_1115 : vector<16xi32>
    %select_n3A_1117 = arith.select %lt3A_1111, %not3A_1116, %bitcast_convert_type3A_1108 : vector<16xi1>, vector<16xi32>
    %bitcast_convert_type3A_1118 = tpu.bitcast %select_n3A_1117 : vector<16xi32> -> vector<16xf32>
    %swap3A_1119 = arith.constant 16 : index
    %swap3A_1120 = tpu.vector_load %arg15[%swap3A_1119] {strides = array<i32>} : memref<64xf32, #tpu.memory_space<vmem>>, vector<16xf32>,
    tpu.vector_store %arg15[%swap3A_1119], %bitcast_convert_type3A_1118 {strides = array<i32>} : memref<64xf32, #tpu.memory_space<vmem>>, vector<16xf32>,
    %add3A_1121 = arith.constant 16 : i32
    %add3A_1122 = arith.addi %mul3A_1076, %add3A_1121 : i32
    %get3A_1123 = arith.index_cast %add3A_1122 : i32 to index
    %get3A_1124 = tpu.vector_load %arg12[%get3A_1123] {strides = array<i32>} : memref<1024xi32, #tpu.memory_space<vmem>>, vector<16xi32>,
    %swap3A_1125 = arith.constant 16 : index
    %swap3A_1126 = tpu.vector_load %arg16[%swap3A_1125] {strides = array<i32>} : memref<64xi32, #tpu.memory_space<vmem>>, vector<16xi32>,
    tpu.vector_store %arg16[%swap3A_1125], %get3A_1124 {strides = array<i32>} : memref<64xi32, #tpu.memory_space<vmem>>, vector<16xi32>,
    %add3A_1127 = arith.constant 32 : i32
    %add3A_1128 = arith.addi %mul3A_1076, %add3A_1127 : i32
    %get3A_1129 = arith.index_cast %add3A_1128 : i32 to index
    %get3A_1130 = tpu.vector_load %arg11[%get3A_1129] {strides = array<i32>} : memref<1024xi32, #tpu.memory_space<vmem>>, vector<16xi32>,
    %bitcast_convert_type3A_1131 = tpu.bitcast %get3A_1130 : vector<16xi32> -> vector<16xi32>
    %lt3A_1132 = arith.constant 0 : i32
    %lt3A_1133 = vector.broadcast %lt3A_1132 : i32 to vector<16xi32>
    %lt3A_1134 = arith.cmpi slt, %bitcast_convert_type3A_1131, %lt3A_1133 : vector<16xi32>
    %xor3A_1135 = arith.constant -2147483648 : i32
    %xor3A_1136 = vector.broadcast %xor3A_1135 : i32 to vector<16xi32>
    %xor3A_1137 = arith.xori %bitcast_convert_type3A_1131, %xor3A_1136 : vector<16xi32>
    %not3A_1138 = arith.constant dense<-1> : vector<16xi32>
    %not3A_1139 = arith.xori %xor3A_1137, %not3A_1138 : vector<16xi32>
    %select_n3A_1140 = arith.select %lt3A_1134, %not3A_1139, %bitcast_convert_type3A_1131 : vector<16xi1>, vector<16xi32>
    %bitcast_convert_type3A_1141 = tpu.bitcast %select_n3A_1140 : vector<16xi32> -> vector<16xf32>
    %swap3A_1142 = arith.constant 32 : index
    %swap3A_1143 = tpu.vector_load %arg15[%swap3A_1142] {strides = array<i32>} : memref<64xf32, #tpu.memory_space<vmem>>, vector<16xf32>,
    tpu.vector_store %arg15[%swap3A_1142], %bitcast_convert_type3A_1141 {strides = array<i32>} : memref<64xf32, #tpu.memory_space<vmem>>, vector<16xf32>,
    %add3A_1144 = arith.constant 32 : i32
    %add3A_1145 = arith.addi %mul3A_1076, %add3A_1144 : i32
    %get3A_1146 = arith.index_cast %add3A_1145 : i32 to index
    %get3A_1147 = tpu.vector_load %arg12[%get3A_1146] {strides = array<i32>} : memref<1024xi32, #tpu.memory_space<vmem>>, vector<16xi32>,
    %swap3A_1148 = arith.constant 32 : index
    %swap3A_1149 = tpu.vector_load %arg16[%swap3A_1148] {strides = array<i32>} : memref<64xi32, #tpu.memory_space<vmem>>, vector<16xi32>,
    tpu.vector_store %arg16[%swap3A_1148], %get3A_1147 {strides = array<i32>} : memref<64xi32, #tpu.memory_space<vmem>>, vector<16xi32>,
    %add3A_1150 = arith.constant 48 : i32
    %add3A_1151 = arith.addi %mul3A_1076, %add3A_1150 : i32
    %get3A_1152 = arith.index_cast %add3A_1151 : i32 to index
    %get3A_1153 = tpu.vector_load %arg11[%get3A_1152] {strides = array<i32>} : memref<1024xi32, #tpu.memory_space<vmem>>, vector<16xi32>,
    %bitcast_convert_type3A_1154 = tpu.bitcast %get3A_1153 : vector<16xi32> -> vector<16xi32>
    %lt3A_1155 = arith.constant 0 : i32
    %lt3A_1156 = vector.broadcast %lt3A_1155 : i32 to vector<16xi32>
    %lt3A_1157 = arith.cmpi slt, %bitcast_convert_type3A_1154, %lt3A_1156 : vector<16xi32>
    %xor3A_1158 = arith.constant -2147483648 : i32
    %xor3A_1159 = vector.broadcast %xor3A_1158 : i32 to vector<16xi32>
    %xor3A_1160 = arith.xori %bitcast_convert_type3A_1154, %xor3A_1159 : vector<16xi32>
    %not3A_1161 = arith.constant dense<-1> : vector<16xi32>
    %not3A_1162 = arith.xori %xor3A_1160, %not3A_1161 : vector<16xi32>
    %select_n3A_1163 = arith.select %lt3A_1157, %not3A_1162, %bitcast_convert_type3A_1154 : vector<16xi1>, vector<16xi32>
    %bitcast_convert_type3A_1164 = tpu.bitcast %select_n3A_1163 : vector<16xi32> -> vector<16xf32>
    %swap3A_1165 = arith.constant 48 : index
    %swap3A_1166 = tpu.vector_load %arg15[%swap3A_1165] {strides = array<i32>} : memref<64xf32, #tpu.memory_space<vmem>>, vector<16xf32>,
    tpu.vector_store %arg15[%swap3A_1165], %bitcast_convert_type3A_1164 {strides = array<i32>} : memref<64xf32, #tpu.memory_space<vmem>>, vector<16xf32>,
    %add3A_1167 = arith.constant 48 : i32
    %add3A_1168 = arith.addi %mul3A_1076, %add3A_1167 : i32
    %get3A_1169 = arith.index_cast %add3A_1168 : i32 to index
    %get3A_1170 = tpu.vector_load %arg12[%get3A_1169] {strides = array<i32>} : memref<1024xi32, #tpu.memory_space<vmem>>, vector<16xi32>,
    %swap3A_1171 = arith.constant 48 : index
    %swap3A_1172 = tpu.vector_load %arg16[%swap3A_1171] {strides = array<i32>} : memref<64xi32, #tpu.memory_space<vmem>>, vector<16xi32>,
    tpu.vector_store %arg16[%swap3A_1171], %get3A_1170 {strides = array<i32>} : memref<64xi32, #tpu.memory_space<vmem>>, vector<16xi32>,
    "tpu.region"() ({
      %run_scoped3A_1177 = tpu.sem_alloc : memref<!tpu.dma_semaphore, #tpu.memory_space<semaphore_mem>>
      %dma_start3A = arith.constant 0 : i32
      %dma_start3A_1178 = tpu.memref_slice %arg22[%dma_start3A] : memref<1024xf32, #tpu.memory_space<vmem_shared>> -> memref<1024xf32, #tpu.memory_space<vmem_shared>>
      tpu.enqueue_indirect_dma source(%arg15 : memref<64xf32, #tpu.memory_space<vmem>>) target(%dma_start3A_1178 : memref<1024xf32, #tpu.memory_space<vmem_shared>>) offsets(%arg14 : memref<64xi32, #tpu.memory_space<vmem>>) semaphore(%run_scoped3A_1177 : memref<!tpu.dma_semaphore, #tpu.memory_space<semaphore_mem>>)
      %dma_wait3A = arith.constant 0 : i32
      %dma_wait3A_1179 = tpu.memref_slice %arg22[%dma_wait3A] : memref<1024xf32, #tpu.memory_space<vmem_shared>> -> memref<1024xf32, #tpu.memory_space<vmem_shared>>
      tpu.wait_indirect_dma semaphore(%run_scoped3A_1177 : memref<!tpu.dma_semaphore, #tpu.memory_space<semaphore_mem>>) src(%arg15 : memref<64xf32, #tpu.memory_space<vmem>>) dst(%dma_wait3A_1179 : memref<1024xf32, #tpu.memory_space<vmem_shared>>)
      tpu.yield
    }) : () -> ()
    "tpu.region"() ({
      %run_scoped3A_1177 = tpu.sem_alloc : memref<!tpu.dma_semaphore, #tpu.memory_space<semaphore_mem>>
      %dma_start3A = arith.constant 0 : i32
      %dma_start3A_1178 = tpu.memref_slice %arg23[%dma_start3A] : memref<1024xi32, #tpu.memory_space<vmem_shared>> -> memref<1024xi32, #tpu.memory_space<vmem_shared>>
      tpu.enqueue_indirect_dma source(%arg16 : memref<64xi32, #tpu.memory_space<vmem>>) target(%dma_start3A_1178 : memref<1024xi32, #tpu.memory_space<vmem_shared>>) offsets(%arg14 : memref<64xi32, #tpu.memory_space<vmem>>) semaphore(%run_scoped3A_1177 : memref<!tpu.dma_semaphore, #tpu.memory_space<semaphore_mem>>)
      %dma_wait3A = arith.constant 0 : i32
      %dma_wait3A_1179 = tpu.memref_slice %arg23[%dma_wait3A] : memref<1024xi32, #tpu.memory_space<vmem_shared>> -> memref<1024xi32, #tpu.memory_space<vmem_shared>>
      tpu.wait_indirect_dma semaphore(%run_scoped3A_1177 : memref<!tpu.dma_semaphore, #tpu.memory_space<semaphore_mem>>) src(%arg16 : memref<64xi32, #tpu.memory_space<vmem>>) dst(%dma_wait3A_1179 : memref<1024xi32, #tpu.memory_space<vmem_shared>>)
      tpu.yield
    }) : () -> ()
    %barrier3A_1173 = arith.constant 0 : index
    tpu.barrier barrier_id(%barrier3A_1173)
    %eq3A_1174 = arith.constant 0 : i32
    %eq3A_1175 = arith.cmpi eq, %arg1, %eq3A_1174 : i32
    %convert_element_type3A = arith.extui %eq3A_1175 : i1 to i32
    %cond3A = arith.constant 0 : i32
    %cond3A_1176 = arith.cmpi ne, %convert_element_type3A, %cond3A : i32
    scf.if %cond3A_1176 {
      "tpu.region"() ({
        %run_scoped3A_1177 = tpu.sem_alloc : memref<!tpu.dma_semaphore, #tpu.memory_space<semaphore_mem>>
        %dma_start3A = arith.constant 0 : i32
        %dma_start3A_1178 = tpu.memref_slice %arg3[%arg0, %dma_start3A] : memref<2x1024xf32, #tpu.memory_space<hbm>> -> memref<1x1024xf32, #tpu.memory_space<hbm>>
        %dma_start3A_1179 = tpu.memref_squeeze %dma_start3A_1178 : memref<1x1024xf32, #tpu.memory_space<hbm>> -> memref<1024xf32, #tpu.memory_space<hbm>>
        tpu.enqueue_dma source(%arg22 : memref<1024xf32, #tpu.memory_space<vmem_shared>>) target(%dma_start3A_1179 : memref<1024xf32, #tpu.memory_space<hbm>>) target_semaphore(%run_scoped3A_1177 : memref<!tpu.dma_semaphore, #tpu.memory_space<semaphore_mem>>)
        %dma_wait3A = arith.constant 0 : i32
        %dma_wait3A_1180 = tpu.memref_slice %arg3[%arg0, %dma_wait3A] : memref<2x1024xf32, #tpu.memory_space<hbm>> -> memref<1x1024xf32, #tpu.memory_space<hbm>>
        %dma_wait3A_1181 = tpu.memref_squeeze %dma_wait3A_1180 : memref<1x1024xf32, #tpu.memory_space<hbm>> -> memref<1024xf32, #tpu.memory_space<hbm>>
        tpu.wait_dma2 semaphore(%run_scoped3A_1177 : memref<!tpu.dma_semaphore, #tpu.memory_space<semaphore_mem>>) src(%arg22 : memref<1024xf32, #tpu.memory_space<vmem_shared>>) dst(%dma_wait3A_1181 : memref<1024xf32, #tpu.memory_space<hbm>>)
        tpu.yield
      }) : () -> ()
      "tpu.region"() ({
        %run_scoped3A_1177 = tpu.sem_alloc : memref<!tpu.dma_semaphore, #tpu.memory_space<semaphore_mem>>
        %dma_start3A = arith.constant 0 : i32
        %dma_start3A_1178 = tpu.memref_slice %arg4[%arg0, %dma_start3A] : memref<2x1024xi32, #tpu.memory_space<hbm>> -> memref<1x1024xi32, #tpu.memory_space<hbm>>
        %dma_start3A_1179 = tpu.memref_squeeze %dma_start3A_1178 : memref<1x1024xi32, #tpu.memory_space<hbm>> -> memref<1024xi32, #tpu.memory_space<hbm>>
        tpu.enqueue_dma source(%arg23 : memref<1024xi32, #tpu.memory_space<vmem_shared>>) target(%dma_start3A_1179 : memref<1024xi32, #tpu.memory_space<hbm>>) target_semaphore(%run_scoped3A_1177 : memref<!tpu.dma_semaphore, #tpu.memory_space<semaphore_mem>>)
        %dma_wait3A = arith.constant 0 : i32
        %dma_wait3A_1180 = tpu.memref_slice %arg4[%arg0, %dma_wait3A] : memref<2x1024xi32, #tpu.memory_space<hbm>> -> memref<1x1024xi32, #tpu.memory_space<hbm>>
        %dma_wait3A_1181 = tpu.memref_squeeze %dma_wait3A_1180 : memref<1x1024xi32, #tpu.memory_space<hbm>> -> memref<1024xi32, #tpu.memory_space<hbm>>
        tpu.wait_dma2 semaphore(%run_scoped3A_1177 : memref<!tpu.dma_semaphore, #tpu.memory_space<semaphore_mem>>) src(%arg23 : memref<1024xi32, #tpu.memory_space<vmem_shared>>) dst(%dma_wait3A_1181 : memref<1024xi32, #tpu.memory_space<hbm>>)
        tpu.yield
      }) : () -> ()
    } else {
    }
    return
  }
}

module attributes {stable_mosaic.version = 14 : i64} {
  func.func @body(%arg0: i32, %arg1: i32, %arg2: memref<1x80x2048xf32, #tpu.memory_space<vmem>>, %arg3: memref<1x2048x80xf32, #tpu.memory_space<vmem>>) attributes {dimension_semantics = [#tpu.dimension_semantics<arbitrary>, #tpu.dimension_semantics<arbitrary>], iteration_bounds = array<i64: 2, 8>, scalar_prefetch = 0 : i64, scratch_operands = 0 : i64, tpu.core_type = #tpu.core_type<tc>, window_params = [{transform_indices = @transform_0, window_bounds = array<i64: 1, 80, 2048>}, {transform_indices = @transform_1, window_bounds = array<i64: 1, 2048, 80>}]} {
    %get3A = arith.constant 0 : index
    %get3A_0 = arith.constant 0 : index
    %get3A_1 = arith.constant 0 : index
    %get3A_2 = vector.load %arg2[%get3A, %get3A_0, %get3A_1] : memref<1x80x2048xf32, #tpu.memory_space<vmem>>, vector<1x80x2048xf32>
    %get3A_3 = vector.shape_cast %get3A_2 : vector<1x80x2048xf32> to vector<80x2048xf32>
    %transpose3A = tpu.transpose %get3A_3, [1, 0] : vector<80x2048xf32> -> vector<2048x80xf32>
    %logistic3A = arith.negf %transpose3A : vector<2048x80xf32>
    %logistic3A_4 = math.exp %logistic3A : vector<2048x80xf32>
    %logistic3A_5 = arith.constant 1.000000e+00 : f32
    %logistic3A_6 = vector.broadcast %logistic3A_5 : f32 to vector<2048x80xf32>
    %logistic3A_7 = arith.addf %logistic3A_6, %logistic3A_4 : vector<2048x80xf32>
    %logistic3A_8 = arith.divf %logistic3A_6, %logistic3A_7 : vector<2048x80xf32>
    %gt3A = arith.constant 5.000000e-02 : f32
    %gt3A_9 = vector.broadcast %gt3A : f32 to vector<2048x80xf32>
    %gt3A_10 = arith.cmpf ogt, %logistic3A_8, %gt3A_9 : vector<2048x80xf32>
    %jit3A = arith.constant -1.000000e+00 : f32
    %broadcast_in_dim3A = vector.broadcast %jit3A : f32 to vector<2048x80xf32>
    %select_n3A = arith.select %gt3A_10, %logistic3A_8, %broadcast_in_dim3A : vector<2048x80xi1>, vector<2048x80xf32>
    %swap3A = arith.constant 0 : index
    %swap3A_11 = arith.constant 0 : index
    %swap3A_12 = arith.constant 0 : index
    %swap3A_13 = vector.load %arg3[%swap3A, %swap3A_11, %swap3A_12] : memref<1x2048x80xf32, #tpu.memory_space<vmem>>, vector<1x2048x80xf32>
    %swap3A_14 = vector.shape_cast %swap3A_13 : vector<1x2048x80xf32> to vector<2048x80xf32>
    %swap3A_15 = vector.shape_cast %select_n3A : vector<2048x80xf32> to vector<1x2048x80xf32>
    tpu.vector_store %arg3[%swap3A, %swap3A_11, %swap3A_12], %swap3A_15 {strides = array<i32>} : memref<1x2048x80xf32, #tpu.memory_space<vmem>>, vector<1x2048x80xf32>,
    return
  }
  func.func @transform_0(%arg0: i32, %arg1: i32) -> (i32, i32, i32) {
    %c0_i32 = arith.constant 0 : i32
    %c0_i32_0 = arith.constant 0 : i32
    return %arg0, %c0_i32, %arg1 : i32, i32, i32
  }
  func.func @transform_1(%arg0: i32, %arg1: i32) -> (i32, i32, i32) {
    %c0_i32 = arith.constant 0 : i32
    %c0_i32_0 = arith.constant 0 : i32
    return %arg0, %arg1, %c0_i32 : i32, i32, i32
  }
}

</mosaic_0001>

<sc_bundles>
// kernel: gather_offload_async_start.1
scs
__scs_entry_jumppad:
0x0: {  	(pc) =	sbr.rel $0x88, $3  }
0x1: {  	(tag) =	ssettag $0x0;
	lr =	simm.s32 $0x1  }
0x2: {  	[smem:$0x3F9D] =	sst lr;
	_ =	strace $0xD0000000  }
0x3: {  	_ = 	snop  }
0x4: {  	_ = 	snop  }
0x5: {  	_ = 	snop  }
0x6: {  	_ = 	snop  }
0x7: {  	_ = 	snop  }
__scs_overlays_trampoline_lowered:
0x8: {  	[smem:$0x3FAC] =	sst s0  }
0x9: {  	[smem:$0x3FAD] =	sst s1  }
0xa: {  	[smem:$0x3FAE] =	sst s2  }
0xb: {  	[smem:$0x3FAF] =	sst s3  }
0xc: {  	[smem:$0x3FB0] =	sst s4  }
0xd: {  	[smem:$0x3FB1] =	sst s5  }
0xe: {  	[smem:$0x3FB2] =	sst s6  }
0xf: {  	[smem:$0x3FB3] =	sst s7  }
0x10: {  	[smem:$0x3FB4] =	sst s8  }
0x11: {  	[smem:$0x3FB5] =	sst s9;
	s0 =	simm.s32 @!p0 $0x0  }
0x12: {  	s1 =	sld [smem:$0x3F9B];
	s0 =	simm.s32 @p0 $0x1  }
0x13: {  	[smem:$0x3FB6] =	sst s0;
	s0 =	simm.s32 @!p1 $0x0  }
0x14: {  	s2 =	sld [smem:$0x3F9A];
	s0 =	simm.s32 @p1 $0x1  }
0x15: {  	[smem:$0x3FB7] =	sst s0;
	s0 =	simm.s32 @!p2 $0x0  }
0x16: {  	s3 =	sld [smem:$0x3FDB];
	s0 =	simm.s32 @p2 $0x1  }
0x17: {  	s4 =	simm.s32 $0x1BF5;
	[smem:$0x3FB9] =	sst s0  }
0x18: {  	s0 =	sld [smem:$0x3F9C];
	_ =	swait.ge [sflag:s4], $0x0  }
0x19: {  	s7 =	sld [smem:$0x3F9D]  }
0x1a: {  	s8 =	sadd.s32 $0xFFFFE003, lr  }
0x1b: {  	s9 =	sadd.s32 $0xFFFFFEF7, lr;
	s5 =	simm.s32 $0xFFFFFFFF;
	p2 =	slt.u32 s8, $0xFFFFF086  }
0x1c: {  	p1 =	slt.u32 s9, $0xF7A;
	s5 =	simm.s32 @!p2 $0x0  }
0x1d: {  	s5 =	simm.s32 @p1 $0x1;
	p0 =	seq.s32 s7, s2  }
0x1e: {  	s7 =	smul.u32 @!p0 $0xF7A, s2;
	p2 =	seq.s32 @!p0 s5, $0x0  }
0x1f: {  	s9 =	smul.u32 $0xF7A, s1;
	s8 =	simm.s32 @!p0 $0x1BF5;
	p2 =	por !p2, p0  }
0x20: {  	[sflag:s8] =	ssyncset.s32 @!p0 $0xFFFFF086;
	s6 =	sadd.s32 @!p0 s3, s7;
	s7 =	simm.s32 @!p0 $0x108  }
0x21: {  	s3 =	sadd.s32 s3, s9;
	s6 =	sadd.s32 @!p0 $0x88, s6;
	s7 =	simm.s32 @p2 $0x1082  }
0x22: {  	[simem:s7], [sflag:s8] =	dma.local @!p0 [hbm:s6], $0xF7A  }
0x23: {  	s9 =	sor.u32 $0xD0000000, s2;
	s6 =	simm.s32 $0x108;
	_ =	swait.ge @!p0 [sflag:s8], $0x0  }
0x24: {  	s3 =	sadd.s32 $0x88, s3;
	s6 =	simm.s32 @!p1 $0x1082;
	[sflag:s4] =	ssyncset.s32 $0xFFFFF086  }
0x25: {  	[simem:s6], [sflag:s4] =	dma.local [hbm:s3], $0xF7A  }
0x26: {  	[smem:$0x3F9D] =	sst s1;
	(tag) =	ssettag s2;
	_ =	strace s9  }
0x27: {  	s1 =	sld [smem:$0x3FAD]  }
0x28: {  	s2 =	sld [smem:$0x3FAE]  }
0x29: {  	s4 =	sld [smem:$0x3FB0]  }
0x2a: {  	p0 =	seq.s32 s5, $0x0;
	s5 =	sld [smem:$0x3FB1]  }
0x2b: {  	s6 =	sld [smem:$0x3FB2]  }
0x2c: {  	s7 =	sld [smem:$0x3FB3]  }
0x2d: {  	s3 =	simm.s32 $0x108;
	s8 =	sld [smem:$0x3FB4]  }
0x2e: {  	s3 =	simm.s32 @!p0 $0x1082;
	s9 =	sld [smem:$0x3FB5]  }
0x2f: {  	lr =	sadd.s32 s0, s3;
	s0 =	sld [smem:$0x3FAC]  }
0x30: {  	s3 =	sld [smem:$0x3FAF]  }
0x31: {  	[smem:$0x3FB8] =	sst s10  }
0x32: {  	s10 =	sld [smem:$0x3FB6];
	_ =	sdelay $0x3  }
0x33: {  	p0 =	seq.s32 s10, $0x1;
	s10 =	sld [smem:$0x3FB8];
	_ =	sdelay $0x3  }
0x34: {  	[smem:$0x3FB8] =	sst s10  }
0x35: {  	s10 =	sld [smem:$0x3FB7];
	_ =	sdelay $0x3  }
0x36: {  	p1 =	seq.s32 s10, $0x1;
	s10 =	sld [smem:$0x3FB8];
	_ =	sdelay $0x3  }
0x37: {  	[smem:$0x3FB8] =	sst s10  }
0x38: {  	s10 =	sld [smem:$0x3FB9]  }
0x39: {  	_ = 	snop;
	(pc) =	sbr.ind lr, $3  }
0x3a: {  	_ = 	snop  }
0x3b: {  	_ = 	snop  }
0x3c: {  	p2 =	seq.s32 s10, $0x1;
	s10 =	sld [smem:$0x3FB8]  }
0x3d: {  	_ =	shalt  }
0x3e: {  	_ =	shalt  }
0x3f: {  	_ =	shalt  }
0x40: {  	_ =	shalt  }
0x41: {  	_ =	shalt  }
0x42: {  	_ =	shalt  }
0x43: {  	_ =	shalt  }
0x44: {  	_ =	shalt  }
0x45: {  	_ =	shalt  }
0x46: {  	_ =	shalt  }
0x47: {  	_ =	shalt  }
0x48: {  	_ =	shalt  }
0x49: {  	_ =	shalt  }
0x4a: {  	_ =	shalt  }
0x4b: {  	_ =	shalt  }
0x4c: {  	_ =	shalt  }
0x4d: {  	_ =	shalt  }
0x4e: {  	_ =	shalt  }
0x4f: {  	_ =	shalt  }
0x50: {  	_ =	shalt  }
0x51: {  	_ =	shalt  }
0x52: {  	_ =	shalt  }
0x53: {  	_ =	shalt  }
0x54: {  	_ =	shalt  }
0x55: {  	_ =	shalt  }
0x56: {  	_ =	shalt  }
0x57: {  	_ =	shalt  }
0x58: {  	_ =	shalt  }
0x59: {  	_ =	shalt  }
0x5a: {  	_ =	shalt  }
0x5b: {  	_ =	shalt  }
0x5c: {  	_ =	shalt  }
0x5d: {  	_ =	shalt  }
0x5e: {  	_ =	shalt  }
0x5f: {  	_ =	shalt  }
0x60: {  	_ =	shalt  }
0x61: {  	_ =	shalt  }
0x62: {  	_ =	shalt  }
0x63: {  	_ =	shalt  }
0x64: {  	_ =	shalt  }
0x65: {  	_ =	shalt  }
0x66: {  	_ =	shalt  }
0x67: {  	_ =	shalt  }
0x68: {  	_ =	shalt  }
0x69: {  	_ =	shalt  }
0x6a: {  	_ =	shalt  }
0x6b: {  	_ =	shalt  }
0x6c: {  	_ =	shalt  }
0x6d: {  	_ =	shalt  }
0x6e: {  	_ =	shalt  }
0x6f: {  	_ =	shalt  }
0x70: {  	_ =	shalt  }
0x71: {  	_ =	shalt  }
0x72: {  	_ =	shalt  }
0x73: {  	_ =	shalt  }
0x74: {  	_ =	shalt  }
0x75: {  	_ =	shalt  }
0x76: {  	_ =	shalt  }
0x77: {  	_ =	shalt  }
0x78: {  	_ =	shalt  }
0x79: {  	_ =	shalt  }
0x7a: {  	_ =	shalt  }
0x7b: {  	_ =	shalt  }
0x7c: {  	_ =	shalt  }
0x7d: {  	_ =	shalt  }
0x7e: {  	_ =	shalt  }
0x7f: {  	_ =	shalt  }
0x80: {  	_ =	shalt  }
0x81: {  	_ =	shalt  }
0x82: {  	_ =	shalt  }
0x83: {  	_ =	shalt  }
0x84: {  	_ =	shalt  }
0x85: {  	_ =	shalt  }
0x86: {  	_ =	shalt  }
0x87: {  	_ =	shalt  }
.Lfunc_end0:
.L_simem_size_0:
called_computation.1_lowered:
.L_overlay_start_0:
0x88: {  	s0 =	sld [smem:$0x3FD9]  }
0x89: {  	s1 =	sld [smem:$0x3FFE];
	_ =	sdelay $0x3  }
0x8a: {  	s0 =	sadd.s32 s1, s0  }
0x8b: {  	[smem:$0x3FC4] =	sst s0  }
0x8c: {  	_ = 	snop  }
0x8d: {  	s0 =	sld [smem:$0x3FD0];
	_ =	sdelay $0x2  }
0x8e: {  	s13 =	simm.s32 $0xB;
	s2 =	simm.s32 $0x10  }
0x8f: {  	[smem:s2], [sflag:s13] =	dma.local [hbm:s0], $0x1  }
0x90: {  	_ =	swait.eq [sflag:s13], $0x1  }
0x91: {  	[sflag:s13] =	ssyncset.done $0x0  }
0x92: {  	[sflag:s13] =	ssyncadd.s32 $0xFFFFFFFF  }
0x93: {  	s14 =	sld [smem:$0x10];
	(tm) =	ssettm $0x1  }
0x94: {  	s15 =	sld [smem:$0x3FFB];
	_ =	sdelay $0x3  }
0x95: {  	_ =	strace s15  }
0x96: {  	s1 =	sld [smem:$0x3FFC];
	_ =	sdelay $0x3  }
0x97: {  	_ =	strace s1  }
0x98: {  	s1 =	sld [smem:$0x3FFD];
	_ =	sdelay $0x3  }
0x99: {  	_ =	strace s1  }
0x9a: {  	_ =	strace $0x8FFFFFFF  }
0x9b: {  	s16 =	sld [smem:$0x3FDB];
	_ =	sdelay $0x1  }
0x9c: {  	s17 =	simm.s32 $_scs_section_size  }
0x9d: {  	s3 =	simm.s32 $_size__tile_overlayer_lowered;
	s4 =	simm.s32 $_tile_overlayer_lowered  }
0x9e: {  	s20 =	simm.s32 $0x1BFF;
	s19 =	sshll.u32 s4, $0x1;
	s1 =	sadd.s32 s17, s16  }
0x9f: {  	s5 =	simm.s32 $0x0;
	s18 =	sshll.u32 s3, $0x1;
	s3 =	sadd.s32 s19, s1  }
0xa0: {  	[timem:s5], [sflag:s20] =	dma.local [hbm:s3], s18  }
0xa1: {  	_ =	swait.ge [sflag:s20], s18  }
0xa2: {  	s2 =	ssub.s32 $0x0, s18;
	[sflag:s20] =	ssyncset.done $0x0  }
0xa3: {  	[sflag:s20] =	ssyncadd.s32 s2;
	_ =	sdelay $0x1  }
0xa4: {  	s21 =	simm.s32 $0x1B8B  }
0xa5: {  	_ =	swait.ge [sflag:s21], $0x1  }
0xa6: {  	[sflag:s21] =	ssyncset.done $0x0  }
0xa7: {  	s23 =	simm.s32 $0x1B8E;
	s22 =	sld [smem:$0x3FFE];
	[sflag:s21] =	ssyncadd.s32 $0xFFFFFFFF  }
0xa8: {  	s24 =	simm.s32 $execute0_lowered;
	[smem:$0x3FD2] =	sst s23  }
0xa9: {  	s3 =	sshll.u32 s24, $0x1;
	_ =	strace $0x8000004C;
	[dreg:$0x1] =	wrdreg $0xFFFFFFFF  }
0xaa: {  	s25 =	simm.s32 $_size_execute0_lowered;
	s1 =	sadd.s32 s1, s3;
	[dreg:$0x0] =	wrdreg $0x0  }
0xab: {  	s3 =	sshll.u32 s25, $0x1;
	[dreg:$0x2] =	wrdreg s1  }
0xac: {  	[dreg:$0x3] =	wrdreg s3  }
0xad: {  	[dreg:$0x4] =	wrdreg $0xC0  }
0xae: {  	_ =	task [dreg:s5], $0x5FFFF  }
0xaf: {  	[dreg:$0x1] =	wrdreg $0xFFFFFFFF  }
0xb0: {  	[dreg:$0x0] =	wrdreg $0x60  }
0xb1: {  	[dreg:$0x2] =	wrdreg s22  }
0xb2: {  	[dreg:$0x3] =	wrdreg s14  }
0xb3: {  	[dreg:$0x4] =	wrdreg $0xA  }
0xb4: {  	_ =	task.clear_ibuf [dreg:s5], $0x5FFFF;
	_ =	strace $0x9000004C  }
0xb5: {  	s26 =	simm.s32 $0xA;
	_ =	strace $0x8000004E  }
0xb6: {  	_ =	swait.ge [sflag:s26], $0x1  }
0xb7: {  	[sflag:s26] =	ssyncadd.s32 $0xFFFFFFFF  }
0xb8: {  	_ =	strace $0x9000004E  }
0xb9: {  	_ =	sfence  }
0xba: {  	s28 =	sld [smem:$0x0];
	_ =	sdelay $0x1  }
0xbb: {  	s29 =	srdreg.scid  }
0xbc: {  	s30 =	sshll.u32 s29, $0xD;
	s31 =	sshrl.u32 s29, $0x2  }
0xbd: {  	s2 =	sand.u32 $0x4000, s30;
	s1 =	sand.u32 $0x1, s29;
	s0 =	sadd.s32 s31, s28  }
0xbe: {  	s1 =	sor.u32 s2, s1;
	s0 =	sshll.u32 s0, $0x11  }
0xbf: {  	s0 =	sor.u32 s0, s1  }
0xc0: {  	s0 =	sadd.s32 $0x8F2B, s0  }
0xc1: {  	[sflag:s0] =	ssyncadd.remote.s32 $0x1  }
0xc2: {  	_ =	sfence.sel $0xFFFF  }
0xc3: {  	[dreg:$0x0] =	wrdreg $0xFFFFFFFF;
	(pc) =	sbr.abs _section_cstart, $3  }
0xc4: {  	[dreg:$0x1] =	wrdreg $0xFFFFFFFF  }
0xc5: {  	_ =	task.clear_ibuf [dreg:s5], $0x2FFFF;
	_ =	strace $0x9FFFFFFF  }
0xc6: {  	(tm) =	ssettm $0x7FFFFFFF  }
0xc7: {  	_ =	shalt  }
tec
execute0_lowered:
.L_overlay_start_1:
0x0: {  	(tag) =	ssettag $0x1  }
0x1: {  	s0 =	stileid.u32  }
0x2: {  	s1 =	smin.u32 s0, $0x9  }
0x3: {  	s1 =	sadd.s32 s0, s1  }
0x4: {  	s2 =	simm.s32 $0xA0;
	p0 =	slt.u32 s0, $0x9;
	s1 =	smul.u32 $0x50, s1  }
0x5: {  	s2 =	simm.s32 @!p0 $0x50  }
0x6: {  	s2 =	sadd.s32 s2, s1  }
0x7: {  	s3 =	smin.u32 s2, $0x7D0  }
0x8: {  	s7 =	ssub.s32 s3, s1  }
0x9: {  	p0 =	sgt.s32 s7, $0x0  }
0xa: {  	s7 =	simm.s32 @!p0 $0x0  }
0xb: {  	s9 =	rddreg [dreg:$0x0];
	s31 =	smul.u32 $0xCCCD, s7  }
0xc: {  	s4 =	rddreg [dreg:$0x1];
	s6 =	simm.s32 $0x1  }
0xd: {  	s11 =	simm.s32 $0x3;
	s13 =	simm.s32 $0x0;
	s8 =	sshrl.u32 s31, $0x16  }
0xe: {  	s12 =	simm.s32 $0x0;
	s5 =	sadd.s32 $0x51A00, s9;
	s10 =	smul.u32 $0x50, s8  }
.Ltmp0:
0xf: {  	s9 =	sadd.s32 $0x9600, s9;
	s2 =	rddreg [dreg:$0x2];
	(pc) =	sbr.rel .LBB2_1-.Ltmp0, $4  }
0x10: {  	_ =	strace $0x8000004D;
	p0 =	sne.s32 s7, s10;
	s10 =	simm.s32 $0x1  }
0x11: {  	[sflag:s6] =	ssyncpa.u1 $0x0;
	s7 =	simm.s32 $0x2;
	s10 =	simm.s32 @!p0 $0x0  }
0x12: {  	[sflag:s7] =	ssyncpa.u1 $0x0;
	p0 =	por $0x0, $0x0;
	s8 =	sadd.s32 s8, s10  }
0x13: {  	vm0 =	vmmov $0xff;
	vm1 =	vcmask $0x3F20;
	[sflag:s11] =	ssyncpa.u1 $0x0;
	s11 =	smov.u32 s1;
	s10 =	sadd.s32 $0x1, s8  }
.LBB2_6:
0x14: {  	[hbm:s17] =	stream.linear.scatter [tilespmem:s14], [sflag:$0x3], $0x400, $0x38;
	[tilespmem:$0x50A0] =	vst v63  }
.LBB2_7:
0x15: {  	s13 =	sadd.s32 $0x50, s11  }
0x16: {  	s15 =	smov.u32 s1;
	p2 =	slt.s32 s13, s3  }
0x17: {  	s15 =	smov.u32 @p2 s13;
	p2 =	sne.s32 s12, s10  }
.Ltmp1:
0x18: {  	p1 =	slt.u32 s12, $0x2;
	(pc) =	sbr.rel @!p2 .LBB2_8-.Ltmp1, $4  }
0x19: {  	s14 =	simm.s32 @!p1 $0x3  }
0x1a: {  	s16 =	sadd.s32 $0x1, s12;
	_ =	swait.ge @!p1 [sflag:s14], $0x2800  }
0x1b: {  	p0 =	por !p0, !p0;
	s13 =	smov.u32 s11;
	[sflag:s14] =	ssyncset.done @!p1 $0x0  }
0x1c: {  	s12 =	smov.u32 s16;
	s11 =	smov.u32 s15;
	[sflag:s14] =	ssyncadd.s32 @!p1 $0xFFFFD800  }
.LBB2_1:
0x1d: {  	p1 =	sge.u32 s12, s8  }
0x1e: {  	s14 =	sxor.u32 @!p1 $0xFFFFFFFF, s12  }
0x1f: {  	s14 =	sand.u32 @!p1 $0x1, s14  }
0x20: {  	s14 =	smul.u32 @!p1 $0x140, s14  }
0x21: {  	s31 =	sadd.s32 $0xFFFFFFFF, s12;
	s15 =	sshrl.u32 @!p1 s11, $0x3  }
0x22: {  	s16 =	sand.u32 @!p1 $0x7, s11;
	s15 =	sadd.s32 @!p1 s4, s15;
	s14 =	sshrl.u32 @!p1 s14, $0x2  }
0x23: {  	[tilespmem:s14], [sflag:$0x2] =	stream.linear.gather @!p1 [hbm4b:s15+s16], $0x50, $0x38;
	[tilespmem:$0x50A0] =	vst v63  }
0x24: {  	p1 =	sge.u32 s31, s8  }
.Ltmp2:
0x25: {  	_ = 	snop;
	(pc) =	sbr.rel @p1 .LBB2_7-.Ltmp2, $1  }
0x26: {  	_ =	sdelay $0x3  }
0x27: {  	s14 =	simm.s32 $0x1  }
0x28: {  	s14 =	simm.s32 @!p0 $0x0  }
0x29: {  	s15 =	smul.u32 $0x140, s14  }
0x2a: {  	_ =	swait.ge [sflag:s7], $0x50  }
0x2b: {  	[sflag:s7] =	ssyncset.done $0x0;
	s16 =	sshrl.u32 s15, $0x2  }
0x2c: {  	[sflag:s7] =	ssyncadd.s32 $0xFFFFFFB0;
	s15 =	sadd.s32 $0x0, s16  }
0x2d: {  	v0 =	vld.msk [tilespmem:s15+$0x0 ss:$0x1], $0xffff;
	_ =	sdelay $0x4  }
0x2e: {  	v1 =	vshll.u32 v0, $0x6  }
0x2f: {  	vm2 =	veq.s32 v0, $0x80000000;
	v0 =	vshll.u32 v0, $0x15;
	v1 =	vand.u32 $0x1FFF80, v1  }
0x30: {  	v0 =	vand.u32 $0x200000, v0;
	v1 =	vsel vm2, $0xFFFFFF80, v1  }
0x31: {  	v0 =	vsel vm2, $0xFFE00000, v0;
	v2 =	vand.u32 $0xFFFFFC00, v1  }
0x32: {  	v1 =	vand.u32 $0x380, v1;
	v0 =	vadd.s32 v0, v2  }
0x33: {  	v0 =	vor.u32 v1, v0  }
0x34: {  	v0 =	vshrl.u32 v0, $0x3  }
0x35: {  	s14 =	smul.u32 $0xA000, s14;
	_ =	sdelay $0x1  }
0x36: {  	s14 =	sshrl.u32 s14, $0x2  }
0x37: {  	s14 =	sor.u32 $0xA0, s14  }
0x38: {  	[tilespmem:s14], [sflag:$0x1] =	stream.indirect_vreg.gather [hbm:s5], $0x80, v0, vm0, $0x38;
	[tilespmem:$0x50A0] =	vst v63  }
0x39: {  	s17 =	sadd.s32 $0x10, s16;
	s15 =	sadd.s32 $0x400, s14  }
0x3a: {  	[tilespmem:s15], [sflag:$0x1] =	stream.indirect_vreg.gather [hbm:s5], $0x80, v0, vm1, $0x38;
	[tilespmem:$0x50A0] =	vst v63  }
0x3b: {  	s18 =	simm.s32 $0x80;
	v0 =	vld.msk [tilespmem:s17+$0x0 ss:$0x1], $0xffff;
	s17 =	smov.u32 s14  }
.LBB2_3:
0x3c: {  	p1 =	sne.s32 s18, $0x100;
	_ =	sdelay $0x4  }
0x3d: {  	v1 =	vshll.u32 v0, $0x6  }
0x3e: {  	vm2 =	veq.s32 v0, $0x80000000;
	v0 =	vshll.u32 v0, $0x15;
	v1 =	vand.u32 $0x1FFF80, v1  }
0x3f: {  	v0 =	vand.u32 $0x200000, v0;
	v1 =	vsel vm2, $0xFFFFFF80, v1  }
0x40: {  	v0 =	vsel vm2, $0xFFE00000, v0;
	v2 =	vand.u32 $0xFFFFFC00, v1  }
0x41: {  	v1 =	vand.u32 $0x380, v1;
	v0 =	vadd.s32 v0, v2  }
0x42: {  	v0 =	vor.u32 v1, v0  }
0x43: {  	v0 =	vshrl.u32 v0, $0x3;
	_ =	sdelay $0x3  }
.Ltmp3:
0x44: {  	s19 =	sshra.s32 s18, $0x2;
	s17 =	sadd.s32 $0x800, s17;
	(pc) =	sbr.rel @p1 .LBB2_3-.Ltmp3, $4  }
0x45: {  	[tilespmem:s17], [sflag:$0x1] =	stream.indirect_vreg.gather [hbm:s5], $0x80, v0, vm0, $0x38;
	[tilespmem:$0x50A0] =	vst v63  }
0x46: {  	s19 =	sadd.s32 s19, s16;
	s20 =	sadd.s32 $0x400, s17  }
0x47: {  	[tilespmem:s20], [sflag:$0x1] =	stream.indirect_vreg.gather [hbm:s5], $0x80, v0, vm1, $0x38;
	[tilespmem:$0x50A0] =	vst v63  }
0x48: {  	s18 =	sadd.s32 $0x40, s18;
	v0 =	vld.msk [tilespmem:s19+$0x0 ss:$0x1], $0xffff  }
0x49: {  	_ =	sdelay $0x3  }
0x4a: {  	v1 =	vshll.u32 v0, $0x6  }
0x4b: {  	vm2 =	veq.s32 v0, $0x80000000;
	v63 =	vshll.u32 v0, $0x15;
	v1 =	vand.u32 $0x1FFF80, v1  }
0x4c: {  	v0 =	vand.u32 $0x200000, v63;
	v1 =	vsel vm2, $0xFFFFFF80, v1  }
0x4d: {  	v0 =	vsel vm2, $0xFFE00000, v0;
	v2 =	vand.u32 $0xFFFFFC00, v1  }
0x4e: {  	v1 =	vand.u32 $0x380, v1;
	v0 =	vadd.s32 v0, v2  }
0x4f: {  	v0 =	vor.u32 v1, v0  }
0x50: {  	v0 =	vshrl.u32 v0, $0x3;
	_ =	sdelay $0x3  }
0x51: {  	s16 =	sadd.s32 $0x800, s17  }
0x52: {  	[tilespmem:s16], [sflag:$0x1] =	stream.indirect_vreg.gather [hbm:s5], $0x80, v0, vm0, $0x38;
	[tilespmem:$0x50A0] =	vst v63  }
0x53: {  	s16 =	sadd.s32 $0x400, s16  }
0x54: {  	[tilespmem:s16], [sflag:$0x1] =	stream.indirect_vreg.gather [hbm:s5], $0x80, v0, vm1, $0x38;
	[tilespmem:$0x50A0] =	vst v63  }
0x55: {  	s13 =	sshll.u32 s13, $0x4;
	_ =	swait.ge [sflag:s6], $0x2800  }
0x56: {  	s13 =	sadd.s32 s13, s9;
	[sflag:s6] =	ssyncset.done $0x0  }
0x57: {  	s17 =	sadd.s32 $0x0, s13;
	s16 =	simm.s32 $0x80;
	[sflag:s6] =	ssyncadd.s32 $0xFFFFD800  }
.LBB2_5:
0x58: {  	[hbm:s17] =	stream.linear.scatter [tilespmem:s14], [sflag:$0x3], $0x400, $0x38;
	[tilespmem:$0x50A0] =	vst v63  }
0x59: {  	s17 =	smov.u32 s16;
	s14 =	smov.u32 s15;
	p1 =	sne.s32 s16, $0x480  }
.Ltmp4:
0x5a: {  	s16 =	sadd.s32 $0x80, s16;
	(pc) =	sbr.rel @p1 .LBB2_5-.Ltmp4, $2  }
0x5b: {  	_ =	sdelay $0x2  }
0x5c: {  	s15 =	sadd.s32 $0x400, s15;
	s17 =	sadd.s32 s17, s13  }
.Ltmp5:
0x5d: {  	_ = 	snop;
	(pc) =	sbr.rel .LBB2_6-.Ltmp5, $1  }
0x5e: {  	_ =	sdelay $0x3  }
.LBB2_8:
0x5f: {  	_ =	sfence.sel $0x180000  }
0x60: {  	s1 =	simm.s32 $0x2;
	[bflag:$0x0] =	sbarrier.arrive $0xFFFF  }
0x61: {  	s30 =	simm.s32 $0x3;
	[sflag:s1] =	ssyncpa.u1 $0x1  }
0x62: {  	s31 =	simm.s32 $0x1;
	[sflag:s30] =	ssyncpa.u1 $0x1  }
0x63: {  	[sflag:s31] =	ssyncpa.u1 $0x1  }
0x64: {  	p0 =	sne.s32 s0, $0x0;
	_ =	strace $0x9000004D  }
0x65: {  	s0 =	sadd.s32 @!p0 $0x100000, s2;
	[bflag:$0x2] =	sbarrier.arrive $0xFFFF  }
0x66: {  	[sflag:s0] =	ssyncadd.tile.s32 @!p0 $0x1;
	_ =	shalt  }
.Lfunc_end2:
_tile_overlayer_lowered:
.L_overlay_start_2:
0x67: {  	(tag) =	ssettag $0x2  }
0x68: {  	s0 =	rddreg [dreg:$0x0];
	s2 =	stileid.u32  }
0x69: {  	s1 =	rddreg [dreg:$0x1];
	p0 =	sne.s32 s2, $0x0  }
0x6a: {  	s3 =	rddreg [dreg:$0x2];
	[bflag:$0x3] =	sbarrier.arrive $0xFFFF;
	s2 =	simm.s32 @!p0 $0x1C01  }
0x6b: {  	[timem:s3], [sflag:s2] =	dma.local @!p0 [hbm:s0], s1  }
0x6c: {  	s0 =	simm.s32 @!p0 $0x1  }
0x6d: {  	_ =	swait.ge @!p0 [sflag:s0], s1  }
0x6e: {  	s1 =	ssub.s32 @!p0 $0x0, s1;
	[sflag:s0] =	ssyncset.done @!p0 $0x0  }
0x6f: {  	[sflag:s0] =	ssyncadd.s32 @!p0 s1  }
0x70: {  	[bflag:$0x3] =	sbarrier.arrive $0xFFFF  }
0x71: {  	_ =	shalt  }

// kernel: gather_offload_async_start
scs
__scs_entry_jumppad:
0x0: {  	(pc) =	sbr.rel $0x88, $3  }
0x1: {  	(tag) =	ssettag $0x0;
	lr =	simm.s32 $0x1  }
0x2: {  	[smem:$0x3F9D] =	sst lr;
	_ =	strace $0xD0000000  }
0x3: {  	_ = 	snop  }
0x4: {  	_ = 	snop  }
0x5: {  	_ = 	snop  }
0x6: {  	_ = 	snop  }
0x7: {  	_ = 	snop  }
__scs_overlays_trampoline_lowered:
0x8: {  	[smem:$0x3FAC] =	sst s0  }
0x9: {  	[smem:$0x3FAD] =	sst s1  }
0xa: {  	[smem:$0x3FAE] =	sst s2  }
0xb: {  	[smem:$0x3FAF] =	sst s3  }
0xc: {  	[smem:$0x3FB0] =	sst s4  }
0xd: {  	[smem:$0x3FB1] =	sst s5  }
0xe: {  	[smem:$0x3FB2] =	sst s6  }
0xf: {  	[smem:$0x3FB3] =	sst s7  }
0x10: {  	[smem:$0x3FB4] =	sst s8  }
0x11: {  	[smem:$0x3FB5] =	sst s9;
	s0 =	simm.s32 @!p0 $0x0  }
0x12: {  	s1 =	sld [smem:$0x3F9B];
	s0 =	simm.s32 @p0 $0x1  }
0x13: {  	[smem:$0x3FB6] =	sst s0;
	s0 =	simm.s32 @!p1 $0x0  }
0x14: {  	s2 =	sld [smem:$0x3F9A];
	s0 =	simm.s32 @p1 $0x1  }
0x15: {  	[smem:$0x3FB7] =	sst s0;
	s0 =	simm.s32 @!p2 $0x0  }
0x16: {  	s3 =	sld [smem:$0x3FDB];
	s0 =	simm.s32 @p2 $0x1  }
0x17: {  	s4 =	simm.s32 $0x1BF5;
	[smem:$0x3FB9] =	sst s0  }
0x18: {  	s0 =	sld [smem:$0x3F9C];
	_ =	swait.ge [sflag:s4], $0x0  }
0x19: {  	s7 =	sld [smem:$0x3F9D]  }
0x1a: {  	s8 =	sadd.s32 $0xFFFFE003, lr  }
0x1b: {  	s9 =	sadd.s32 $0xFFFFFEF7, lr;
	s5 =	simm.s32 $0xFFFFFFFF;
	p2 =	slt.u32 s8, $0xFFFFF086  }
0x1c: {  	p1 =	slt.u32 s9, $0xF7A;
	s5 =	simm.s32 @!p2 $0x0  }
0x1d: {  	s5 =	simm.s32 @p1 $0x1;
	p0 =	seq.s32 s7, s2  }
0x1e: {  	s7 =	smul.u32 @!p0 $0xF7A, s2;
	p2 =	seq.s32 @!p0 s5, $0x0  }
0x1f: {  	s9 =	smul.u32 $0xF7A, s1;
	s8 =	simm.s32 @!p0 $0x1BF5;
	p2 =	por !p2, p0  }
0x20: {  	[sflag:s8] =	ssyncset.s32 @!p0 $0xFFFFF086;
	s6 =	sadd.s32 @!p0 s3, s7;
	s7 =	simm.s32 @!p0 $0x108  }
0x21: {  	s3 =	sadd.s32 s3, s9;
	s6 =	sadd.s32 @!p0 $0x88, s6;
	s7 =	simm.s32 @p2 $0x1082  }
0x22: {  	[simem:s7], [sflag:s8] =	dma.local @!p0 [hbm:s6], $0xF7A  }
0x23: {  	s9 =	sor.u32 $0xD0000000, s2;
	s6 =	simm.s32 $0x108;
	_ =	swait.ge @!p0 [sflag:s8], $0x0  }
0x24: {  	s3 =	sadd.s32 $0x88, s3;
	s6 =	simm.s32 @!p1 $0x1082;
	[sflag:s4] =	ssyncset.s32 $0xFFFFF086  }
0x25: {  	[simem:s6], [sflag:s4] =	dma.local [hbm:s3], $0xF7A  }
0x26: {  	[smem:$0x3F9D] =	sst s1;
	(tag) =	ssettag s2;
	_ =	strace s9  }
0x27: {  	s1 =	sld [smem:$0x3FAD]  }
0x28: {  	s2 =	sld [smem:$0x3FAE]  }
0x29: {  	s4 =	sld [smem:$0x3FB0]  }
0x2a: {  	p0 =	seq.s32 s5, $0x0;
	s5 =	sld [smem:$0x3FB1]  }
0x2b: {  	s6 =	sld [smem:$0x3FB2]  }
0x2c: {  	s7 =	sld [smem:$0x3FB3]  }
0x2d: {  	s3 =	simm.s32 $0x108;
	s8 =	sld [smem:$0x3FB4]  }
0x2e: {  	s3 =	simm.s32 @!p0 $0x1082;
	s9 =	sld [smem:$0x3FB5]  }
0x2f: {  	lr =	sadd.s32 s0, s3;
	s0 =	sld [smem:$0x3FAC]  }
0x30: {  	s3 =	sld [smem:$0x3FAF]  }
0x31: {  	[smem:$0x3FB8] =	sst s10  }
0x32: {  	s10 =	sld [smem:$0x3FB6];
	_ =	sdelay $0x3  }
0x33: {  	p0 =	seq.s32 s10, $0x1;
	s10 =	sld [smem:$0x3FB8];
	_ =	sdelay $0x3  }
0x34: {  	[smem:$0x3FB8] =	sst s10  }
0x35: {  	s10 =	sld [smem:$0x3FB7];
	_ =	sdelay $0x3  }
0x36: {  	p1 =	seq.s32 s10, $0x1;
	s10 =	sld [smem:$0x3FB8];
	_ =	sdelay $0x3  }
0x37: {  	[smem:$0x3FB8] =	sst s10  }
0x38: {  	s10 =	sld [smem:$0x3FB9]  }
0x39: {  	_ = 	snop;
	(pc) =	sbr.ind lr, $3  }
0x3a: {  	_ = 	snop  }
0x3b: {  	_ = 	snop  }
0x3c: {  	p2 =	seq.s32 s10, $0x1;
	s10 =	sld [smem:$0x3FB8]  }
0x3d: {  	_ =	shalt  }
0x3e: {  	_ =	shalt  }
0x3f: {  	_ =	shalt  }
0x40: {  	_ =	shalt  }
0x41: {  	_ =	shalt  }
0x42: {  	_ =	shalt  }
0x43: {  	_ =	shalt  }
0x44: {  	_ =	shalt  }
0x45: {  	_ =	shalt  }
0x46: {  	_ =	shalt  }
0x47: {  	_ =	shalt  }
0x48: {  	_ =	shalt  }
0x49: {  	_ =	shalt  }
0x4a: {  	_ =	shalt  }
0x4b: {  	_ =	shalt  }
0x4c: {  	_ =	shalt  }
0x4d: {  	_ =	shalt  }
0x4e: {  	_ =	shalt  }
0x4f: {  	_ =	shalt  }
0x50: {  	_ =	shalt  }
0x51: {  	_ =	shalt  }
0x52: {  	_ =	shalt  }
0x53: {  	_ =	shalt  }
0x54: {  	_ =	shalt  }
0x55: {  	_ =	shalt  }
0x56: {  	_ =	shalt  }
0x57: {  	_ =	shalt  }
0x58: {  	_ =	shalt  }
0x59: {  	_ =	shalt  }
0x5a: {  	_ =	shalt  }
0x5b: {  	_ =	shalt  }
0x5c: {  	_ =	shalt  }
0x5d: {  	_ =	shalt  }
0x5e: {  	_ =	shalt  }
0x5f: {  	_ =	shalt  }
0x60: {  	_ =	shalt  }
0x61: {  	_ =	shalt  }
0x62: {  	_ =	shalt  }
0x63: {  	_ =	shalt  }
0x64: {  	_ =	shalt  }
0x65: {  	_ =	shalt  }
0x66: {  	_ =	shalt  }
0x67: {  	_ =	shalt  }
0x68: {  	_ =	shalt  }
0x69: {  	_ =	shalt  }
0x6a: {  	_ =	shalt  }
0x6b: {  	_ =	shalt  }
0x6c: {  	_ =	shalt  }
0x6d: {  	_ =	shalt  }
0x6e: {  	_ =	shalt  }
0x6f: {  	_ =	shalt  }
0x70: {  	_ =	shalt  }
0x71: {  	_ =	shalt  }
0x72: {  	_ =	shalt  }
0x73: {  	_ =	shalt  }
0x74: {  	_ =	shalt  }
0x75: {  	_ =	shalt  }
0x76: {  	_ =	shalt  }
0x77: {  	_ =	shalt  }
0x78: {  	_ =	shalt  }
0x79: {  	_ =	shalt  }
0x7a: {  	_ =	shalt  }
0x7b: {  	_ =	shalt  }
0x7c: {  	_ =	shalt  }
0x7d: {  	_ =	shalt  }
0x7e: {  	_ =	shalt  }
0x7f: {  	_ =	shalt  }
0x80: {  	_ =	shalt  }
0x81: {  	_ =	shalt  }
0x82: {  	_ =	shalt  }
0x83: {  	_ =	shalt  }
0x84: {  	_ =	shalt  }
0x85: {  	_ =	shalt  }
0x86: {  	_ =	shalt  }
0x87: {  	_ =	shalt  }
.Lfunc_end0:
.L_simem_size_0:
called_computation_lowered:
.L_overlay_start_0:
0x88: {  	s0 =	sld [smem:$0x3FD9]  }
0x89: {  	s1 =	sld [smem:$0x3FFE];
	_ =	sdelay $0x3  }
0x8a: {  	s0 =	sadd.s32 s1, s0  }
0x8b: {  	[smem:$0x3FC4] =	sst s0  }
0x8c: {  	_ = 	snop  }
0x8d: {  	s0 =	sld [smem:$0x3FD0];
	_ =	sdelay $0x2  }
0x8e: {  	s13 =	simm.s32 $0xB;
	s2 =	simm.s32 $0x10  }
0x8f: {  	[smem:s2], [sflag:s13] =	dma.local [hbm:s0], $0x1  }
0x90: {  	_ =	swait.eq [sflag:s13], $0x1  }
0x91: {  	[sflag:s13] =	ssyncset.done $0x0  }
0x92: {  	[sflag:s13] =	ssyncadd.s32 $0xFFFFFFFF  }
0x93: {  	s14 =	sld [smem:$0x11];
	(tm) =	ssettm $0x1  }
0x94: {  	s15 =	sld [smem:$0x3FFB];
	_ =	sdelay $0x3  }
0x95: {  	_ =	strace s15  }
0x96: {  	s1 =	sld [smem:$0x3FFC];
	_ =	sdelay $0x3  }
0x97: {  	_ =	strace s1  }
0x98: {  	s1 =	sld [smem:$0x3FFD];
	_ =	sdelay $0x3  }
0x99: {  	_ =	strace s1  }
0x9a: {  	_ =	strace $0x8FFFFFFF  }
0x9b: {  	s16 =	sld [smem:$0x3FDB];
	_ =	sdelay $0x1  }
0x9c: {  	s17 =	simm.s32 $_scs_section_size  }
0x9d: {  	s3 =	simm.s32 $_size__tile_overlayer_lowered;
	s4 =	simm.s32 $_tile_overlayer_lowered  }
0x9e: {  	s20 =	simm.s32 $0x1BFF;
	s19 =	sshll.u32 s4, $0x1;
	s1 =	sadd.s32 s17, s16  }
0x9f: {  	s5 =	simm.s32 $0x0;
	s18 =	sshll.u32 s3, $0x1;
	s3 =	sadd.s32 s19, s1  }
0xa0: {  	[timem:s5], [sflag:s20] =	dma.local [hbm:s3], s18  }
0xa1: {  	_ =	swait.ge [sflag:s20], s18  }
0xa2: {  	s2 =	ssub.s32 $0x0, s18;
	[sflag:s20] =	ssyncset.done $0x0  }
0xa3: {  	[sflag:s20] =	ssyncadd.s32 s2;
	_ =	sdelay $0x1  }
0xa4: {  	s21 =	simm.s32 $0x1B8B  }
0xa5: {  	_ =	swait.ge [sflag:s21], $0x1  }
0xa6: {  	[sflag:s21] =	ssyncset.done $0x0  }
0xa7: {  	s23 =	simm.s32 $0x1B8E;
	s22 =	sld [smem:$0x3FFE];
	[sflag:s21] =	ssyncadd.s32 $0xFFFFFFFF  }
0xa8: {  	s24 =	simm.s32 $execute0_lowered;
	[smem:$0x3FD2] =	sst s23  }
0xa9: {  	s3 =	sshll.u32 s24, $0x1;
	_ =	strace $0x80000049;
	[dreg:$0x1] =	wrdreg $0xFFFFFFFF  }
0xaa: {  	s25 =	simm.s32 $_size_execute0_lowered;
	s1 =	sadd.s32 s1, s3;
	[dreg:$0x0] =	wrdreg $0x0  }
0xab: {  	s3 =	sshll.u32 s25, $0x1;
	[dreg:$0x2] =	wrdreg s1  }
0xac: {  	[dreg:$0x3] =	wrdreg s3  }
0xad: {  	[dreg:$0x4] =	wrdreg $0xC0  }
0xae: {  	_ =	task [dreg:s5], $0x5FFFF  }
0xaf: {  	[dreg:$0x1] =	wrdreg $0xFFFFFFFF  }
0xb0: {  	[dreg:$0x0] =	wrdreg $0x60  }
0xb1: {  	[dreg:$0x2] =	wrdreg s22  }
0xb2: {  	[dreg:$0x3] =	wrdreg s14  }
0xb3: {  	[dreg:$0x4] =	wrdreg $0x9  }
0xb4: {  	_ =	task.clear_ibuf [dreg:s5], $0x5FFFF;
	_ =	strace $0x90000049  }
0xb5: {  	s26 =	simm.s32 $0x9;
	_ =	strace $0x8000004B  }
0xb6: {  	_ =	swait.ge [sflag:s26], $0x1  }
0xb7: {  	[sflag:s26] =	ssyncadd.s32 $0xFFFFFFFF  }
0xb8: {  	_ =	strace $0x9000004B  }
0xb9: {  	_ =	sfence  }
0xba: {  	s28 =	sld [smem:$0x0];
	_ =	sdelay $0x1  }
0xbb: {  	s29 =	srdreg.scid  }
0xbc: {  	s30 =	sshll.u32 s29, $0xD;
	s31 =	sshrl.u32 s29, $0x2  }
0xbd: {  	s2 =	sand.u32 $0x4000, s30;
	s1 =	sand.u32 $0x1, s29;
	s0 =	sadd.s32 s31, s28  }
0xbe: {  	s1 =	sor.u32 s2, s1;
	s0 =	sshll.u32 s0, $0x11  }
0xbf: {  	s0 =	sor.u32 s0, s1  }
0xc0: {  	s0 =	sadd.s32 $0x8F2B, s0  }
0xc1: {  	[sflag:s0] =	ssyncadd.remote.s32 $0x1  }
0xc2: {  	_ =	sfence.sel $0xFFFF  }
0xc3: {  	[dreg:$0x0] =	wrdreg $0xFFFFFFFF;
	(pc) =	sbr.abs _section_cstart, $3  }
0xc4: {  	[dreg:$0x1] =	wrdreg $0xFFFFFFFF  }
0xc5: {  	_ =	task.clear_ibuf [dreg:s5], $0x2FFFF;
	_ =	strace $0x9FFFFFFF  }
0xc6: {  	(tm) =	ssettm $0x7FFFFFFF  }
0xc7: {  	_ =	shalt  }
tec
execute0_lowered:
.L_overlay_start_1:
0x0: {  	(tag) =	ssettag $0x1  }
0x1: {  	s0 =	stileid.u32  }
0x2: {  	s1 =	smin.u32 s0, $0x9  }
0x3: {  	s1 =	sadd.s32 s0, s1  }
0x4: {  	s2 =	simm.s32 $0xA0;
	p0 =	slt.u32 s0, $0x9;
	s1 =	smul.u32 $0x50, s1  }
0x5: {  	s2 =	simm.s32 @!p0 $0x50  }
0x6: {  	s2 =	sadd.s32 s2, s1  }
0x7: {  	s3 =	smin.u32 s2, $0x7D0  }
0x8: {  	s7 =	ssub.s32 s3, s1  }
0x9: {  	p0 =	sgt.s32 s7, $0x0  }
0xa: {  	s7 =	simm.s32 @!p0 $0x0  }
0xb: {  	s9 =	rddreg [dreg:$0x0];
	s31 =	smul.u32 $0xCCCD, s7  }
0xc: {  	s4 =	rddreg [dreg:$0x1];
	s6 =	simm.s32 $0x1  }
0xd: {  	s11 =	simm.s32 $0x3;
	s13 =	simm.s32 $0x0;
	s8 =	sshrl.u32 s31, $0x16  }
0xe: {  	s12 =	simm.s32 $0x0;
	s5 =	sadd.s32 $0xD1A00, s9;
	s10 =	smul.u32 $0x50, s8  }
.Ltmp0:
0xf: {  	s9 =	sadd.s32 $0x1800, s9;
	s2 =	rddreg [dreg:$0x2];
	(pc) =	sbr.rel .LBB2_1-.Ltmp0, $4  }
0x10: {  	_ =	strace $0x8000004A;
	p0 =	sne.s32 s7, s10;
	s10 =	simm.s32 $0x1  }
0x11: {  	[sflag:s6] =	ssyncpa.u1 $0x0;
	s7 =	simm.s32 $0x2;
	s10 =	simm.s32 @!p0 $0x0  }
0x12: {  	[sflag:s7] =	ssyncpa.u1 $0x0;
	p0 =	por $0x0, $0x0;
	s8 =	sadd.s32 s8, s10  }
0x13: {  	vm0 =	vmmov $0xff;
	vm1 =	vcmask $0x3F20;
	[sflag:s11] =	ssyncpa.u1 $0x0;
	s11 =	smov.u32 s1;
	s10 =	sadd.s32 $0x1, s8  }
.LBB2_6:
0x14: {  	[hbm:s17] =	stream.linear.scatter [tilespmem:s14], [sflag:$0x3], $0x400, $0x38;
	[tilespmem:$0x50A0] =	vst v63  }
.LBB2_7:
0x15: {  	s13 =	sadd.s32 $0x50, s11  }
0x16: {  	s15 =	smov.u32 s1;
	p2 =	slt.s32 s13, s3  }
0x17: {  	s15 =	smov.u32 @p2 s13;
	p2 =	sne.s32 s12, s10  }
.Ltmp1:
0x18: {  	p1 =	slt.u32 s12, $0x2;
	(pc) =	sbr.rel @!p2 .LBB2_8-.Ltmp1, $4  }
0x19: {  	s14 =	simm.s32 @!p1 $0x3  }
0x1a: {  	s16 =	sadd.s32 $0x1, s12;
	_ =	swait.ge @!p1 [sflag:s14], $0x2800  }
0x1b: {  	p0 =	por !p0, !p0;
	s13 =	smov.u32 s11;
	[sflag:s14] =	ssyncset.done @!p1 $0x0  }
0x1c: {  	s12 =	smov.u32 s16;
	s11 =	smov.u32 s15;
	[sflag:s14] =	ssyncadd.s32 @!p1 $0xFFFFD800  }
.LBB2_1:
0x1d: {  	p1 =	sge.u32 s12, s8  }
0x1e: {  	s14 =	sxor.u32 @!p1 $0xFFFFFFFF, s12  }
0x1f: {  	s14 =	sand.u32 @!p1 $0x1, s14  }
0x20: {  	s14 =	smul.u32 @!p1 $0x140, s14  }
0x21: {  	s31 =	sadd.s32 $0xFFFFFFFF, s12;
	s15 =	sshrl.u32 @!p1 s11, $0x3  }
0x22: {  	s16 =	sand.u32 @!p1 $0x7, s11;
	s15 =	sadd.s32 @!p1 s4, s15;
	s14 =	sshrl.u32 @!p1 s14, $0x2  }
0x23: {  	[tilespmem:s14], [sflag:$0x2] =	stream.linear.gather @!p1 [hbm4b:s15+s16], $0x50, $0x38;
	[tilespmem:$0x50A0] =	vst v63  }
0x24: {  	p1 =	sge.u32 s31, s8  }
.Ltmp2:
0x25: {  	_ = 	snop;
	(pc) =	sbr.rel @p1 .LBB2_7-.Ltmp2, $1  }
0x26: {  	_ =	sdelay $0x3  }
0x27: {  	s14 =	simm.s32 $0x1  }
0x28: {  	s14 =	simm.s32 @!p0 $0x0  }
0x29: {  	s15 =	smul.u32 $0x140, s14  }
0x2a: {  	_ =	swait.ge [sflag:s7], $0x50  }
0x2b: {  	[sflag:s7] =	ssyncset.done $0x0;
	s16 =	sshrl.u32 s15, $0x2  }
0x2c: {  	[sflag:s7] =	ssyncadd.s32 $0xFFFFFFB0;
	s15 =	sadd.s32 $0x0, s16  }
0x2d: {  	v0 =	vld.msk [tilespmem:s15+$0x0 ss:$0x1], $0xffff;
	_ =	sdelay $0x4  }
0x2e: {  	vm2 =	vgt.s32 v0, $0x0  }
0x2f: {  	v0 =	vnsel vm2, $0x0, v0  }
0x30: {  	v0 =	vmin.u32 v0, $0x3FFF  }
0x31: {  	v0 =	vshll.u32 v0, $0x4  }
0x32: {  	s14 =	smul.u32 $0xA000, s14;
	_ =	sdelay $0x1  }
0x33: {  	s14 =	sshrl.u32 s14, $0x2  }
0x34: {  	s14 =	sor.u32 $0xA0, s14  }
0x35: {  	[tilespmem:s14], [sflag:$0x1] =	stream.indirect_vreg.gather [hbm:s5], $0x80, v0, vm0, $0x38;
	[tilespmem:$0x50A0] =	vst v63  }
0x36: {  	s17 =	sadd.s32 $0x10, s16;
	s15 =	sadd.s32 $0x400, s14  }
0x37: {  	[tilespmem:s15], [sflag:$0x1] =	stream.indirect_vreg.gather [hbm:s5], $0x80, v0, vm1, $0x38;
	[tilespmem:$0x50A0] =	vst v63  }
0x38: {  	s18 =	simm.s32 $0x80;
	v0 =	vld.msk [tilespmem:s17+$0x0 ss:$0x1], $0xffff;
	s17 =	smov.u32 s14  }
.LBB2_3:
0x39: {  	p1 =	sne.s32 s18, $0x100;
	_ =	sdelay $0x4  }
0x3a: {  	vm2 =	vgt.s32 v0, $0x0  }
0x3b: {  	v0 =	vnsel vm2, $0x0, v0  }
0x3c: {  	v0 =	vmin.u32 v0, $0x3FFF  }
0x3d: {  	v0 =	vshll.u32 v0, $0x4;
	_ =	sdelay $0x3  }
.Ltmp3:
0x3e: {  	s19 =	sshra.s32 s18, $0x2;
	s17 =	sadd.s32 $0x800, s17;
	(pc) =	sbr.rel @p1 .LBB2_3-.Ltmp3, $4  }
0x3f: {  	[tilespmem:s17], [sflag:$0x1] =	stream.indirect_vreg.gather [hbm:s5], $0x80, v0, vm0, $0x38;
	[tilespmem:$0x50A0] =	vst v63  }
0x40: {  	s19 =	sadd.s32 s19, s16;
	s20 =	sadd.s32 $0x400, s17  }
0x41: {  	[tilespmem:s20], [sflag:$0x1] =	stream.indirect_vreg.gather [hbm:s5], $0x80, v0, vm1, $0x38;
	[tilespmem:$0x50A0] =	vst v63  }
0x42: {  	s18 =	sadd.s32 $0x40, s18;
	v0 =	vld.msk [tilespmem:s19+$0x0 ss:$0x1], $0xffff  }
0x43: {  	_ =	sdelay $0x3  }
0x44: {  	vm2 =	vgt.s32 v0, $0x0  }
0x45: {  	v0 =	vnsel vm2, $0x0, v0  }
0x46: {  	v0 =	vmin.u32 v0, $0x3FFF  }
0x47: {  	v0 =	vshll.u32 v0, $0x4;
	_ =	sdelay $0x3  }
0x48: {  	s16 =	sadd.s32 $0x800, s17  }
0x49: {  	[tilespmem:s16], [sflag:$0x1] =	stream.indirect_vreg.gather [hbm:s5], $0x80, v0, vm0, $0x38;
	[tilespmem:$0x50A0] =	vst v63  }
0x4a: {  	s16 =	sadd.s32 $0x400, s16  }
0x4b: {  	[tilespmem:s16], [sflag:$0x1] =	stream.indirect_vreg.gather [hbm:s5], $0x80, v0, vm1, $0x38;
	[tilespmem:$0x50A0] =	vst v63  }
0x4c: {  	s13 =	sshll.u32 s13, $0x4;
	_ =	swait.ge [sflag:s6], $0x2800  }
0x4d: {  	s13 =	sadd.s32 s13, s9;
	[sflag:s6] =	ssyncset.done $0x0  }
0x4e: {  	s17 =	sadd.s32 $0x0, s13;
	s16 =	simm.s32 $0x80;
	[sflag:s6] =	ssyncadd.s32 $0xFFFFD800  }
.LBB2_5:
0x4f: {  	[hbm:s17] =	stream.linear.scatter [tilespmem:s14], [sflag:$0x3], $0x400, $0x38;
	[tilespmem:$0x50A0] =	vst v63  }
0x50: {  	s17 =	smov.u32 s16;
	s14 =	smov.u32 s15;
	p1 =	sne.s32 s16, $0x480  }
.Ltmp4:
0x51: {  	s16 =	sadd.s32 $0x80, s16;
	(pc) =	sbr.rel @p1 .LBB2_5-.Ltmp4, $2  }
0x52: {  	_ =	sdelay $0x2  }
0x53: {  	s15 =	sadd.s32 $0x400, s15;
	s17 =	sadd.s32 s17, s13  }
.Ltmp5:
0x54: {  	_ = 	snop;
	(pc) =	sbr.rel .LBB2_6-.Ltmp5, $1  }
0x55: {  	_ =	sdelay $0x3  }
.LBB2_8:
0x56: {  	_ =	sfence.sel $0x180000  }
0x57: {  	s1 =	simm.s32 $0x2;
	[bflag:$0x0] =	sbarrier.arrive $0xFFFF  }
0x58: {  	s30 =	simm.s32 $0x3;
	[sflag:s1] =	ssyncpa.u1 $0x1  }
0x59: {  	s31 =	simm.s32 $0x1;
	[sflag:s30] =	ssyncpa.u1 $0x1  }
0x5a: {  	[sflag:s31] =	ssyncpa.u1 $0x1  }
0x5b: {  	p0 =	sne.s32 s0, $0x0;
	_ =	strace $0x9000004A  }
0x5c: {  	s0 =	sadd.s32 @!p0 $0x100000, s2;
	[bflag:$0x2] =	sbarrier.arrive $0xFFFF  }
0x5d: {  	[sflag:s0] =	ssyncadd.tile.s32 @!p0 $0x1;
	_ =	shalt  }
.Lfunc_end2:
_tile_overlayer_lowered:
.L_overlay_start_2:
0x5e: {  	(tag) =	ssettag $0x2  }
0x5f: {  	s0 =	rddreg [dreg:$0x0];
	s2 =	stileid.u32  }
0x60: {  	s1 =	rddreg [dreg:$0x1];
	p0 =	sne.s32 s2, $0x0  }
0x61: {  	s3 =	rddreg [dreg:$0x2];
	[bflag:$0x3] =	sbarrier.arrive $0xFFFF;
	s2 =	simm.s32 @!p0 $0x1C01  }
0x62: {  	[timem:s3], [sflag:s2] =	dma.local @!p0 [hbm:s0], s1  }
0x63: {  	s0 =	simm.s32 @!p0 $0x1  }
0x64: {  	_ =	swait.ge @!p0 [sflag:s0], s1  }
0x65: {  	s1 =	ssub.s32 @!p0 $0x0, s1;
	[sflag:s0] =	ssyncset.done @!p0 $0x0  }
0x66: {  	[sflag:s0] =	ssyncadd.s32 @!p0 s1  }
0x67: {  	[bflag:$0x3] =	sbarrier.arrive $0xFFFF  }
0x68: {  	_ =	shalt  }

// kernel: kernel.4.cloned.1.call-start
scs
__scs_entry_jumppad:
0x0: {  	(pc) =	sbr.rel $0x88, $3  }
0x1: {  	(tag) =	ssettag $0x0;
	lr =	simm.s32 $0x1  }
0x2: {  	[smem:$0x3F9D] =	sst lr;
	_ =	strace $0xD0000000  }
0x3: {  	_ = 	snop  }
0x4: {  	_ = 	snop  }
0x5: {  	_ = 	snop  }
0x6: {  	_ = 	snop  }
0x7: {  	_ = 	snop  }
__scs_overlays_trampoline_lowered:
0x8: {  	[smem:$0x3FAC] =	sst s0  }
0x9: {  	[smem:$0x3FAD] =	sst s1  }
0xa: {  	[smem:$0x3FAE] =	sst s2  }
0xb: {  	[smem:$0x3FAF] =	sst s3  }
0xc: {  	[smem:$0x3FB0] =	sst s4  }
0xd: {  	[smem:$0x3FB1] =	sst s5  }
0xe: {  	[smem:$0x3FB2] =	sst s6  }
0xf: {  	[smem:$0x3FB3] =	sst s7  }
0x10: {  	[smem:$0x3FB4] =	sst s8  }
0x11: {  	[smem:$0x3FB5] =	sst s9;
	s0 =	simm.s32 @!p0 $0x0  }
0x12: {  	s1 =	sld [smem:$0x3F9B];
	s0 =	simm.s32 @p0 $0x1  }
0x13: {  	[smem:$0x3FB6] =	sst s0;
	s0 =	simm.s32 @!p1 $0x0  }
0x14: {  	s2 =	sld [smem:$0x3F9A];
	s0 =	simm.s32 @p1 $0x1  }
0x15: {  	[smem:$0x3FB7] =	sst s0;
	s0 =	simm.s32 @!p2 $0x0  }
0x16: {  	s3 =	sld [smem:$0x3FDB];
	s0 =	simm.s32 @p2 $0x1  }
0x17: {  	s4 =	simm.s32 $0x1BF5;
	[smem:$0x3FB9] =	sst s0  }
0x18: {  	s0 =	sld [smem:$0x3F9C];
	_ =	swait.ge [sflag:s4], $0x0  }
0x19: {  	s7 =	sld [smem:$0x3F9D]  }
0x1a: {  	s8 =	sadd.s32 $0xFFFFE003, lr  }
0x1b: {  	s9 =	sadd.s32 $0xFFFFFEF7, lr;
	s5 =	simm.s32 $0xFFFFFFFF;
	p2 =	slt.u32 s8, $0xFFFFF086  }
0x1c: {  	p1 =	slt.u32 s9, $0xF7A;
	s5 =	simm.s32 @!p2 $0x0  }
0x1d: {  	s5 =	simm.s32 @p1 $0x1;
	p0 =	seq.s32 s7, s2  }
0x1e: {  	s7 =	smul.u32 @!p0 $0xF7A, s2;
	p2 =	seq.s32 @!p0 s5, $0x0  }
0x1f: {  	s9 =	smul.u32 $0xF7A, s1;
	s8 =	simm.s32 @!p0 $0x1BF5;
	p2 =	por !p2, p0  }
0x20: {  	[sflag:s8] =	ssyncset.s32 @!p0 $0xFFFFF086;
	s6 =	sadd.s32 @!p0 s3, s7;
	s7 =	simm.s32 @!p0 $0x108  }
0x21: {  	s3 =	sadd.s32 s3, s9;
	s6 =	sadd.s32 @!p0 $0x88, s6;
	s7 =	simm.s32 @p2 $0x1082  }
0x22: {  	[simem:s7], [sflag:s8] =	dma.local @!p0 [hbm:s6], $0xF7A  }
0x23: {  	s9 =	sor.u32 $0xD0000000, s2;
	s6 =	simm.s32 $0x108;
	_ =	swait.ge @!p0 [sflag:s8], $0x0  }
0x24: {  	s3 =	sadd.s32 $0x88, s3;
	s6 =	simm.s32 @!p1 $0x1082;
	[sflag:s4] =	ssyncset.s32 $0xFFFFF086  }
0x25: {  	[simem:s6], [sflag:s4] =	dma.local [hbm:s3], $0xF7A  }
0x26: {  	[smem:$0x3F9D] =	sst s1;
	(tag) =	ssettag s2;
	_ =	strace s9  }
0x27: {  	s1 =	sld [smem:$0x3FAD]  }
0x28: {  	s2 =	sld [smem:$0x3FAE]  }
0x29: {  	s4 =	sld [smem:$0x3FB0]  }
0x2a: {  	p0 =	seq.s32 s5, $0x0;
	s5 =	sld [smem:$0x3FB1]  }
0x2b: {  	s6 =	sld [smem:$0x3FB2]  }
0x2c: {  	s7 =	sld [smem:$0x3FB3]  }
0x2d: {  	s3 =	simm.s32 $0x108;
	s8 =	sld [smem:$0x3FB4]  }
0x2e: {  	s3 =	simm.s32 @!p0 $0x1082;
	s9 =	sld [smem:$0x3FB5]  }
0x2f: {  	lr =	sadd.s32 s0, s3;
	s0 =	sld [smem:$0x3FAC]  }
0x30: {  	s3 =	sld [smem:$0x3FAF]  }
0x31: {  	[smem:$0x3FB8] =	sst s10  }
0x32: {  	s10 =	sld [smem:$0x3FB6];
	_ =	sdelay $0x3  }
0x33: {  	p0 =	seq.s32 s10, $0x1;
	s10 =	sld [smem:$0x3FB8];
	_ =	sdelay $0x3  }
0x34: {  	[smem:$0x3FB8] =	sst s10  }
0x35: {  	s10 =	sld [smem:$0x3FB7];
	_ =	sdelay $0x3  }
0x36: {  	p1 =	seq.s32 s10, $0x1;
	s10 =	sld [smem:$0x3FB8];
	_ =	sdelay $0x3  }
0x37: {  	[smem:$0x3FB8] =	sst s10  }
0x38: {  	s10 =	sld [smem:$0x3FB9]  }
0x39: {  	_ = 	snop;
	(pc) =	sbr.ind lr, $3  }
0x3a: {  	_ = 	snop  }
0x3b: {  	_ = 	snop  }
0x3c: {  	p2 =	seq.s32 s10, $0x1;
	s10 =	sld [smem:$0x3FB8]  }
0x3d: {  	_ =	shalt  }
0x3e: {  	_ =	shalt  }
0x3f: {  	_ =	shalt  }
0x40: {  	_ =	shalt  }
0x41: {  	_ =	shalt  }
0x42: {  	_ =	shalt  }
0x43: {  	_ =	shalt  }
0x44: {  	_ =	shalt  }
0x45: {  	_ =	shalt  }
0x46: {  	_ =	shalt  }
0x47: {  	_ =	shalt  }
0x48: {  	_ =	shalt  }
0x49: {  	_ =	shalt  }
0x4a: {  	_ =	shalt  }
0x4b: {  	_ =	shalt  }
0x4c: {  	_ =	shalt  }
0x4d: {  	_ =	shalt  }
0x4e: {  	_ =	shalt  }
0x4f: {  	_ =	shalt  }
0x50: {  	_ =	shalt  }
0x51: {  	_ =	shalt  }
0x52: {  	_ =	shalt  }
0x53: {  	_ =	shalt  }
0x54: {  	_ =	shalt  }
0x55: {  	_ =	shalt  }
0x56: {  	_ =	shalt  }
0x57: {  	_ =	shalt  }
0x58: {  	_ =	shalt  }
0x59: {  	_ =	shalt  }
0x5a: {  	_ =	shalt  }
0x5b: {  	_ =	shalt  }
0x5c: {  	_ =	shalt  }
0x5d: {  	_ =	shalt  }
0x5e: {  	_ =	shalt  }
0x5f: {  	_ =	shalt  }
0x60: {  	_ =	shalt  }
0x61: {  	_ =	shalt  }
0x62: {  	_ =	shalt  }
0x63: {  	_ =	shalt  }
0x64: {  	_ =	shalt  }
0x65: {  	_ =	shalt  }
0x66: {  	_ =	shalt  }
0x67: {  	_ =	shalt  }
0x68: {  	_ =	shalt  }
0x69: {  	_ =	shalt  }
0x6a: {  	_ =	shalt  }
0x6b: {  	_ =	shalt  }
0x6c: {  	_ =	shalt  }
0x6d: {  	_ =	shalt  }
0x6e: {  	_ =	shalt  }
0x6f: {  	_ =	shalt  }
0x70: {  	_ =	shalt  }
0x71: {  	_ =	shalt  }
0x72: {  	_ =	shalt  }
0x73: {  	_ =	shalt  }
0x74: {  	_ =	shalt  }
0x75: {  	_ =	shalt  }
0x76: {  	_ =	shalt  }
0x77: {  	_ =	shalt  }
0x78: {  	_ =	shalt  }
0x79: {  	_ =	shalt  }
0x7a: {  	_ =	shalt  }
0x7b: {  	_ =	shalt  }
0x7c: {  	_ =	shalt  }
0x7d: {  	_ =	shalt  }
0x7e: {  	_ =	shalt  }
0x7f: {  	_ =	shalt  }
0x80: {  	_ =	shalt  }
0x81: {  	_ =	shalt  }
0x82: {  	_ =	shalt  }
0x83: {  	_ =	shalt  }
0x84: {  	_ =	shalt  }
0x85: {  	_ =	shalt  }
0x86: {  	_ =	shalt  }
0x87: {  	_ =	shalt  }
.Lfunc_end0:
.L_simem_size_0:
called_computation.2_lowered:
.L_overlay_start_0:
0x88: {  	s2 =	sld [smem:$0x3FD9]  }
0x89: {  	s3 =	sld [smem:$0x3FFE];
	_ =	sdelay $0x1  }
0x8a: {  	s1 =	srdreg.scid  }
0x8b: {  	s0 =	sand.u32 $0x1, s1  }
0x8c: {  	s14 =	sshll.u32 s0, $0xA;
	s2 =	sadd.s32 s3, s2  }
0x8d: {  	s2 =	sadd.s32 s2, s14  }
0x8e: {  	[smem:$0x3FC4] =	sst s2  }
0x8f: {  	_ = 	snop  }
0x90: {  	s2 =	sld [smem:$0x3FD0];
	_ =	sdelay $0x2  }
0x91: {  	s15 =	simm.s32 $0xB;
	s4 =	simm.s32 $0x10  }
0x92: {  	[smem:s4], [sflag:s15] =	dma.local [hbm:s2], $0x1  }
0x93: {  	_ =	swait.eq [sflag:s15], $0x1  }
0x94: {  	[sflag:s15] =	ssyncset.done $0x0  }
0x95: {  	[sflag:s15] =	ssyncadd.s32 $0xFFFFFFFF  }
0x96: {  	s16 =	sld [smem:$0x12];
	(tm) =	ssettm $0x1  }
0x97: {  	s17 =	sld [smem:$0x3FFB];
	_ =	sdelay $0x3  }
0x98: {  	_ =	strace s17  }
0x99: {  	s3 =	sld [smem:$0x3FFC];
	_ =	sdelay $0x3  }
0x9a: {  	_ =	strace s3  }
0x9b: {  	s3 =	sld [smem:$0x3FFD];
	_ =	sdelay $0x3  }
0x9c: {  	_ =	strace s3  }
0x9d: {  	_ =	strace $0x8FFFFFFF  }
0x9e: {  	s18 =	sld [smem:$0x3FDB];
	_ =	sdelay $0x1  }
0x9f: {  	s19 =	simm.s32 $_scs_section_size  }
0xa0: {  	s5 =	simm.s32 $_size__tile_overlayer_lowered;
	s6 =	simm.s32 $_tile_overlayer_lowered  }
0xa1: {  	s22 =	simm.s32 $0x1BFF;
	s21 =	sshll.u32 s6, $0x1;
	s3 =	sadd.s32 s19, s18  }
0xa2: {  	s7 =	simm.s32 $0x0;
	s20 =	sshll.u32 s5, $0x1;
	s5 =	sadd.s32 s21, s3  }
0xa3: {  	[timem:s7], [sflag:s22] =	dma.local [hbm:s5], s20  }
0xa4: {  	_ =	swait.ge [sflag:s22], s20  }
0xa5: {  	s4 =	ssub.s32 $0x0, s20;
	[sflag:s22] =	ssyncset.done $0x0  }
0xa6: {  	[sflag:s22] =	ssyncadd.s32 s4;
	_ =	sdelay $0x1  }
0xa7: {  	s23 =	simm.s32 $0x1B8B  }
0xa8: {  	_ =	swait.ge [sflag:s23], $0x1  }
0xa9: {  	[sflag:s23] =	ssyncset.done $0x0  }
0xaa: {  	s25 =	simm.s32 $0x1B8E;
	s24 =	sld [smem:$0x3FFE];
	[sflag:s23] =	ssyncadd.s32 $0xFFFFFFFF  }
0xab: {  	s26 =	simm.s32 $execute0_lowered;
	[smem:$0x3FD2] =	sst s25  }
0xac: {  	s5 =	sshll.u32 s26, $0x1;
	_ =	strace $0x80000046;
	[dreg:$0x1] =	wrdreg $0xFFFFFFFF  }
0xad: {  	s28 =	simm.s32 $_size_execute0_lowered;
	s3 =	sadd.s32 s3, s5;
	[dreg:$0x0] =	wrdreg $0x0  }
0xae: {  	s5 =	sshll.u32 s28, $0x1;
	[dreg:$0x2] =	wrdreg s3  }
0xaf: {  	[dreg:$0x3] =	wrdreg s5  }
0xb0: {  	[dreg:$0x4] =	wrdreg $0xC0  }
0xb1: {  	_ =	task [dreg:s7], $0x5FFFF  }
0xb2: {  	[dreg:$0x1] =	wrdreg $0xFFFFFFFF  }
0xb3: {  	[dreg:$0x0] =	wrdreg $0x60  }
0xb4: {  	[dreg:$0x2] =	wrdreg s24  }
0xb5: {  	[dreg:$0x3] =	wrdreg s16  }
0xb6: {  	[dreg:$0x4] =	wrdreg $0x178000  }
0xb7: {  	[dreg:$0x5] =	wrdreg $0x17A000  }
0xb8: {  	[dreg:$0x6] =	wrdreg $0x179000  }
0xb9: {  	[dreg:$0x7] =	wrdreg $0x179800  }
0xba: {  	[dreg:$0x8] =	wrdreg $0x17A100  }
0xbb: {  	[dreg:$0x9] =	wrdreg $0x17A500  }
0xbc: {  	[dreg:$0xa] =	wrdreg $0x9  }
0xbd: {  	_ =	task.clear_ibuf [dreg:s7], $0xBFFFF;
	_ =	strace $0x90000046  }
0xbe: {  	s29 =	simm.s32 $0x9;
	_ =	strace $0x80000048  }
0xbf: {  	_ =	swait.ge [sflag:s29], $0x1  }
0xc0: {  	[sflag:s29] =	ssyncadd.s32 $0xFFFFFFFF  }
0xc1: {  	_ =	strace $0x90000048  }
0xc2: {  	_ =	sfence  }
0xc3: {  	s30 =	sld [smem:$0x0];
	_ =	sdelay $0x2  }
0xc4: {  	s31 =	sshll.u32 s1, $0xD;
	s1 =	sshrl.u32 s1, $0x2  }
0xc5: {  	s3 =	sand.u32 $0x4000, s31;
	s1 =	sadd.s32 s1, s30  }
0xc6: {  	s0 =	sor.u32 s3, s0;
	s1 =	sshll.u32 s1, $0x11  }
0xc7: {  	s0 =	sor.u32 s1, s0  }
0xc8: {  	s0 =	sadd.s32 $0x8F2B, s0  }
0xc9: {  	[sflag:s0] =	ssyncadd.remote.s32 $0x1  }
0xca: {  	_ =	sfence.sel $0xFFFF  }
0xcb: {  	[dreg:$0x0] =	wrdreg $0xFFFFFFFF;
	(pc) =	sbr.abs _section_cstart, $3  }
0xcc: {  	[dreg:$0x1] =	wrdreg $0xFFFFFFFF  }
0xcd: {  	_ =	task.clear_ibuf [dreg:s7], $0x2FFFF;
	_ =	strace $0x9FFFFFFF  }
0xce: {  	(tm) =	ssettm $0x7FFFFFFF  }
0xcf: {  	_ =	shalt  }
tec
execute0_lowered:
.L_overlay_start_1:
0x0: {  	(tag) =	ssettag $0x1  }
0x1: {  	s1 =	rddreg [dreg:$0x0]  }
0x2: {  	s2 =	rddreg [dreg:$0x1]  }
0x3: {  	s0 =	rddreg [dreg:$0x2]  }
0x4: {  	s13 =	rddreg [dreg:$0x3]  }
0x5: {  	s3 =	rddreg [dreg:$0x4]  }
0x6: {  	s4 =	rddreg [dreg:$0x5]  }
0x7: {  	s5 =	srdreg.scid;
	s6 =	stileid.u32;
	s8 =	simm.s32 $0x0  }
0x8: {  	s19 =	simm.s32 $0x80;
	s21 =	simm.s32 $0x1;
	s22 =	simm.s32 $0x14000  }
0x9: {  	s23 =	simm.s32 $0x16180;
	s24 =	simm.s32 $0x16580;
	s7 =	smul.u32 $0x28000, s6  }
0xa: {  	s5 =	sand.u32 $0x1, s5;
	[smem:$0x7FF] =	sst s8;
	s8 =	smul.u32 $0x14000, s6  }
0xb: {  	s9 =	sshll.u32 s6, $0x6;
	s28 =	sshll.u32 s6, $0x8;
	p0 =	sne.s32 s6, $0x0  }
0xc: {  	s25 =	sshll.u32 s5, $0x7;
	_ =	strace $0x80000047;
	s10 =	sshll.u32 s5, $0x4  }
0xd: {  	s5 =	ssub.s32 $0x2, s5;
	s12 =	sshrl.u32 s9, $0x2;
	s11 =	sadd.s32 s28, s0  }
0xe: {  	s14 =	sor.u32 $0x20, s9;
	s15 =	sor.u32 $0x30, s9;
	s7 =	sor.u32 s25, s7  }
0xf: {  	s26 =	sshrl.u32 s5, $0x1;
	s29 =	sadd.s32 s12, s13;
	s30 =	sadd.s32 s2, s10  }
0x10: {  	s7 =	sshrl.u32 s7, $0x3;
	s5 =	ssub.s32 s5, s26;
	[dreg:$0xa] =	wrdreg s29  }
0x11: {  	[dreg:$0xc] =	wrdreg s30;
	s7 =	sadd.s32 s7, s1;
	s31 =	smax.u32 s5, $0x1  }
0x12: {  	v0 =	vlaneseq.u32;
	s1 =	sadd.s32 s10, s1;
	s7 =	sadd.s32 $0x1800, s7;
	[dreg:$0xd] =	wrdreg s31  }
0x13: {  	v1 =	vimm.s32 $0x0;
	v3 =	vimm.s32 $0x1;
	v5 =	vmov s6;
	s13 =	sor.u32 $0x10, s9;
	s1 =	sadd.s32 $0x51800, s1;
	[dreg:$0x9] =	wrdreg s7  }
0x14: {  	v4 =	vimm.f32 $0.0e+00;
	v2 =	vmul.u32 $0x101, v0;
	vm0 =	veq.s32 v5, v0;
	s2 =	simm.s32 $0x17580;
	s5 =	simm.s32 $0x0;
	[dreg:$0xb] =	wrdreg s1  }
.LBB2_1:
0x15: {  	s1 =	simm.s32 $0x0;
	s6 =	rddreg [dreg:$0x9];
	s7 =	simm.s32 $0x100  }
0x16: {  	[tilespmem:s1], [sflag:$0x1] =	stream.strided.gather [hbm4b:s6+s19], $0x14000, s7, s19, $0x38;
	[tilespmem:$0x17A90] =	vst v63  }
0x17: {  	_ =	swait.ge [sflag:s21], $0x14000  }
0x18: {  	[sflag:s21] =	ssyncset.done $0x0  }
0x19: {  	s6 =	simm.s32 $0x0;
	s1 =	simm.s32 $0x200;
	[sflag:s21] =	ssyncadd.s32 $0xFFFEC000  }
.LBB2_2:
0x1a: {  	p1 =	sne.s32 s1, $0x4000;
	[tilespmem:s6+$0x14070] =	vst v1  }
0x1b: {  	[tilespmem:s6+$0x14000] =	vst v1  }
0x1c: {  	[tilespmem:s6+$0x14010] =	vst v1  }
.Ltmp0:
0x1d: {  	[tilespmem:s6+$0x14020] =	vst v1;
	(pc) =	sbr.rel @p1 .LBB2_2-.Ltmp0, $4  }
0x1e: {  	[tilespmem:s6+$0x14030] =	vst v1  }
0x1f: {  	[tilespmem:s6+$0x14040] =	vst v1  }
0x20: {  	[tilespmem:s6+$0x14050] =	vst v1  }
0x21: {  	[tilespmem:s6+$0x14060] =	vst v1;
	s6 =	sshra.s32 s1, $0x2;
	s1 =	sadd.s32 $0x200, s1  }
0x22: {  	[tilespmem:s6+$0x14070] =	vst v1  }
0x23: {  	[tilespmem:s6+$0x14000] =	vst v1  }
0x24: {  	[tilespmem:s6+$0x14010] =	vst v1  }
0x25: {  	[tilespmem:s6+$0x14020] =	vst v1  }
0x26: {  	[tilespmem:s6+$0x14030] =	vst v1  }
0x27: {  	[tilespmem:s6+$0x14040] =	vst v1  }
0x28: {  	[tilespmem:s6+$0x14050] =	vst v1  }
0x29: {  	s1 =	simm.s32 $0x0;
	[tilespmem:s6+$0x14060] =	vst v1  }
.LBB2_4:
0x2a: {  	s6 =	sshra.s32 s1, $0x2  }
0x2b: {  	v5 =	vld [tilespmem:s6+$0x0];
	_ =	sdelay $0x4  }
0x2c: {  	vm1 =	vlt.s32 v5, $0x0;
	v6 =	vxor.u32 $0x7FFFFFFF, v5  }
0x2d: {  	v5 =	vsel vm1, v6, v5  }
0x2e: {  	v6 =	vshrl.u32 v5, $0x18  }
0x2f: {  	v6 =	vxor.u32 $0x80, v6  }
0x30: {  	v6 =	vadd.s32 v2, v6;
	_ =	sdelay $0x3  }
0x31: {  	[tilespmem:s6+$0x0] =	vst v5  }
0x32: {  	[tilespmem:v6+s22+$0x0] =	vst.idx.add.s32.msk $0xffff, v3  }
0x33: {  	v5 =	vld [tilespmem:s6+$0x10];
	_ =	sdelay $0x4  }
0x34: {  	vm1 =	vlt.s32 v5, $0x0;
	v6 =	vxor.u32 $0x7FFFFFFF, v5  }
0x35: {  	v5 =	vsel vm1, v6, v5  }
0x36: {  	v6 =	vshrl.u32 v5, $0x18  }
0x37: {  	v6 =	vxor.u32 $0x80, v6  }
0x38: {  	v6 =	vadd.s32 v2, v6;
	_ =	sdelay $0x3  }
0x39: {  	[tilespmem:s6+$0x10] =	vst v5  }
0x3a: {  	[tilespmem:v6+s22+$0x0] =	vst.idx.add.s32.msk $0xffff, v3  }
0x3b: {  	v5 =	vld [tilespmem:s6+$0x20];
	_ =	sdelay $0x4  }
0x3c: {  	vm1 =	vlt.s32 v5, $0x0;
	v6 =	vxor.u32 $0x7FFFFFFF, v5  }
0x3d: {  	v5 =	vsel vm1, v6, v5  }
0x3e: {  	v6 =	vshrl.u32 v5, $0x18  }
0x3f: {  	v6 =	vxor.u32 $0x80, v6  }
0x40: {  	v6 =	vadd.s32 v2, v6;
	_ =	sdelay $0x3  }
0x41: {  	[tilespmem:s6+$0x20] =	vst v5  }
0x42: {  	[tilespmem:v6+s22+$0x0] =	vst.idx.add.s32.msk $0xffff, v3  }
0x43: {  	v5 =	vld [tilespmem:s6+$0x30];
	_ =	sdelay $0x4  }
0x44: {  	vm1 =	vlt.s32 v5, $0x0;
	v6 =	vxor.u32 $0x7FFFFFFF, v5  }
0x45: {  	v5 =	vsel vm1, v6, v5  }
0x46: {  	v6 =	vshrl.u32 v5, $0x18  }
0x47: {  	v6 =	vxor.u32 $0x80, v6  }
0x48: {  	v6 =	vadd.s32 v2, v6;
	_ =	sdelay $0x3  }
0x49: {  	[tilespmem:s6+$0x30] =	vst v5  }
0x4a: {  	[tilespmem:v6+s22+$0x0] =	vst.idx.add.s32.msk $0xffff, v3  }
0x4b: {  	v5 =	vld [tilespmem:s6+$0x40];
	_ =	sdelay $0x4  }
0x4c: {  	vm1 =	vlt.s32 v5, $0x0;
	v6 =	vxor.u32 $0x7FFFFFFF, v5  }
0x4d: {  	v5 =	vsel vm1, v6, v5  }
0x4e: {  	v6 =	vshrl.u32 v5, $0x18  }
0x4f: {  	v6 =	vxor.u32 $0x80, v6  }
0x50: {  	v6 =	vadd.s32 v2, v6;
	_ =	sdelay $0x3  }
0x51: {  	[tilespmem:s6+$0x40] =	vst v5  }
0x52: {  	[tilespmem:v6+s22+$0x0] =	vst.idx.add.s32.msk $0xffff, v3  }
0x53: {  	v5 =	vld [tilespmem:s6+$0x50];
	_ =	sdelay $0x4  }
0x54: {  	vm1 =	vlt.s32 v5, $0x0;
	v6 =	vxor.u32 $0x7FFFFFFF, v5  }
0x55: {  	v5 =	vsel vm1, v6, v5  }
0x56: {  	v6 =	vshrl.u32 v5, $0x18  }
0x57: {  	v6 =	vxor.u32 $0x80, v6  }
0x58: {  	v6 =	vadd.s32 v2, v6;
	_ =	sdelay $0x3  }
0x59: {  	[tilespmem:s6+$0x50] =	vst v5  }
0x5a: {  	[tilespmem:v6+s22+$0x0] =	vst.idx.add.s32.msk $0xffff, v3  }
0x5b: {  	v5 =	vld [tilespmem:s6+$0x60];
	_ =	sdelay $0x4  }
0x5c: {  	vm1 =	vlt.s32 v5, $0x0;
	v6 =	vxor.u32 $0x7FFFFFFF, v5  }
0x5d: {  	v5 =	vsel vm1, v6, v5  }
0x5e: {  	v6 =	vshrl.u32 v5, $0x18  }
0x5f: {  	v6 =	vxor.u32 $0x80, v6  }
0x60: {  	v6 =	vadd.s32 v2, v6;
	_ =	sdelay $0x3  }
0x61: {  	[tilespmem:s6+$0x60] =	vst v5  }
0x62: {  	[tilespmem:v6+s22+$0x0] =	vst.idx.add.s32.msk $0xffff, v3  }
0x63: {  	v5 =	vld [tilespmem:s6+$0x70];
	_ =	sdelay $0x4  }
0x64: {  	vm1 =	vlt.s32 v5, $0x0;
	v6 =	vxor.u32 $0x7FFFFFFF, v5  }
0x65: {  	v5 =	vsel vm1, v6, v5  }
0x66: {  	v6 =	vshrl.u32 v5, $0x18  }
0x67: {  	v6 =	vxor.u32 $0x80, v6  }
0x68: {  	p1 =	sne.s32 s1, $0x4FE00;
	v6 =	vadd.s32 v2, v6  }
.Ltmp1:
0x69: {  	_ = 	snop;
	(pc) =	sbr.rel @p1 .LBB2_4-.Ltmp1, $3  }
0x6a: {  	_ =	sdelay $0x1  }
0x6b: {  	[tilespmem:s6+$0x70] =	vst v5  }
0x6c: {  	s1 =	sadd.s32 $0x200, s1;
	[tilespmem:v6+s22+$0x0] =	vst.idx.add.s32.msk $0xffff, v3  }
0x6d: {  	s1 =	simm.s32 $0x0  }
0x6e: {  	v5 =	vld [tilespmem:s1+$0x14000]  }
0x6f: {  	v6 =	vld [tilespmem:s1+$0x14101]  }
0x70: {  	v7 =	vld [tilespmem:s1+$0x14202]  }
0x71: {  	v8 =	vld [tilespmem:s1+$0x14303]  }
0x72: {  	v9 =	vld [tilespmem:s1+$0x14404]  }
0x73: {  	v10 =	vld [tilespmem:s1+$0x14505]  }
0x74: {  	v5 =	vadd.s32 v5, v6;
	v6 =	vld [tilespmem:s1+$0x14606]  }
0x75: {  	v5 =	vadd.s32 v7, v5;
	v7 =	vld [tilespmem:s1+$0x14707]  }
0x76: {  	v5 =	vadd.s32 v8, v5;
	v8 =	vld [tilespmem:s1+$0x14808]  }
0x77: {  	v5 =	vadd.s32 v9, v5;
	v9 =	vld [tilespmem:s1+$0x14909]  }
0x78: {  	v5 =	vadd.s32 v10, v5;
	v10 =	vld [tilespmem:s1+$0x14A0A]  }
0x79: {  	v11 =	vld [tilespmem:s1+$0x14B0B];
	v5 =	vadd.s32 v6, v5  }
0x7a: {  	v6 =	vld [tilespmem:s1+$0x14C0C];
	v5 =	vadd.s32 v7, v5  }
0x7b: {  	v7 =	vld [tilespmem:s1+$0x14D0D];
	v5 =	vadd.s32 v8, v5  }
0x7c: {  	v8 =	vld [tilespmem:s1+$0x14E0E];
	v5 =	vadd.s32 v9, v5  }
0x7d: {  	s6 =	simm.s32 $0x10;
	v9 =	vld [tilespmem:s1+$0x14F0F];
	v10 =	vadd.s32 v10, v5  }
0x7e: {  	s10 =	simm.s32 $0x80;
	v5 =	vld [tilespmem:s6+$0x14000];
	v10 =	vadd.s32 v11, v10  }
.LBB2_6:
0x7f: {  	p1 =	sne.s32 s10, $0x3C0;
	v11 =	vld [tilespmem:s6+$0x14101];
	v6 =	vadd.s32 v6, v10  }
0x80: {  	v10 =	vld [tilespmem:s6+$0x14202];
	v6 =	vadd.s32 v7, v6  }
0x81: {  	v7 =	vld [tilespmem:s6+$0x14303];
	v6 =	vadd.s32 v8, v6  }
0x82: {  	v8 =	vld [tilespmem:s6+$0x14404];
	v6 =	vadd.s32 v9, v6  }
0x83: {  	v9 =	vld [tilespmem:s6+$0x14505];
	[tilespmem:s1+$0x15080] =	vst v6;
	s1 =	smov.u32 s6  }
0x84: {  	v5 =	vadd.s32 v5, v11;
	v6 =	vld [tilespmem:s1+$0x14606]  }
0x85: {  	v5 =	vadd.s32 v10, v5;
	v10 =	vld [tilespmem:s1+$0x14707]  }
0x86: {  	v5 =	vadd.s32 v7, v5;
	v7 =	vld [tilespmem:s1+$0x14808]  }
0x87: {  	v5 =	vadd.s32 v8, v5;
	v8 =	vld [tilespmem:s1+$0x14909]  }
0x88: {  	v5 =	vadd.s32 v9, v5;
	v9 =	vld [tilespmem:s1+$0x14A0A]  }
0x89: {  	v5 =	vadd.s32 v6, v5;
	v11 =	vld [tilespmem:s1+$0x14B0B]  }
.Ltmp2:
0x8a: {  	v5 =	vadd.s32 v10, v5;
	v6 =	vld [tilespmem:s1+$0x14C0C];
	(pc) =	sbr.rel @p1 .LBB2_6-.Ltmp2, $4  }
0x8b: {  	v5 =	vadd.s32 v7, v5;
	v7 =	vld [tilespmem:s1+$0x14D0D]  }
0x8c: {  	v5 =	vadd.s32 v8, v5;
	v8 =	vld [tilespmem:s1+$0x14E0E]  }
0x8d: {  	s6 =	sshra.s32 s10, $0x2;
	v10 =	vadd.s32 v9, v5;
	v9 =	vld [tilespmem:s1+$0x14F0F]  }
0x8e: {  	s10 =	sadd.s32 $0x40, s10;
	v5 =	vld [tilespmem:s6+$0x14000];
	v10 =	vadd.s32 v11, v10  }
0x8f: {  	v11 =	vld [tilespmem:s6+$0x14101];
	v6 =	vadd.s32 v6, v10  }
0x90: {  	v46 =	vld [tilespmem:s6+$0x14202];
	v6 =	vadd.s32 v7, v6  }
0x91: {  	v7 =	vld [tilespmem:s6+$0x14303];
	v6 =	vadd.s32 v8, v6  }
0x92: {  	v47 =	vld [tilespmem:s6+$0x14404];
	v6 =	vadd.s32 v9, v6  }
0x93: {  	v48 =	vld [tilespmem:s6+$0x14505];
	[tilespmem:s1+$0x15080] =	vst v6  }
0x94: {  	v5 =	vadd.s32 v5, v11;
	v6 =	vld [tilespmem:s6+$0x14606]  }
0x95: {  	v49 =	vld [tilespmem:s6+$0x14707];
	v5 =	vadd.s32 v46, v5  }
0x96: {  	v5 =	vadd.s32 v7, v5;
	v7 =	vld [tilespmem:s6+$0x14808]  }
0x97: {  	v50 =	vld [tilespmem:s6+$0x14909];
	v5 =	vadd.s32 v47, v5  }
0x98: {  	v51 =	vld [tilespmem:s6+$0x14A0A];
	v5 =	vadd.s32 v48, v5  }
0x99: {  	v5 =	vadd.s32 v6, v5;
	v6 =	vld [tilespmem:s6+$0x14B0B]  }
0x9a: {  	v52 =	vld [tilespmem:s6+$0x14C0C];
	v5 =	vadd.s32 v49, v5  }
0x9b: {  	v5 =	vadd.s32 v7, v5;
	v7 =	vld [tilespmem:s6+$0x14D0D]  }
0x9c: {  	v53 =	vld [tilespmem:s6+$0x14E0E];
	v5 =	vadd.s32 v50, v5  }
0x9d: {  	v54 =	vld [tilespmem:s6+$0x14F0F];
	v5 =	vadd.s32 v51, v5  }
0x9e: {  	v5 =	vadd.s32 v6, v5  }
0x9f: {  	v5 =	vadd.s32 v52, v5  }
0xa0: {  	v5 =	vadd.s32 v7, v5  }
0xa1: {  	v5 =	vadd.s32 v53, v5  }
0xa2: {  	v5 =	vadd.s32 v54, v5  }
0xa3: {  	[tilespmem:s6+$0x15080] =	vst v5;
	s6 =	simm.s32 $0x15080  }
0xa4: {  	[spmem:s11] =	stream.linear.scatter [tilespmem:s6], [sflag:$0x1], $0x100, $0x38;
	[tilespmem:$0x17A90] =	vst v63  }
0xa5: {  	_ =	swait.ge [sflag:s21], $0x100  }
0xa6: {  	[sflag:s21] =	ssyncset.done $0x0  }
0xa7: {  	[sflag:s21] =	ssyncadd.s32 $0xFFFFFF00  }
0xa8: {  	s10 =	simm.s32 $0x15180;
	[bflag:$0x0] =	sbarrier.arrive $0xFFFF  }
0xa9: {  	[tilespmem:s10], [sflag:$0x1] =	stream.linear.gather [spmem:s0], $0x1000, $0x38;
	[tilespmem:$0x17A90] =	vst v63  }
0xaa: {  	_ =	swait.ge [sflag:s21], $0x1000  }
0xab: {  	[sflag:s21] =	ssyncset.done $0x0  }
0xac: {  	s1 =	simm.s32 $0x0;
	[sflag:s21] =	ssyncadd.s32 $0xFFFFF000  }
0xad: {  	s12 =	sand.u32 $0xF0, s1;
	[bflag:$0x0] =	sbarrier.arrive $0xFFFF  }
0xae: {  	v5 =	vld [tilespmem:s12+$0x15280]  }
0xaf: {  	v6 =	vld [tilespmem:s10+$0x0]  }
0xb0: {  	v7 =	vld [tilespmem:s12+$0x15380]  }
0xb1: {  	v55 =	vld [tilespmem:s12+$0x15480]  }
0xb2: {  	v56 =	vld [tilespmem:s12+$0x15580]  }
0xb3: {  	v57 =	vld [tilespmem:s12+$0x15680]  }
0xb4: {  	v5 =	vadd.s32 v6, v5;
	v6 =	vld [tilespmem:s12+$0x15780]  }
0xb5: {  	v5 =	vadd.s32 v7, v5;
	v7 =	vld [tilespmem:s12+$0x15880]  }
0xb6: {  	v58 =	vld [tilespmem:s12+$0x15980];
	v5 =	vadd.s32 v55, v5  }
0xb7: {  	v59 =	vld [tilespmem:s12+$0x15A80];
	v5 =	vadd.s32 v56, v5  }
0xb8: {  	v60 =	vld [tilespmem:s12+$0x15B80];
	v5 =	vadd.s32 v57, v5  }
0xb9: {  	v5 =	vadd.s32 v6, v5;
	v6 =	vld [tilespmem:s12+$0x15C80]  }
0xba: {  	v5 =	vadd.s32 v7, v5;
	v7 =	vld [tilespmem:s12+$0x15D80]  }
0xbb: {  	v61 =	vld [tilespmem:s12+$0x15E80];
	v5 =	vadd.s32 v58, v5  }
0xbc: {  	v62 =	vld [tilespmem:s12+$0x15F80];
	v5 =	vadd.s32 v59, v5  }
0xbd: {  	v63 =	vld [tilespmem:s12+$0x16080];
	v5 =	vadd.s32 v60, v5  }
0xbe: {  	v5 =	vadd.s32 v6, v5  }
0xbf: {  	v5 =	vadd.s32 v7, v5  }
0xc0: {  	v5 =	vadd.s32 v61, v5  }
0xc1: {  	v5 =	vadd.s32 v62, v5  }
0xc2: {  	s31 =	simm.s32 $0x10;
	v5 =	vadd.s32 v63, v5  }
0xc3: {  	s10 =	sand.u32 $0xF0, s31;
	[tilespmem:s6+$0x0] =	vst v5  }
0xc4: {  	s25 =	simm.s32 $0x20;
	s20 =	simm.s32 $0x15190;
	v5 =	vld [tilespmem:s10+$0x15280]  }
.LBB2_8:
0xc5: {  	p1 =	sne.s32 s25, $0xF0;
	v6 =	vld [tilespmem:s20+$0x0]  }
0xc6: {  	v7 =	vld [tilespmem:s10+$0x15380]  }
0xc7: {  	v8 =	vld [tilespmem:s10+$0x15480]  }
0xc8: {  	v9 =	vld [tilespmem:s10+$0x15580]  }
0xc9: {  	v10 =	vld [tilespmem:s10+$0x15680]  }
0xca: {  	v5 =	vadd.s32 v6, v5;
	v6 =	vld [tilespmem:s10+$0x15780]  }
0xcb: {  	v5 =	vadd.s32 v7, v5;
	v7 =	vld [tilespmem:s10+$0x15880]  }
0xcc: {  	v5 =	vadd.s32 v8, v5;
	v8 =	vld [tilespmem:s10+$0x15980]  }
0xcd: {  	v5 =	vadd.s32 v9, v5;
	v9 =	vld [tilespmem:s10+$0x15A80]  }
0xce: {  	v5 =	vadd.s32 v10, v5;
	v10 =	vld [tilespmem:s10+$0x15B80]  }
0xcf: {  	v5 =	vadd.s32 v6, v5;
	v6 =	vld [tilespmem:s10+$0x15C80]  }
0xd0: {  	v5 =	vadd.s32 v7, v5;
	v7 =	vld [tilespmem:s10+$0x15D80]  }
0xd1: {  	v5 =	vadd.s32 v8, v5;
	v8 =	vld [tilespmem:s10+$0x15E80]  }
0xd2: {  	v5 =	vadd.s32 v9, v5;
	v9 =	vld [tilespmem:s10+$0x15F80]  }
0xd3: {  	v5 =	vadd.s32 v10, v5;
	v10 =	vld [tilespmem:s10+$0x16080]  }
0xd4: {  	v5 =	vadd.s32 v6, v5  }
0xd5: {  	v5 =	vadd.s32 v7, v5  }
.Ltmp3:
0xd6: {  	v5 =	vadd.s32 v8, v5;
	(pc) =	sbr.rel @p1 .LBB2_8-.Ltmp3, $4  }
0xd7: {  	v5 =	vadd.s32 v9, v5  }
0xd8: {  	s6 =	sadd.s32 $0x10, s6;
	v5 =	vadd.s32 v10, v5  }
0xd9: {  	s10 =	sand.u32 $0xF0, s25;
	[tilespmem:s6+$0x0] =	vst v5  }
0xda: {  	s20 =	sadd.s32 $0x10, s20;
	s25 =	sadd.s32 $0x10, s25;
	v5 =	vld [tilespmem:s10+$0x15280]  }
0xdb: {  	v6 =	vld [tilespmem:s20+$0x0]  }
0xdc: {  	v7 =	vld [tilespmem:s10+$0x15380]  }
0xdd: {  	v8 =	vld [tilespmem:s10+$0x15480]  }
0xde: {  	v9 =	vld [tilespmem:s10+$0x15580]  }
0xdf: {  	v10 =	vld [tilespmem:s10+$0x15680]  }
0xe0: {  	v5 =	vadd.s32 v6, v5;
	v6 =	vld [tilespmem:s10+$0x15780]  }
0xe1: {  	v5 =	vadd.s32 v7, v5;
	v7 =	vld [tilespmem:s10+$0x15880]  }
0xe2: {  	v58 =	vld [tilespmem:s10+$0x15980];
	v5 =	vadd.s32 v8, v5  }
0xe3: {  	v59 =	vld [tilespmem:s10+$0x15A80];
	v5 =	vadd.s32 v9, v5  }
0xe4: {  	v60 =	vld [tilespmem:s10+$0x15B80];
	v5 =	vadd.s32 v10, v5  }
0xe5: {  	v5 =	vadd.s32 v6, v5;
	v6 =	vld [tilespmem:s10+$0x15C80]  }
0xe6: {  	v5 =	vadd.s32 v7, v5;
	v7 =	vld [tilespmem:s10+$0x15D80]  }
0xe7: {  	v61 =	vld [tilespmem:s10+$0x15E80];
	v5 =	vadd.s32 v58, v5  }
0xe8: {  	v62 =	vld [tilespmem:s10+$0x15F80];
	v5 =	vadd.s32 v59, v5  }
0xe9: {  	v63 =	vld [tilespmem:s10+$0x16080];
	v5 =	vadd.s32 v60, v5  }
0xea: {  	v5 =	vadd.s32 v6, v5  }
0xeb: {  	v5 =	vadd.s32 v7, v5  }
0xec: {  	v5 =	vadd.s32 v61, v5  }
0xed: {  	v5 =	vadd.s32 v62, v5  }
0xee: {  	s31 =	sadd.s32 $0x10, s6;
	s6 =	simm.s32 $0x3E8;
	v5 =	vadd.s32 v63, v5  }
0xef: {  	p1 =	por $0x0, $0x0;
	s12 =	simm.s32 $0x15170;
	s10 =	simm.s32 $0x800000EF;
	[tilespmem:s31+$0x0] =	vst v5  }
.LBB2_10:
0xf0: {  	v5 =	vld [tilespmem:s12+$0x0];
	_ =	sdelay $0x4  }
0xf1: {  	(xrf0) =	vadd.scan.msk.s32 $0xffff, v5;
	_ =	sdelay $0x5  }
0xf2: {  	v6, _, _ =	vpop (xrf0)  }
0xf3: {  	v7 =	vbroadcast v6, $0xF;
	_ =	sdelay $0x1  }
0xf4: {  	v7 =	vsub.s32 v7, v6  }
0xf5: {  	v7 =	vadd.s32 v5, v7  }
0xf6: {  	vm1 =	vge.s32 v7, s6  }
0xf7: {  	v8 =	vmpcnt.ones.xlane vm1;
	_ =	sdelay $0x1  }
0xf8: {  	v8 =	vxor.u32 $0x80000000, v8  }
0xf9: {  	(xrf0) =	vmax.scan.msk.u32 $0xffff, v8;
	_ =	sdelay $0x5  }
0xfa: {  	(v2sf) =	vpush v6, $0xF;
	v6, _, _ =	vpop (xrf0)  }
0xfb: {  	(v2sf) =	vpush v6, $0xF;
	_ =	sdelay $0xd  }
0xfc: {  	s16 =	spop (v2sf)  }
0xfd: {  	s17 =	spop (v2sf)  }
0xfe: {  	s20 =	sadd.s32 $0x7FFFFFFF, s17  }
0xff: {  	v6 =	vmov s20  }
0x100: {  	v5 =	vxor.u32 $0x80000000, v5;
	vm1 =	veq.s32 v6, v0  }
0x101: {  	v6 =	vxor.u32 $0x80000000, v7;
	v5 =	vnsel vm1, $0x0, v5  }
0x102: {  	(xrf0) =	vmax.scan.msk.u32 $0xffff, v5;
	v5 =	vnsel vm1, $0x0, v6  }
0x103: {  	(xrf0) =	vmax.scan.msk.u32 $0xffff, v5;
	_ =	sdelay $0x4  }
0x104: {  	v5, _, _ =	vpop (xrf0)  }
0x105: {  	(v2sf) =	vpush v5, $0xF;
	v5, _, _ =	vpop (xrf0)  }
0x106: {  	(v2sf) =	vpush v5, $0xF;
	_ =	sdelay $0xd  }
0x107: {  	p2 =	por !p1, !p1;
	p3 =	sle.s32 s6, s16;
	s31 =	spop (v2sf)  }
0x108: {  	s16 =	simm.s32 @p1 $0x0;
	p2 =	por !p3, !p2;
	s25 =	spop (v2sf)  }
0x109: {  	s16 =	ssub.s32 $0x0, s16;
	s20 =	sxor.u32 $0x80000000, s31;
	s25 =	sxor.u32 $0x80000000, s25  }
0x10a: {  	p2 =	por !p2, !p2;
	s17 =	sadd.s32 s10, s17;
	s20 =	ssub.s32 s20, s25  }
0x10b: {  	s1 =	smov.u32 @p2 s17;
	s16 =	smov.u32 @p2 s20;
	p2 =	sne.s32 s10, $0x7FFFFFFF  }
.Ltmp4:
0x10c: {  	_ = 	snop;
	(pc) =	sbr.rel @p2 .LBB2_10-.Ltmp4, $3  }
0x10d: {  	_ =	sdelay $0x1  }
0x10e: {  	s12 =	sadd.s32 $0xFFFFFFF0, s12  }
0x10f: {  	p1 =	por p1, p3;
	s10 =	sadd.s32 $0xFFFFFFF0, s10;
	s6 =	sadd.s32 s6, s16  }
.Ltmp5:
0x110: {  	(pc) =	sbr.rel .LBB2_12-.Ltmp5, $3  }
0x111: {  	_ =	sdelay $0x1  }
0x112: {  	s26 =	sshll.u32 s1, $0x18;
	s28 =	simm.s32 $0x1  }
0x113: {  	s25 =	simm.s32 $0xFF000000;
	s31 =	simm.s32 $0x10;
	s1 =	simm.s32 $0x0  }
.LBB2_26:
0x114: {  	s28 =	sadd.s32 $0x1, s28  }
0x115: {  	p1 =	sne.s32 s28, $0x4  }
.Ltmp6:
0x116: {  	_ = 	snop;
	(pc) =	sbr.rel @!p1 .LBB2_27-.Ltmp6, $3  }
0x117: {  	_ =	sdelay $0x1  }
0x118: {  	s7 =	sshll.u32 s30, s31;
	s10 =	sshrl.u32 s25, $0x8  }
0x119: {  	s31 =	sadd.s32 $0xFFFFFFF8, s31;
	s26 =	sor.u32 s26, s7;
	s25 =	sor.u32 $0xFF000000, s10  }
.LBB2_12:
0x11a: {  	s10 =	simm.s32 $0x0;
	s12 =	simm.s32 $0x200  }
.LBB2_13:
0x11b: {  	p1 =	sne.s32 s12, $0x4000;
	[tilespmem:s10+$0x14070] =	vst v1  }
0x11c: {  	[tilespmem:s10+$0x14000] =	vst v1  }
0x11d: {  	[tilespmem:s10+$0x14010] =	vst v1  }
.Ltmp7:
0x11e: {  	[tilespmem:s10+$0x14020] =	vst v1;
	(pc) =	sbr.rel @p1 .LBB2_13-.Ltmp7, $4  }
0x11f: {  	[tilespmem:s10+$0x14030] =	vst v1  }
0x120: {  	[tilespmem:s10+$0x14040] =	vst v1  }
0x121: {  	[tilespmem:s10+$0x14050] =	vst v1  }
0x122: {  	[tilespmem:s10+$0x14060] =	vst v1;
	s10 =	sshra.s32 s12, $0x2;
	s12 =	sadd.s32 $0x200, s12  }
0x123: {  	[tilespmem:s10+$0x14070] =	vst v1  }
0x124: {  	[tilespmem:s10+$0x14000] =	vst v1  }
0x125: {  	[tilespmem:s10+$0x14010] =	vst v1  }
0x126: {  	[tilespmem:s10+$0x14020] =	vst v1  }
0x127: {  	[tilespmem:s10+$0x14030] =	vst v1  }
0x128: {  	[tilespmem:s10+$0x14040] =	vst v1  }
0x129: {  	[tilespmem:s10+$0x14050] =	vst v1  }
0x12a: {  	[tilespmem:s10+$0x14060] =	vst v1;
	s20 =	simm.s32 $0x0  }
0x12b: {  	v7 =	vld [tilespmem:s20+$0x20]  }
0x12c: {  	v8 =	vld [tilespmem:s20+$0x0]  }
0x12d: {  	v9 =	vld [tilespmem:s20+$0x10]  }
0x12e: {  	v10 =	vld [tilespmem:s20+$0x30]  }
0x12f: {  	v11 =	vld [tilespmem:s20+$0x40]  }
0x130: {  	v15 =	vld [tilespmem:s20+$0x60]  }
0x131: {  	v17 =	vld [tilespmem:s20+$0x70];
	_ =	sdelay $0x2  }
0x132: {  	v5 =	vmov s26;
	v6 =	vmov s25;
	v8 =	vxor.u32 $0x80000000, v8  }
0x133: {  	v12 =	vxor.u32 $0x80000000, v7;
	v7 =	vld [tilespmem:s20+$0x50];
	v9 =	vxor.u32 $0x80000000, v9;
	v10 =	vxor.u32 $0x80000000, v10  }
0x134: {  	v11 =	vxor.u32 $0x80000000, v11;
	v15 =	vxor.u32 $0x80000000, v15;
	v17 =	vxor.u32 $0x80000000, v17  }
0x135: {  	v13 =	vand.u32 v6, v8;
	v14 =	vand.u32 v6, v12;
	v16 =	vand.u32 v6, v9  }
0x136: {  	v18 =	vand.u32 v6, v10;
	vm1 =	veq.s32 v13, v5;
	vm2 =	veq.s32 v16, v5  }
0x137: {  	v19 =	vand.u32 v6, v11;
	vm3 =	veq.s32 v14, v5;
	vm1 =	vmor vm1, vm2  }
0x138: {  	vm2 =	veq.s32 v18, v5;
	vm1 =	vmor vm1, vm3;
	v20 =	vxor.u32 $0x80000000, v7  }
0x139: {  	vm1 =	vmor vm1, vm2;
	vm2 =	veq.s32 v19, v5;
	v21 =	vand.u32 v6, v20  }
0x13a: {  	v22 =	vand.u32 v6, v15;
	vm1 =	vmor vm1, vm2;
	vm2 =	veq.s32 v21, v5  }
0x13b: {  	v23 =	vand.u32 v6, v17;
	vm1 =	vmor vm1, vm2;
	vm2 =	veq.s32 v22, v5  }
0x13c: {  	vm1 =	vmor vm1, vm2;
	vm2 =	veq.s32 v23, v5  }
0x13d: {  	vm1 =	vmor vm1, vm2  }
0x13e: {  	v7 =	vsel vm1, $0x3F800000, v4  }
0x13f: {  	(xrf0) =	vmax.scan.msk.f32 $0xffff, v7;
	_ =	sdelay $0x5  }
0x140: {  	v7, _, _ =	vpop (xrf0)  }
0x141: {  	(v2sf) =	vpush v7, $0xF;
	_ =	sdelay $0xe  }
0x142: {  	s29 =	spop (v2sf)  }
0x143: {  	p2 =	sgt.f32 s29, $0.0e+00  }
0x144: {  	v7 =	vmov s31  }
0x145: {  	v8 =	vshrl.u32 @p2 v8, v7;
	v24 =	vlaneseq.u32 @p2  }
0x146: {  	v17 =	vshrl.u32 @p2 v17, v7;
	vm1 =	veq.s32 @p2 v16, v5;
	vm5 =	veq.s32 @p2 v13, v5  }
0x147: {  	v13 =	vshrl.u32 @p2 v15, v7;
	vm2 =	veq.s32 @p2 v14, v5;
	v15 =	vshrl.u32 @p2 v9, v7  }
0x148: {  	v9 =	vshrl.u32 @p2 v12, v7;
	v12 =	vshrl.u32 @p2 v20, v7;
	v24 =	vmul.u32 @p2 $0x101, v24  }
0x149: {  	vm3 =	veq.s32 @p2 v18, v5;
	v10 =	vshrl.u32 @p2 v10, v7;
	v8 =	vand.u32 @p2 $0xFF, v8  }
0x14a: {  	v16 =	vshrl.u32 @p2 v11, v7;
	vm4 =	veq.s32 @p2 v19, v5;
	v14 =	vadd.s32 @p2 v24, v8  }
0x14b: {  	vm6 =	veq.s32 @p2 v23, v5;
	vm7 =	veq.s32 @p2 v22, v5;
	v17 =	vand.u32 @p2 $0xFF, v17  }
0x14c: {  	v9 =	vand.u32 @p2 $0xFF, v9;
	v13 =	vand.u32 @p2 $0xFF, v13;
	v11 =	vand.u32 @p2 $0xFF, v15  }
0x14d: {  	v15 =	vand.u32 @p2 $0xFF, v10;
	v12 =	vand.u32 @p2 $0xFF, v12;
	v11 =	vadd.s32 @p2 v24, v11  }
0x14e: {  	s10 =	simm.s32 @p2 $0x14000;
	v8 =	vimm.s32 @p2 $0x1;
	v9 =	vadd.s32 @p2 v24, v9;
	v10 =	vadd.s32 @p2 v24, v13  }
0x14f: {  	v13 =	vand.u32 @p2 $0xFF, v16;
	v12 =	vadd.s32 @p2 v24, v12;
	v15 =	vadd.s32 @p2 v24, v15;
	[tilespmem:v14+s10+$0x0] =	vst.idx.add.s32.msk @p2 vm5, v8  }
0x150: {  	s30 =	simm.s32 $0x200;
	vm5 =	veq.s32 @p2 v21, v5;
	v14 =	vadd.s32 @p2 v24, v13;
	v13 =	vadd.s32 @p2 v24, v17  }
.LBB2_15:
0x151: {  	s12 =	smov.u32 s30;
	s30 =	sadd.s32 $0x200, s30  }
0x152: {  	p1 =	sne.s32 s30, $0x50000;
	[tilespmem:v11+s10+$0x0] =	vst.idx.add.s32.msk @p2 vm1, v8  }
0x153: {  	[tilespmem:v9+s10+$0x0] =	vst.idx.add.s32.msk @p2 vm2, v8  }
0x154: {  	[tilespmem:v15+s10+$0x0] =	vst.idx.add.s32.msk @p2 vm3, v8  }
0x155: {  	[tilespmem:v14+s10+$0x0] =	vst.idx.add.s32.msk @p2 vm4, v8  }
0x156: {  	[tilespmem:v12+s10+$0x0] =	vst.idx.add.s32.msk @p2 vm5, v8  }
0x157: {  	[tilespmem:v10+s10+$0x0] =	vst.idx.add.s32.msk @p2 vm7, v8  }
0x158: {  	s12 =	sshra.s32 s12, $0x2;
	[tilespmem:v13+s10+$0x0] =	vst.idx.add.s32.msk @p2 vm6, v8  }
0x159: {  	v8 =	vld [tilespmem:s12+$0x20]  }
0x15a: {  	v9 =	vld [tilespmem:s12+$0x0]  }
0x15b: {  	v10 =	vld [tilespmem:s12+$0x10]  }
0x15c: {  	v11 =	vld [tilespmem:s12+$0x30]  }
0x15d: {  	v12 =	vld [tilespmem:s12+$0x40]  }
0x15e: {  	v13 =	vxor.u32 $0x80000000, v8  }
0x15f: {  	v8 =	vxor.u32 $0x80000000, v9;
	v9 =	vand.u32 v6, v13;
	v14 =	vld [tilespmem:s12+$0x50]  }
0x160: {  	v15 =	vand.u32 v6, v8;
	v10 =	vxor.u32 $0x80000000, v10;
	v16 =	vld [tilespmem:s12+$0x60]  }
0x161: {  	vm1 =	veq.s32 v15, v5;
	v17 =	vand.u32 v6, v10;
	v11 =	vxor.u32 $0x80000000, v11  }
0x162: {  	vm3 =	veq.s32 v9, v5;
	vm2 =	veq.s32 v17, v5;
	v18 =	vand.u32 v6, v11;
	v19 =	vld [tilespmem:s12+$0x70]  }
0x163: {  	v12 =	vxor.u32 $0x80000000, v12;
	vm1 =	vmor vm1, vm2;
	vm2 =	veq.s32 v18, v5  }
0x164: {  	v20 =	vand.u32 v6, v12;
	vm1 =	vmor vm1, vm3;
	v14 =	vxor.u32 $0x80000000, v14  }
0x165: {  	vm1 =	vmor vm1, vm2;
	vm2 =	veq.s32 v20, v5;
	v21 =	vand.u32 v6, v14  }
0x166: {  	v16 =	vxor.u32 $0x80000000, v16;
	vm1 =	vmor vm1, vm2;
	vm2 =	veq.s32 v21, v5  }
0x167: {  	v22 =	vand.u32 v6, v16;
	vm1 =	vmor vm1, vm2;
	v19 =	vxor.u32 $0x80000000, v19  }
0x168: {  	vm2 =	veq.s32 v22, v5;
	v23 =	vand.u32 v6, v19  }
0x169: {  	vm1 =	vmor vm1, vm2;
	vm2 =	veq.s32 v23, v5  }
0x16a: {  	vm1 =	vmor vm1, vm2  }
0x16b: {  	v24 =	vsel vm1, $0x3F800000, v4  }
0x16c: {  	(xrf0) =	vmax.scan.msk.f32 $0xffff, v24;
	_ =	sdelay $0x5  }
0x16d: {  	v24, _, _ =	vpop (xrf0)  }
0x16e: {  	(v2sf) =	vpush v24, $0xF;
	_ =	sdelay $0xe  }
0x16f: {  	s10 =	spop (v2sf)  }
0x170: {  	p2 =	sgt.f32 s10, $0.0e+00;
	_ =	sdelay $0x1  }
0x171: {  	v8 =	vshrl.u32 @p2 v8, v7;
	v24 =	vlaneseq.u32 @p2;
	v19 =	vshrl.u32 @p2 v19, v7  }
0x172: {  	v8 =	vand.u32 @p2 $0xFF, v8;
	v24 =	vmul.u32 @p2 $0x101, v24;
	v19 =	vand.u32 @p2 $0xFF, v19  }
0x173: {  	vm1 =	veq.s32 @p2 v17, v5;
	vm5 =	veq.s32 @p2 v15, v5;
	v15 =	vshrl.u32 @p2 v16, v7  }
0x174: {  	vm2 =	veq.s32 @p2 v9, v5;
	v16 =	vadd.s32 @p2 v24, v8;
	v8 =	vimm.s32 @p2 $0x1  }
0x175: {  	v10 =	vshrl.u32 @p2 v10, v7;
	v9 =	vshrl.u32 @p2 v13, v7;
	v13 =	vshrl.u32 @p2 v14, v7  }
0x176: {  	vm3 =	veq.s32 @p2 v18, v5;
	v9 =	vand.u32 @p2 $0xFF, v9;
	v14 =	vand.u32 @p2 $0xFF, v15  }
0x177: {  	v11 =	vshrl.u32 @p2 v11, v7;
	v12 =	vshrl.u32 @p2 v12, v7;
	v9 =	vadd.s32 @p2 v24, v9  }
.Ltmp8:
0x178: {  	vm4 =	veq.s32 @p2 v20, v5;
	s10 =	simm.s32 @p2 $0x14000;
	v10 =	vand.u32 @p2 $0xFF, v10;
	v15 =	vand.u32 @p2 $0xFF, v11;
	(pc) =	sbr.rel @p1 .LBB2_15-.Ltmp8, $4  }
0x179: {  	v13 =	vand.u32 @p2 $0xFF, v13;
	v11 =	vadd.s32 @p2 v24, v10;
	v10 =	vadd.s32 @p2 v24, v14;
	[tilespmem:v16+s10+$0x0] =	vst.idx.add.s32.msk @p2 vm5, v8  }
0x17a: {  	v14 =	vand.u32 @p2 $0xFF, v12;
	v12 =	vadd.s32 @p2 v24, v13;
	vm5 =	veq.s32 @p2 v21, v5  }
0x17b: {  	v15 =	vadd.s32 @p2 v24, v15;
	v13 =	vadd.s32 @p2 v24, v19;
	v14 =	vadd.s32 @p2 v24, v14  }
0x17c: {  	vm6 =	veq.s32 @p2 v23, v5;
	vm7 =	veq.s32 @p2 v22, v5  }
0x17d: {  	_ =	sdelay $0x4  }
0x17e: {  	[tilespmem:v11+s10+$0x0] =	vst.idx.add.s32.msk @p2 vm1, v8  }
0x17f: {  	[tilespmem:v9+s10+$0x0] =	vst.idx.add.s32.msk @p2 vm2, v8  }
0x180: {  	[tilespmem:v15+s10+$0x0] =	vst.idx.add.s32.msk @p2 vm3, v8  }
0x181: {  	[tilespmem:v14+s10+$0x0] =	vst.idx.add.s32.msk @p2 vm4, v8  }
0x182: {  	[tilespmem:v12+s10+$0x0] =	vst.idx.add.s32.msk @p2 vm5, v8  }
0x183: {  	[tilespmem:v10+s10+$0x0] =	vst.idx.add.s32.msk @p2 vm7, v8  }
0x184: {  	[tilespmem:v13+s10+$0x0] =	vst.idx.add.s32.msk @p2 vm6, v8;
	s10 =	simm.s32 $0x0  }
0x185: {  	v5 =	vld [tilespmem:s10+$0x14000]  }
0x186: {  	v6 =	vld [tilespmem:s10+$0x14101]  }
0x187: {  	v7 =	vld [tilespmem:s10+$0x14202]  }
0x188: {  	v8 =	vld [tilespmem:s10+$0x14303]  }
0x189: {  	v9 =	vld [tilespmem:s10+$0x14404]  }
0x18a: {  	v10 =	vld [tilespmem:s10+$0x14505]  }
0x18b: {  	v5 =	vadd.s32 v5, v6;
	v6 =	vld [tilespmem:s10+$0x14606]  }
0x18c: {  	v5 =	vadd.s32 v7, v5;
	v7 =	vld [tilespmem:s10+$0x14707]  }
0x18d: {  	v5 =	vadd.s32 v8, v5;
	v8 =	vld [tilespmem:s10+$0x14808]  }
0x18e: {  	v5 =	vadd.s32 v9, v5;
	v9 =	vld [tilespmem:s10+$0x14909]  }
0x18f: {  	v5 =	vadd.s32 v10, v5;
	v10 =	vld [tilespmem:s10+$0x14A0A]  }
0x190: {  	v11 =	vld [tilespmem:s10+$0x14B0B];
	v5 =	vadd.s32 v6, v5  }
0x191: {  	v6 =	vld [tilespmem:s10+$0x14C0C];
	v5 =	vadd.s32 v7, v5  }
0x192: {  	v7 =	vld [tilespmem:s10+$0x14D0D];
	v5 =	vadd.s32 v8, v5  }
0x193: {  	v8 =	vld [tilespmem:s10+$0x14E0E];
	v5 =	vadd.s32 v9, v5  }
0x194: {  	s20 =	simm.s32 $0x10;
	v9 =	vld [tilespmem:s10+$0x14F0F];
	v10 =	vadd.s32 v10, v5  }
0x195: {  	s12 =	simm.s32 $0x80;
	v5 =	vld [tilespmem:s20+$0x14000];
	v10 =	vadd.s32 v11, v10  }
.LBB2_17:
0x196: {  	p1 =	sne.s32 s12, $0x3C0;
	v11 =	vld [tilespmem:s20+$0x14101];
	v6 =	vadd.s32 v6, v10  }
0x197: {  	v10 =	vld [tilespmem:s20+$0x14202];
	v6 =	vadd.s32 v7, v6  }
0x198: {  	v7 =	vld [tilespmem:s20+$0x14303];
	v6 =	vadd.s32 v8, v6  }
0x199: {  	v8 =	vld [tilespmem:s20+$0x14404];
	v6 =	vadd.s32 v9, v6  }
0x19a: {  	v9 =	vld [tilespmem:s20+$0x14505];
	[tilespmem:s10+$0x15080] =	vst v6;
	s10 =	smov.u32 s20  }
0x19b: {  	v5 =	vadd.s32 v5, v11;
	v6 =	vld [tilespmem:s10+$0x14606]  }
0x19c: {  	v5 =	vadd.s32 v10, v5;
	v10 =	vld [tilespmem:s10+$0x14707]  }
0x19d: {  	v5 =	vadd.s32 v7, v5;
	v7 =	vld [tilespmem:s10+$0x14808]  }
0x19e: {  	v5 =	vadd.s32 v8, v5;
	v8 =	vld [tilespmem:s10+$0x14909]  }
0x19f: {  	v5 =	vadd.s32 v9, v5;
	v9 =	vld [tilespmem:s10+$0x14A0A]  }
0x1a0: {  	v5 =	vadd.s32 v6, v5;
	v11 =	vld [tilespmem:s10+$0x14B0B]  }
.Ltmp9:
0x1a1: {  	v5 =	vadd.s32 v10, v5;
	v6 =	vld [tilespmem:s10+$0x14C0C];
	(pc) =	sbr.rel @p1 .LBB2_17-.Ltmp9, $4  }
0x1a2: {  	v5 =	vadd.s32 v7, v5;
	v7 =	vld [tilespmem:s10+$0x14D0D]  }
0x1a3: {  	v5 =	vadd.s32 v8, v5;
	v8 =	vld [tilespmem:s10+$0x14E0E]  }
0x1a4: {  	s20 =	sshra.s32 s12, $0x2;
	v10 =	vadd.s32 v9, v5;
	v9 =	vld [tilespmem:s10+$0x14F0F]  }
0x1a5: {  	s12 =	sadd.s32 $0x40, s12;
	v5 =	vld [tilespmem:s20+$0x14000];
	v10 =	vadd.s32 v11, v10  }
0x1a6: {  	v11 =	vld [tilespmem:s20+$0x14101];
	v6 =	vadd.s32 v6, v10  }
0x1a7: {  	v46 =	vld [tilespmem:s20+$0x14202];
	v6 =	vadd.s32 v7, v6  }
0x1a8: {  	v7 =	vld [tilespmem:s20+$0x14303];
	v6 =	vadd.s32 v8, v6  }
0x1a9: {  	v47 =	vld [tilespmem:s20+$0x14404];
	v6 =	vadd.s32 v9, v6  }
0x1aa: {  	v48 =	vld [tilespmem:s20+$0x14505];
	[tilespmem:s10+$0x15080] =	vst v6  }
0x1ab: {  	v5 =	vadd.s32 v5, v11;
	v6 =	vld [tilespmem:s20+$0x14606]  }
0x1ac: {  	v49 =	vld [tilespmem:s20+$0x14707];
	v5 =	vadd.s32 v46, v5  }
0x1ad: {  	v5 =	vadd.s32 v7, v5;
	v7 =	vld [tilespmem:s20+$0x14808]  }
0x1ae: {  	v50 =	vld [tilespmem:s20+$0x14909];
	v5 =	vadd.s32 v47, v5  }
0x1af: {  	v51 =	vld [tilespmem:s20+$0x14A0A];
	v5 =	vadd.s32 v48, v5  }
0x1b0: {  	v5 =	vadd.s32 v6, v5;
	v6 =	vld [tilespmem:s20+$0x14B0B]  }
0x1b1: {  	v52 =	vld [tilespmem:s20+$0x14C0C];
	v5 =	vadd.s32 v49, v5  }
0x1b2: {  	v5 =	vadd.s32 v7, v5;
	v7 =	vld [tilespmem:s20+$0x14D0D]  }
0x1b3: {  	v53 =	vld [tilespmem:s20+$0x14E0E];
	v5 =	vadd.s32 v50, v5  }
0x1b4: {  	v54 =	vld [tilespmem:s20+$0x14F0F];
	v5 =	vadd.s32 v51, v5  }
0x1b5: {  	v5 =	vadd.s32 v6, v5  }
0x1b6: {  	v5 =	vadd.s32 v52, v5  }
0x1b7: {  	v5 =	vadd.s32 v7, v5  }
0x1b8: {  	v5 =	vadd.s32 v53, v5  }
0x1b9: {  	v5 =	vadd.s32 v54, v5  }
0x1ba: {  	s10 =	simm.s32 $0x15080;
	[tilespmem:s20+$0x15080] =	vst v5  }
0x1bb: {  	[spmem:s11] =	stream.linear.scatter [tilespmem:s10], [sflag:$0x1], $0x100, $0x38;
	[tilespmem:$0x17A90] =	vst v63  }
0x1bc: {  	_ =	swait.ge [sflag:s21], $0x100  }
0x1bd: {  	[sflag:s21] =	ssyncset.done $0x0  }
0x1be: {  	[sflag:s21] =	ssyncadd.s32 $0xFFFFFF00  }
0x1bf: {  	s12 =	simm.s32 $0x15180;
	[bflag:$0x0] =	sbarrier.arrive $0xFFFF  }
0x1c0: {  	[tilespmem:s12], [sflag:$0x1] =	stream.linear.gather [spmem:s0], $0x1000, $0x38;
	[tilespmem:$0x17A90] =	vst v63  }
0x1c1: {  	_ =	swait.ge [sflag:s21], $0x1000  }
0x1c2: {  	[sflag:s21] =	ssyncset.done $0x0  }
0x1c3: {  	s30 =	simm.s32 $0x0;
	[sflag:s21] =	ssyncadd.s32 $0xFFFFF000  }
0x1c4: {  	s16 =	sand.u32 $0xF0, s30;
	[bflag:$0x0] =	sbarrier.arrive $0xFFFF  }
0x1c5: {  	v5 =	vld [tilespmem:s16+$0x15280]  }
0x1c6: {  	v6 =	vld [tilespmem:s12+$0x0]  }
0x1c7: {  	v7 =	vld [tilespmem:s16+$0x15380]  }
0x1c8: {  	v55 =	vld [tilespmem:s16+$0x15480]  }
0x1c9: {  	v56 =	vld [tilespmem:s16+$0x15580]  }
0x1ca: {  	v57 =	vld [tilespmem:s16+$0x15680]  }
0x1cb: {  	v5 =	vadd.s32 v6, v5;
	v6 =	vld [tilespmem:s16+$0x15780]  }
0x1cc: {  	v5 =	vadd.s32 v7, v5;
	v7 =	vld [tilespmem:s16+$0x15880]  }
0x1cd: {  	v58 =	vld [tilespmem:s16+$0x15980];
	v5 =	vadd.s32 v55, v5  }
0x1ce: {  	v59 =	vld [tilespmem:s16+$0x15A80];
	v5 =	vadd.s32 v56, v5  }
0x1cf: {  	v60 =	vld [tilespmem:s16+$0x15B80];
	v5 =	vadd.s32 v57, v5  }
0x1d0: {  	v5 =	vadd.s32 v6, v5;
	v6 =	vld [tilespmem:s16+$0x15C80]  }
0x1d1: {  	v5 =	vadd.s32 v7, v5;
	v7 =	vld [tilespmem:s16+$0x15D80]  }
0x1d2: {  	v61 =	vld [tilespmem:s16+$0x15E80];
	v5 =	vadd.s32 v58, v5  }
0x1d3: {  	v62 =	vld [tilespmem:s16+$0x15F80];
	v5 =	vadd.s32 v59, v5  }
0x1d4: {  	v63 =	vld [tilespmem:s16+$0x16080];
	v5 =	vadd.s32 v60, v5  }
0x1d5: {  	v5 =	vadd.s32 v6, v5  }
0x1d6: {  	v5 =	vadd.s32 v7, v5  }
0x1d7: {  	v5 =	vadd.s32 v61, v5  }
0x1d8: {  	v5 =	vadd.s32 v62, v5  }
0x1d9: {  	s20 =	simm.s32 $0x10;
	v5 =	vadd.s32 v63, v5  }
0x1da: {  	s20 =	sand.u32 $0xF0, s20;
	[tilespmem:s10+$0x0] =	vst v5  }
0x1db: {  	s29 =	simm.s32 $0x15190;
	s12 =	simm.s32 $0x20;
	v5 =	vld [tilespmem:s20+$0x15280]  }
.LBB2_19:
0x1dc: {  	p1 =	sne.s32 s12, $0xF0;
	v6 =	vld [tilespmem:s29+$0x0]  }
0x1dd: {  	v7 =	vld [tilespmem:s20+$0x15380]  }
0x1de: {  	v8 =	vld [tilespmem:s20+$0x15480]  }
0x1df: {  	v9 =	vld [tilespmem:s20+$0x15580]  }
0x1e0: {  	v10 =	vld [tilespmem:s20+$0x15680]  }
0x1e1: {  	v5 =	vadd.s32 v6, v5;
	v6 =	vld [tilespmem:s20+$0x15780]  }
0x1e2: {  	v5 =	vadd.s32 v7, v5;
	v7 =	vld [tilespmem:s20+$0x15880]  }
0x1e3: {  	v5 =	vadd.s32 v8, v5;
	v8 =	vld [tilespmem:s20+$0x15980]  }
0x1e4: {  	v5 =	vadd.s32 v9, v5;
	v9 =	vld [tilespmem:s20+$0x15A80]  }
0x1e5: {  	v5 =	vadd.s32 v10, v5;
	v10 =	vld [tilespmem:s20+$0x15B80]  }
0x1e6: {  	v5 =	vadd.s32 v6, v5;
	v6 =	vld [tilespmem:s20+$0x15C80]  }
0x1e7: {  	v5 =	vadd.s32 v7, v5;
	v7 =	vld [tilespmem:s20+$0x15D80]  }
0x1e8: {  	v5 =	vadd.s32 v8, v5;
	v8 =	vld [tilespmem:s20+$0x15E80]  }
0x1e9: {  	v5 =	vadd.s32 v9, v5;
	v9 =	vld [tilespmem:s20+$0x15F80]  }
0x1ea: {  	v5 =	vadd.s32 v10, v5;
	v10 =	vld [tilespmem:s20+$0x16080]  }
0x1eb: {  	v5 =	vadd.s32 v6, v5  }
0x1ec: {  	v5 =	vadd.s32 v7, v5  }
.Ltmp10:
0x1ed: {  	v5 =	vadd.s32 v8, v5;
	(pc) =	sbr.rel @p1 .LBB2_19-.Ltmp10, $4  }
0x1ee: {  	v5 =	vadd.s32 v9, v5  }
0x1ef: {  	s10 =	sadd.s32 $0x10, s10;
	v5 =	vadd.s32 v10, v5  }
0x1f0: {  	s20 =	sand.u32 $0xF0, s12;
	[tilespmem:s10+$0x0] =	vst v5  }
0x1f1: {  	s29 =	sadd.s32 $0x10, s29;
	s12 =	sadd.s32 $0x10, s12;
	v5 =	vld [tilespmem:s20+$0x15280]  }
0x1f2: {  	v6 =	vld [tilespmem:s29+$0x0]  }
0x1f3: {  	v7 =	vld [tilespmem:s20+$0x15380]  }
0x1f4: {  	v8 =	vld [tilespmem:s20+$0x15480]  }
0x1f5: {  	v9 =	vld [tilespmem:s20+$0x15580]  }
0x1f6: {  	v10 =	vld [tilespmem:s20+$0x15680]  }
0x1f7: {  	v5 =	vadd.s32 v6, v5;
	v6 =	vld [tilespmem:s20+$0x15780]  }
0x1f8: {  	v5 =	vadd.s32 v7, v5;
	v7 =	vld [tilespmem:s20+$0x15880]  }
0x1f9: {  	v58 =	vld [tilespmem:s20+$0x15980];
	v5 =	vadd.s32 v8, v5  }
0x1fa: {  	v59 =	vld [tilespmem:s20+$0x15A80];
	v5 =	vadd.s32 v9, v5  }
0x1fb: {  	v60 =	vld [tilespmem:s20+$0x15B80];
	v5 =	vadd.s32 v10, v5  }
0x1fc: {  	v5 =	vadd.s32 v6, v5;
	v6 =	vld [tilespmem:s20+$0x15C80]  }
0x1fd: {  	v5 =	vadd.s32 v7, v5;
	v7 =	vld [tilespmem:s20+$0x15D80]  }
0x1fe: {  	v61 =	vld [tilespmem:s20+$0x15E80];
	v5 =	vadd.s32 v58, v5  }
0x1ff: {  	v62 =	vld [tilespmem:s20+$0x15F80];
	v5 =	vadd.s32 v59, v5  }
0x200: {  	v63 =	vld [tilespmem:s20+$0x16080];
	v5 =	vadd.s32 v60, v5  }
0x201: {  	v5 =	vadd.s32 v6, v5  }
0x202: {  	v5 =	vadd.s32 v7, v5  }
0x203: {  	v5 =	vadd.s32 v61, v5  }
0x204: {  	v5 =	vadd.s32 v62, v5  }
0x205: {  	s10 =	sadd.s32 $0x10, s10;
	v5 =	vadd.s32 v63, v5  }
0x206: {  	p1 =	por $0x0, $0x0;
	s12 =	simm.s32 $0x15170;
	[tilespmem:s10+$0x0] =	vst v5;
	s10 =	simm.s32 $0x800000EF  }
.LBB2_21:
0x207: {  	v5 =	vld [tilespmem:s12+$0x0];
	_ =	sdelay $0x4  }
0x208: {  	(xrf0) =	vadd.scan.msk.s32 $0xffff, v5;
	_ =	sdelay $0x5  }
0x209: {  	v6, _, _ =	vpop (xrf0)  }
0x20a: {  	v7 =	vbroadcast v6, $0xF;
	_ =	sdelay $0x1  }
0x20b: {  	v7 =	vsub.s32 v7, v6  }
0x20c: {  	v7 =	vadd.s32 v5, v7  }
0x20d: {  	vm1 =	vge.s32 v7, s6  }
0x20e: {  	v8 =	vmpcnt.ones.xlane vm1;
	_ =	sdelay $0x1  }
0x20f: {  	v8 =	vxor.u32 $0x80000000, v8  }
0x210: {  	(xrf0) =	vmax.scan.msk.u32 $0xffff, v8;
	_ =	sdelay $0x5  }
0x211: {  	(v2sf) =	vpush v6, $0xF;
	v6, _, _ =	vpop (xrf0)  }
0x212: {  	(v2sf) =	vpush v6, $0xF;
	_ =	sdelay $0xd  }
0x213: {  	s16 =	spop (v2sf)  }
0x214: {  	s17 =	spop (v2sf)  }
0x215: {  	s20 =	sadd.s32 $0x7FFFFFFF, s17  }
0x216: {  	v6 =	vmov s20  }
0x217: {  	v5 =	vxor.u32 $0x80000000, v5;
	vm1 =	veq.s32 v6, v0  }
0x218: {  	v6 =	vxor.u32 $0x80000000, v7;
	v5 =	vnsel vm1, $0x0, v5  }
0x219: {  	(xrf0) =	vmax.scan.msk.u32 $0xffff, v5;
	v5 =	vnsel vm1, $0x0, v6  }
0x21a: {  	(xrf0) =	vmax.scan.msk.u32 $0xffff, v5;
	_ =	sdelay $0x4  }
0x21b: {  	v5, _, _ =	vpop (xrf0)  }
0x21c: {  	(v2sf) =	vpush v5, $0xF;
	v5, _, _ =	vpop (xrf0)  }
0x21d: {  	(v2sf) =	vpush v5, $0xF;
	_ =	sdelay $0xd  }
0x21e: {  	p2 =	por !p1, !p1;
	p3 =	sle.s32 s6, s16;
	s18 =	spop (v2sf)  }
0x21f: {  	s16 =	simm.s32 @p1 $0x0;
	p2 =	por !p3, !p2;
	s29 =	spop (v2sf)  }
0x220: {  	s16 =	ssub.s32 $0x0, s16;
	s20 =	sxor.u32 $0x80000000, s18;
	s29 =	sxor.u32 $0x80000000, s29  }
0x221: {  	p2 =	por !p2, !p2;
	s17 =	sadd.s32 s10, s17;
	s20 =	ssub.s32 s20, s29  }
0x222: {  	s30 =	smov.u32 @p2 s17;
	s16 =	smov.u32 @p2 s20;
	p2 =	sne.s32 s10, $0x7FFFFFFF  }
.Ltmp11:
0x223: {  	_ = 	snop;
	(pc) =	sbr.rel @p2 .LBB2_21-.Ltmp11, $3  }
0x224: {  	_ =	sdelay $0x1  }
0x225: {  	s12 =	sadd.s32 $0xFFFFFFF0, s12  }
0x226: {  	p1 =	por p1, p3;
	s10 =	sadd.s32 $0xFFFFFFF0, s10;
	s6 =	sadd.s32 s6, s16  }
0x227: {  	p1 =	sne.s32 s28, $0x3  }
.Ltmp12:
0x228: {  	_ = 	snop;
	(pc) =	sbr.rel @p1 .LBB2_26-.Ltmp12, $1  }
0x229: {  	_ =	sdelay $0x3  }
0x22a: {  	s1 =	sand.u32 $0xF, s30  }
0x22b: {  	s10 =	sshra.s32 s30, $0x1F;
	p1 =	slt.s32 s30, $0x1;
	p2 =	sne.s32 s1, $0x0  }
0x22c: {  	s18 =	sshrl.u32 s10, $0x1C;
	p1 =	por !p1, !p2  }
0x22d: {  	s10 =	simm.s32 $0x1;
	s1 =	sadd.s32 s18, s30;
	p1 =	por !p1, !p1  }
0x22e: {  	s1 =	sshrl.u32 s1, $0x4;
	s10 =	simm.s32 @!p1 $0x0  }
0x22f: {  	s1 =	ssub.s32 s1, s10  }
0x230: {  	s1 =	sshll.u32 s1, $0x4  }
0x231: {  	s20 =	sand.u32 $0x70, s1  }
0x232: {  	s10 =	sor.u32 $0x15180, s20  }
0x233: {  	v5 =	vmov s10;
	_ =	sdelay $0x3  }
0x234: {  	s7 =	sand.u32 $0xFFFFFF80, s1  }
0x235: {  	v6 =	vld.idx.msk [tilespmem:v5+s7+$0x0 ss:$0x1], $0xffff  }
0x236: {  	s12 =	sadd.s32 $0x100, s1  }
0x237: {  	s16 =	sand.u32 $0xFFFFFF80, s12;
	s12 =	sadd.s32 $0x100, s12  }
0x238: {  	s1 =	ssub.s32 s30, s1;
	s17 =	sand.u32 $0xFFFFFF80, s12;
	v7 =	vld.idx.msk [tilespmem:v5+s16+$0x0 ss:$0x1], $0xffff  }
0x239: {  	v9 =	vmov s1;
	v8 =	vld.idx.msk [tilespmem:v5+s17+$0x0 ss:$0x1], $0xffff  }
0x23a: {  	vm1 =	veq.s32 v9, v0;
	v6 =	vxor.u32 $0x80000000, v6  }
0x23b: {  	v6 =	vnsel vm1, $0x0, v6  }
0x23c: {  	(xrf0) =	vmax.scan.msk.u32 $0xffff, v6  }
0x23d: {  	v7 =	vxor.u32 $0x80000000, v7  }
0x23e: {  	v6 =	vnsel vm1, $0x0, v7;
	v7 =	vxor.u32 $0x80000000, v8  }
0x23f: {  	(xrf0) =	vmax.scan.msk.u32 $0xffff, v6;
	v6 =	vnsel vm1, $0x0, v7  }
0x240: {  	(xrf0) =	vmax.scan.msk.u32 $0xffff, v6;
	_ =	sdelay $0x1  }
0x241: {  	v6, _, _ =	vpop (xrf0)  }
0x242: {  	(v2sf) =	vpush v6, $0xF  }
0x243: {  	s18 =	sadd.s32 $0x100, s12  }
0x244: {  	s20 =	sand.u32 $0xFFFFFF80, s18;
	v6, _, _ =	vpop (xrf0)  }
0x245: {  	v7 =	vld.idx.msk [tilespmem:v5+s20+$0x0 ss:$0x1], $0xffff;
	(v2sf) =	vpush v6, $0xF;
	v8, _, _ =	vpop (xrf0)  }
0x246: {  	(v2sf) =	vpush v8, $0xF;
	_ =	sdelay $0x3  }
0x247: {  	s17 =	sadd.s32 $0x100, s18;
	v7 =	vxor.u32 $0x80000000, v7  }
0x248: {  	s18 =	sand.u32 $0xFFFFFF80, s17;
	v7 =	vnsel vm1, $0x0, v7  }
0x249: {  	s29 =	simm.s32 $0x1;
	(xrf0) =	vmax.scan.msk.u32 $0xffff, v7;
	v7 =	vld.idx.msk [tilespmem:v5+s18+$0x0 ss:$0x1], $0xffff  }
0x24a: {  	s1 =	simm.s32 $0x4;
	s12 =	simm.s32 $0x0;
	s10 =	simm.s32 $0x2  }
0x24b: {  	s16 =	simm.s32 $0x5;
	s17 =	sadd.s32 $0x100, s17;
	s20 =	simm.s32 $0x3;
	v6 =	vimm.s32 $0x0  }
.LBB2_24:
0x24c: {  	s18 =	sand.u32 $0xFFFFFF80, s17  }
0x24d: {  	p1 =	sne.s32 s16, $0xF;
	s7 =	smov.u32 s16;
	s16 =	sadd.s32 $0x1, s16  }
.Ltmp13:
0x24e: {  	v11 =	vxor.u32 $0x80000000, v7;
	v9 =	vmov s12;
	s12 =	smov.u32 s29;
	v7 =	vld.idx.msk [tilespmem:v5+s18+$0x0 ss:$0x1], $0xffff;
	s18 =	spop (v2sf);
	(pc) =	sbr.rel @p1 .LBB2_24-.Ltmp13, $4  }
0x24f: {  	s29 =	smov.u32 s10;
	s10 =	smov.u32 s20;
	v10 =	vnsel vm1, $0x0, v11;
	vm2 =	veq.s32 v9, v0;
	s18 =	sxor.u32 $0x80000000, s18  }
0x250: {  	s20 =	smov.u32 s1;
	s1 =	smov.u32 s7;
	(xrf0) =	vmax.scan.msk.u32 $0xffff, v10;
	v8, _, _ =	vpop (xrf0);
	v6 =	vsel vm2, s18, v6  }
0x251: {  	(v2sf) =	vpush v8, $0xF  }
0x252: {  	s17 =	sadd.s32 $0x100, s17  }
0x253: {  	v5 =	vxor.u32 $0x80000000, v7  }
0x254: {  	v5 =	vnsel vm1, $0x0, v5  }
0x255: {  	(xrf0) =	vmax.scan.msk.u32 $0xffff, v5;
	_ =	sdelay $0x4  }
0x256: {  	v5, _, _ =	vpop (xrf0)  }
0x257: {  	(v2sf) =	vpush v5, $0xF;
	v5, _, _ =	vpop (xrf0)  }
0x258: {  	(v2sf) =	vpush v5, $0xF;
	_ =	sdelay $0xa  }
0x259: {  	s7 =	spop (v2sf);
	v5 =	vmov s12  }
0x25a: {  	v7 =	vmov s29;
	s18 =	spop (v2sf);
	s7 =	sxor.u32 $0x80000000, s7;
	vm1 =	veq.s32 v5, v0  }
0x25b: {  	s29 =	sxor.u32 $0x80000000, s18;
	v5 =	vsel vm1, s7, v6;
	vm1 =	veq.s32 v7, v0;
	v6 =	vmov s10;
	s12 =	spop (v2sf)  }
0x25c: {  	v5 =	vsel vm1, s29, v5;
	vm1 =	veq.s32 v6, v0;
	v6 =	vmov s20;
	s16 =	sxor.u32 $0x80000000, s12;
	s17 =	spop (v2sf)  }
0x25d: {  	v5 =	vsel vm1, s16, v5;
	vm1 =	veq.s32 v6, v0;
	v6 =	vmov s1;
	s18 =	sxor.u32 $0x80000000, s17;
	s20 =	spop (v2sf)  }
0x25e: {  	v5 =	vsel vm1, s18, v5;
	vm1 =	veq.s32 v6, v0;
	s1 =	sxor.u32 $0x80000000, s20  }
0x25f: {  	v5 =	vsel vm1, s1, v5  }
0x260: {  	(xrf0) =	vadd.scan.msk.s32 $0xffff, v5;
	_ =	sdelay $0x5  }
0x261: {  	v7 =	vadd.s32 s6, v5;
	v6, _, _ =	vpop (xrf0)  }
0x262: {  	v6 =	vsub.s32 v7, v6  }
0x263: {  	vm1 =	vgt.s32 v6, $0x0  }
0x264: {  	v6 =	vnsel vm1, $0x0, v6  }
0x265: {  	vm1 =	vlt.s32 v5, v6  }
0x266: {  	v5 =	vsel vm1, v5, v6  }
0x267: {  	v5 =	vxor.u32 $0x80000000, v5  }
0x268: {  	v5 =	vnsel vm0, $0x0, v5  }
0x269: {  	(xrf0) =	vmax.scan.msk.u32 $0xffff, v5;
	_ =	sdelay $0x5  }
0x26a: {  	v5, _, _ =	vpop (xrf0)  }
0x26b: {  	(v2sf) =	vpush v5, $0xF;
	_ =	sdelay $0xb  }
.Ltmp14:
0x26c: {  	_ = 	snop;
	(pc) =	sbr.rel .LBB2_26-.Ltmp14, $3  }
0x26d: {  	_ =	sdelay $0x1  }
0x26e: {  	s29 =	spop (v2sf)  }
0x26f: {  	s1 =	sxor.u32 $0x80000000, s29  }
.LBB2_27:
.Ltmp15:
0x270: {  	(pc) =	sbr.rel .LBB2_28-.Ltmp15, $3  }
0x271: {  	_ =	sdelay $0x1  }
0x272: {  	s6 =	sxor.u32 $0x80000000, s26;
	v6 =	vmov s1  }
0x273: {  	v16 =	vimm.s32 $0x0;
	s1 =	simm.s32 $0x0;
	v15 =	vimm.s32 $0x0;
	v5 =	vmov s6;
	s6 =	simm.s32 $0x40  }
.LBB2_30:
0x274: {  	s1 =	sadd.s32 $0x80, s1  }
0x275: {  	p1 =	sne.s32 s1, $0x14000  }
.Ltmp16:
0x276: {  	_ = 	snop;
	(pc) =	sbr.rel @!p1 .LBB2_31-.Ltmp16, $2  }
0x277: {  	_ =	sdelay $0x2  }
0x278: {  	s6 =	sadd.s32 $0x80, s6  }
.LBB2_28:
0x279: {  	v14 =	vld [tilespmem:s6+$0xFFFFFFC0]  }
0x27a: {  	v13 =	vld [tilespmem:s6+$0xFFFFFFD0]  }
0x27b: {  	v12 =	vld [tilespmem:s6+$0xFFFFFFE0]  }
0x27c: {  	v11 =	vld [tilespmem:s6+$0xFFFFFFF0]  }
0x27d: {  	v10 =	vld [tilespmem:s6+$0x0]  }
0x27e: {  	v9 =	vld [tilespmem:s6+$0x10]  }
0x27f: {  	v8 =	vld [tilespmem:s6+$0x20];
	vm1 =	vge.s32 v14, v5;
	vm2 =	vge.s32 v13, v5  }
0x280: {  	v7 =	vld [tilespmem:s6+$0x30];
	vm1 =	vmor vm1, vm2;
	vm2 =	vge.s32 v12, v5  }
0x281: {  	vm1 =	vmor vm1, vm2;
	vm2 =	vge.s32 v11, v5  }
0x282: {  	vm1 =	vmor vm1, vm2;
	vm2 =	vge.s32 v10, v5  }
0x283: {  	vm1 =	vmor vm1, vm2;
	vm2 =	vge.s32 v9, v5  }
0x284: {  	vm1 =	vmor vm1, vm2;
	vm2 =	vge.s32 v8, v5  }
0x285: {  	vm1 =	vmor vm1, vm2;
	vm2 =	vge.s32 v7, v5  }
0x286: {  	vm1 =	vmor vm1, vm2  }
0x287: {  	v17 =	vsel vm1, $0x3F800000, v4  }
0x288: {  	(xrf0) =	vmax.scan.msk.f32 $0xffff, v17;
	_ =	sdelay $0x5  }
0x289: {  	v17, _, _ =	vpop (xrf0)  }
0x28a: {  	(v2sf) =	vpush v17, $0xF;
	_ =	sdelay $0xe  }
0x28b: {  	s7 =	spop (v2sf)  }
0x28c: {  	p1 =	sgt.f32 s7, $0.0e+00  }
.Ltmp17:
0x28d: {  	_ = 	snop;
	(pc) =	sbr.rel @!p1 .LBB2_30-.Ltmp17, $1  }
0x28e: {  	_ =	sdelay $0x3  }
0x28f: {  	vm12 =	vgt.s32 v14, v5  }
0x290: {  	vm1 =	veq.s32 v14, v5;
	v17 =	vsel vm12, $0x1, v1  }
0x291: {  	v18 =	vsel vm1, $0x1, v1;
	(xrf0) =	vadd.scan.msk.s32 $0xffff, v17  }
0x292: {  	(xrf0) =	vadd.scan.msk.s32 $0xffff, v18;
	_ =	sdelay $0x4  }
0x293: {  	v19 =	vsel vm1, $0xFFFFFFFF, v1;
	v18, _, _ =	vpop (xrf0)  }
0x294: {  	v19 =	vadd.s32 v19, v16;
	v20, _, _ =	vpop (xrf0)  }
0x295: {  	v19 =	vadd.s32 v20, v19  }
0x296: {  	vm2 =	vlt.s32 v19, v6  }
0x297: {  	vm10 =	vmand vm1, vm2  }
0x298: {  	vm4 =	vgt.s32 v13, v5;
	v19 =	vsel vm10, $0x1, v1  }
0x299: {  	v61 =	vsel vm4, $0x1, v1;
	vm1 =	veq.s32 v13, v5;
	(xrf0) =	vadd.scan.msk.s32 $0xffff, v19  }
0x29a: {  	v21 =	vsel vm1, $0x1, v1;
	(xrf0) =	vadd.scan.msk.s32 $0xffff, v61  }
0x29b: {  	(xrf0) =	vadd.scan.msk.s32 $0xffff, v21;
	_ =	sdelay $0x3  }
0x29c: {  	v62, _, _ =	vpop (xrf0)  }
0x29d: {  	v22 =	vmpcnt.ones.xlane vm10;
	v23, _, _ =	vpop (xrf0)  }
0x29e: {  	v24 =	vsel vm1, $0xFFFFFFFF, v1;
	v25, _, _ =	vpop (xrf0)  }
0x29f: {  	v16 =	vadd.s32 v16, v22;
	v24 =	vadd.s32 v24, v25  }
0x2a0: {  	v24 =	vadd.s32 v16, v24  }
0x2a1: {  	vm2 =	vlt.s32 v24, v6  }
0x2a2: {  	vm8 =	vmand vm1, vm2  }
0x2a3: {  	vm2 =	vgt.s32 v12, v5;
	v63 =	vsel vm8, $0x1, v1  }
0x2a4: {  	vm1 =	veq.s32 v12, v5;
	v25 =	vsel vm2, $0x1, v1;
	(xrf0) =	vadd.scan.msk.s32 $0xffff, v63  }
0x2a5: {  	v26 =	vsel vm1, $0x1, v1;
	(xrf0) =	vadd.scan.msk.s32 $0xffff, v25  }
0x2a6: {  	(xrf0) =	vadd.scan.msk.s32 $0xffff, v26;
	_ =	sdelay $0x3  }
0x2a7: {  	v48, _, _ =	vpop (xrf0)  }
0x2a8: {  	v27 =	vmpcnt.ones.xlane vm8;
	v28, _, _ =	vpop (xrf0)  }
0x2a9: {  	v29 =	vsel vm1, $0xFFFFFFFF, v1;
	v30, _, _ =	vpop (xrf0)  }
0x2aa: {  	v16 =	vadd.s32 v16, v27;
	v29 =	vadd.s32 v29, v30  }
0x2ab: {  	v29 =	vadd.s32 v16, v29  }
0x2ac: {  	vm3 =	vlt.s32 v29, v6  }
0x2ad: {  	vm11 =	vmand vm1, vm3  }
0x2ae: {  	vm5 =	vgt.s32 v11, v5;
	v49 =	vsel vm11, $0x1, v1  }
0x2af: {  	v50 =	vsel vm5, $0x1, v1;
	vm1 =	veq.s32 v11, v5;
	(xrf0) =	vadd.scan.msk.s32 $0xffff, v49  }
0x2b0: {  	v31 =	vsel vm1, $0x1, v1;
	(xrf0) =	vadd.scan.msk.s32 $0xffff, v50  }
0x2b1: {  	(xrf0) =	vadd.scan.msk.s32 $0xffff, v31;
	_ =	sdelay $0x3  }
0x2b2: {  	v51, _, _ =	vpop (xrf0)  }
0x2b3: {  	v32 =	vmpcnt.ones.xlane vm11;
	v33, _, _ =	vpop (xrf0)  }
0x2b4: {  	v34 =	vsel vm1, $0xFFFFFFFF, v1;
	v35, _, _ =	vpop (xrf0)  }
0x2b5: {  	v16 =	vadd.s32 v16, v32;
	v34 =	vadd.s32 v34, v35  }
0x2b6: {  	v34 =	vadd.s32 v16, v34  }
0x2b7: {  	vm3 =	vlt.s32 v34, v6  }
0x2b8: {  	vm6 =	vmand vm1, vm3  }
0x2b9: {  	vm1 =	vgt.s32 v10, v5;
	v52 =	vsel vm6, $0x1, v1  }
0x2ba: {  	vm3 =	veq.s32 v10, v5;
	v53 =	vsel vm1, $0x1, v1;
	(xrf0) =	vadd.scan.msk.s32 $0xffff, v52  }
0x2bb: {  	v36 =	vsel vm3, $0x1, v1;
	(xrf0) =	vadd.scan.msk.s32 $0xffff, v53  }
0x2bc: {  	(xrf0) =	vadd.scan.msk.s32 $0xffff, v36;
	_ =	sdelay $0x3  }
0x2bd: {  	v54, _, _ =	vpop (xrf0)  }
0x2be: {  	v37 =	vmpcnt.ones.xlane vm6;
	v38, _, _ =	vpop (xrf0)  }
0x2bf: {  	v39 =	vsel vm3, $0xFFFFFFFF, v1;
	v40, _, _ =	vpop (xrf0)  }
0x2c0: {  	v16 =	vadd.s32 v16, v37;
	v39 =	vadd.s32 v39, v40  }
0x2c1: {  	v39 =	vadd.s32 v16, v39  }
0x2c2: {  	vm7 =	vlt.s32 v39, v6  }
0x2c3: {  	vm9 =	vmand vm3, vm7  }
0x2c4: {  	vm3 =	vgt.s32 v9, v5;
	v55 =	vsel vm9, $0x1, v1  }
0x2c5: {  	vm7 =	veq.s32 v9, v5;
	v56 =	vsel vm3, $0x1, v1;
	(xrf0) =	vadd.scan.msk.s32 $0xffff, v55  }
0x2c6: {  	v41 =	vsel vm7, $0x1, v1;
	(xrf0) =	vadd.scan.msk.s32 $0xffff, v56  }
0x2c7: {  	(xrf0) =	vadd.scan.msk.s32 $0xffff, v41;
	_ =	sdelay $0x3  }
0x2c8: {  	v57, _, _ =	vpop (xrf0)  }
0x2c9: {  	v42 =	vmpcnt.ones.xlane vm9;
	v43, _, _ =	vpop (xrf0)  }
0x2ca: {  	v44 =	vsel vm7, $0xFFFFFFFF, v1;
	v45, _, _ =	vpop (xrf0)  }
0x2cb: {  	v16 =	vadd.s32 v16, v42;
	v44 =	vadd.s32 v44, v45  }
0x2cc: {  	v44 =	vadd.s32 v16, v44  }
0x2cd: {  	vm13 =	vlt.s32 v44, v6  }
0x2ce: {  	vm13 =	vmand vm7, vm13  }
0x2cf: {  	vm14 =	veq.s32 v8, v5;
	vm7 =	vgt.s32 v8, v5;
	v44 =	vsel vm13, $0x1, v1  }
0x2d0: {  	v17 =	vsub.s32 v18, v17;
	v18 =	vmpcnt.ones.xlane vm12;
	v45 =	vsel vm7, $0x1, v1;
	(xrf0) =	vadd.scan.msk.s32 $0xffff, v44  }
0x2d1: {  	v46 =	vsel vm14, $0x1, v1;
	v17 =	vadd.s32 v15, v17;
	(xrf0) =	vadd.scan.msk.s32 $0xffff, v45  }
0x2d2: {  	v15 =	vadd.s32 v15, v18;
	v19 =	vsub.s32 v62, v19;
	(xrf0) =	vadd.scan.msk.s32 $0xffff, v46  }
0x2d3: {  	v18 =	vadd.s32 v19, v15;
	_ =	sdelay $0x1  }
0x2d4: {  	s10 =	sadd.s32 s1, s8;
	v58 =	vmpcnt.ones.xlane vm4;
	v15 =	vadd.s32 v15, v22;
	v19 =	vsub.s32 v23, v61  }
0x2d5: {  	v59 =	vor.u32 s10, v0;
	[tilespmem:v17+s23+$0x0] =	vst.idx.msk vm12, v14;
	v19 =	vadd.s32 v19, v15;
	v60, _, _ =	vpop (xrf0)  }
0x2d6: {  	[tilespmem:v17+s24+$0x0] =	vst.idx.msk vm12, v59;
	v15 =	vadd.s32 v15, v58;
	v17 =	vsub.s32 v48, v63;
	v61 =	vmpcnt.ones.xlane vm13;
	v62, _, _ =	vpop (xrf0)  }
0x2d7: {  	vm12 =	veq.s32 v7, v5;
	[tilespmem:v18+s23+$0x0] =	vst.idx.msk vm10, v14;
	v14 =	vadd.s32 v15, v17;
	v17 =	vsel vm14, $0xFFFFFFFF, v1;
	v63, _, _ =	vpop (xrf0)  }
0x2d8: {  	v15 =	vadd.s32 v15, v27;
	v16 =	vadd.s32 v16, v61;
	v17 =	vadd.s32 v17, v63  }
0x2d9: {  	v28 =	vsub.s32 v28, v25;
	v31 =	vmpcnt.ones.xlane vm2;
	v17 =	vadd.s32 v16, v17  }
0x2da: {  	s7 =	sadd.s32 $0x10, s10;
	[tilespmem:v18+s24+$0x0] =	vst.idx.msk vm10, v59;
	v24 =	vadd.s32 v28, v15;
	vm15 =	vlt.s32 v17, v6  }
0x2db: {  	[tilespmem:v19+s23+$0x0] =	vst.idx.msk vm4, v13;
	v15 =	vadd.s32 v15, v31;
	v17 =	vor.u32 s7, v0;
	vm10 =	vmand vm14, vm15  }
0x2dc: {  	v18 =	vsub.s32 v51, v49;
	[tilespmem:v19+s24+$0x0] =	vst.idx.msk vm4, v17;
	vm15 =	vgt.s32 v7, v5;
	v19 =	vsel vm10, $0x1, v1  }
0x2dd: {  	[tilespmem:v14+s23+$0x0] =	vst.idx.msk vm8, v13;
	v13 =	vadd.s32 v15, v18;
	v18 =	vsel vm15, $0x1, v1;
	(xrf0) =	vadd.scan.msk.s32 $0xffff, v19  }
0x2de: {  	v33 =	vsub.s32 v33, v50;
	v46 =	vsel vm12, $0x1, v1;
	v15 =	vadd.s32 v15, v32;
	(xrf0) =	vadd.scan.msk.s32 $0xffff, v18  }
0x2df: {  	s25 =	sadd.s32 $0x20, s10;
	[tilespmem:v14+s24+$0x0] =	vst.idx.msk vm8, v17;
	v14 =	vadd.s32 v33, v15;
	(xrf0) =	vadd.scan.msk.s32 $0xffff, v46  }
0x2e0: {  	v47 =	vmpcnt.ones.xlane vm5;
	v17 =	vor.u32 s25, v0;
	[tilespmem:v24+s23+$0x0] =	vst.idx.msk vm2, v12  }
0x2e1: {  	[tilespmem:v24+s24+$0x0] =	vst.idx.msk vm2, v17  }
0x2e2: {  	v50 =	vmpcnt.ones.xlane vm1;
	v15 =	vadd.s32 v15, v47;
	[tilespmem:v13+s23+$0x0] =	vst.idx.msk vm11, v12;
	v12 =	vsub.s32 v54, v52  }
0x2e3: {  	s26 =	sadd.s32 $0x30, s10;
	v49 =	vsub.s32 v38, v53;
	v51 =	vmpcnt.ones.xlane vm10;
	[tilespmem:v13+s24+$0x0] =	vst.idx.msk vm11, v17;
	v12 =	vadd.s32 v15, v12;
	v48, _, _ =	vpop (xrf0)  }
0x2e4: {  	v56 =	vsub.s32 v43, v56;
	v13 =	vor.u32 s26, v0;
	v15 =	vadd.s32 v15, v37;
	[tilespmem:v14+s23+$0x0] =	vst.idx.msk vm5, v11;
	v17, _, _ =	vpop (xrf0)  }
0x2e5: {  	v53 =	vsel vm12, $0xFFFFFFFF, v1;
	v16 =	vadd.s32 v16, v51;
	[tilespmem:v14+s24+$0x0] =	vst.idx.msk vm5, v13;
	v14 =	vadd.s32 v49, v15;
	v54, _, _ =	vpop (xrf0)  }
0x2e6: {  	v52 =	vsub.s32 v57, v55;
	v15 =	vadd.s32 v15, v50;
	v55 =	vadd.s32 v53, v54  }
0x2e7: {  	v57 =	vmpcnt.ones.xlane vm3;
	v24 =	vadd.s32 v15, v52;
	v25 =	vadd.s32 v16, v55  }
0x2e8: {  	v15 =	vadd.s32 v15, v42;
	[tilespmem:v12+s23+$0x0] =	vst.idx.msk vm6, v11;
	vm2 =	vlt.s32 v25, v6  }
0x2e9: {  	s28 =	sadd.s32 $0x40, s10;
	v11 =	vadd.s32 v56, v15;
	v15 =	vadd.s32 v15, v57;
	[tilespmem:v12+s24+$0x0] =	vst.idx.msk vm6, v13;
	vm2 =	vmand vm12, vm2  }
0x2ea: {  	v12 =	vsub.s32 v60, v44;
	v13 =	vor.u32 s28, v0;
	[tilespmem:v14+s23+$0x0] =	vst.idx.msk vm1, v10;
	v58 =	vsel vm2, $0x1, v1  }
0x2eb: {  	v12 =	vadd.s32 v15, v12;
	[tilespmem:v14+s24+$0x0] =	vst.idx.msk vm1, v13;
	(xrf0) =	vadd.scan.msk.s32 $0xffff, v58  }
0x2ec: {  	v59 =	vadd.s32 v15, v61;
	v15 =	vmpcnt.ones.xlane vm7;
	v14 =	vsub.s32 v62, v45;
	[tilespmem:v24+s23+$0x0] =	vst.idx.msk vm9, v10  }
0x2ed: {  	s29 =	sadd.s32 $0x50, s10;
	[tilespmem:v24+s24+$0x0] =	vst.idx.msk vm9, v13;
	v13 =	vadd.s32 v14, v59  }
0x2ee: {  	v10 =	vadd.s32 v59, v15;
	v15 =	vor.u32 s29, v0;
	v14 =	vsub.s32 v48, v19;
	[tilespmem:v11+s23+$0x0] =	vst.idx.msk vm3, v9  }
0x2ef: {  	v60 =	vadd.s32 v10, v14;
	[tilespmem:v11+s24+$0x0] =	vst.idx.msk vm3, v15  }
0x2f0: {  	v62 =	vsub.s32 v17, v18;
	v61 =	vadd.s32 v10, v51;
	v14 =	vmpcnt.ones.xlane vm15;
	[tilespmem:v12+s23+$0x0] =	vst.idx.msk vm13, v9  }
0x2f1: {  	s30 =	sadd.s32 $0x60, s10;
	v10 =	vadd.s32 v62, v61;
	[tilespmem:v12+s24+$0x0] =	vst.idx.msk vm13, v15;
	v12, _, _ =	vpop (xrf0)  }
0x2f2: {  	v9 =	vadd.s32 v61, v14;
	v15 =	vor.u32 s30, v0;
	[tilespmem:v13+s23+$0x0] =	vst.idx.msk vm7, v8;
	v12 =	vsub.s32 v12, v58  }
0x2f3: {  	[tilespmem:v13+s24+$0x0] =	vst.idx.msk vm7, v15;
	v12 =	vadd.s32 v9, v12  }
0x2f4: {  	[tilespmem:v60+s23+$0x0] =	vst.idx.msk vm10, v8  }
.Ltmp18:
0x2f5: {  	s31 =	sadd.s32 $0x70, s10;
	[tilespmem:v60+s24+$0x0] =	vst.idx.msk vm10, v15;
	(pc) =	sbr.rel .LBB2_30-.Ltmp18, $4  }
0x2f6: {  	v8 =	vor.u32 s31, v0;
	[tilespmem:v10+s23+$0x0] =	vst.idx.msk vm15, v7  }
0x2f7: {  	v63 =	vmpcnt.ones.xlane vm2;
	[tilespmem:v10+s24+$0x0] =	vst.idx.msk vm15, v8  }
0x2f8: {  	[tilespmem:v12+s23+$0x0] =	vst.idx.msk vm2, v7  }
0x2f9: {  	v16 =	vadd.s32 v16, v63;
	v15 =	vadd.s32 v9, v63;
	[tilespmem:v12+s24+$0x0] =	vst.idx.msk vm2, v8  }
.LBB2_31:
0x2fa: {  	v5 =	vxor.u32 $0x80000000, v15  }
0x2fb: {  	(xrf0) =	vmax.scan.msk.u32 $0xffff, v5;
	_ =	sdelay $0x5  }
0x2fc: {  	v5, _, _ =	vpop (xrf0)  }
0x2fd: {  	(v2sf) =	vpush v5, $0xF;
	_ =	sdelay $0xe  }
0x2fe: {  	s1 =	spop (v2sf)  }
0x2ff: {  	s1 =	sxor.u32 $0x80000000, s1  }
0x300: {  	v5 =	vmov s1  }
0x301: {  	s29 =	rddreg [dreg:$0xa];
	s6 =	simm.s32 $0x15080;
	[tilespmem:$0x15080] =	vst v5  }
0x302: {  	[spmem:s29] =	stream.linear.scatter [tilespmem:s6], [sflag:$0x1], $0x10, $0x38;
	[tilespmem:$0x17A90] =	vst v63  }
0x303: {  	_ =	swait.ge [sflag:s21], $0x10  }
0x304: {  	[sflag:s21] =	ssyncset.done $0x0  }
0x305: {  	[sflag:s21] =	ssyncadd.s32 $0xFFFFFFF0  }
0x306: {  	[bflag:$0x0] =	sbarrier.arrive $0xFFFF  }
0x307: {  	s1 =	simm.s32 $0x17700;
	s30 =	rddreg [dreg:$0x3]  }
0x308: {  	[tilespmem:s1], [sflag:$0x1] =	stream.linear.gather [spmem:s30], $0x100, $0x38;
	[tilespmem:$0x17A90] =	vst v63  }
0x309: {  	_ =	swait.ge [sflag:s21], $0x100  }
0x30a: {  	[sflag:s21] =	ssyncset.done $0x0  }
0x30b: {  	[sflag:s21] =	ssyncadd.s32 $0xFFFFFF00  }
0x30c: {  	v7 =	vld [tilespmem:s1+$0x0]  }
0x30d: {  	s31 =	simm.s32 $0x0  }
0x30e: {  	v8 =	vmov s31  }
0x30f: {  	v6 =	vimm.s32 $0x0;
	vm1 =	veq.s32 v8, v0;
	s6 =	simm.s32 $0x1  }
.LBB2_32:
0x310: {  	p1 =	sne.s32 s6, $0xF  }
0x311: {  	v6 =	vsel vm1, v7, v6;
	s1 =	sadd.s32 $0x10, s1;
	s7 =	smov.u32 s6;
	s6 =	sadd.s32 $0x1, s6  }
.Ltmp19:
0x312: {  	v7 =	vld [tilespmem:s1+$0x0];
	(pc) =	sbr.rel @p1 .LBB2_32-.Ltmp19, $3  }
0x313: {  	_ =	sdelay $0x1  }
0x314: {  	v8 =	vmov s7  }
0x315: {  	vm1 =	veq.s32 v8, v0  }
0x316: {  	v6 =	vsel vm1, v7, v6  }
0x317: {  	(xrf0) =	vadd.scan.msk.s32 $0xffff, v6;
	_ =	sdelay $0x5  }
0x318: {  	v7, _, _ =	vpop (xrf0)  }
0x319: {  	v6 =	vsub.s32 v7, v6  }
0x31a: {  	v6 =	vxor.u32 $0x80000000, v6  }
0x31b: {  	v6 =	vnsel vm0, $0x0, v6  }
0x31c: {  	(xrf0) =	vmax.scan.msk.u32 $0xffff, v6;
	_ =	sdelay $0x5  }
0x31d: {  	v6, _, _ =	vpop (xrf0)  }
0x31e: {  	(v2sf) =	vpush v6, $0xF  }
0x31f: {  	vm1 =	vgt.s32 v5, v0;
	v8 =	vor.u32 $0x10, v0;
	v16 =	vor.u32 $0x410, v0  }
0x320: {  	v9 =	vor.u32 $0x20, v0;
	v17 =	vor.u32 $0x30, v0;
	v10 =	vor.u32 $0x420, v0  }
0x321: {  	v11 =	vor.u32 $0x430, v0;
	v12 =	vor.u32 $0x40, v0;
	v19 =	vor.u32 $0x440, v0  }
0x322: {  	v20 =	vor.u32 $0x50, v0;
	v21 =	vor.u32 $0x60, v0;
	v13 =	vor.u32 $0x450, v0  }
0x323: {  	v14 =	vor.u32 $0x460, v0;
	v15 =	vor.u32 $0x70, v0;
	v23 =	vor.u32 $0x470, v0  }
0x324: {  	v24 =	vor.u32 $0x80, v0;
	v25 =	vor.u32 $0x90, v0;
	v27 =	vor.u32 $0x4A0, v0  }
0x325: {  	v28 =	vor.u32 $0xB0, v0;
	v29 =	vor.u32 $0xC0, v0;
	v31 =	vor.u32 $0x4D0, v0  }
0x326: {  	v32 =	vor.u32 $0xE0, v0;
	v33 =	vor.u32 $0xF0, v0;
	v35 =	vor.u32 $0x500, v0  }
0x327: {  	v36 =	vor.u32 $0x110, v0;
	v37 =	vor.u32 $0x120, v0;
	v39 =	vor.u32 $0x530, v0  }
0x328: {  	v40 =	vor.u32 $0x140, v0;
	v41 =	vor.u32 $0x150, v0;
	v43 =	vor.u32 $0x560, v0  }
0x329: {  	v44 =	vor.u32 $0x170, v0;
	v45 =	vor.u32 $0x180, v0;
	v47 =	vor.u32 $0x590, v0  }
0x32a: {  	v48 =	vor.u32 $0x1A0, v0;
	v49 =	vor.u32 $0x1B0, v0;
	v50 =	vor.u32 $0x5A0, v0  }
0x32b: {  	v51 =	vor.u32 $0x5B0, v0;
	v53 =	vor.u32 $0x5C0, v0;
	v54 =	vor.u32 $0x1D0, v0  }
0x32c: {  	v55 =	vor.u32 $0x1E0, v0;
	v57 =	vor.u32 $0x5D0, v0;
	v58 =	vor.u32 $0x5E0, v0  }
0x32d: {  	v59 =	vor.u32 $0x1F0, v0;
	v61 =	vor.u32 $0x5F0, v0;
	v62 =	vor.u32 $0x200, v0;
	s1 =	spop (v2sf)  }
0x32e: {  	v63 =	vor.u32 $0x210, v0;
	vm2 =	vgt.s32 v5, v17;
	v7 =	vor.u32 $0x400, v0;
	s1 =	sxor.u32 $0x80000000, s1  }
0x32f: {  	v6 =	vadd.s32 s1, v0;
	v18 =	vadd.s32 s1, v12;
	v22 =	vadd.s32 s1, v15  }
0x330: {  	v56 =	vadd.s32 s1, v54;
	v60 =	vadd.s32 s1, v59;
	v6 =	vsel vm1, v6, v7  }
0x331: {  	vm1 =	vgt.s32 v5, v8;
	v7 =	vadd.s32 s1, v8;
	v8 =	vadd.s32 s1, v17  }
0x332: {  	v17 =	vor.u32 $0x490, v0;
	v7 =	vsel vm1, v7, v16;
	vm1 =	vgt.s32 v5, v9  }
0x333: {  	v9 =	vadd.s32 s1, v9;
	v8 =	vsel vm2, v8, v11;
	vm2 =	vgt.s32 v5, v21  }
0x334: {  	v11 =	vadd.s32 s1, v21;
	v16 =	vor.u32 $0x480, v0;
	v21 =	vor.u32 $0xD0, v0  }
0x335: {  	[tilespmem:$0x17180] =	vst v6;
	v6 =	vadd.s32 s1, v48;
	v9 =	vsel vm1, v9, v10;
	vm1 =	vgt.s32 v5, v12  }
0x336: {  	v12 =	vadd.s32 s1, v20;
	v11 =	vsel vm2, v11, v14;
	vm2 =	vgt.s32 v5, v25  }
0x337: {  	v14 =	vadd.s32 s1, v25;
	v30 =	vadd.s32 s1, v21;
	v25 =	vor.u32 $0x510, v0  }
0x338: {  	[tilespmem:$0x17190] =	vst v7;
	v7 =	vadd.s32 s1, v49;
	v10 =	vsel vm1, v18, v19;
	vm1 =	vgt.s32 v5, v20  }
0x339: {  	v18 =	vor.u32 $0xA0, v0;
	v14 =	vsel vm2, v14, v17;
	v19 =	vor.u32 $0x4B0, v0  }
0x33a: {  	vm2 =	vgt.s32 v5, v29;
	v17 =	vadd.s32 s1, v29;
	v20 =	vor.u32 $0x4C0, v0  }
0x33b: {  	v29 =	vor.u32 $0x550, v0;
	[tilespmem:$0x171A0] =	vst v9;
	v9 =	vadd.s32 s1, v55;
	v12 =	vsel vm1, v12, v13  }
0x33c: {  	vm1 =	vgt.s32 v5, v15;
	v15 =	vadd.s32 s1, v24;
	v26 =	vadd.s32 s1, v18  }
0x33d: {  	v17 =	vsel vm2, v17, v20;
	vm2 =	vgt.s32 v5, v33;
	v20 =	vadd.s32 s1, v33  }
0x33e: {  	v33 =	vor.u32 $0x190, v0;
	v13 =	vsel vm1, v22, v23;
	vm1 =	vgt.s32 v5, v24  }
0x33f: {  	v22 =	vor.u32 $0x4E0, v0;
	v23 =	vor.u32 $0x4F0, v0;
	v24 =	vor.u32 $0x100, v0  }
0x340: {  	v46 =	vadd.s32 s1, v33;
	[tilespmem:$0x171D0] =	vst v12;
	v12 =	vadd.s32 s1, v63;
	v15 =	vsel vm1, v15, v16  }
0x341: {  	vm1 =	vgt.s32 v5, v18;
	v18 =	vadd.s32 s1, v28;
	v20 =	vsel vm2, v20, v23  }
0x342: {  	v34 =	vadd.s32 s1, v24;
	vm2 =	vgt.s32 v5, v37;
	v23 =	vadd.s32 s1, v37  }
0x343: {  	[tilespmem:$0x171F0] =	vst v13;
	v13 =	vadd.s32 s1, v62;
	v37 =	vor.u32 $0x230, v0;
	v16 =	vsel vm1, v26, v27  }
0x344: {  	vm1 =	vgt.s32 v5, v28;
	v26 =	vor.u32 $0x520, v0;
	v27 =	vor.u32 $0x130, v0  }
0x345: {  	v28 =	vor.u32 $0x540, v0;
	v18 =	vsel vm1, v18, v19;
	vm1 =	vgt.s32 v5, v21  }
0x346: {  	v21 =	vadd.s32 s1, v32;
	v23 =	vsel vm2, v23, v26;
	v38 =	vadd.s32 s1, v27  }
0x347: {  	vm2 =	vgt.s32 v5, v41;
	v26 =	vadd.s32 s1, v41;
	[tilespmem:$0x17220] =	vst v16;
	v16 =	vadd.s32 s1, v37  }
0x348: {  	v41 =	vor.u32 $0x250, v0;
	v19 =	vsel vm1, v30, v31;
	vm1 =	vgt.s32 v5, v32  }
0x349: {  	v30 =	vor.u32 $0x160, v0;
	v26 =	vsel vm2, v26, v29;
	v31 =	vor.u32 $0x570, v0  }
0x34a: {  	vm2 =	vgt.s32 v5, v45;
	v29 =	vadd.s32 s1, v45;
	v32 =	vor.u32 $0x580, v0  }
0x34b: {  	v45 =	vor.u32 $0x270, v0;
	v21 =	vsel vm1, v21, v22;
	vm1 =	vgt.s32 v5, v24  }
0x34c: {  	v24 =	vadd.s32 s1, v36;
	v42 =	vadd.s32 s1, v30;
	v29 =	vsel vm2, v29, v32  }
0x34d: {  	[tilespmem:$0x17230] =	vst v18;
	vm2 =	vgt.s32 v5, v49;
	v32 =	vor.u32 $0x600, v0;
	v18 =	vadd.s32 s1, v45  }
0x34e: {  	[tilespmem:$0x172D0] =	vst v26;
	v26 =	vor.u32 $0x300, v0;
	v22 =	vsel vm1, v34, v35;
	vm1 =	vgt.s32 v5, v36  }
0x34f: {  	v34 =	vor.u32 $0x1C0, v0;
	v7 =	vsel vm2, v7, v51;
	vm2 =	vgt.s32 v5, v55  }
0x350: {  	v36 =	vor.u32 $0x620, v0;
	v51 =	vor.u32 $0x290, v0;
	v55 =	vor.u32 $0x2B0, v0  }
0x351: {  	[tilespmem:$0x17300] =	vst v29;
	v29 =	vor.u32 $0x310, v0;
	v24 =	vsel vm1, v24, v25;
	vm1 =	vgt.s32 v5, v27  }
0x352: {  	v27 =	vadd.s32 s1, v40;
	v52 =	vadd.s32 s1, v34;
	v9 =	vsel vm2, v9, v58  }
0x353: {  	vm2 =	vgt.s32 v5, v63;
	[tilespmem:$0x17280] =	vst v22;
	v22 =	vadd.s32 s1, v51;
	v58 =	vor.u32 $0x2C0, v0  }
0x354: {  	v63 =	vor.u32 $0x2E0, v0;
	v25 =	vsel vm1, v38, v39;
	vm1 =	vgt.s32 v5, v40  }
0x355: {  	[tilespmem:$0x172A0] =	vst v23;
	v38 =	vor.u32 $0x240, v0;
	v39 =	vor.u32 $0x630, v0;
	v40 =	vor.u32 $0x640, v0  }
0x356: {  	[tilespmem:$0x17290] =	vst v24;
	v23 =	vadd.s32 s1, v63;
	v24 =	vor.u32 $0x6E0, v0;
	v27 =	vsel vm1, v27, v28  }
0x357: {  	[tilespmem:$0x17200] =	vst v15;
	vm1 =	vgt.s32 v5, v30;
	v30 =	vadd.s32 s1, v44;
	v15 =	vadd.s32 s1, v38  }
0x358: {  	[tilespmem:$0x172B0] =	vst v25;
	v25 =	vor.u32 $0x2F0, v0;
	v28 =	vsel vm1, v42, v43;
	vm1 =	vgt.s32 v5, v44  }
0x359: {  	[tilespmem:$0x17250] =	vst v19;
	v42 =	vadd.s32 s1, v41;
	v43 =	vor.u32 $0x650, v0;
	v44 =	vor.u32 $0x260, v0  }
0x35a: {  	[tilespmem:$0x172C0] =	vst v27;
	v27 =	vor.u32 $0x6F0, v0;
	v30 =	vsel vm1, v30, v31;
	vm1 =	vgt.s32 v5, v33  }
0x35b: {  	v33 =	vor.u32 $0x610, v0;
	v19 =	vadd.s32 s1, v44;
	[tilespmem:$0x172E0] =	vst v28;
	v28 =	vor.u32 $0x700, v0  }
0x35c: {  	[tilespmem:$0x171B0] =	vst v8;
	v31 =	vsel vm1, v46, v47;
	vm1 =	vgt.s32 v5, v48;
	v12 =	vsel vm2, v12, v33  }
0x35d: {  	[tilespmem:$0x171E0] =	vst v11;
	vm2 =	vgt.s32 v5, v38;
	v46 =	vor.u32 $0x660, v0;
	v47 =	vor.u32 $0x670, v0  }
0x35e: {  	v48 =	vor.u32 $0x280, v0;
	[tilespmem:$0x172F0] =	vst v30;
	v30 =	vadd.s32 s1, v29;
	v33 =	vor.u32 $0x330, v0  }
0x35f: {  	[tilespmem:$0x171C0] =	vst v10;
	v38 =	vor.u32 $0x740, v0;
	v6 =	vsel vm1, v6, v50;
	vm1 =	vgt.s32 v5, v34  }
0x360: {  	[tilespmem:$0x17210] =	vst v14;
	v34 =	vor.u32 $0x220, v0;
	v15 =	vsel vm2, v15, v40;
	vm2 =	vgt.s32 v5, v45  }
0x361: {  	v49 =	vadd.s32 s1, v48;
	v50 =	vor.u32 $0x680, v0;
	[tilespmem:$0x17390] =	vst v12;
	v12 =	vadd.s32 s1, v26  }
0x362: {  	[tilespmem:$0x17310] =	vst v31;
	v31 =	vor.u32 $0x710, v0;
	v40 =	vor.u32 $0x360, v0;
	v8 =	vsel vm1, v52, v53  }
0x363: {  	[tilespmem:$0x17240] =	vst v17;
	vm1 =	vgt.s32 v5, v54;
	v35 =	vadd.s32 s1, v34;
	v18 =	vsel vm2, v18, v47  }
0x364: {  	[tilespmem:$0x17270] =	vst v20;
	v52 =	vor.u32 $0x2A0, v0;
	v53 =	vor.u32 $0x690, v0;
	v54 =	vor.u32 $0x6A0, v0  }
0x365: {  	[tilespmem:$0x17260] =	vst v21;
	v47 =	vor.u32 $0x380, v0;
	v10 =	vsel vm1, v56, v57;
	vm1 =	vgt.s32 v5, v59  }
0x366: {  	[tilespmem:$0x17320] =	vst v6;
	vm2 =	vgt.s32 v5, v52;
	v6 =	vadd.s32 s1, v52;
	v56 =	vadd.s32 s1, v55  }
0x367: {  	[tilespmem:$0x17330] =	vst v7;
	v57 =	vor.u32 $0x6B0, v0;
	v59 =	vor.u32 $0x2D0, v0;
	v11 =	vsel vm1, v60, v61  }
0x368: {  	[tilespmem:$0x17360] =	vst v9;
	vm1 =	vgt.s32 v5, v62;
	v6 =	vsel vm2, v6, v54;
	v60 =	vadd.s32 s1, v58  }
0x369: {  	[tilespmem:$0x17350] =	vst v10;
	v61 =	vor.u32 $0x6C0, v0;
	vm2 =	vgt.s32 v5, v59;
	v10 =	vadd.s32 s1, v59  }
0x36a: {  	[tilespmem:$0x173C0] =	vst v15;
	v62 =	vor.u32 $0x6D0, v0;
	v54 =	vor.u32 $0x3B0, v0;
	v59 =	vor.u32 $0x3D0, v0  }
0x36b: {  	[tilespmem:$0x17340] =	vst v8;
	v13 =	vsel vm1, v13, v32;
	vm1 =	vgt.s32 v5, v34;
	v10 =	vsel vm2, v10, v62  }
0x36c: {  	[tilespmem:$0x173F0] =	vst v18;
	vm2 =	vgt.s32 v5, v26;
	v32 =	vor.u32 $0x320, v0;
	v34 =	vor.u32 $0x720, v0  }
0x36d: {  	[tilespmem:$0x17370] =	vst v11;
	v62 =	vor.u32 $0x3E0, v0;
	v14 =	vsel vm1, v35, v36;
	vm1 =	vgt.s32 v5, v37  }
0x36e: {  	[tilespmem:$0x17380] =	vst v13;
	v13 =	vadd.s32 s1, v25;
	v12 =	vsel vm2, v12, v28;
	vm2 =	vgt.s32 v5, v33  }
0x36f: {  	[tilespmem:$0x17420] =	vst v6;
	v35 =	vor.u32 $0x730, v0;
	v36 =	vor.u32 $0x340, v0;
	v16 =	vsel vm1, v16, v39  }
0x370: {  	[tilespmem:$0x17450] =	vst v10;
	vm1 =	vgt.s32 v5, v41;
	v37 =	vadd.s32 s1, v36;
	v39 =	vor.u32 $0x350, v0  }
0x371: {  	v17 =	vsel vm1, v42, v43;
	vm1 =	vgt.s32 v5, v44;
	[tilespmem:$0x173B0] =	vst v16;
	v16 =	vadd.s32 s1, v32  }
0x372: {  	[tilespmem:$0x173A0] =	vst v14;
	v41 =	vadd.s32 s1, v39;
	v42 =	vor.u32 $0x750, v0;
	v43 =	vor.u32 $0x760, v0  }
0x373: {  	[tilespmem:$0x17480] =	vst v12;
	v44 =	vor.u32 $0x370, v0;
	v19 =	vsel vm1, v19, v46;
	vm1 =	vgt.s32 v5, v48  }
0x374: {  	[tilespmem:$0x173D0] =	vst v17;
	v45 =	vadd.s32 s1, v44;
	v46 =	vor.u32 $0x770, v0;
	v48 =	vor.u32 $0x390, v0  }
0x375: {  	v20 =	vsel vm1, v49, v50;
	vm1 =	vgt.s32 v5, v51;
	[tilespmem:$0x173E0] =	vst v19;
	v49 =	vor.u32 $0x780, v0  }
0x376: {  	v50 =	vor.u32 $0x790, v0;
	v7 =	vsel vm1, v22, v53;
	vm1 =	vgt.s32 v5, v55;
	[tilespmem:$0x17400] =	vst v20  }
0x377: {  	v51 =	vor.u32 $0x3A0, v0;
	v8 =	vsel vm1, v56, v57;
	vm1 =	vgt.s32 v5, v58;
	[tilespmem:$0x17410] =	vst v7  }
0x378: {  	v52 =	vadd.s32 s1, v51;
	v7 =	vadd.s32 s1, v33;
	v9 =	vsel vm1, v60, v61;
	[tilespmem:$0x17430] =	vst v8  }
0x379: {  	v53 =	vor.u32 $0x7A0, v0;
	vm1 =	vgt.s32 v5, v63;
	v7 =	vsel vm2, v7, v35;
	[tilespmem:$0x17440] =	vst v9  }
0x37a: {  	v55 =	vor.u32 $0x3C0, v0;
	v11 =	vsel vm1, v23, v24;
	vm1 =	vgt.s32 v5, v25;
	[tilespmem:$0x174B0] =	vst v7  }
0x37b: {  	vm2 =	vgt.s32 v5, v40;
	v9 =	vadd.s32 s1, v40;
	v13 =	vsel vm1, v13, v27;
	[tilespmem:$0x17460] =	vst v11  }
0x37c: {  	v56 =	vadd.s32 s1, v54;
	vm1 =	vgt.s32 v5, v29;
	v9 =	vsel vm2, v9, v43;
	[tilespmem:$0x17470] =	vst v13  }
0x37d: {  	v7 =	vadd.s32 s1, v48;
	vm2 =	vgt.s32 v5, v48;
	v14 =	vsel vm1, v30, v31;
	[tilespmem:$0x174E0] =	vst v9  }
0x37e: {  	v57 =	vor.u32 $0x7B0, v0;
	vm1 =	vgt.s32 v5, v32;
	v7 =	vsel vm2, v7, v50;
	[tilespmem:$0x17490] =	vst v14  }
0x37f: {  	v58 =	vor.u32 $0x7C0, v0;
	v6 =	vsel vm1, v16, v34;
	vm1 =	vgt.s32 v5, v36;
	[tilespmem:$0x17510] =	vst v7  }
0x380: {  	v60 =	vadd.s32 s1, v59;
	v8 =	vsel vm1, v37, v38;
	vm1 =	vgt.s32 v5, v39;
	[tilespmem:$0x174A0] =	vst v6  }
0x381: {  	v61 =	vor.u32 $0x7D0, v0;
	v10 =	vsel vm1, v41, v42;
	vm1 =	vgt.s32 v5, v44;
	[tilespmem:$0x174C0] =	vst v8  }
0x382: {  	v6 =	vadd.s32 s1, v47;
	v11 =	vsel vm1, v45, v46;
	vm1 =	vgt.s32 v5, v47;
	[tilespmem:$0x174D0] =	vst v10  }
0x383: {  	vm2 =	vgt.s32 v5, v55;
	v6 =	vsel vm1, v6, v49;
	vm1 =	vgt.s32 v5, v51;
	[tilespmem:$0x174F0] =	vst v11  }
0x384: {  	v8 =	vsel vm1, v52, v53;
	vm1 =	vgt.s32 v5, v54;
	[tilespmem:$0x17500] =	vst v6;
	v6 =	vadd.s32 s1, v55  }
0x385: {  	v63 =	vor.u32 $0x7E0, v0;
	v7 =	vsel vm1, v56, v57;
	v6 =	vsel vm2, v6, v58;
	[tilespmem:$0x17520] =	vst v8  }
0x386: {  	vm1 =	vgt.s32 v5, v59;
	vm2 =	vgt.s32 v5, v62;
	[tilespmem:$0x17530] =	vst v7;
	v7 =	vadd.s32 s1, v62  }
0x387: {  	v8 =	vsel vm1, v60, v61;
	[tilespmem:$0x17540] =	vst v6;
	v6 =	vor.u32 $0x3F0, v0;
	v7 =	vsel vm2, v7, v63  }
0x388: {  	[tilespmem:$0x17550] =	vst v8;
	vm1 =	vgt.s32 v5, v6;
	v5 =	vadd.s32 s1, v6;
	v6 =	vor.u32 $0x7F0, v0  }
0x389: {  	[tilespmem:$0x17560] =	vst v7;
	v5 =	vsel vm1, v5, v6  }
0x38a: {  	s16 =	simm.s32 $0x17180;
	[tilespmem:$0x17570] =	vst v5  }
0x38b: {  	[spmem:s3] =	stream.indirect.scatter [tilespmem:s23], [sflag:$0x1], $0x1, s16, s19, $0xb8;
	[tilespmem:$0x17A90] =	vst v63  }
0x38c: {  	_ =	swait.ge [sflag:s21], $0x80  }
0x38d: {  	[sflag:s21] =	ssyncset.done $0x0  }
0x38e: {  	[sflag:s21] =	ssyncadd.s32 $0xFFFFFF80  }
0x38f: {  	[spmem:s4] =	stream.indirect.scatter [tilespmem:s24], [sflag:$0x1], $0x1, s16, s19, $0xb8;
	[tilespmem:$0x17A90] =	vst v63  }
0x390: {  	_ =	swait.ge [sflag:s21], $0x80  }
0x391: {  	[sflag:s21] =	ssyncset.done $0x0  }
0x392: {  	s17 =	simm.s32 $0x17200;
	s6 =	simm.s32 $0x16200;
	[sflag:s21] =	ssyncadd.s32 $0xFFFFFF80  }
0x393: {  	[spmem:s3] =	stream.indirect.scatter [tilespmem:s6], [sflag:$0x1], $0x1, s17, s19, $0xb8;
	[tilespmem:$0x17A90] =	vst v63  }
0x394: {  	_ =	swait.ge [sflag:s21], $0x80  }
0x395: {  	[sflag:s21] =	ssyncset.done $0x0  }
0x396: {  	s18 =	simm.s32 $0x16600;
	[sflag:s21] =	ssyncadd.s32 $0xFFFFFF80  }
0x397: {  	[spmem:s4] =	stream.indirect.scatter [tilespmem:s18], [sflag:$0x1], $0x1, s17, s19, $0xb8;
	[tilespmem:$0x17A90] =	vst v63  }
0x398: {  	_ =	swait.ge [sflag:s21], $0x80  }
0x399: {  	[sflag:s21] =	ssyncset.done $0x0  }
0x39a: {  	s20 =	simm.s32 $0x17280;
	s25 =	simm.s32 $0x16280;
	[sflag:s21] =	ssyncadd.s32 $0xFFFFFF80  }
0x39b: {  	[spmem:s3] =	stream.indirect.scatter [tilespmem:s25], [sflag:$0x1], $0x1, s20, s19, $0xb8;
	[tilespmem:$0x17A90] =	vst v63  }
0x39c: {  	_ =	swait.ge [sflag:s21], $0x80  }
0x39d: {  	[sflag:s21] =	ssyncset.done $0x0  }
0x39e: {  	s26 =	simm.s32 $0x16680;
	[sflag:s21] =	ssyncadd.s32 $0xFFFFFF80  }
0x39f: {  	[spmem:s4] =	stream.indirect.scatter [tilespmem:s26], [sflag:$0x1], $0x1, s20, s19, $0xb8;
	[tilespmem:$0x17A90] =	vst v63  }
0x3a0: {  	_ =	swait.ge [sflag:s21], $0x80  }
0x3a1: {  	[sflag:s21] =	ssyncset.done $0x0  }
0x3a2: {  	s28 =	simm.s32 $0x17300;
	s29 =	simm.s32 $0x16300;
	[sflag:s21] =	ssyncadd.s32 $0xFFFFFF80  }
0x3a3: {  	[spmem:s3] =	stream.indirect.scatter [tilespmem:s29], [sflag:$0x1], $0x1, s28, s19, $0xb8;
	[tilespmem:$0x17A90] =	vst v63  }
0x3a4: {  	_ =	swait.ge [sflag:s21], $0x80  }
0x3a5: {  	[sflag:s21] =	ssyncset.done $0x0  }
0x3a6: {  	s30 =	simm.s32 $0x16700;
	[sflag:s21] =	ssyncadd.s32 $0xFFFFFF80  }
0x3a7: {  	[spmem:s4] =	stream.indirect.scatter [tilespmem:s30], [sflag:$0x1], $0x1, s28, s19, $0xb8;
	[tilespmem:$0x17A90] =	vst v63  }
0x3a8: {  	_ =	swait.ge [sflag:s21], $0x80  }
0x3a9: {  	[sflag:s21] =	ssyncset.done $0x0  }
0x3aa: {  	s31 =	simm.s32 $0x17380;
	s7 =	simm.s32 $0x16380;
	[sflag:s21] =	ssyncadd.s32 $0xFFFFFF80  }
0x3ab: {  	[spmem:s3] =	stream.indirect.scatter [tilespmem:s7], [sflag:$0x1], $0x1, s31, s19, $0xb8;
	[tilespmem:$0x17A90] =	vst v63  }
0x3ac: {  	_ =	swait.ge [sflag:s21], $0x80  }
0x3ad: {  	[sflag:s21] =	ssyncset.done $0x0  }
0x3ae: {  	s10 =	simm.s32 $0x16780;
	[sflag:s21] =	ssyncadd.s32 $0xFFFFFF80  }
0x3af: {  	[spmem:s4] =	stream.indirect.scatter [tilespmem:s10], [sflag:$0x1], $0x1, s31, s19, $0xb8;
	[tilespmem:$0x17A90] =	vst v63  }
0x3b0: {  	_ =	swait.ge [sflag:s21], $0x80  }
0x3b1: {  	[sflag:s21] =	ssyncset.done $0x0  }
0x3b2: {  	s12 =	simm.s32 $0x17400;
	s16 =	simm.s32 $0x16400;
	[sflag:s21] =	ssyncadd.s32 $0xFFFFFF80  }
0x3b3: {  	[spmem:s3] =	stream.indirect.scatter [tilespmem:s16], [sflag:$0x1], $0x1, s12, s19, $0xb8;
	[tilespmem:$0x17A90] =	vst v63  }
0x3b4: {  	_ =	swait.ge [sflag:s21], $0x80  }
0x3b5: {  	[sflag:s21] =	ssyncset.done $0x0  }
0x3b6: {  	s17 =	simm.s32 $0x16800;
	[sflag:s21] =	ssyncadd.s32 $0xFFFFFF80  }
0x3b7: {  	[spmem:s4] =	stream.indirect.scatter [tilespmem:s17], [sflag:$0x1], $0x1, s12, s19, $0xb8;
	[tilespmem:$0x17A90] =	vst v63  }
0x3b8: {  	_ =	swait.ge [sflag:s21], $0x80  }
0x3b9: {  	[sflag:s21] =	ssyncset.done $0x0  }
0x3ba: {  	s18 =	simm.s32 $0x17480;
	s20 =	simm.s32 $0x16480;
	[sflag:s21] =	ssyncadd.s32 $0xFFFFFF80  }
0x3bb: {  	[spmem:s3] =	stream.indirect.scatter [tilespmem:s20], [sflag:$0x1], $0x1, s18, s19, $0xb8;
	[tilespmem:$0x17A90] =	vst v63  }
0x3bc: {  	_ =	swait.ge [sflag:s21], $0x80  }
0x3bd: {  	[sflag:s21] =	ssyncset.done $0x0  }
0x3be: {  	s25 =	simm.s32 $0x16880;
	[sflag:s21] =	ssyncadd.s32 $0xFFFFFF80  }
0x3bf: {  	[spmem:s4] =	stream.indirect.scatter [tilespmem:s25], [sflag:$0x1], $0x1, s18, s19, $0xb8;
	[tilespmem:$0x17A90] =	vst v63  }
0x3c0: {  	_ =	swait.ge [sflag:s21], $0x80  }
0x3c1: {  	[sflag:s21] =	ssyncset.done $0x0  }
0x3c2: {  	s26 =	simm.s32 $0x17500;
	s28 =	simm.s32 $0x16500;
	[sflag:s21] =	ssyncadd.s32 $0xFFFFFF80  }
0x3c3: {  	[spmem:s3] =	stream.indirect.scatter [tilespmem:s28], [sflag:$0x1], $0x1, s26, s19, $0xb8;
	[tilespmem:$0x17A90] =	vst v63  }
0x3c4: {  	_ =	swait.ge [sflag:s21], $0x80  }
0x3c5: {  	[sflag:s21] =	ssyncset.done $0x0  }
0x3c6: {  	s29 =	simm.s32 $0x16900;
	[sflag:s21] =	ssyncadd.s32 $0xFFFFFF80  }
0x3c7: {  	[spmem:s4] =	stream.indirect.scatter [tilespmem:s29], [sflag:$0x1], $0x1, s26, s19, $0xb8;
	[tilespmem:$0x17A90] =	vst v63  }
0x3c8: {  	_ =	swait.ge [sflag:s21], $0x80  }
0x3c9: {  	[sflag:s21] =	ssyncset.done $0x0  }
0x3ca: {  	[sflag:s21] =	ssyncadd.s32 $0xFFFFFF80  }
0x3cb: {  	s30 =	simm.s32 $0x16980;
	[bflag:$0x0] =	sbarrier.arrive $0xFFFF  }
0x3cc: {  	[tilespmem:s30], [sflag:$0x1] =	stream.linear.gather [spmem:s3], $0x400, $0x38;
	[tilespmem:$0x17A90] =	vst v63  }
0x3cd: {  	_ =	swait.ge [sflag:s21], $0x400  }
0x3ce: {  	[sflag:s21] =	ssyncset.done $0x0  }
0x3cf: {  	s31 =	simm.s32 $0x16D80;
	[sflag:s21] =	ssyncadd.s32 $0xFFFFFC00  }
0x3d0: {  	[tilespmem:s31], [sflag:$0x1] =	stream.linear.gather [spmem:s4], $0x400, $0x38;
	[tilespmem:$0x17A90] =	vst v63  }
0x3d1: {  	_ =	swait.ge [sflag:s21], $0x400  }
0x3d2: {  	[sflag:s21] =	ssyncset.done $0x0  }
0x3d3: {  	s1 =	simm.s32 $0x0;
	s6 =	simm.s32 $0x0;
	[sflag:s21] =	ssyncadd.s32 $0xFFFFFC00  }
.LBB2_34:
0x3d4: {  	s10 =	sor.u32 s9, s6;
	s7 =	sand.u32 $0xF, s6  }
0x3d5: {  	p1 =	seq.s32 s10, $0x0;
	p2 =	sne.s32 s7, $0x0  }
0x3d6: {  	p1 =	por !p1, !p2  }
0x3d7: {  	s7 =	simm.s32 $0xFFFFFFFF;
	p1 =	por !p1, !p1  }
0x3d8: {  	s7 =	simm.s32 @!p1 $0x0  }
0x3d9: {  	s7 =	sshll.u32 s7, $0x4  }
0x3da: {  	s7 =	sadd.s32 s10, s7  }
0x3db: {  	s7 =	sand.u32 $0xFFFFFFF0, s7  }
0x3dc: {  	v5 =	vld [tilespmem:s7+$0x16980]  }
0x3dd: {  	v6 =	vld [tilespmem:s7+$0x16D80];
	_ =	sdelay $0x1  }
0x3de: {  	s7 =	ssub.s32 s10, s7  }
0x3df: {  	v7 =	vmov s7  }
0x3e0: {  	vm1 =	veq.s32 v7, v0;
	v5 =	vxor.u32 $0x80000000, v5  }
0x3e1: {  	v6 =	vxor.u32 $0x80000000, v6;
	v5 =	vnsel vm1, $0x0, v5  }
0x3e2: {  	(xrf0) =	vmax.scan.msk.u32 $0xffff, v5;
	v5 =	vnsel vm1, $0x0, v6  }
0x3e3: {  	(xrf0) =	vmax.scan.msk.u32 $0xffff, v5;
	_ =	sdelay $0x4  }
0x3e4: {  	v5, _, _ =	vpop (xrf0)  }
0x3e5: {  	(v2sf) =	vpush v5, $0xF;
	v5, _, _ =	vpop (xrf0)  }
0x3e6: {  	(v2sf) =	vpush v5, $0xF;
	_ =	sdelay $0xa  }
0x3e7: {  	s28 =	simm.s32 $0x16980  }
0x3e8: {  	s12 =	simm.s32 $0x16D80;
	v9 =	vld [tilespmem:s28+$0x0]  }
0x3e9: {  	v7 =	vld [tilespmem:s12+$0x0]  }
0x3ea: {  	s29 =	spop (v2sf)  }
0x3eb: {  	s30 =	spop (v2sf)  }
0x3ec: {  	v8 =	vmul.u32 $0xFFFFFFFF, v0;
	s7 =	sxor.u32 $0x80000000, s29;
	s12 =	sxor.u32 $0x80000000, s30  }
0x3ed: {  	v10 =	vmov s1;
	s31 =	simm.s32 $0x16990;
	v5 =	vmov s7;
	v6 =	vmov s12  }
0x3ee: {  	v11 =	vld [tilespmem:s31+$0x0];
	vm1 =	veq.s32 v9, v5;
	s12 =	simm.s32 $0x16D90;
	vm2 =	vlt.s32 v7, v6;
	v7 =	vadd.s32 $0x3E8, v8  }
0x3ef: {  	vm3 =	vgt.s32 v9, v5;
	vm1 =	vmand vm1, vm2;
	vm2 =	vlt.u32 v10, v7;
	v10 =	vld [tilespmem:s12+$0x0]  }
0x3f0: {  	vm1 =	vmor vm3, vm1  }
0x3f1: {  	vm1 =	vmand vm2, vm1  }
0x3f2: {  	s17 =	simm.s32 $0x10;
	v13 =	vmpcnt.ones.xlane vm1  }
0x3f3: {  	s16 =	simm.s32 $0x20;
	v12 =	vmov s17;
	s17 =	simm.s32 $0x169A0;
	v9 =	vimm.s32 $0x0  }
.LBB2_35:
0x3f4: {  	v14 =	vld [tilespmem:s17+$0x0];
	vm1 =	veq.s32 v11, v5;
	vm2 =	vlt.s32 v10, v6;
	s12 =	sadd.s32 $0x10, s12;
	v9 =	vadd.s32 v9, v13;
	s7 =	smov.u32 s16;
	p1 =	sne.s32 s16, $0x3E0  }
.Ltmp20:
0x3f5: {  	s16 =	sadd.s32 $0x10, s16;
	v13 =	vadd.s32 $0x3E8, v8;
	vm3 =	vgt.s32 v11, v5;
	v10 =	vld [tilespmem:s12+$0x0];
	vm1 =	vmand vm1, vm2;
	(pc) =	sbr.rel @p1 .LBB2_35-.Ltmp20, $4  }
0x3f6: {  	vm2 =	vlt.u32 v12, v13;
	vm1 =	vmor vm3, vm1  }
0x3f7: {  	vm1 =	vmand vm2, vm1  }
0x3f8: {  	v13 =	vmpcnt.ones.xlane vm1  }
0x3f9: {  	s17 =	sadd.s32 $0x10, s17;
	v12 =	vmov s7;
	v11 =	vmov v14  }
0x3fa: {  	vm1 =	veq.s32 v11, v5;
	vm2 =	vlt.s32 v10, v6  }
0x3fb: {  	vm3 =	vgt.s32 v11, v5;
	vm1 =	vmand vm1, vm2  }
0x3fc: {  	vm2 =	vlt.u32 v12, v7;
	vm1 =	vmor vm3, vm1  }
0x3fd: {  	vm1 =	vmand vm2, vm1  }
0x3fe: {  	v5 =	vmpcnt.ones.xlane vm1  }
0x3ff: {  	v6 =	vadd.s32 v9, v13  }
0x400: {  	v5 =	vadd.s32 v6, v5  }
0x401: {  	v5 =	vxor.u32 $0x80000000, v5  }
0x402: {  	(xrf0) =	vmax.scan.msk.u32 $0xffff, v5;
	_ =	sdelay $0x5  }
0x403: {  	v5, _, _ =	vpop (xrf0)  }
0x404: {  	(v2sf) =	vpush v5, $0xF;
	_ =	sdelay $0xe  }
0x405: {  	s7 =	spop (v2sf)  }
0x406: {  	p1 =	slt.u32 s10, $0x3E8;
	v5 =	vmov s6;
	s6 =	sadd.s32 $0x1, s6;
	s7 =	sxor.u32 $0x80000000, s7  }
0x407: {  	s10 =	smov.u32 @p1 s7;
	p1 =	sne.s32 s6, $0x40  }
.Ltmp21:
0x408: {  	_ = 	snop;
	(pc) =	sbr.rel @p1 .LBB2_34-.Ltmp21, $3  }
0x409: {  	_ =	sdelay $0x1  }
0x40a: {  	v6 =	vmov s10  }
0x40b: {  	[tilespmem:v5+s2+$0x0] =	vst.idx.msk $0x1, v6  }
0x40c: {  	v5 =	vld [tilespmem:s9+$0x16980];
	_ =	sdelay $0x4  }
0x40d: {  	vm1 =	vlt.s32 v5, $0x0;
	v6 =	vxor.u32 $0x7FFFFFFF, v5  }
0x40e: {  	v5 =	vsel vm1, v6, v5  }
0x40f: {  	[tilespmem:$0x17600] =	vst v5  }
0x410: {  	v5 =	vld [tilespmem:s9+$0x16D80];
	_ =	sdelay $0x4  }
0x411: {  	[tilespmem:$0x17680] =	vst v5  }
0x412: {  	v5 =	vld [tilespmem:s13+$0x16980];
	_ =	sdelay $0x4  }
0x413: {  	vm1 =	vlt.s32 v5, $0x0;
	v6 =	vxor.u32 $0x7FFFFFFF, v5  }
0x414: {  	v5 =	vsel vm1, v6, v5  }
0x415: {  	[tilespmem:$0x17610] =	vst v5  }
0x416: {  	v5 =	vld [tilespmem:s13+$0x16D80];
	_ =	sdelay $0x4  }
0x417: {  	[tilespmem:$0x17690] =	vst v5  }
0x418: {  	v5 =	vld [tilespmem:s14+$0x16980];
	_ =	sdelay $0x4  }
0x419: {  	vm1 =	vlt.s32 v5, $0x0;
	v6 =	vxor.u32 $0x7FFFFFFF, v5  }
0x41a: {  	v5 =	vsel vm1, v6, v5  }
0x41b: {  	[tilespmem:$0x17620] =	vst v5  }
0x41c: {  	v5 =	vld [tilespmem:s14+$0x16D80];
	_ =	sdelay $0x4  }
0x41d: {  	[tilespmem:$0x176A0] =	vst v5  }
0x41e: {  	v5 =	vld [tilespmem:s15+$0x16980];
	_ =	sdelay $0x4  }
0x41f: {  	vm1 =	vlt.s32 v5, $0x0;
	v6 =	vxor.u32 $0x7FFFFFFF, v5  }
0x420: {  	v5 =	vsel vm1, v6, v5  }
0x421: {  	[tilespmem:$0x17630] =	vst v5  }
0x422: {  	v5 =	vld [tilespmem:s15+$0x16D80];
	_ =	sdelay $0x4  }
0x423: {  	s1 =	rddreg [dreg:$0x6];
	s7 =	simm.s32 $0x40;
	s6 =	simm.s32 $0x17600;
	[tilespmem:$0x176B0] =	vst v5  }
0x424: {  	[spmem:s1] =	stream.indirect.scatter [tilespmem:s6], [sflag:$0x1], $0x1, s2, s7, $0xb8;
	[tilespmem:$0x17A90] =	vst v63  }
0x425: {  	_ =	swait.ge [sflag:s21], $0x40  }
0x426: {  	[sflag:s21] =	ssyncset.done $0x0  }
0x427: {  	[sflag:s21] =	ssyncadd.s32 $0xFFFFFFC0  }
0x428: {  	s30 =	simm.s32 $0x17680;
	s16 =	rddreg [dreg:$0x7]  }
0x429: {  	[spmem:s16] =	stream.indirect.scatter [tilespmem:s30], [sflag:$0x1], $0x1, s2, s7, $0xb8;
	[tilespmem:$0x17A90] =	vst v63  }
0x42a: {  	_ =	swait.ge [sflag:s21], $0x40  }
0x42b: {  	[sflag:s21] =	ssyncset.done $0x0  }
0x42c: {  	s10 =	simm.s32 @!p0 $0x10;
	[sflag:s21] =	ssyncadd.s32 $0xFFFFFFC0  }
0x42d: {  	s12 =	simm.s32 @!p0 $0x1C01;
	s1 =	sshrl.u32 @!p0 s1, $0x3;
	[bflag:$0x0] =	sbarrier.arrive $0xFFFF  }
0x42e: {  	s6 =	simm.s32 @!p0 $0x1;
	s7 =	simm.s32 @!p0 $0x20;
	s17 =	rddreg [dreg:$0xb]  }
0x42f: {  	[hbm:s17@s7], [sflag:s12] =	dma.strided @!p0 [spmem:s1@s10], $0x80, s6, $0x10   }
0x430: {  	_ =	swait.ge @!p0 [sflag:s6], $0x80  }
0x431: {  	[sflag:s6] =	ssyncset.done @!p0 $0x0  }
0x432: {  	s1 =	sshrl.u32 @!p0 s16, $0x3;
	s16 =	rddreg [dreg:$0xc];
	[sflag:s6] =	ssyncadd.s32 @!p0 $0xFFFFFF80  }
0x433: {  	[hbm:s16@s7], [sflag:s12] =	dma.strided @!p0 [spmem:s1@s10], $0x80, s6, $0x10   }
0x434: {  	_ =	swait.ge @!p0 [sflag:s6], $0x80  }
0x435: {  	s5 =	sadd.s32 $0x1, s5;
	s31 =	rddreg [dreg:$0xd]  }
0x436: {  	p1 =	sne.s32 s5, s31  }
.Ltmp22:
0x437: {  	_ = 	snop;
	(pc) =	sbr.rel @p1 .LBB2_1-.Ltmp22, $3  }
0x438: {  	_ =	sdelay $0x1  }
0x439: {  	[sflag:s6] =	ssyncset.done @!p0 $0x0  }
0x43a: {  	[sflag:s6] =	ssyncadd.s32 @!p0 $0xFFFFFF80  }
0x43b: {  	_ =	sfence.sel $0x180000  }
0x43c: {  	[bflag:$0x0] =	sbarrier.arrive $0xFFFF  }
0x43d: {  	_ =	strace $0x90000047  }
0x43e: {  	[bflag:$0x2] =	sbarrier.arrive $0xFFFF  }
0x43f: {  	s0 =	rddreg [dreg:$0x8]  }
0x440: {  	s0 =	sadd.s32 @!p0 $0x100000, s0  }
0x441: {  	[sflag:s0] =	ssyncadd.tile.s32 @!p0 $0x1;
	_ =	shalt  }
.Lfunc_end2:
_tile_overlayer_lowered:
.L_overlay_start_2:
0x442: {  	(tag) =	ssettag $0x2  }
0x443: {  	s0 =	rddreg [dreg:$0x0];
	s2 =	stileid.u32  }
0x444: {  	s1 =	rddreg [dreg:$0x1];
	p0 =	sne.s32 s2, $0x0  }
0x445: {  	s3 =	rddreg [dreg:$0x2];
	[bflag:$0x3] =	sbarrier.arrive $0xFFFF;
	s2 =	simm.s32 @!p0 $0x1C01  }
0x446: {  	[timem:s3], [sflag:s2] =	dma.local @!p0 [hbm:s0], s1  }
0x447: {  	s0 =	simm.s32 @!p0 $0x1  }
0x448: {  	_ =	swait.ge @!p0 [sflag:s0], s1  }
0x449: {  	s1 =	ssub.s32 @!p0 $0x0, s1;
	[sflag:s0] =	ssyncset.done @!p0 $0x0  }
0x44a: {  	[sflag:s0] =	ssyncadd.s32 @!p0 s1  }
0x44b: {  	[bflag:$0x3] =	sbarrier.arrive $0xFFFF  }
0x44c: {  	_ =	shalt  }

</sc_bundles>
